<compile_context>
chip_gen: v7x
topology: tpu7x:2x2x1
jax: 0.10.2.dev20260603
libtpu: 0.0.44.dev20260713+nightly
codegen_flags: <defaults>
</compile_context>

<pallas_src>
import functools

import jax
import jax.numpy as jnp
from jax import lax
from jax.experimental import pallas as pl
from jax.experimental.pallas import tpu as pltpu
from jax.experimental.pallas import tpu_sc as plsc

N_NODES = 10000
N_EDGES = 320000
B = 8
WIN = 80
NROWS = N_EDGES // WIN
NC, NS = 2, 16
DEG_ROWS = NROWS // NS
MSG_ROWS = NROWS // (NC * NS)
NODE_CHUNK = N_NODES // NS
ALN_CHUNK = 1000


def _sc_body(BFp, x_hbm, src_hbm, dst_hbm, y_out, w_out, dinv_out,
             degidx_v, src_v, dst_v, dinv_v, norm_v, ones_v,
             rows_a, rows_b, msg_a, msg_b, zy_v, z1_v,
             hzsem, yzsem, xsem, esem, dsem, gsem_a, gsem_b,
             ysem_a, ysem_b, wsem,
             hist_sh, w_sh, y_sh, x_sh):
    cid = lax.axis_index("c")
    sid = lax.axis_index("s")
    nzt = N_NODES // ALN_CHUNK

    offs = sorted(set(list(range(0, BFp - 15, 16)) + [BFp - 16]))

    def zy_body(j, _):
        for o in offs:
            zy_v[j, pl.ds(o, 16)] = jnp.zeros((16,), jnp.float32)
        return 0
    lax.fori_loop(0, NODE_CHUNK, zy_body, 0)

    def z1_body(j, _):
        z1_v[pl.ds(j * 16, 16)] = jnp.zeros((16,), jnp.float32)
        return 0
    lax.fori_loop(0, 64, z1_body, 0)

    def ones_body(j, _):
        ones_v[pl.ds(j * 16, 16)] = jnp.ones((16,), jnp.float32)
        return 0
    lax.fori_loop(0, WIN // 16, ones_body, 0)

    nslice = pl.ds(sid * NODE_CHUNK, NODE_CHUNK)
    aslice = pl.ds(sid * ALN_CHUNK, ALN_CHUNK)
    pltpu.async_copy(zy_v, y_sh.at[nslice], yzsem)
    pltpu.async_copy(x_hbm.at[nslice], x_sh.at[nslice], xsem)

    @pl.when(sid < nzt)
    def _():
        pltpu.async_copy(z1_v.at[pl.ds(0, ALN_CHUNK)], hist_sh.at[aslice],
                         hzsem)
        pltpu.async_copy(z1_v.at[pl.ds(0, ALN_CHUNK)], w_sh.at[aslice],
                         yzsem)

    pltpu.async_copy(dst_hbm.at[pl.ds(sid * DEG_ROWS, DEG_ROWS)], degidx_v,
                     esem)
    ebase = cid * (MSG_ROWS * NS) + sid * MSG_ROWS
    pltpu.async_copy(src_hbm.at[pl.ds(ebase, MSG_ROWS)], src_v, esem)
    pltpu.async_copy(dst_hbm.at[pl.ds(ebase, MSG_ROWS)], dst_v, esem)

    @pl.when(sid < nzt)
    def _():
        pltpu.make_async_copy(z1_v.at[pl.ds(0, ALN_CHUNK)],
                              hist_sh.at[aslice], hzsem).wait()
    plsc.subcore_barrier()

    pltpu.make_async_copy(dst_hbm.at[pl.ds(sid * DEG_ROWS, DEG_ROWS)],
                          degidx_v, esem).wait()
    pltpu.make_async_copy(src_hbm.at[pl.ds(ebase, MSG_ROWS)], src_v,
                          esem).wait()
    pltpu.make_async_copy(dst_hbm.at[pl.ds(ebase, MSG_ROWS)], dst_v,
                          esem).wait()

    DEG_LAG = 8

    def deg_body(w, _):
        pltpu.async_copy(ones_v, hist_sh.at[degidx_v.at[w]], dsem, add=True)

        @pl.when(w >= DEG_LAG)
        def _():
            pltpu.make_async_copy(ones_v, hist_sh.at[degidx_v.at[0]],
                                  dsem).wait()
        return 0
    lax.fori_loop(0, DEG_ROWS, deg_body, 0)

    def deg_drain(w, _):
        pltpu.make_async_copy(ones_v, hist_sh.at[degidx_v.at[0]], dsem).wait()
        return 0
    lax.fori_loop(0, DEG_LAG, deg_drain, 0)

    pltpu.make_async_copy(zy_v, y_sh.at[nslice], yzsem).wait()
    pltpu.make_async_copy(x_hbm.at[nslice], x_sh.at[nslice], xsem).wait()

    @pl.when(sid < nzt)
    def _():
        pltpu.make_async_copy(z1_v.at[pl.ds(0, ALN_CHUNK)], w_sh.at[aslice],
                              yzsem).wait()
    plsc.subcore_barrier()

    pltpu.sync_copy(hist_sh, dinv_v)

    def dinv_body(j, _):
        d = dinv_v[pl.ds(j * 16, 16)] + 1.0
        ii = plsc.bitcast(d, jnp.int32)
        ii = jnp.int32(0x5F3759DF) - (ii >> 1)
        y = plsc.bitcast(ii, jnp.float32)
        for _ in range(3):
            y = y * (1.5 - 0.5 * d * y * y)
        dinv_v[pl.ds(j * 16, 16)] = y
        return 0
    lax.fori_loop(0, N_NODES // 16, dinv_body, 0)

    def norm_body(w, _):
        def jb(j, _):
            sv = src_v[w, pl.ds(j * 16, 16)]
            dv = dst_v[w, pl.ds(j * 16, 16)]
            gs = plsc.load_gather(dinv_v, [sv])
            gd = plsc.load_gather(dinv_v, [dv])
            norm_v[w, pl.ds(j * 16, 16)] = gs * gd
            return 0
        lax.fori_loop(0, WIN // 16, jb, 0)
        return 0
    lax.fori_loop(0, MSG_ROWS, norm_body, 0)

    bufs = ((rows_a, msg_a, gsem_a, ysem_a), (rows_b, msg_b, gsem_b, ysem_b))

    def scale_window(w, rows, msg):
        def mul_body(j, _):
            nv = norm_v[w, pl.ds(j * 16, 16)]
            for l in range(16):
                s = nv[l]
                row = j * 16 + l
                for o in offs:
                    msg[row, pl.ds(o, 16)] = rows[row, pl.ds(o, 16)] * s
            return 0
        lax.fori_loop(0, WIN // 16, mul_body, 0)

    for b, (rows, msg, gsem, ysem) in enumerate(bufs):
        pltpu.async_copy(x_sh.at[src_v.at[b]], rows, gsem)

    def pair_body(i, _):
        for b, (rows, msg, gsem, ysem) in enumerate(bufs):
            w = 2 * i + b
            pltpu.make_async_copy(x_sh.at[src_v.at[w]], rows, gsem).wait()

            @pl.when(i > 0)
            def _():
                pltpu.make_async_copy(msg, y_sh.at[dst_v.at[w]], ysem).wait()

            scale_window(w, rows, msg)

            @pl.when(w + 2 < MSG_ROWS)
            def _():
                pltpu.async_copy(x_sh.at[src_v.at[w + 2]], rows, gsem)

            pltpu.async_copy(msg, y_sh.at[dst_v.at[w]], ysem, add=True)
            pltpu.async_copy(norm_v.at[w], w_sh.at[src_v.at[w]], wsem,
                             add=True)
        return 0
    lax.fori_loop(0, MSG_ROWS // 2, pair_body, 0)

    if MSG_ROWS % 2 == 1:
        w = MSG_ROWS - 1
        rows, msg, gsem, ysem = bufs[w % 2]
        pltpu.make_async_copy(x_sh.at[src_v.at[w]], rows, gsem).wait()
        pltpu.make_async_copy(msg, y_sh.at[dst_v.at[w]], ysem).wait()
        scale_window(w, rows, msg)
        pltpu.async_copy(msg, y_sh.at[dst_v.at[w]], ysem, add=True)
        pltpu.async_copy(norm_v.at[w], w_sh.at[src_v.at[w]], wsem, add=True)

    for b, (rows, msg, gsem, ysem) in enumerate(bufs):
        pltpu.make_async_copy(msg, y_sh.at[dst_v.at[0]], ysem).wait()

    def w_drain(w, _):
        pltpu.make_async_copy(norm_v.at[0], w_sh.at[src_v.at[0]],
                              wsem).wait()
        return 0
    lax.fori_loop(0, MSG_ROWS, w_drain, 0)

    plsc.subcore_barrier()

    pltpu.sync_copy(y_sh.at[pl.ds(sid * NODE_CHUNK, NODE_CHUNK)],
                    y_out.at[cid, pl.ds(sid * NODE_CHUNK, NODE_CHUNK)])

    @pl.when(sid < N_NODES // ALN_CHUNK)
    def _():
        pltpu.sync_copy(w_sh.at[pl.ds(sid * ALN_CHUNK, ALN_CHUNK)],
                        w_out.at[cid, pl.ds(sid * ALN_CHUNK, ALN_CHUNK)])

    @pl.when((cid == 0) & (sid < N_NODES // ALN_CHUNK))
    def _():
        pltpu.sync_copy(dinv_v.at[pl.ds(sid * ALN_CHUNK, ALN_CHUNK)],
                        dinv_out.at[pl.ds(sid * ALN_CHUNK, ALN_CHUNK)])


def _make_sc_kernel(BFp):
    mesh = plsc.VectorSubcoreMesh(core_axis_name="c", subcore_axis_name="s",
                                  num_cores=NC, num_subcores=NS)
    f32 = jnp.float32
    return pl.kernel(
        functools.partial(_sc_body, BFp),
        out_type=(jax.ShapeDtypeStruct((NC, N_NODES, BFp), f32),
                  jax.ShapeDtypeStruct((NC, N_NODES), f32),
                  jax.ShapeDtypeStruct((N_NODES,), f32)),
        mesh=mesh,
        compiler_params=pltpu.CompilerParams(use_tc_tiling_on_sc=False,
                                             needs_layout_passes=False),
        scratch_types=[
            pltpu.VMEM((DEG_ROWS, WIN), jnp.int32),
            pltpu.VMEM((MSG_ROWS, WIN), jnp.int32),
            pltpu.VMEM((MSG_ROWS, WIN), jnp.int32),
            pltpu.VMEM((N_NODES,), f32),
            pltpu.VMEM((MSG_ROWS, WIN), f32),
            pltpu.VMEM((WIN,), f32),
            pltpu.VMEM((WIN, BFp), f32),
            pltpu.VMEM((WIN, BFp), f32),
            pltpu.VMEM((WIN, BFp), f32),
            pltpu.VMEM((WIN, BFp), f32),
            pltpu.VMEM((NODE_CHUNK, BFp), f32),
            pltpu.VMEM((1024,), f32),
            pltpu.SemaphoreType.DMA,
            pltpu.SemaphoreType.DMA,
            pltpu.SemaphoreType.DMA,
            pltpu.SemaphoreType.DMA,
            pltpu.SemaphoreType.DMA,
            pltpu.SemaphoreType.DMA,
            pltpu.SemaphoreType.DMA,
            pltpu.SemaphoreType.DMA,
            pltpu.SemaphoreType.DMA,
            pltpu.SemaphoreType.DMA,
            pltpu.VMEM_SHARED((N_NODES,), f32),
            pltpu.VMEM_SHARED((N_NODES,), f32),
            pltpu.VMEM_SHARED((N_NODES, BFp), f32),
            pltpu.VMEM_SHARED((N_NODES, BFp), f32),
        ],
    )


def _leaky(x):
    return jnp.where(x > 0, x, 0.1 * x)


def _tc_body(yv, wv, dv, xv, ye, we, de, xe, drone,
             W1v, b1v, W2v, b2v, W1e, b1e, W2e, b2e,
             Wmi, bmi, Wmh, bmh, Wmo, bmo, ff_out, out_out):
    C = 1000
    HB = B * 150

    def branch(y_ref, w_ref, dinv_ref, x_ref, W1bd_ref, b1t_ref):
        W1bd = W1bd_ref[...]
        b1t = b1t_ref[...]

        def chunk(i, acc):
            sl = pl.ds(i * C, C)
            d = dinv_ref[sl, :]
            d2 = d * d
            Y = y_ref[0, sl, :] + y_ref[1, sl, :] + d2 * x_ref[sl, :]
            wp = w_ref[sl, :]
            wt = (wp[:, 0:1] + wp[:, 1:2] + d2) * (1.0 / N_NODES)
            Z = jnp.dot(Y, W1bd, preferred_element_type=jnp.float32) + b1t
            Z = _leaky(Z)
            return acc + jnp.sum(wt * Z, axis=0, keepdims=True)

        S = lax.fori_loop(0, N_NODES // C, chunk,
                          jnp.zeros((1, HB), jnp.float32))
        return jnp.concatenate(
            [S[:, b * 150:(b + 1) * 150] for b in range(B)], axis=0)

    Sv = branch(yv, wv, dv, xv, W1v, b1v)
    Se = branch(ye, we, de, xe, W1e, b1e)
    v_emb = jnp.dot(Sv, W2v[...], preferred_element_type=jnp.float32) + b2v[...]
    e_emb = jnp.dot(Se, W2e[...], preferred_element_type=jnp.float32) + b2e[...]
    ff = jnp.concatenate([v_emb, e_emb, drone[...]], axis=1)
    ff_out[...] = ff
    h = _leaky(jnp.dot(ff, Wmi[...], preferred_element_type=jnp.float32) + bmi[...])
    h = _leaky(jnp.dot(h, Wmh[...], preferred_element_type=jnp.float32) + bmh[...])
    out_out[...] = jnp.tanh(jnp.dot(h, Wmo[...], preferred_element_type=jnp.float32) + bmo[...])


def _pack_x(x, BFp):
    n = x.shape[1]
    xp = jnp.transpose(x, (1, 0, 2)).reshape(n, -1)
    if xp.shape[1] < BFp:
        xp = jnp.pad(xp, ((0, 0), (0, BFp - xp.shape[1])))
    return xp


def _block_diag_w1(W1, BFp):
    F = W1.shape[0]
    Wbd = jnp.zeros((BFp, B * 150), W1.dtype)
    for b in range(B):
        Wbd = Wbd.at[b * F:(b + 1) * F, b * 150:(b + 1) * 150].set(W1)
    return Wbd


def kernel(vertiport_features, vertiport_edge, evtol_features, evtol_edge,
           next_drone_embedding, Wv1, bv1, Wv2, bv2, We1, be1, We2, be2,
           Wmi, bmi, Wmh, bmh, Wmo, bmo):
    BFv, BFe = 16, 24
    xv = _pack_x(vertiport_features, BFv)
    xe = _pack_x(evtol_features, BFe)
    srcv = vertiport_edge[0, 0].reshape(NROWS, WIN)
    dstv = vertiport_edge[0, 1].reshape(NROWS, WIN)
    srce = evtol_edge[0, 0].reshape(NROWS, WIN)
    dste = evtol_edge[0, 1].reshape(NROWS, WIN)

    yv, wv, dv = _make_sc_kernel(BFv)(xv, srcv, dstv)
    ye, we, de = _make_sc_kernel(BFe)(xe, srce, dste)

    W1v = _block_diag_w1(Wv1, BFv)
    W1e = _block_diag_w1(We1, BFe)
    b1v = jnp.tile(bv1, B).reshape(1, B * 150)
    b1e = jnp.tile(be1, B).reshape(1, B * 150)

    ff, out = pl.pallas_call(
        _tc_body,
        out_shape=(jax.ShapeDtypeStruct((B, 134), jnp.float32),
                   jax.ShapeDtypeStruct((B, 4), jnp.float32)),
    )(yv, jnp.transpose(wv), dv.reshape(N_NODES, 1), xv,
      ye, jnp.transpose(we), de.reshape(N_NODES, 1), xe,
      next_drone_embedding,
      W1v, b1v, Wv2, bv2.reshape(1, 64),
      W1e, b1e, We2, be2.reshape(1, 64),
      Wmi, bmi.reshape(1, 128), Wmh, bmh.reshape(1, 64),
      Wmo, bmo.reshape(1, 4))
    return (ff, out)

# --- scband reference (transcript-rebuilt; emitter-appended) ---
"""Pipeline reference for scband-gnnfeature-extractor-42657615184588 (READ-ONLY COPY).

The authoritative reference and input builder live on the scoring server;
editing this copy changes nothing except your own understanding.
"""

import jax, jax.numpy as jnp
import numpy as np

def _leaky(x):
    return jnp.where(x > 0, x, 0.1 * x)

def _gcn_conv(x, edge_index, W, b):
    # PyG GCNConv: linear -> add self loops -> sym-normalized scatter-add -> bias
    n = x.shape[1]
    src = edge_index[0]
    dst = edge_index[1]
    loop = jnp.arange(n, dtype=src.dtype)
    src = jnp.concatenate([src, loop])
    dst = jnp.concatenate([dst, loop])
    deg = jnp.zeros((n,), x.dtype).at[dst].add(1.0)
    dinv = jnp.where(deg > 0, 1.0 / jnp.sqrt(deg), 0.0)
    norm = dinv[src] * dinv[dst]
    xw = jnp.einsum('bnd,df->bnf', x, W)
    msg = jnp.take(xw, src, axis=1) * norm[None, :, None]
    out = jnp.zeros_like(xw).at[:, dst, :].add(msg)
    return out + b

def _gcn(x, ei, W1, b1, W2, b2):
    h = _leaky(_gcn_conv(x, ei, W1, b1))
    h = _gcn_conv(h, ei, W2, b2)
    return h.mean(axis=1)

def _mlp(x, Wi, bi, Wh, bh, Wo, bo):
    h = _leaky(x @ Wi + bi)
    h = _leaky(h @ Wh + bh)
    return jnp.tanh(h @ Wo + bo)

def setup_inputs(seed: int = 0):
    key = jax.random.key(seed)
    ks = jax.random.split(key, 24)
    B, NV, NE, EV, EE = 8, 10000, 10000, 320000, 320000
    inp = {}
    inp['vertiport_features'] = jax.random.normal(ks[0], (B, NV, 2), dtype=jnp.float32)
    inp['vertiport_edge'] = jax.random.randint(ks[1], (1, 2, EV), 0, NV, dtype=jnp.int32)
    inp['evtol_features'] = jax.random.normal(ks[2], (B, NE, 3), dtype=jnp.float32)
    inp['evtol_edge'] = jax.random.randint(ks[3], (1, 2, EE), 0, NE, dtype=jnp.int32)
    inp['next_drone_embedding'] = jax.random.normal(ks[4], (B, 6), dtype=jnp.float32)
    inp['Wv1'] = jax.random.normal(ks[5], (2, 150), dtype=jnp.float32) * 0.3
    inp['bv1'] = jnp.zeros((150,), jnp.float32)
    inp['Wv2'] = jax.random.normal(ks[6], (150, 64), dtype=jnp.float32) * 0.08
    inp['bv2'] = jnp.zeros((64,), jnp.float32)
    inp['We1'] = jax.random.normal(ks[7], (3, 150), dtype=jnp.float32) * 0.3
    inp['be1'] = jnp.zeros((150,), jnp.float32)
    inp['We2'] = jax.random.normal(ks[8], (150, 64), dtype=jnp.float32) * 0.08
    inp['be2'] = jnp.zeros((64,), jnp.float32)
    inp['Wmi'] = jax.random.normal(ks[9], (134, 128), dtype=jnp.float32) * 0.08
    inp['bmi'] = jnp.zeros((128,), jnp.float32)
    inp['Wmh'] = jax.random.normal(ks[10], (128, 64), dtype=jnp.float32) * 0.08
    inp['bmh'] = jnp.zeros((64,), jnp.float32)
    inp['Wmo'] = jax.random.normal(ks[11], (64, 4), dtype=jnp.float32) * 0.1
    inp['bmo'] = jnp.zeros((4,), jnp.float32)
    return inp

def reference(vertiport_features, vertiport_edge, evtol_features, evtol_edge, next_drone_embedding, Wv1, bv1, Wv2, bv2, We1, be1, We2, be2, Wmi, bmi, Wmh, bmh, Wmo, bmo):
    v_embed = _gcn(vertiport_features, vertiport_edge[0], Wv1, bv1, Wv2, bv2)
    e_embed = _gcn(evtol_features, evtol_edge[0], We1, be1, We2, be2)
    final_features = jnp.concatenate([v_embed, e_embed, next_drone_embedding], axis=1)
    output = _mlp(final_features, Wmi, bmi, Wmh, bmh, Wmo, bmo)
    return (final_features, output)

if __name__ == "__main__":
    import jax
    _d = setup_inputs()
    print(jax.jit(kernel)(*tuple(_d.values())))

</pallas_src>

<mosaic_0001>
#map = affine_map<(d0, d1) -> (0, 0)>
#map1 = affine_map<(d0, d1) -> (0, 0, 0)>
#map2 = affine_map<(d0, d1) -> (0)>
module attributes {stable_mosaic.version = 14 : i64} {
  func.func @_sc_body(%arg0: i32, %arg1: i32, %arg2: memref<10000x16xf32, #tpu.memory_space<hbm>>, %arg3: memref<4000x80xi32, #tpu.memory_space<hbm>>, %arg4: memref<4000x80xi32, #tpu.memory_space<hbm>>, %arg5: memref<2x10000x16xf32, #tpu.memory_space<hbm>>, %arg6: memref<2x10000xf32, #tpu.memory_space<hbm>>, %arg7: memref<10000xf32, #tpu.memory_space<hbm>>, %arg8: memref<250x80xi32, #tpu.memory_space<vmem>>, %arg9: memref<125x80xi32, #tpu.memory_space<vmem>>, %arg10: memref<125x80xi32, #tpu.memory_space<vmem>>, %arg11: memref<10000xf32, #tpu.memory_space<vmem>>, %arg12: memref<125x80xf32, #tpu.memory_space<vmem>>, %arg13: memref<80xf32, #tpu.memory_space<vmem>>, %arg14: memref<80x16xf32, #tpu.memory_space<vmem>>, %arg15: memref<80x16xf32, #tpu.memory_space<vmem>>, %arg16: memref<80x16xf32, #tpu.memory_space<vmem>>, %arg17: memref<80x16xf32, #tpu.memory_space<vmem>>, %arg18: memref<625x16xf32, #tpu.memory_space<vmem>>, %arg19: memref<1024xf32, #tpu.memory_space<vmem>>, %arg20: memref<!tpu.dma_semaphore, #tpu.memory_space<semaphore_mem>>, %arg21: memref<!tpu.dma_semaphore, #tpu.memory_space<semaphore_mem>>, %arg22: memref<!tpu.dma_semaphore, #tpu.memory_space<semaphore_mem>>, %arg23: memref<!tpu.dma_semaphore, #tpu.memory_space<semaphore_mem>>, %arg24: memref<!tpu.dma_semaphore, #tpu.memory_space<semaphore_mem>>, %arg25: memref<!tpu.dma_semaphore, #tpu.memory_space<semaphore_mem>>, %arg26: memref<!tpu.dma_semaphore, #tpu.memory_space<semaphore_mem>>, %arg27: memref<!tpu.dma_semaphore, #tpu.memory_space<semaphore_mem>>, %arg28: memref<!tpu.dma_semaphore, #tpu.memory_space<semaphore_mem>>, %arg29: memref<!tpu.dma_semaphore, #tpu.memory_space<semaphore_mem>>, %arg30: memref<10000xf32, #tpu.memory_space<vmem_shared>>, %arg31: memref<10000xf32, #tpu.memory_space<vmem_shared>>, %arg32: memref<10000x16xf32, #tpu.memory_space<vmem_shared>>, %arg33: memref<10000x16xf32, #tpu.memory_space<vmem_shared>>) attributes {dimension_semantics = [#tpu.dimension_semantics<core_parallel>, #tpu.dimension_semantics<subcore_parallel>], iteration_bounds = array<i64: 2, 16>, scalar_prefetch = 0 : i64, scratch_operands = 26 : i64, tpu.core_type = #tpu.core_type<sc_vector_subcore>, window_params = [{transform_indices = #map}, {transform_indices = #map}, {transform_indices = #map}, {transform_indices = #map1}, {transform_indices = #map}, {transform_indices = #map2}]} {
    %scan3A = arith.constant 0 : i32
    %scan3A_0 = arith.constant 0 : i32
    %scan3A_1 = arith.constant 625 : i32
    %scan3A_2 = arith.addi %scan3A_0, %scan3A_1 : i32
    %scan3A_3 = arith.constant 1 : i32
    %scan3A_4 = scf.for %scan3A_206 = %scan3A_0 to %scan3A_2 step %scan3A_3 iter_args(%scan3A_207 = %scan3A) -> (i32)  : i32 {
      %broadcast_in_dim3A = arith.constant 0.000000e+00 : f32
      %broadcast_in_dim3A_208 = vector.broadcast %broadcast_in_dim3A : f32 to vector<16xf32>
      %swap3A = arith.index_cast %scan3A_206 : i32 to index
      %swap3A_209 = arith.constant 0 : index
      %swap3A_210 = tpu.vector_load %arg18[%swap3A, %swap3A_209] {strides = array<i32>} : memref<625x16xf32, #tpu.memory_space<vmem>>, vector<16xf32>,
      tpu.vector_store %arg18[%swap3A, %swap3A_209], %broadcast_in_dim3A_208 {strides = array<i32>} : memref<625x16xf32, #tpu.memory_space<vmem>>, vector<16xf32>,
      %scan3A_211 = arith.constant 0 : i32
      scf.yield %scan3A_211 : i32
    }
    %scan3A_5 = arith.constant 625 : i32
    %scan3A_6 = arith.constant 0 : i32
    %scan3A_7 = arith.constant 0 : i32
    %scan3A_8 = arith.constant 64 : i32
    %scan3A_9 = arith.addi %scan3A_7, %scan3A_8 : i32
    %scan3A_10 = arith.constant 1 : i32
    %scan3A_11 = scf.for %scan3A_206 = %scan3A_7 to %scan3A_9 step %scan3A_10 iter_args(%scan3A_207 = %scan3A_6) -> (i32)  : i32 {
      %broadcast_in_dim3A = arith.constant 0.000000e+00 : f32
      %broadcast_in_dim3A_208 = vector.broadcast %broadcast_in_dim3A : f32 to vector<16xf32>
      %mul3A_209 = arith.constant 16 : i32
      %mul3A_210 = arith.muli %scan3A_206, %mul3A_209 : i32
      %swap3A = arith.index_cast %mul3A_210 : i32 to index
      %swap3A_211 = tpu.vector_load %arg19[%swap3A] {strides = array<i32>} : memref<1024xf32, #tpu.memory_space<vmem>>, vector<16xf32>,
      tpu.vector_store %arg19[%swap3A], %broadcast_in_dim3A_208 {strides = array<i32>} : memref<1024xf32, #tpu.memory_space<vmem>>, vector<16xf32>,
      %scan3A_212 = arith.constant 0 : i32
      scf.yield %scan3A_212 : i32
    }
    %scan3A_12 = arith.constant 64 : i32
    %scan3A_13 = arith.constant 0 : i32
    %scan3A_14 = arith.constant 0 : i32
    %scan3A_15 = arith.constant 5 : i32
    %scan3A_16 = arith.addi %scan3A_14, %scan3A_15 : i32
    %scan3A_17 = arith.constant 1 : i32
    %scan3A_18 = scf.for %scan3A_206 = %scan3A_14 to %scan3A_16 step %scan3A_17 iter_args(%scan3A_207 = %scan3A_13) -> (i32)  : i32 {
      %broadcast_in_dim3A = arith.constant 1.000000e+00 : f32
      %broadcast_in_dim3A_208 = vector.broadcast %broadcast_in_dim3A : f32 to vector<16xf32>
      %mul3A_209 = arith.constant 16 : i32
      %mul3A_210 = arith.muli %scan3A_206, %mul3A_209 : i32
      %swap3A = arith.index_cast %mul3A_210 : i32 to index
      %swap3A_211 = tpu.vector_load %arg13[%swap3A] {strides = array<i32>} : memref<80xf32, #tpu.memory_space<vmem>>, vector<16xf32>,
      tpu.vector_store %arg13[%swap3A], %broadcast_in_dim3A_208 {strides = array<i32>} : memref<80xf32, #tpu.memory_space<vmem>>, vector<16xf32>,
      %scan3A_212 = arith.constant 0 : i32
      scf.yield %scan3A_212 : i32
    }
    %scan3A_19 = arith.constant 5 : i32
    %mul3A = arith.constant 625 : i32
    %mul3A_20 = arith.muli %arg1, %mul3A : i32
    %mul3A_21 = arith.constant 1000 : i32
    %mul3A_22 = arith.muli %arg1, %mul3A_21 : i32
    %dma_start3A = arith.constant 0 : i32
    %dma_start3A_23 = tpu.memref_slice %arg32[%mul3A_20, %dma_start3A] : memref<10000x16xf32, #tpu.memory_space<vmem_shared>> -> memref<625x16xf32, #tpu.memory_space<vmem_shared>>
    %dma_start3A_24 = arith.constant 0 : i32
    %dma_start3A_25 = tpu.memref_slice %arg32[%mul3A_20, %dma_start3A_24] : memref<10000x16xf32, #tpu.memory_space<vmem_shared>> -> memref<625x16xf32, #tpu.memory_space<vmem_shared>>
    tpu.enqueue_dma source(%arg18 : memref<625x16xf32, #tpu.memory_space<vmem>>) target(%dma_start3A_25 : memref<625x16xf32, #tpu.memory_space<vmem_shared>>) target_semaphore(%arg21 : memref<!tpu.dma_semaphore, #tpu.memory_space<semaphore_mem>>)
    %dma_start3A_26 = arith.constant 0 : i32
    %dma_start3A_27 = tpu.memref_slice %arg33[%mul3A_20, %dma_start3A_26] : memref<10000x16xf32, #tpu.memory_space<vmem_shared>> -> memref<625x16xf32, #tpu.memory_space<vmem_shared>>
    %dma_start3A_28 = arith.constant 0 : i32
    %dma_start3A_29 = tpu.memref_slice %arg2[%mul3A_20, %dma_start3A_28] : memref<10000x16xf32, #tpu.memory_space<hbm>> -> memref<625x16xf32, #tpu.memory_space<hbm>>
    tpu.enqueue_dma source(%dma_start3A_29 : memref<625x16xf32, #tpu.memory_space<hbm>>) target(%dma_start3A_27 : memref<625x16xf32, #tpu.memory_space<vmem_shared>>) target_semaphore(%arg22 : memref<!tpu.dma_semaphore, #tpu.memory_space<semaphore_mem>>)
    %lt3A = arith.constant 10 : i32
    %lt3A_30 = arith.cmpi slt, %arg1, %lt3A : i32
    %convert_element_type3A = arith.extui %lt3A_30 : i1 to i32
    %cond3A = arith.constant 0 : i32
    %cond3A_31 = arith.cmpi ne, %convert_element_type3A, %cond3A : i32
    scf.if %cond3A_31 {
      %dma_start3A_206 = arith.constant 0 : i32
      %dma_start3A_207 = tpu.memref_slice %arg19[%dma_start3A_206] : memref<1024xf32, #tpu.memory_space<vmem>> -> memref<1000xf32, #tpu.memory_space<vmem>>
      %dma_start3A_208 = tpu.memref_slice %arg30[%mul3A_22] : memref<10000xf32, #tpu.memory_space<vmem_shared>> -> memref<1000xf32, #tpu.memory_space<vmem_shared>>
      %dma_start3A_209 = tpu.memref_slice %arg30[%mul3A_22] : memref<10000xf32, #tpu.memory_space<vmem_shared>> -> memref<1000xf32, #tpu.memory_space<vmem_shared>>
      %dma_start3A_210 = arith.constant 0 : i32
      %dma_start3A_211 = tpu.memref_slice %arg19[%dma_start3A_210] : memref<1024xf32, #tpu.memory_space<vmem>> -> memref<1000xf32, #tpu.memory_space<vmem>>
      tpu.enqueue_dma source(%dma_start3A_211 : memref<1000xf32, #tpu.memory_space<vmem>>) target(%dma_start3A_209 : memref<1000xf32, #tpu.memory_space<vmem_shared>>) target_semaphore(%arg20 : memref<!tpu.dma_semaphore, #tpu.memory_space<semaphore_mem>>)
      %dma_start3A_212 = arith.constant 0 : i32
      %dma_start3A_213 = tpu.memref_slice %arg19[%dma_start3A_212] : memref<1024xf32, #tpu.memory_space<vmem>> -> memref<1000xf32, #tpu.memory_space<vmem>>
      %dma_start3A_214 = tpu.memref_slice %arg31[%mul3A_22] : memref<10000xf32, #tpu.memory_space<vmem_shared>> -> memref<1000xf32, #tpu.memory_space<vmem_shared>>
      %dma_start3A_215 = tpu.memref_slice %arg31[%mul3A_22] : memref<10000xf32, #tpu.memory_space<vmem_shared>> -> memref<1000xf32, #tpu.memory_space<vmem_shared>>
      %dma_start3A_216 = arith.constant 0 : i32
      %dma_start3A_217 = tpu.memref_slice %arg19[%dma_start3A_216] : memref<1024xf32, #tpu.memory_space<vmem>> -> memref<1000xf32, #tpu.memory_space<vmem>>
      tpu.enqueue_dma source(%dma_start3A_217 : memref<1000xf32, #tpu.memory_space<vmem>>) target(%dma_start3A_215 : memref<1000xf32, #tpu.memory_space<vmem_shared>>) target_semaphore(%arg21 : memref<!tpu.dma_semaphore, #tpu.memory_space<semaphore_mem>>)
    } else {
    }
    %mul3A_32 = arith.constant 250 : i32
    %mul3A_33 = arith.muli %arg1, %mul3A_32 : i32
    %dma_start3A_34 = arith.constant 0 : i32
    %dma_start3A_35 = tpu.memref_slice %arg4[%mul3A_33, %dma_start3A_34] : memref<4000x80xi32, #tpu.memory_space<hbm>> -> memref<250x80xi32, #tpu.memory_space<hbm>>
    %dma_start3A_36 = arith.constant 0 : i32
    %dma_start3A_37 = tpu.memref_slice %arg4[%mul3A_33, %dma_start3A_36] : memref<4000x80xi32, #tpu.memory_space<hbm>> -> memref<250x80xi32, #tpu.memory_space<hbm>>
    tpu.enqueue_dma source(%dma_start3A_37 : memref<250x80xi32, #tpu.memory_space<hbm>>) target(%arg8 : memref<250x80xi32, #tpu.memory_space<vmem>>) target_semaphore(%arg23 : memref<!tpu.dma_semaphore, #tpu.memory_space<semaphore_mem>>)
    %mul3A_38 = arith.constant 2000 : i32
    %mul3A_39 = arith.muli %arg0, %mul3A_38 : i32
    %mul3A_40 = arith.constant 125 : i32
    %mul3A_41 = arith.muli %arg1, %mul3A_40 : i32
    %add3A = arith.addi %mul3A_39, %mul3A_41 : i32
    %dma_start3A_42 = arith.constant 0 : i32
    %dma_start3A_43 = tpu.memref_slice %arg3[%add3A, %dma_start3A_42] : memref<4000x80xi32, #tpu.memory_space<hbm>> -> memref<125x80xi32, #tpu.memory_space<hbm>>
    %dma_start3A_44 = arith.constant 0 : i32
    %dma_start3A_45 = tpu.memref_slice %arg3[%add3A, %dma_start3A_44] : memref<4000x80xi32, #tpu.memory_space<hbm>> -> memref<125x80xi32, #tpu.memory_space<hbm>>
    tpu.enqueue_dma source(%dma_start3A_45 : memref<125x80xi32, #tpu.memory_space<hbm>>) target(%arg9 : memref<125x80xi32, #tpu.memory_space<vmem>>) target_semaphore(%arg23 : memref<!tpu.dma_semaphore, #tpu.memory_space<semaphore_mem>>)
    %dma_start3A_46 = arith.constant 0 : i32
    %dma_start3A_47 = tpu.memref_slice %arg4[%add3A, %dma_start3A_46] : memref<4000x80xi32, #tpu.memory_space<hbm>> -> memref<125x80xi32, #tpu.memory_space<hbm>>
    %dma_start3A_48 = arith.constant 0 : i32
    %dma_start3A_49 = tpu.memref_slice %arg4[%add3A, %dma_start3A_48] : memref<4000x80xi32, #tpu.memory_space<hbm>> -> memref<125x80xi32, #tpu.memory_space<hbm>>
    tpu.enqueue_dma source(%dma_start3A_49 : memref<125x80xi32, #tpu.memory_space<hbm>>) target(%arg10 : memref<125x80xi32, #tpu.memory_space<vmem>>) target_semaphore(%arg23 : memref<!tpu.dma_semaphore, #tpu.memory_space<semaphore_mem>>)
    %lt3A_50 = arith.constant 10 : i32
    %lt3A_51 = arith.cmpi slt, %arg1, %lt3A_50 : i32
    %convert_element_type3A_52 = arith.extui %lt3A_51 : i1 to i32
    %cond3A_53 = arith.constant 0 : i32
    %cond3A_54 = arith.cmpi ne, %convert_element_type3A_52, %cond3A_53 : i32
    scf.if %cond3A_54 {
      %dma_wait3A_206 = arith.constant 0 : i32
      %dma_wait3A_207 = tpu.memref_slice %arg19[%dma_wait3A_206] : memref<1024xf32, #tpu.memory_space<vmem>> -> memref<1000xf32, #tpu.memory_space<vmem>>
      %dma_wait3A_208 = tpu.memref_slice %arg30[%mul3A_22] : memref<10000xf32, #tpu.memory_space<vmem_shared>> -> memref<1000xf32, #tpu.memory_space<vmem_shared>>
      %dma_wait3A_209 = tpu.memref_slice %arg30[%mul3A_22] : memref<10000xf32, #tpu.memory_space<vmem_shared>> -> memref<1000xf32, #tpu.memory_space<vmem_shared>>
      %dma_wait3A_210 = arith.constant 0 : i32
      %dma_wait3A_211 = tpu.memref_slice %arg19[%dma_wait3A_210] : memref<1024xf32, #tpu.memory_space<vmem>> -> memref<1000xf32, #tpu.memory_space<vmem>>
      tpu.wait_dma2 semaphore(%arg20 : memref<!tpu.dma_semaphore, #tpu.memory_space<semaphore_mem>>) src(%dma_wait3A_211 : memref<1000xf32, #tpu.memory_space<vmem>>) dst(%dma_wait3A_209 : memref<1000xf32, #tpu.memory_space<vmem_shared>>)
    } else {
    }
    %barrier3A = arith.constant 0 : index
    tpu.barrier barrier_id(%barrier3A)
    %mul3A_55 = arith.constant 250 : i32
    %mul3A_56 = arith.muli %arg1, %mul3A_55 : i32
    %dma_wait3A = arith.constant 0 : i32
    %dma_wait3A_57 = tpu.memref_slice %arg4[%mul3A_56, %dma_wait3A] : memref<4000x80xi32, #tpu.memory_space<hbm>> -> memref<250x80xi32, #tpu.memory_space<hbm>>
    %dma_wait3A_58 = arith.constant 0 : i32
    %dma_wait3A_59 = tpu.memref_slice %arg4[%mul3A_56, %dma_wait3A_58] : memref<4000x80xi32, #tpu.memory_space<hbm>> -> memref<250x80xi32, #tpu.memory_space<hbm>>
    tpu.wait_dma2 semaphore(%arg23 : memref<!tpu.dma_semaphore, #tpu.memory_space<semaphore_mem>>) src(%dma_wait3A_59 : memref<250x80xi32, #tpu.memory_space<hbm>>) dst(%arg8 : memref<250x80xi32, #tpu.memory_space<vmem>>)
    %dma_wait3A_60 = arith.constant 0 : i32
    %dma_wait3A_61 = tpu.memref_slice %arg3[%add3A, %dma_wait3A_60] : memref<4000x80xi32, #tpu.memory_space<hbm>> -> memref<125x80xi32, #tpu.memory_space<hbm>>
    %dma_wait3A_62 = arith.constant 0 : i32
    %dma_wait3A_63 = tpu.memref_slice %arg3[%add3A, %dma_wait3A_62] : memref<4000x80xi32, #tpu.memory_space<hbm>> -> memref<125x80xi32, #tpu.memory_space<hbm>>
    tpu.wait_dma2 semaphore(%arg23 : memref<!tpu.dma_semaphore, #tpu.memory_space<semaphore_mem>>) src(%dma_wait3A_63 : memref<125x80xi32, #tpu.memory_space<hbm>>) dst(%arg9 : memref<125x80xi32, #tpu.memory_space<vmem>>)
    %dma_wait3A_64 = arith.constant 0 : i32
    %dma_wait3A_65 = tpu.memref_slice %arg4[%add3A, %dma_wait3A_64] : memref<4000x80xi32, #tpu.memory_space<hbm>> -> memref<125x80xi32, #tpu.memory_space<hbm>>
    %dma_wait3A_66 = arith.constant 0 : i32
    %dma_wait3A_67 = tpu.memref_slice %arg4[%add3A, %dma_wait3A_66] : memref<4000x80xi32, #tpu.memory_space<hbm>> -> memref<125x80xi32, #tpu.memory_space<hbm>>
    tpu.wait_dma2 semaphore(%arg23 : memref<!tpu.dma_semaphore, #tpu.memory_space<semaphore_mem>>) src(%dma_wait3A_67 : memref<125x80xi32, #tpu.memory_space<hbm>>) dst(%arg10 : memref<125x80xi32, #tpu.memory_space<vmem>>)
    %scan3A_68 = arith.constant 0 : i32
    %scan3A_69 = arith.constant 0 : i32
    %scan3A_70 = arith.constant 250 : i32
    %scan3A_71 = arith.addi %scan3A_69, %scan3A_70 : i32
    %scan3A_72 = arith.constant 1 : i32
    %scan3A_73 = scf.for %scan3A_206 = %scan3A_69 to %scan3A_71 step %scan3A_72 iter_args(%scan3A_207 = %scan3A_68) -> (i32)  : i32 {
      %dma_start3A_208 = arith.constant 0 : i32
      %dma_start3A_209 = tpu.memref_slice %arg8[%scan3A_206, %dma_start3A_208] : memref<250x80xi32, #tpu.memory_space<vmem>> -> memref<1x80xi32, #tpu.memory_space<vmem>>
      %dma_start3A_210 = tpu.memref_squeeze %dma_start3A_209 : memref<1x80xi32, #tpu.memory_space<vmem>> -> memref<80xi32, #tpu.memory_space<vmem>>
      %dma_start3A_211 = arith.constant 0 : i32
      %dma_start3A_212 = tpu.memref_slice %arg30[%dma_start3A_211] : memref<10000xf32, #tpu.memory_space<vmem_shared>> -> memref<10000xf32, #tpu.memory_space<vmem_shared>>
      tpu.enqueue_indirect_dma source(%arg13 : memref<80xf32, #tpu.memory_space<vmem>>) target(%dma_start3A_212 : memref<10000xf32, #tpu.memory_space<vmem_shared>>) offsets(%dma_start3A_210 : memref<80xi32, #tpu.memory_space<vmem>>) semaphore(%arg24 : memref<!tpu.dma_semaphore, #tpu.memory_space<semaphore_mem>>) {add = true}
      %ge3A = arith.constant 8 : i32
      %ge3A_213 = arith.cmpi sge, %scan3A_206, %ge3A : i32
      %convert_element_type3A_214 = arith.extui %ge3A_213 : i1 to i32
      %cond3A_215 = arith.constant 0 : i32
      %cond3A_216 = arith.cmpi ne, %convert_element_type3A_214, %cond3A_215 : i32
      scf.if %cond3A_216 {
        %dma_wait3A_218 = arith.constant 0 : i32
        %dma_wait3A_219 = arith.constant 0 : i32
        %dma_wait3A_220 = tpu.memref_slice %arg8[%dma_wait3A_218, %dma_wait3A_219] : memref<250x80xi32, #tpu.memory_space<vmem>> -> memref<1x80xi32, #tpu.memory_space<vmem>>
        %dma_wait3A_221 = tpu.memref_squeeze %dma_wait3A_220 : memref<1x80xi32, #tpu.memory_space<vmem>> -> memref<80xi32, #tpu.memory_space<vmem>>
        %dma_wait3A_222 = arith.constant 0 : i32
        %dma_wait3A_223 = tpu.memref_slice %arg30[%dma_wait3A_222] : memref<10000xf32, #tpu.memory_space<vmem_shared>> -> memref<10000xf32, #tpu.memory_space<vmem_shared>>
        tpu.wait_indirect_dma semaphore(%arg24 : memref<!tpu.dma_semaphore, #tpu.memory_space<semaphore_mem>>) src(%arg13 : memref<80xf32, #tpu.memory_space<vmem>>) dst(%dma_wait3A_223 : memref<10000xf32, #tpu.memory_space<vmem_shared>>)
      } else {
      }
      %scan3A_217 = arith.constant 0 : i32
      scf.yield %scan3A_217 : i32
    }
    %scan3A_74 = arith.constant 250 : i32
    %scan3A_75 = arith.constant 0 : i32
    %scan3A_76 = arith.constant 0 : i32
    %scan3A_77 = arith.constant 8 : i32
    %scan3A_78 = arith.addi %scan3A_76, %scan3A_77 : i32
    %scan3A_79 = arith.constant 1 : i32
    %scan3A_80 = scf.for %scan3A_206 = %scan3A_76 to %scan3A_78 step %scan3A_79 iter_args(%scan3A_207 = %scan3A_75) -> (i32)  : i32 {
      %dma_wait3A_208 = arith.constant 0 : i32
      %dma_wait3A_209 = arith.constant 0 : i32
      %dma_wait3A_210 = tpu.memref_slice %arg8[%dma_wait3A_208, %dma_wait3A_209] : memref<250x80xi32, #tpu.memory_space<vmem>> -> memref<1x80xi32, #tpu.memory_space<vmem>>
      %dma_wait3A_211 = tpu.memref_squeeze %dma_wait3A_210 : memref<1x80xi32, #tpu.memory_space<vmem>> -> memref<80xi32, #tpu.memory_space<vmem>>
      %dma_wait3A_212 = arith.constant 0 : i32
      %dma_wait3A_213 = tpu.memref_slice %arg30[%dma_wait3A_212] : memref<10000xf32, #tpu.memory_space<vmem_shared>> -> memref<10000xf32, #tpu.memory_space<vmem_shared>>
      tpu.wait_indirect_dma semaphore(%arg24 : memref<!tpu.dma_semaphore, #tpu.memory_space<semaphore_mem>>) src(%arg13 : memref<80xf32, #tpu.memory_space<vmem>>) dst(%dma_wait3A_213 : memref<10000xf32, #tpu.memory_space<vmem_shared>>)
      %scan3A_214 = arith.constant 0 : i32
      scf.yield %scan3A_214 : i32
    }
    %scan3A_81 = arith.constant 8 : i32
    %dma_wait3A_82 = arith.constant 0 : i32
    %dma_wait3A_83 = tpu.memref_slice %arg32[%mul3A_20, %dma_wait3A_82] : memref<10000x16xf32, #tpu.memory_space<vmem_shared>> -> memref<625x16xf32, #tpu.memory_space<vmem_shared>>
    %dma_wait3A_84 = arith.constant 0 : i32
    %dma_wait3A_85 = tpu.memref_slice %arg32[%mul3A_20, %dma_wait3A_84] : memref<10000x16xf32, #tpu.memory_space<vmem_shared>> -> memref<625x16xf32, #tpu.memory_space<vmem_shared>>
    tpu.wait_dma2 semaphore(%arg21 : memref<!tpu.dma_semaphore, #tpu.memory_space<semaphore_mem>>) src(%arg18 : memref<625x16xf32, #tpu.memory_space<vmem>>) dst(%dma_wait3A_85 : memref<625x16xf32, #tpu.memory_space<vmem_shared>>)
    %dma_wait3A_86 = arith.constant 0 : i32
    %dma_wait3A_87 = tpu.memref_slice %arg33[%mul3A_20, %dma_wait3A_86] : memref<10000x16xf32, #tpu.memory_space<vmem_shared>> -> memref<625x16xf32, #tpu.memory_space<vmem_shared>>
    %dma_wait3A_88 = arith.constant 0 : i32
    %dma_wait3A_89 = tpu.memref_slice %arg2[%mul3A_20, %dma_wait3A_88] : memref<10000x16xf32, #tpu.memory_space<hbm>> -> memref<625x16xf32, #tpu.memory_space<hbm>>
    tpu.wait_dma2 semaphore(%arg22 : memref<!tpu.dma_semaphore, #tpu.memory_space<semaphore_mem>>) src(%dma_wait3A_89 : memref<625x16xf32, #tpu.memory_space<hbm>>) dst(%dma_wait3A_87 : memref<625x16xf32, #tpu.memory_space<vmem_shared>>)
    %lt3A_90 = arith.constant 10 : i32
    %lt3A_91 = arith.cmpi slt, %arg1, %lt3A_90 : i32
    %convert_element_type3A_92 = arith.extui %lt3A_91 : i1 to i32
    %cond3A_93 = arith.constant 0 : i32
    %cond3A_94 = arith.cmpi ne, %convert_element_type3A_92, %cond3A_93 : i32
    scf.if %cond3A_94 {
      %dma_wait3A_206 = arith.constant 0 : i32
      %dma_wait3A_207 = tpu.memref_slice %arg19[%dma_wait3A_206] : memref<1024xf32, #tpu.memory_space<vmem>> -> memref<1000xf32, #tpu.memory_space<vmem>>
      %dma_wait3A_208 = tpu.memref_slice %arg31[%mul3A_22] : memref<10000xf32, #tpu.memory_space<vmem_shared>> -> memref<1000xf32, #tpu.memory_space<vmem_shared>>
      %dma_wait3A_209 = tpu.memref_slice %arg31[%mul3A_22] : memref<10000xf32, #tpu.memory_space<vmem_shared>> -> memref<1000xf32, #tpu.memory_space<vmem_shared>>
      %dma_wait3A_210 = arith.constant 0 : i32
      %dma_wait3A_211 = tpu.memref_slice %arg19[%dma_wait3A_210] : memref<1024xf32, #tpu.memory_space<vmem>> -> memref<1000xf32, #tpu.memory_space<vmem>>
      tpu.wait_dma2 semaphore(%arg21 : memref<!tpu.dma_semaphore, #tpu.memory_space<semaphore_mem>>) src(%dma_wait3A_211 : memref<1000xf32, #tpu.memory_space<vmem>>) dst(%dma_wait3A_209 : memref<1000xf32, #tpu.memory_space<vmem_shared>>)
    } else {
    }
    %barrier3A_95 = arith.constant 0 : index
    tpu.barrier barrier_id(%barrier3A_95)
    "tpu.region"() ({
      %run_scoped3A = tpu.sem_alloc : memref<!tpu.dma_semaphore, #tpu.memory_space<semaphore_mem>>
      tpu.enqueue_dma source(%arg30 : memref<10000xf32, #tpu.memory_space<vmem_shared>>) target(%arg11 : memref<10000xf32, #tpu.memory_space<vmem>>) target_semaphore(%run_scoped3A : memref<!tpu.dma_semaphore, #tpu.memory_space<semaphore_mem>>)
      tpu.wait_dma2 semaphore(%run_scoped3A : memref<!tpu.dma_semaphore, #tpu.memory_space<semaphore_mem>>) src(%arg30 : memref<10000xf32, #tpu.memory_space<vmem_shared>>) dst(%arg11 : memref<10000xf32, #tpu.memory_space<vmem>>)
      tpu.yield
    }) : () -> ()
    %scan3A_96 = arith.constant 0 : i32
    %scan3A_97 = arith.constant 0 : i32
    %scan3A_98 = arith.constant 625 : i32
    %scan3A_99 = arith.addi %scan3A_97, %scan3A_98 : i32
    %scan3A_100 = arith.constant 1 : i32
    %scan3A_101 = scf.for %scan3A_206 = %scan3A_97 to %scan3A_99 step %scan3A_100 iter_args(%scan3A_207 = %scan3A_96) -> (i32)  : i32 {
      %mul3A_208 = arith.constant 16 : i32
      %mul3A_209 = arith.muli %scan3A_206, %mul3A_208 : i32
      %get3A = arith.index_cast %mul3A_209 : i32 to index
      %get3A_210 = tpu.vector_load %arg11[%get3A] {strides = array<i32>} : memref<10000xf32, #tpu.memory_space<vmem>>, vector<16xf32>,
      %add3A_211 = arith.constant 1.000000e+00 : f32
      %add3A_212 = vector.broadcast %add3A_211 : f32 to vector<16xf32>
      %add3A_213 = arith.addf %get3A_210, %add3A_212 : vector<16xf32>
      %bitcast3A = vector.bitcast %add3A_213 : vector<16xf32> to vector<16xi32>
      %shift_right_arithmetic3A = arith.constant 1 : i32
      %shift_right_arithmetic3A_214 = vector.broadcast %shift_right_arithmetic3A : i32 to vector<16xi32>
      %shift_right_arithmetic3A_215 = arith.shrsi %bitcast3A, %shift_right_arithmetic3A_214 : vector<16xi32>
      %sub3A = arith.constant 1597463007 : i32
      %sub3A_216 = vector.broadcast %sub3A : i32 to vector<16xi32>
      %sub3A_217 = arith.subi %sub3A_216, %shift_right_arithmetic3A_215 : vector<16xi32>
      %bitcast3A_218 = vector.bitcast %sub3A_217 : vector<16xi32> to vector<16xf32>
      %mul3A_219 = arith.constant 5.000000e-01 : f32
      %mul3A_220 = vector.broadcast %mul3A_219 : f32 to vector<16xf32>
      %mul3A_221 = arith.mulf %mul3A_220, %add3A_213 : vector<16xf32>
      %mul3A_222 = arith.mulf %mul3A_221, %bitcast3A_218 : vector<16xf32>
      %mul3A_223 = arith.mulf %mul3A_222, %bitcast3A_218 : vector<16xf32>
      %sub3A_224 = arith.constant 1.500000e+00 : f32
      %sub3A_225 = vector.broadcast %sub3A_224 : f32 to vector<16xf32>
      %sub3A_226 = arith.subf %sub3A_225, %mul3A_223 : vector<16xf32>
      %mul3A_227 = arith.mulf %bitcast3A_218, %sub3A_226 : vector<16xf32>
      %mul3A_228 = arith.constant 5.000000e-01 : f32
      %mul3A_229 = vector.broadcast %mul3A_228 : f32 to vector<16xf32>
      %mul3A_230 = arith.mulf %mul3A_229, %add3A_213 : vector<16xf32>
      %mul3A_231 = arith.mulf %mul3A_230, %mul3A_227 : vector<16xf32>
      %mul3A_232 = arith.mulf %mul3A_231, %mul3A_227 : vector<16xf32>
      %sub3A_233 = arith.constant 1.500000e+00 : f32
      %sub3A_234 = vector.broadcast %sub3A_233 : f32 to vector<16xf32>
      %sub3A_235 = arith.subf %sub3A_234, %mul3A_232 : vector<16xf32>
      %mul3A_236 = arith.mulf %mul3A_227, %sub3A_235 : vector<16xf32>
      %mul3A_237 = arith.constant 5.000000e-01 : f32
      %mul3A_238 = vector.broadcast %mul3A_237 : f32 to vector<16xf32>
      %mul3A_239 = arith.mulf %mul3A_238, %add3A_213 : vector<16xf32>
      %mul3A_240 = arith.mulf %mul3A_239, %mul3A_236 : vector<16xf32>
      %mul3A_241 = arith.mulf %mul3A_240, %mul3A_236 : vector<16xf32>
      %sub3A_242 = arith.constant 1.500000e+00 : f32
      %sub3A_243 = vector.broadcast %sub3A_242 : f32 to vector<16xf32>
      %sub3A_244 = arith.subf %sub3A_243, %mul3A_241 : vector<16xf32>
      %mul3A_245 = arith.mulf %mul3A_236, %sub3A_244 : vector<16xf32>
      %mul3A_246 = arith.constant 16 : i32
      %mul3A_247 = arith.muli %scan3A_206, %mul3A_246 : i32
      %swap3A = arith.index_cast %mul3A_247 : i32 to index
      %swap3A_248 = tpu.vector_load %arg11[%swap3A] {strides = array<i32>} : memref<10000xf32, #tpu.memory_space<vmem>>, vector<16xf32>,
      tpu.vector_store %arg11[%swap3A], %mul3A_245 {strides = array<i32>} : memref<10000xf32, #tpu.memory_space<vmem>>, vector<16xf32>,
      %scan3A_249 = arith.constant 0 : i32
      scf.yield %scan3A_249 : i32
    }
    %scan3A_102 = arith.constant 625 : i32
    %scan3A_103 = arith.constant 0 : i32
    %scan3A_104 = arith.constant 0 : i32
    %scan3A_105 = arith.constant 125 : i32
    %scan3A_106 = arith.addi %scan3A_104, %scan3A_105 : i32
    %scan3A_107 = arith.constant 1 : i32
    %scan3A_108 = scf.for %scan3A_206 = %scan3A_104 to %scan3A_106 step %scan3A_107 iter_args(%scan3A_207 = %scan3A_103) -> (i32)  : i32 {
      %scan3A_208 = arith.constant 0 : i32
      %scan3A_209 = arith.constant 0 : i32
      %scan3A_210 = arith.constant 5 : i32
      %scan3A_211 = arith.addi %scan3A_209, %scan3A_210 : i32
      %scan3A_212 = arith.constant 1 : i32
      %scan3A_213 = scf.for %scan3A_216 = %scan3A_209 to %scan3A_211 step %scan3A_212 iter_args(%scan3A_217 = %scan3A_208) -> (i32)  : i32 {
        %mul3A_218 = arith.constant 16 : i32
        %mul3A_219 = arith.muli %scan3A_216, %mul3A_218 : i32
        %get3A = arith.index_cast %scan3A_206 : i32 to index
        %get3A_220 = arith.index_cast %mul3A_219 : i32 to index
        %get3A_221 = tpu.vector_load %arg9[%get3A, %get3A_220] {strides = array<i32>} : memref<125x80xi32, #tpu.memory_space<vmem>>, vector<16xi32>,
        %mul3A_222 = arith.constant 16 : i32
        %mul3A_223 = arith.muli %scan3A_216, %mul3A_222 : i32
        %get3A_224 = arith.index_cast %scan3A_206 : i32 to index
        %get3A_225 = arith.index_cast %mul3A_223 : i32 to index
        %get3A_226 = tpu.vector_load %arg10[%get3A_224, %get3A_225] {strides = array<i32>} : memref<125x80xi32, #tpu.memory_space<vmem>>, vector<16xi32>,
        %gather3A = tpu.vector_load_idx %arg11[%get3A_221] : memref<10000xf32, #tpu.memory_space<vmem>>[vector<16xi32>], vector<16xf32>,
        %gather3A_227 = tpu.vector_load_idx %arg11[%get3A_226] : memref<10000xf32, #tpu.memory_space<vmem>>[vector<16xi32>], vector<16xf32>,
        %mul3A_228 = arith.mulf %gather3A, %gather3A_227 : vector<16xf32>
        %mul3A_229 = arith.constant 16 : i32
        %mul3A_230 = arith.muli %scan3A_216, %mul3A_229 : i32
        %swap3A = arith.index_cast %scan3A_206 : i32 to index
        %swap3A_231 = arith.index_cast %mul3A_230 : i32 to index
        %swap3A_232 = tpu.vector_load %arg12[%swap3A, %swap3A_231] {strides = array<i32>} : memref<125x80xf32, #tpu.memory_space<vmem>>, vector<16xf32>,
        tpu.vector_store %arg12[%swap3A, %swap3A_231], %mul3A_228 {strides = array<i32>} : memref<125x80xf32, #tpu.memory_space<vmem>>, vector<16xf32>,
        %scan3A_233 = arith.constant 0 : i32
        scf.yield %scan3A_233 : i32
      }
      %scan3A_214 = arith.constant 5 : i32
      %scan3A_215 = arith.constant 0 : i32
      scf.yield %scan3A_215 : i32
    }
    %scan3A_109 = arith.constant 125 : i32
    %dma_start3A_110 = arith.constant 0 : i32
    %dma_start3A_111 = arith.constant 0 : i32
    %dma_start3A_112 = tpu.memref_slice %arg9[%dma_start3A_110, %dma_start3A_111] : memref<125x80xi32, #tpu.memory_space<vmem>> -> memref<1x80xi32, #tpu.memory_space<vmem>>
    %dma_start3A_113 = tpu.memref_squeeze %dma_start3A_112 : memref<1x80xi32, #tpu.memory_space<vmem>> -> memref<80xi32, #tpu.memory_space<vmem>>
    %dma_start3A_114 = arith.constant 0 : i32
    %dma_start3A_115 = arith.constant 0 : i32
    %dma_start3A_116 = tpu.memref_slice %arg33[%dma_start3A_114, %dma_start3A_115] : memref<10000x16xf32, #tpu.memory_space<vmem_shared>> -> memref<10000x16xf32, #tpu.memory_space<vmem_shared>>
    tpu.enqueue_indirect_dma source(%dma_start3A_116 : memref<10000x16xf32, #tpu.memory_space<vmem_shared>>) target(%arg14 : memref<80x16xf32, #tpu.memory_space<vmem>>) offsets(%dma_start3A_113 : memref<80xi32, #tpu.memory_space<vmem>>) semaphore(%arg25 : memref<!tpu.dma_semaphore, #tpu.memory_space<semaphore_mem>>)
    %dma_start3A_117 = arith.constant 1 : i32
    %dma_start3A_118 = arith.constant 0 : i32
    %dma_start3A_119 = tpu.memref_slice %arg9[%dma_start3A_117, %dma_start3A_118] : memref<125x80xi32, #tpu.memory_space<vmem>> -> memref<1x80xi32, #tpu.memory_space<vmem>>
    %dma_start3A_120 = tpu.memref_squeeze %dma_start3A_119 : memref<1x80xi32, #tpu.memory_space<vmem>> -> memref<80xi32, #tpu.memory_space<vmem>>
    %dma_start3A_121 = arith.constant 0 : i32
    %dma_start3A_122 = arith.constant 0 : i32
    %dma_start3A_123 = tpu.memref_slice %arg33[%dma_start3A_121, %dma_start3A_122] : memref<10000x16xf32, #tpu.memory_space<vmem_shared>> -> memref<10000x16xf32, #tpu.memory_space<vmem_shared>>
    tpu.enqueue_indirect_dma source(%dma_start3A_123 : memref<10000x16xf32, #tpu.memory_space<vmem_shared>>) target(%arg15 : memref<80x16xf32, #tpu.memory_space<vmem>>) offsets(%dma_start3A_120 : memref<80xi32, #tpu.memory_space<vmem>>) semaphore(%arg26 : memref<!tpu.dma_semaphore, #tpu.memory_space<semaphore_mem>>)
    %scan3A_124 = arith.constant 0 : i32
    %scan3A_125 = arith.constant 0 : i32
    %scan3A_126 = arith.constant 62 : i32
    %scan3A_127 = arith.addi %scan3A_125, %scan3A_126 : i32
    %scan3A_128 = arith.constant 1 : i32
    %scan3A_129 = scf.for %scan3A_206 = %scan3A_125 to %scan3A_127 step %scan3A_128 iter_args(%scan3A_207 = %scan3A_124) -> (i32)  : i32 {
      %mul3A_208 = arith.constant 2 : i32
      %mul3A_209 = arith.muli %mul3A_208, %scan3A_206 : i32
      %add3A_210 = arith.constant 0 : i32
      %add3A_211 = arith.addi %mul3A_209, %add3A_210 : i32
      %dma_wait3A_212 = arith.constant 0 : i32
      %dma_wait3A_213 = tpu.memref_slice %arg9[%add3A_211, %dma_wait3A_212] : memref<125x80xi32, #tpu.memory_space<vmem>> -> memref<1x80xi32, #tpu.memory_space<vmem>>
      %dma_wait3A_214 = tpu.memref_squeeze %dma_wait3A_213 : memref<1x80xi32, #tpu.memory_space<vmem>> -> memref<80xi32, #tpu.memory_space<vmem>>
      %dma_wait3A_215 = arith.constant 0 : i32
      %dma_wait3A_216 = arith.constant 0 : i32
      %dma_wait3A_217 = tpu.memref_slice %arg33[%dma_wait3A_215, %dma_wait3A_216] : memref<10000x16xf32, #tpu.memory_space<vmem_shared>> -> memref<10000x16xf32, #tpu.memory_space<vmem_shared>>
      tpu.wait_indirect_dma semaphore(%arg25 : memref<!tpu.dma_semaphore, #tpu.memory_space<semaphore_mem>>) src(%dma_wait3A_217 : memref<10000x16xf32, #tpu.memory_space<vmem_shared>>) dst(%arg14 : memref<80x16xf32, #tpu.memory_space<vmem>>)
      %gt3A = arith.constant 0 : i32
      %gt3A_218 = arith.cmpi sgt, %scan3A_206, %gt3A : i32
      %convert_element_type3A_219 = arith.extui %gt3A_218 : i1 to i32
      %cond3A_220 = arith.constant 0 : i32
      %cond3A_221 = arith.cmpi ne, %convert_element_type3A_219, %cond3A_220 : i32
      scf.if %cond3A_221 {
        %dma_wait3A_294 = arith.constant 0 : i32
        %dma_wait3A_295 = tpu.memref_slice %arg10[%add3A_211, %dma_wait3A_294] : memref<125x80xi32, #tpu.memory_space<vmem>> -> memref<1x80xi32, #tpu.memory_space<vmem>>
        %dma_wait3A_296 = tpu.memref_squeeze %dma_wait3A_295 : memref<1x80xi32, #tpu.memory_space<vmem>> -> memref<80xi32, #tpu.memory_space<vmem>>
        %dma_wait3A_297 = arith.constant 0 : i32
        %dma_wait3A_298 = arith.constant 0 : i32
        %dma_wait3A_299 = tpu.memref_slice %arg32[%dma_wait3A_297, %dma_wait3A_298] : memref<10000x16xf32, #tpu.memory_space<vmem_shared>> -> memref<10000x16xf32, #tpu.memory_space<vmem_shared>>
        tpu.wait_indirect_dma semaphore(%arg27 : memref<!tpu.dma_semaphore, #tpu.memory_space<semaphore_mem>>) src(%arg16 : memref<80x16xf32, #tpu.memory_space<vmem>>) dst(%dma_wait3A_299 : memref<10000x16xf32, #tpu.memory_space<vmem_shared>>)
      } else {
      }
      %scan3A_222 = arith.constant 0 : i32
      %scan3A_223 = arith.constant 0 : i32
      %scan3A_224 = arith.constant 5 : i32
      %scan3A_225 = arith.addi %scan3A_223, %scan3A_224 : i32
      %scan3A_226 = arith.constant 1 : i32
      %scan3A_227 = scf.for %scan3A_294 = %scan3A_223 to %scan3A_225 step %scan3A_226 iter_args(%scan3A_295 = %scan3A_222) -> (i32)  : i32 {
        %mul3A_296 = arith.constant 16 : i32
        %mul3A_297 = arith.muli %scan3A_294, %mul3A_296 : i32
        %get3A = arith.index_cast %add3A_211 : i32 to index
        %get3A_298 = arith.index_cast %mul3A_297 : i32 to index
        %get3A_299 = tpu.vector_load %arg12[%get3A, %get3A_298] {strides = array<i32>} : memref<125x80xf32, #tpu.memory_space<vmem>>, vector<16xf32>,
        %slice3A = vector.extract_strided_slice %get3A_299 {offsets = [0], sizes = [1], strides = [1]} : vector<16xf32> to vector<1xf32>
        %squeeze3A = vector.extract %slice3A[0] : f32 from vector<1xf32>
        %mul3A_300 = arith.constant 16 : i32
        %mul3A_301 = arith.muli %scan3A_294, %mul3A_300 : i32
        %add3A_302 = arith.constant 0 : i32
        %add3A_303 = arith.addi %mul3A_301, %add3A_302 : i32
        %get3A_304 = arith.index_cast %add3A_303 : i32 to index
        %get3A_305 = arith.constant 0 : index
        %get3A_306 = tpu.vector_load %arg14[%get3A_304, %get3A_305] {strides = array<i32>} : memref<80x16xf32, #tpu.memory_space<vmem>>, vector<16xf32>,
        %mul3A_307 = vector.broadcast %squeeze3A : f32 to vector<16xf32>
        %mul3A_308 = arith.mulf %get3A_306, %mul3A_307 : vector<16xf32>
        %swap3A = arith.index_cast %add3A_303 : i32 to index
        %swap3A_309 = arith.constant 0 : index
        %swap3A_310 = tpu.vector_load %arg16[%swap3A, %swap3A_309] {strides = array<i32>} : memref<80x16xf32, #tpu.memory_space<vmem>>, vector<16xf32>,
        tpu.vector_store %arg16[%swap3A, %swap3A_309], %mul3A_308 {strides = array<i32>} : memref<80x16xf32, #tpu.memory_space<vmem>>, vector<16xf32>,
        %slice3A_311 = vector.extract_strided_slice %get3A_299 {offsets = [1], sizes = [1], strides = [1]} : vector<16xf32> to vector<1xf32>
        %squeeze3A_312 = vector.extract %slice3A_311[0] : f32 from vector<1xf32>
        %mul3A_313 = arith.constant 16 : i32
        %mul3A_314 = arith.muli %scan3A_294, %mul3A_313 : i32
        %add3A_315 = arith.constant 1 : i32
        %add3A_316 = arith.addi %mul3A_314, %add3A_315 : i32
        %get3A_317 = arith.index_cast %add3A_316 : i32 to index
        %get3A_318 = arith.constant 0 : index
        %get3A_319 = tpu.vector_load %arg14[%get3A_317, %get3A_318] {strides = array<i32>} : memref<80x16xf32, #tpu.memory_space<vmem>>, vector<16xf32>,
        %mul3A_320 = vector.broadcast %squeeze3A_312 : f32 to vector<16xf32>
        %mul3A_321 = arith.mulf %get3A_319, %mul3A_320 : vector<16xf32>
        %swap3A_322 = arith.index_cast %add3A_316 : i32 to index
        %swap3A_323 = arith.constant 0 : index
        %swap3A_324 = tpu.vector_load %arg16[%swap3A_322, %swap3A_323] {strides = array<i32>} : memref<80x16xf32, #tpu.memory_space<vmem>>, vector<16xf32>,
        tpu.vector_store %arg16[%swap3A_322, %swap3A_323], %mul3A_321 {strides = array<i32>} : memref<80x16xf32, #tpu.memory_space<vmem>>, vector<16xf32>,
        %slice3A_325 = vector.extract_strided_slice %get3A_299 {offsets = [2], sizes = [1], strides = [1]} : vector<16xf32> to vector<1xf32>
        %squeeze3A_326 = vector.extract %slice3A_325[0] : f32 from vector<1xf32>
        %mul3A_327 = arith.constant 16 : i32
        %mul3A_328 = arith.muli %scan3A_294, %mul3A_327 : i32
        %add3A_329 = arith.constant 2 : i32
        %add3A_330 = arith.addi %mul3A_328, %add3A_329 : i32
        %get3A_331 = arith.index_cast %add3A_330 : i32 to index
        %get3A_332 = arith.constant 0 : index
        %get3A_333 = tpu.vector_load %arg14[%get3A_331, %get3A_332] {strides = array<i32>} : memref<80x16xf32, #tpu.memory_space<vmem>>, vector<16xf32>,
        %mul3A_334 = vector.broadcast %squeeze3A_326 : f32 to vector<16xf32>
        %mul3A_335 = arith.mulf %get3A_333, %mul3A_334 : vector<16xf32>
        %swap3A_336 = arith.index_cast %add3A_330 : i32 to index
        %swap3A_337 = arith.constant 0 : index
        %swap3A_338 = tpu.vector_load %arg16[%swap3A_336, %swap3A_337] {strides = array<i32>} : memref<80x16xf32, #tpu.memory_space<vmem>>, vector<16xf32>,
        tpu.vector_store %arg16[%swap3A_336, %swap3A_337], %mul3A_335 {strides = array<i32>} : memref<80x16xf32, #tpu.memory_space<vmem>>, vector<16xf32>,
        %slice3A_339 = vector.extract_strided_slice %get3A_299 {offsets = [3], sizes = [1], strides = [1]} : vector<16xf32> to vector<1xf32>
        %squeeze3A_340 = vector.extract %slice3A_339[0] : f32 from vector<1xf32>
        %mul3A_341 = arith.constant 16 : i32
        %mul3A_342 = arith.muli %scan3A_294, %mul3A_341 : i32
        %add3A_343 = arith.constant 3 : i32
        %add3A_344 = arith.addi %mul3A_342, %add3A_343 : i32
        %get3A_345 = arith.index_cast %add3A_344 : i32 to index
        %get3A_346 = arith.constant 0 : index
        %get3A_347 = tpu.vector_load %arg14[%get3A_345, %get3A_346] {strides = array<i32>} : memref<80x16xf32, #tpu.memory_space<vmem>>, vector<16xf32>,
        %mul3A_348 = vector.broadcast %squeeze3A_340 : f32 to vector<16xf32>
        %mul3A_349 = arith.mulf %get3A_347, %mul3A_348 : vector<16xf32>
        %swap3A_350 = arith.index_cast %add3A_344 : i32 to index
        %swap3A_351 = arith.constant 0 : index
        %swap3A_352 = tpu.vector_load %arg16[%swap3A_350, %swap3A_351] {strides = array<i32>} : memref<80x16xf32, #tpu.memory_space<vmem>>, vector<16xf32>,
        tpu.vector_store %arg16[%swap3A_350, %swap3A_351], %mul3A_349 {strides = array<i32>} : memref<80x16xf32, #tpu.memory_space<vmem>>, vector<16xf32>,
        %slice3A_353 = vector.extract_strided_slice %get3A_299 {offsets = [4], sizes = [1], strides = [1]} : vector<16xf32> to vector<1xf32>
        %squeeze3A_354 = vector.extract %slice3A_353[0] : f32 from vector<1xf32>
        %mul3A_355 = arith.constant 16 : i32
        %mul3A_356 = arith.muli %scan3A_294, %mul3A_355 : i32
        %add3A_357 = arith.constant 4 : i32
        %add3A_358 = arith.addi %mul3A_356, %add3A_357 : i32
        %get3A_359 = arith.index_cast %add3A_358 : i32 to index
        %get3A_360 = arith.constant 0 : index
        %get3A_361 = tpu.vector_load %arg14[%get3A_359, %get3A_360] {strides = array<i32>} : memref<80x16xf32, #tpu.memory_space<vmem>>, vector<16xf32>,
        %mul3A_362 = vector.broadcast %squeeze3A_354 : f32 to vector<16xf32>
        %mul3A_363 = arith.mulf %get3A_361, %mul3A_362 : vector<16xf32>
        %swap3A_364 = arith.index_cast %add3A_358 : i32 to index
        %swap3A_365 = arith.constant 0 : index
        %swap3A_366 = tpu.vector_load %arg16[%swap3A_364, %swap3A_365] {strides = array<i32>} : memref<80x16xf32, #tpu.memory_space<vmem>>, vector<16xf32>,
        tpu.vector_store %arg16[%swap3A_364, %swap3A_365], %mul3A_363 {strides = array<i32>} : memref<80x16xf32, #tpu.memory_space<vmem>>, vector<16xf32>,
        %slice3A_367 = vector.extract_strided_slice %get3A_299 {offsets = [5], sizes = [1], strides = [1]} : vector<16xf32> to vector<1xf32>
        %squeeze3A_368 = vector.extract %slice3A_367[0] : f32 from vector<1xf32>
        %mul3A_369 = arith.constant 16 : i32
        %mul3A_370 = arith.muli %scan3A_294, %mul3A_369 : i32
        %add3A_371 = arith.constant 5 : i32
        %add3A_372 = arith.addi %mul3A_370, %add3A_371 : i32
        %get3A_373 = arith.index_cast %add3A_372 : i32 to index
        %get3A_374 = arith.constant 0 : index
        %get3A_375 = tpu.vector_load %arg14[%get3A_373, %get3A_374] {strides = array<i32>} : memref<80x16xf32, #tpu.memory_space<vmem>>, vector<16xf32>,
        %mul3A_376 = vector.broadcast %squeeze3A_368 : f32 to vector<16xf32>
        %mul3A_377 = arith.mulf %get3A_375, %mul3A_376 : vector<16xf32>
        %swap3A_378 = arith.index_cast %add3A_372 : i32 to index
        %swap3A_379 = arith.constant 0 : index
        %swap3A_380 = tpu.vector_load %arg16[%swap3A_378, %swap3A_379] {strides = array<i32>} : memref<80x16xf32, #tpu.memory_space<vmem>>, vector<16xf32>,
        tpu.vector_store %arg16[%swap3A_378, %swap3A_379], %mul3A_377 {strides = array<i32>} : memref<80x16xf32, #tpu.memory_space<vmem>>, vector<16xf32>,
        %slice3A_381 = vector.extract_strided_slice %get3A_299 {offsets = [6], sizes = [1], strides = [1]} : vector<16xf32> to vector<1xf32>
        %squeeze3A_382 = vector.extract %slice3A_381[0] : f32 from vector<1xf32>
        %mul3A_383 = arith.constant 16 : i32
        %mul3A_384 = arith.muli %scan3A_294, %mul3A_383 : i32
        %add3A_385 = arith.constant 6 : i32
        %add3A_386 = arith.addi %mul3A_384, %add3A_385 : i32
        %get3A_387 = arith.index_cast %add3A_386 : i32 to index
        %get3A_388 = arith.constant 0 : index
        %get3A_389 = tpu.vector_load %arg14[%get3A_387, %get3A_388] {strides = array<i32>} : memref<80x16xf32, #tpu.memory_space<vmem>>, vector<16xf32>,
        %mul3A_390 = vector.broadcast %squeeze3A_382 : f32 to vector<16xf32>
        %mul3A_391 = arith.mulf %get3A_389, %mul3A_390 : vector<16xf32>
        %swap3A_392 = arith.index_cast %add3A_386 : i32 to index
        %swap3A_393 = arith.constant 0 : index
        %swap3A_394 = tpu.vector_load %arg16[%swap3A_392, %swap3A_393] {strides = array<i32>} : memref<80x16xf32, #tpu.memory_space<vmem>>, vector<16xf32>,
        tpu.vector_store %arg16[%swap3A_392, %swap3A_393], %mul3A_391 {strides = array<i32>} : memref<80x16xf32, #tpu.memory_space<vmem>>, vector<16xf32>,
        %slice3A_395 = vector.extract_strided_slice %get3A_299 {offsets = [7], sizes = [1], strides = [1]} : vector<16xf32> to vector<1xf32>
        %squeeze3A_396 = vector.extract %slice3A_395[0] : f32 from vector<1xf32>
        %mul3A_397 = arith.constant 16 : i32
        %mul3A_398 = arith.muli %scan3A_294, %mul3A_397 : i32
        %add3A_399 = arith.constant 7 : i32
        %add3A_400 = arith.addi %mul3A_398, %add3A_399 : i32
        %get3A_401 = arith.index_cast %add3A_400 : i32 to index
        %get3A_402 = arith.constant 0 : index
        %get3A_403 = tpu.vector_load %arg14[%get3A_401, %get3A_402] {strides = array<i32>} : memref<80x16xf32, #tpu.memory_space<vmem>>, vector<16xf32>,
        %mul3A_404 = vector.broadcast %squeeze3A_396 : f32 to vector<16xf32>
        %mul3A_405 = arith.mulf %get3A_403, %mul3A_404 : vector<16xf32>
        %swap3A_406 = arith.index_cast %add3A_400 : i32 to index
        %swap3A_407 = arith.constant 0 : index
        %swap3A_408 = tpu.vector_load %arg16[%swap3A_406, %swap3A_407] {strides = array<i32>} : memref<80x16xf32, #tpu.memory_space<vmem>>, vector<16xf32>,
        tpu.vector_store %arg16[%swap3A_406, %swap3A_407], %mul3A_405 {strides = array<i32>} : memref<80x16xf32, #tpu.memory_space<vmem>>, vector<16xf32>,
        %slice3A_409 = vector.extract_strided_slice %get3A_299 {offsets = [8], sizes = [1], strides = [1]} : vector<16xf32> to vector<1xf32>
        %squeeze3A_410 = vector.extract %slice3A_409[0] : f32 from vector<1xf32>
        %mul3A_411 = arith.constant 16 : i32
        %mul3A_412 = arith.muli %scan3A_294, %mul3A_411 : i32
        %add3A_413 = arith.constant 8 : i32
        %add3A_414 = arith.addi %mul3A_412, %add3A_413 : i32
        %get3A_415 = arith.index_cast %add3A_414 : i32 to index
        %get3A_416 = arith.constant 0 : index
        %get3A_417 = tpu.vector_load %arg14[%get3A_415, %get3A_416] {strides = array<i32>} : memref<80x16xf32, #tpu.memory_space<vmem>>, vector<16xf32>,
        %mul3A_418 = vector.broadcast %squeeze3A_410 : f32 to vector<16xf32>
        %mul3A_419 = arith.mulf %get3A_417, %mul3A_418 : vector<16xf32>
        %swap3A_420 = arith.index_cast %add3A_414 : i32 to index
        %swap3A_421 = arith.constant 0 : index
        %swap3A_422 = tpu.vector_load %arg16[%swap3A_420, %swap3A_421] {strides = array<i32>} : memref<80x16xf32, #tpu.memory_space<vmem>>, vector<16xf32>,
        tpu.vector_store %arg16[%swap3A_420, %swap3A_421], %mul3A_419 {strides = array<i32>} : memref<80x16xf32, #tpu.memory_space<vmem>>, vector<16xf32>,
        %slice3A_423 = vector.extract_strided_slice %get3A_299 {offsets = [9], sizes = [1], strides = [1]} : vector<16xf32> to vector<1xf32>
        %squeeze3A_424 = vector.extract %slice3A_423[0] : f32 from vector<1xf32>
        %mul3A_425 = arith.constant 16 : i32
        %mul3A_426 = arith.muli %scan3A_294, %mul3A_425 : i32
        %add3A_427 = arith.constant 9 : i32
        %add3A_428 = arith.addi %mul3A_426, %add3A_427 : i32
        %get3A_429 = arith.index_cast %add3A_428 : i32 to index
        %get3A_430 = arith.constant 0 : index
        %get3A_431 = tpu.vector_load %arg14[%get3A_429, %get3A_430] {strides = array<i32>} : memref<80x16xf32, #tpu.memory_space<vmem>>, vector<16xf32>,
        %mul3A_432 = vector.broadcast %squeeze3A_424 : f32 to vector<16xf32>
        %mul3A_433 = arith.mulf %get3A_431, %mul3A_432 : vector<16xf32>
        %swap3A_434 = arith.index_cast %add3A_428 : i32 to index
        %swap3A_435 = arith.constant 0 : index
        %swap3A_436 = tpu.vector_load %arg16[%swap3A_434, %swap3A_435] {strides = array<i32>} : memref<80x16xf32, #tpu.memory_space<vmem>>, vector<16xf32>,
        tpu.vector_store %arg16[%swap3A_434, %swap3A_435], %mul3A_433 {strides = array<i32>} : memref<80x16xf32, #tpu.memory_space<vmem>>, vector<16xf32>,
        %slice3A_437 = vector.extract_strided_slice %get3A_299 {offsets = [10], sizes = [1], strides = [1]} : vector<16xf32> to vector<1xf32>
        %squeeze3A_438 = vector.extract %slice3A_437[0] : f32 from vector<1xf32>
        %mul3A_439 = arith.constant 16 : i32
        %mul3A_440 = arith.muli %scan3A_294, %mul3A_439 : i32
        %add3A_441 = arith.constant 10 : i32
        %add3A_442 = arith.addi %mul3A_440, %add3A_441 : i32
        %get3A_443 = arith.index_cast %add3A_442 : i32 to index
        %get3A_444 = arith.constant 0 : index
        %get3A_445 = tpu.vector_load %arg14[%get3A_443, %get3A_444] {strides = array<i32>} : memref<80x16xf32, #tpu.memory_space<vmem>>, vector<16xf32>,
        %mul3A_446 = vector.broadcast %squeeze3A_438 : f32 to vector<16xf32>
        %mul3A_447 = arith.mulf %get3A_445, %mul3A_446 : vector<16xf32>
        %swap3A_448 = arith.index_cast %add3A_442 : i32 to index
        %swap3A_449 = arith.constant 0 : index
        %swap3A_450 = tpu.vector_load %arg16[%swap3A_448, %swap3A_449] {strides = array<i32>} : memref<80x16xf32, #tpu.memory_space<vmem>>, vector<16xf32>,
        tpu.vector_store %arg16[%swap3A_448, %swap3A_449], %mul3A_447 {strides = array<i32>} : memref<80x16xf32, #tpu.memory_space<vmem>>, vector<16xf32>,
        %slice3A_451 = vector.extract_strided_slice %get3A_299 {offsets = [11], sizes = [1], strides = [1]} : vector<16xf32> to vector<1xf32>
        %squeeze3A_452 = vector.extract %slice3A_451[0] : f32 from vector<1xf32>
        %mul3A_453 = arith.constant 16 : i32
        %mul3A_454 = arith.muli %scan3A_294, %mul3A_453 : i32
        %add3A_455 = arith.constant 11 : i32
        %add3A_456 = arith.addi %mul3A_454, %add3A_455 : i32
        %get3A_457 = arith.index_cast %add3A_456 : i32 to index
        %get3A_458 = arith.constant 0 : index
        %get3A_459 = tpu.vector_load %arg14[%get3A_457, %get3A_458] {strides = array<i32>} : memref<80x16xf32, #tpu.memory_space<vmem>>, vector<16xf32>,
        %mul3A_460 = vector.broadcast %squeeze3A_452 : f32 to vector<16xf32>
        %mul3A_461 = arith.mulf %get3A_459, %mul3A_460 : vector<16xf32>
        %swap3A_462 = arith.index_cast %add3A_456 : i32 to index
        %swap3A_463 = arith.constant 0 : index
        %swap3A_464 = tpu.vector_load %arg16[%swap3A_462, %swap3A_463] {strides = array<i32>} : memref<80x16xf32, #tpu.memory_space<vmem>>, vector<16xf32>,
        tpu.vector_store %arg16[%swap3A_462, %swap3A_463], %mul3A_461 {strides = array<i32>} : memref<80x16xf32, #tpu.memory_space<vmem>>, vector<16xf32>,
        %slice3A_465 = vector.extract_strided_slice %get3A_299 {offsets = [12], sizes = [1], strides = [1]} : vector<16xf32> to vector<1xf32>
        %squeeze3A_466 = vector.extract %slice3A_465[0] : f32 from vector<1xf32>
        %mul3A_467 = arith.constant 16 : i32
        %mul3A_468 = arith.muli %scan3A_294, %mul3A_467 : i32
        %add3A_469 = arith.constant 12 : i32
        %add3A_470 = arith.addi %mul3A_468, %add3A_469 : i32
        %get3A_471 = arith.index_cast %add3A_470 : i32 to index
        %get3A_472 = arith.constant 0 : index
        %get3A_473 = tpu.vector_load %arg14[%get3A_471, %get3A_472] {strides = array<i32>} : memref<80x16xf32, #tpu.memory_space<vmem>>, vector<16xf32>,
        %mul3A_474 = vector.broadcast %squeeze3A_466 : f32 to vector<16xf32>
        %mul3A_475 = arith.mulf %get3A_473, %mul3A_474 : vector<16xf32>
        %swap3A_476 = arith.index_cast %add3A_470 : i32 to index
        %swap3A_477 = arith.constant 0 : index
        %swap3A_478 = tpu.vector_load %arg16[%swap3A_476, %swap3A_477] {strides = array<i32>} : memref<80x16xf32, #tpu.memory_space<vmem>>, vector<16xf32>,
        tpu.vector_store %arg16[%swap3A_476, %swap3A_477], %mul3A_475 {strides = array<i32>} : memref<80x16xf32, #tpu.memory_space<vmem>>, vector<16xf32>,
        %slice3A_479 = vector.extract_strided_slice %get3A_299 {offsets = [13], sizes = [1], strides = [1]} : vector<16xf32> to vector<1xf32>
        %squeeze3A_480 = vector.extract %slice3A_479[0] : f32 from vector<1xf32>
        %mul3A_481 = arith.constant 16 : i32
        %mul3A_482 = arith.muli %scan3A_294, %mul3A_481 : i32
        %add3A_483 = arith.constant 13 : i32
        %add3A_484 = arith.addi %mul3A_482, %add3A_483 : i32
        %get3A_485 = arith.index_cast %add3A_484 : i32 to index
        %get3A_486 = arith.constant 0 : index
        %get3A_487 = tpu.vector_load %arg14[%get3A_485, %get3A_486] {strides = array<i32>} : memref<80x16xf32, #tpu.memory_space<vmem>>, vector<16xf32>,
        %mul3A_488 = vector.broadcast %squeeze3A_480 : f32 to vector<16xf32>
        %mul3A_489 = arith.mulf %get3A_487, %mul3A_488 : vector<16xf32>
        %swap3A_490 = arith.index_cast %add3A_484 : i32 to index
        %swap3A_491 = arith.constant 0 : index
        %swap3A_492 = tpu.vector_load %arg16[%swap3A_490, %swap3A_491] {strides = array<i32>} : memref<80x16xf32, #tpu.memory_space<vmem>>, vector<16xf32>,
        tpu.vector_store %arg16[%swap3A_490, %swap3A_491], %mul3A_489 {strides = array<i32>} : memref<80x16xf32, #tpu.memory_space<vmem>>, vector<16xf32>,
        %slice3A_493 = vector.extract_strided_slice %get3A_299 {offsets = [14], sizes = [1], strides = [1]} : vector<16xf32> to vector<1xf32>
        %squeeze3A_494 = vector.extract %slice3A_493[0] : f32 from vector<1xf32>
        %mul3A_495 = arith.constant 16 : i32
        %mul3A_496 = arith.muli %scan3A_294, %mul3A_495 : i32
        %add3A_497 = arith.constant 14 : i32
        %add3A_498 = arith.addi %mul3A_496, %add3A_497 : i32
        %get3A_499 = arith.index_cast %add3A_498 : i32 to index
        %get3A_500 = arith.constant 0 : index
        %get3A_501 = tpu.vector_load %arg14[%get3A_499, %get3A_500] {strides = array<i32>} : memref<80x16xf32, #tpu.memory_space<vmem>>, vector<16xf32>,
        %mul3A_502 = vector.broadcast %squeeze3A_494 : f32 to vector<16xf32>
        %mul3A_503 = arith.mulf %get3A_501, %mul3A_502 : vector<16xf32>
        %swap3A_504 = arith.index_cast %add3A_498 : i32 to index
        %swap3A_505 = arith.constant 0 : index
        %swap3A_506 = tpu.vector_load %arg16[%swap3A_504, %swap3A_505] {strides = array<i32>} : memref<80x16xf32, #tpu.memory_space<vmem>>, vector<16xf32>,
        tpu.vector_store %arg16[%swap3A_504, %swap3A_505], %mul3A_503 {strides = array<i32>} : memref<80x16xf32, #tpu.memory_space<vmem>>, vector<16xf32>,
        %slice3A_507 = vector.extract_strided_slice %get3A_299 {offsets = [15], sizes = [1], strides = [1]} : vector<16xf32> to vector<1xf32>
        %squeeze3A_508 = vector.extract %slice3A_507[0] : f32 from vector<1xf32>
        %mul3A_509 = arith.constant 16 : i32
        %mul3A_510 = arith.muli %scan3A_294, %mul3A_509 : i32
        %add3A_511 = arith.constant 15 : i32
        %add3A_512 = arith.addi %mul3A_510, %add3A_511 : i32
        %get3A_513 = arith.index_cast %add3A_512 : i32 to index
        %get3A_514 = arith.constant 0 : index
        %get3A_515 = tpu.vector_load %arg14[%get3A_513, %get3A_514] {strides = array<i32>} : memref<80x16xf32, #tpu.memory_space<vmem>>, vector<16xf32>,
        %mul3A_516 = vector.broadcast %squeeze3A_508 : f32 to vector<16xf32>
        %mul3A_517 = arith.mulf %get3A_515, %mul3A_516 : vector<16xf32>
        %swap3A_518 = arith.index_cast %add3A_512 : i32 to index
        %swap3A_519 = arith.constant 0 : index
        %swap3A_520 = tpu.vector_load %arg16[%swap3A_518, %swap3A_519] {strides = array<i32>} : memref<80x16xf32, #tpu.memory_space<vmem>>, vector<16xf32>,
        tpu.vector_store %arg16[%swap3A_518, %swap3A_519], %mul3A_517 {strides = array<i32>} : memref<80x16xf32, #tpu.memory_space<vmem>>, vector<16xf32>,
        %scan3A_521 = arith.constant 0 : i32
        scf.yield %scan3A_521 : i32
      }
      %scan3A_228 = arith.constant 5 : i32
      %add3A_229 = arith.constant 2 : i32
      %add3A_230 = arith.addi %add3A_211, %add3A_229 : i32
      %lt3A_231 = arith.constant 125 : i32
      %lt3A_232 = arith.cmpi slt, %add3A_230, %lt3A_231 : i32
      %convert_element_type3A_233 = arith.extui %lt3A_232 : i1 to i32
      %cond3A_234 = arith.constant 0 : i32
      %cond3A_235 = arith.cmpi ne, %convert_element_type3A_233, %cond3A_234 : i32
      scf.if %cond3A_235 {
        %add3A_294 = arith.constant 2 : i32
        %add3A_295 = arith.addi %add3A_211, %add3A_294 : i32
        %dma_start3A_296 = arith.constant 0 : i32
        %dma_start3A_297 = tpu.memref_slice %arg9[%add3A_295, %dma_start3A_296] : memref<125x80xi32, #tpu.memory_space<vmem>> -> memref<1x80xi32, #tpu.memory_space<vmem>>
        %dma_start3A_298 = tpu.memref_squeeze %dma_start3A_297 : memref<1x80xi32, #tpu.memory_space<vmem>> -> memref<80xi32, #tpu.memory_space<vmem>>
        %dma_start3A_299 = arith.constant 0 : i32
        %dma_start3A_300 = arith.constant 0 : i32
        %dma_start3A_301 = tpu.memref_slice %arg33[%dma_start3A_299, %dma_start3A_300] : memref<10000x16xf32, #tpu.memory_space<vmem_shared>> -> memref<10000x16xf32, #tpu.memory_space<vmem_shared>>
        tpu.enqueue_indirect_dma source(%dma_start3A_301 : memref<10000x16xf32, #tpu.memory_space<vmem_shared>>) target(%arg14 : memref<80x16xf32, #tpu.memory_space<vmem>>) offsets(%dma_start3A_298 : memref<80xi32, #tpu.memory_space<vmem>>) semaphore(%arg25 : memref<!tpu.dma_semaphore, #tpu.memory_space<semaphore_mem>>)
      } else {
      }
      %dma_start3A_236 = arith.constant 0 : i32
      %dma_start3A_237 = tpu.memref_slice %arg10[%add3A_211, %dma_start3A_236] : memref<125x80xi32, #tpu.memory_space<vmem>> -> memref<1x80xi32, #tpu.memory_space<vmem>>
      %dma_start3A_238 = tpu.memref_squeeze %dma_start3A_237 : memref<1x80xi32, #tpu.memory_space<vmem>> -> memref<80xi32, #tpu.memory_space<vmem>>
      %dma_start3A_239 = arith.constant 0 : i32
      %dma_start3A_240 = arith.constant 0 : i32
      %dma_start3A_241 = tpu.memref_slice %arg32[%dma_start3A_239, %dma_start3A_240] : memref<10000x16xf32, #tpu.memory_space<vmem_shared>> -> memref<10000x16xf32, #tpu.memory_space<vmem_shared>>
      tpu.enqueue_indirect_dma source(%arg16 : memref<80x16xf32, #tpu.memory_space<vmem>>) target(%dma_start3A_241 : memref<10000x16xf32, #tpu.memory_space<vmem_shared>>) offsets(%dma_start3A_238 : memref<80xi32, #tpu.memory_space<vmem>>) semaphore(%arg27 : memref<!tpu.dma_semaphore, #tpu.memory_space<semaphore_mem>>) {add = true}
      %dma_start3A_242 = arith.constant 0 : i32
      %dma_start3A_243 = tpu.memref_slice %arg12[%add3A_211, %dma_start3A_242] : memref<125x80xf32, #tpu.memory_space<vmem>> -> memref<1x80xf32, #tpu.memory_space<vmem>>
      %dma_start3A_244 = tpu.memref_squeeze %dma_start3A_243 : memref<1x80xf32, #tpu.memory_space<vmem>> -> memref<80xf32, #tpu.memory_space<vmem>>
      %dma_start3A_245 = arith.constant 0 : i32
      %dma_start3A_246 = tpu.memref_slice %arg9[%add3A_211, %dma_start3A_245] : memref<125x80xi32, #tpu.memory_space<vmem>> -> memref<1x80xi32, #tpu.memory_space<vmem>>
      %dma_start3A_247 = tpu.memref_squeeze %dma_start3A_246 : memref<1x80xi32, #tpu.memory_space<vmem>> -> memref<80xi32, #tpu.memory_space<vmem>>
      %dma_start3A_248 = arith.constant 0 : i32
      %dma_start3A_249 = tpu.memref_slice %arg31[%dma_start3A_248] : memref<10000xf32, #tpu.memory_space<vmem_shared>> -> memref<10000xf32, #tpu.memory_space<vmem_shared>>
      tpu.enqueue_indirect_dma source(%dma_start3A_244 : memref<80xf32, #tpu.memory_space<vmem>>) target(%dma_start3A_249 : memref<10000xf32, #tpu.memory_space<vmem_shared>>) offsets(%dma_start3A_247 : memref<80xi32, #tpu.memory_space<vmem>>) semaphore(%arg29 : memref<!tpu.dma_semaphore, #tpu.memory_space<semaphore_mem>>) {add = true}
      %mul3A_250 = arith.constant 2 : i32
      %mul3A_251 = arith.muli %mul3A_250, %scan3A_206 : i32
      %add3A_252 = arith.constant 1 : i32
      %add3A_253 = arith.addi %mul3A_251, %add3A_252 : i32
      %dma_wait3A_254 = arith.constant 0 : i32
      %dma_wait3A_255 = tpu.memref_slice %arg9[%add3A_253, %dma_wait3A_254] : memref<125x80xi32, #tpu.memory_space<vmem>> -> memref<1x80xi32, #tpu.memory_space<vmem>>
      %dma_wait3A_256 = tpu.memref_squeeze %dma_wait3A_255 : memref<1x80xi32, #tpu.memory_space<vmem>> -> memref<80xi32, #tpu.memory_space<vmem>>
      %dma_wait3A_257 = arith.constant 0 : i32
      %dma_wait3A_258 = arith.constant 0 : i32
      %dma_wait3A_259 = tpu.memref_slice %arg33[%dma_wait3A_257, %dma_wait3A_258] : memref<10000x16xf32, #tpu.memory_space<vmem_shared>> -> memref<10000x16xf32, #tpu.memory_space<vmem_shared>>
      tpu.wait_indirect_dma semaphore(%arg26 : memref<!tpu.dma_semaphore, #tpu.memory_space<semaphore_mem>>) src(%dma_wait3A_259 : memref<10000x16xf32, #tpu.memory_space<vmem_shared>>) dst(%arg15 : memref<80x16xf32, #tpu.memory_space<vmem>>)
      %gt3A_260 = arith.constant 0 : i32
      %gt3A_261 = arith.cmpi sgt, %scan3A_206, %gt3A_260 : i32
      %convert_element_type3A_262 = arith.extui %gt3A_261 : i1 to i32
      %cond3A_263 = arith.constant 0 : i32
      %cond3A_264 = arith.cmpi ne, %convert_element_type3A_262, %cond3A_263 : i32
      scf.if %cond3A_264 {
        %dma_wait3A_294 = arith.constant 0 : i32
        %dma_wait3A_295 = tpu.memref_slice %arg10[%add3A_253, %dma_wait3A_294] : memref<125x80xi32, #tpu.memory_space<vmem>> -> memref<1x80xi32, #tpu.memory_space<vmem>>
        %dma_wait3A_296 = tpu.memref_squeeze %dma_wait3A_295 : memref<1x80xi32, #tpu.memory_space<vmem>> -> memref<80xi32, #tpu.memory_space<vmem>>
        %dma_wait3A_297 = arith.constant 0 : i32
        %dma_wait3A_298 = arith.constant 0 : i32
        %dma_wait3A_299 = tpu.memref_slice %arg32[%dma_wait3A_297, %dma_wait3A_298] : memref<10000x16xf32, #tpu.memory_space<vmem_shared>> -> memref<10000x16xf32, #tpu.memory_space<vmem_shared>>
        tpu.wait_indirect_dma semaphore(%arg28 : memref<!tpu.dma_semaphore, #tpu.memory_space<semaphore_mem>>) src(%arg17 : memref<80x16xf32, #tpu.memory_space<vmem>>) dst(%dma_wait3A_299 : memref<10000x16xf32, #tpu.memory_space<vmem_shared>>)
      } else {
      }
      %scan3A_265 = arith.constant 0 : i32
      %scan3A_266 = arith.constant 0 : i32
      %scan3A_267 = arith.constant 5 : i32
      %scan3A_268 = arith.addi %scan3A_266, %scan3A_267 : i32
      %scan3A_269 = arith.constant 1 : i32
      %scan3A_270 = scf.for %scan3A_294 = %scan3A_266 to %scan3A_268 step %scan3A_269 iter_args(%scan3A_295 = %scan3A_265) -> (i32)  : i32 {
        %mul3A_296 = arith.constant 16 : i32
        %mul3A_297 = arith.muli %scan3A_294, %mul3A_296 : i32
        %get3A = arith.index_cast %add3A_253 : i32 to index
        %get3A_298 = arith.index_cast %mul3A_297 : i32 to index
        %get3A_299 = tpu.vector_load %arg12[%get3A, %get3A_298] {strides = array<i32>} : memref<125x80xf32, #tpu.memory_space<vmem>>, vector<16xf32>,
        %slice3A = vector.extract_strided_slice %get3A_299 {offsets = [0], sizes = [1], strides = [1]} : vector<16xf32> to vector<1xf32>
        %squeeze3A = vector.extract %slice3A[0] : f32 from vector<1xf32>
        %mul3A_300 = arith.constant 16 : i32
        %mul3A_301 = arith.muli %scan3A_294, %mul3A_300 : i32
        %add3A_302 = arith.constant 0 : i32
        %add3A_303 = arith.addi %mul3A_301, %add3A_302 : i32
        %get3A_304 = arith.index_cast %add3A_303 : i32 to index
        %get3A_305 = arith.constant 0 : index
        %get3A_306 = tpu.vector_load %arg15[%get3A_304, %get3A_305] {strides = array<i32>} : memref<80x16xf32, #tpu.memory_space<vmem>>, vector<16xf32>,
        %mul3A_307 = vector.broadcast %squeeze3A : f32 to vector<16xf32>
        %mul3A_308 = arith.mulf %get3A_306, %mul3A_307 : vector<16xf32>
        %swap3A = arith.index_cast %add3A_303 : i32 to index
        %swap3A_309 = arith.constant 0 : index
        %swap3A_310 = tpu.vector_load %arg17[%swap3A, %swap3A_309] {strides = array<i32>} : memref<80x16xf32, #tpu.memory_space<vmem>>, vector<16xf32>,
        tpu.vector_store %arg17[%swap3A, %swap3A_309], %mul3A_308 {strides = array<i32>} : memref<80x16xf32, #tpu.memory_space<vmem>>, vector<16xf32>,
        %slice3A_311 = vector.extract_strided_slice %get3A_299 {offsets = [1], sizes = [1], strides = [1]} : vector<16xf32> to vector<1xf32>
        %squeeze3A_312 = vector.extract %slice3A_311[0] : f32 from vector<1xf32>
        %mul3A_313 = arith.constant 16 : i32
        %mul3A_314 = arith.muli %scan3A_294, %mul3A_313 : i32
        %add3A_315 = arith.constant 1 : i32
        %add3A_316 = arith.addi %mul3A_314, %add3A_315 : i32
        %get3A_317 = arith.index_cast %add3A_316 : i32 to index
        %get3A_318 = arith.constant 0 : index
        %get3A_319 = tpu.vector_load %arg15[%get3A_317, %get3A_318] {strides = array<i32>} : memref<80x16xf32, #tpu.memory_space<vmem>>, vector<16xf32>,
        %mul3A_320 = vector.broadcast %squeeze3A_312 : f32 to vector<16xf32>
        %mul3A_321 = arith.mulf %get3A_319, %mul3A_320 : vector<16xf32>
        %swap3A_322 = arith.index_cast %add3A_316 : i32 to index
        %swap3A_323 = arith.constant 0 : index
        %swap3A_324 = tpu.vector_load %arg17[%swap3A_322, %swap3A_323] {strides = array<i32>} : memref<80x16xf32, #tpu.memory_space<vmem>>, vector<16xf32>,
        tpu.vector_store %arg17[%swap3A_322, %swap3A_323], %mul3A_321 {strides = array<i32>} : memref<80x16xf32, #tpu.memory_space<vmem>>, vector<16xf32>,
        %slice3A_325 = vector.extract_strided_slice %get3A_299 {offsets = [2], sizes = [1], strides = [1]} : vector<16xf32> to vector<1xf32>
        %squeeze3A_326 = vector.extract %slice3A_325[0] : f32 from vector<1xf32>
        %mul3A_327 = arith.constant 16 : i32
        %mul3A_328 = arith.muli %scan3A_294, %mul3A_327 : i32
        %add3A_329 = arith.constant 2 : i32
        %add3A_330 = arith.addi %mul3A_328, %add3A_329 : i32
        %get3A_331 = arith.index_cast %add3A_330 : i32 to index
        %get3A_332 = arith.constant 0 : index
        %get3A_333 = tpu.vector_load %arg15[%get3A_331, %get3A_332] {strides = array<i32>} : memref<80x16xf32, #tpu.memory_space<vmem>>, vector<16xf32>,
        %mul3A_334 = vector.broadcast %squeeze3A_326 : f32 to vector<16xf32>
        %mul3A_335 = arith.mulf %get3A_333, %mul3A_334 : vector<16xf32>
        %swap3A_336 = arith.index_cast %add3A_330 : i32 to index
        %swap3A_337 = arith.constant 0 : index
        %swap3A_338 = tpu.vector_load %arg17[%swap3A_336, %swap3A_337] {strides = array<i32>} : memref<80x16xf32, #tpu.memory_space<vmem>>, vector<16xf32>,
        tpu.vector_store %arg17[%swap3A_336, %swap3A_337], %mul3A_335 {strides = array<i32>} : memref<80x16xf32, #tpu.memory_space<vmem>>, vector<16xf32>,
        %slice3A_339 = vector.extract_strided_slice %get3A_299 {offsets = [3], sizes = [1], strides = [1]} : vector<16xf32> to vector<1xf32>
        %squeeze3A_340 = vector.extract %slice3A_339[0] : f32 from vector<1xf32>
        %mul3A_341 = arith.constant 16 : i32
        %mul3A_342 = arith.muli %scan3A_294, %mul3A_341 : i32
        %add3A_343 = arith.constant 3 : i32
        %add3A_344 = arith.addi %mul3A_342, %add3A_343 : i32
        %get3A_345 = arith.index_cast %add3A_344 : i32 to index
        %get3A_346 = arith.constant 0 : index
        %get3A_347 = tpu.vector_load %arg15[%get3A_345, %get3A_346] {strides = array<i32>} : memref<80x16xf32, #tpu.memory_space<vmem>>, vector<16xf32>,
        %mul3A_348 = vector.broadcast %squeeze3A_340 : f32 to vector<16xf32>
        %mul3A_349 = arith.mulf %get3A_347, %mul3A_348 : vector<16xf32>
        %swap3A_350 = arith.index_cast %add3A_344 : i32 to index
        %swap3A_351 = arith.constant 0 : index
        %swap3A_352 = tpu.vector_load %arg17[%swap3A_350, %swap3A_351] {strides = array<i32>} : memref<80x16xf32, #tpu.memory_space<vmem>>, vector<16xf32>,
        tpu.vector_store %arg17[%swap3A_350, %swap3A_351], %mul3A_349 {strides = array<i32>} : memref<80x16xf32, #tpu.memory_space<vmem>>, vector<16xf32>,
        %slice3A_353 = vector.extract_strided_slice %get3A_299 {offsets = [4], sizes = [1], strides = [1]} : vector<16xf32> to vector<1xf32>
        %squeeze3A_354 = vector.extract %slice3A_353[0] : f32 from vector<1xf32>
        %mul3A_355 = arith.constant 16 : i32
        %mul3A_356 = arith.muli %scan3A_294, %mul3A_355 : i32
        %add3A_357 = arith.constant 4 : i32
        %add3A_358 = arith.addi %mul3A_356, %add3A_357 : i32
        %get3A_359 = arith.index_cast %add3A_358 : i32 to index
        %get3A_360 = arith.constant 0 : index
        %get3A_361 = tpu.vector_load %arg15[%get3A_359, %get3A_360] {strides = array<i32>} : memref<80x16xf32, #tpu.memory_space<vmem>>, vector<16xf32>,
        %mul3A_362 = vector.broadcast %squeeze3A_354 : f32 to vector<16xf32>
        %mul3A_363 = arith.mulf %get3A_361, %mul3A_362 : vector<16xf32>
        %swap3A_364 = arith.index_cast %add3A_358 : i32 to index
        %swap3A_365 = arith.constant 0 : index
        %swap3A_366 = tpu.vector_load %arg17[%swap3A_364, %swap3A_365] {strides = array<i32>} : memref<80x16xf32, #tpu.memory_space<vmem>>, vector<16xf32>,
        tpu.vector_store %arg17[%swap3A_364, %swap3A_365], %mul3A_363 {strides = array<i32>} : memref<80x16xf32, #tpu.memory_space<vmem>>, vector<16xf32>,
        %slice3A_367 = vector.extract_strided_slice %get3A_299 {offsets = [5], sizes = [1], strides = [1]} : vector<16xf32> to vector<1xf32>
        %squeeze3A_368 = vector.extract %slice3A_367[0] : f32 from vector<1xf32>
        %mul3A_369 = arith.constant 16 : i32
        %mul3A_370 = arith.muli %scan3A_294, %mul3A_369 : i32
        %add3A_371 = arith.constant 5 : i32
        %add3A_372 = arith.addi %mul3A_370, %add3A_371 : i32
        %get3A_373 = arith.index_cast %add3A_372 : i32 to index
        %get3A_374 = arith.constant 0 : index
        %get3A_375 = tpu.vector_load %arg15[%get3A_373, %get3A_374] {strides = array<i32>} : memref<80x16xf32, #tpu.memory_space<vmem>>, vector<16xf32>,
        %mul3A_376 = vector.broadcast %squeeze3A_368 : f32 to vector<16xf32>
        %mul3A_377 = arith.mulf %get3A_375, %mul3A_376 : vector<16xf32>
        %swap3A_378 = arith.index_cast %add3A_372 : i32 to index
        %swap3A_379 = arith.constant 0 : index
        %swap3A_380 = tpu.vector_load %arg17[%swap3A_378, %swap3A_379] {strides = array<i32>} : memref<80x16xf32, #tpu.memory_space<vmem>>, vector<16xf32>,
        tpu.vector_store %arg17[%swap3A_378, %swap3A_379], %mul3A_377 {strides = array<i32>} : memref<80x16xf32, #tpu.memory_space<vmem>>, vector<16xf32>,
        %slice3A_381 = vector.extract_strided_slice %get3A_299 {offsets = [6], sizes = [1], strides = [1]} : vector<16xf32> to vector<1xf32>
        %squeeze3A_382 = vector.extract %slice3A_381[0] : f32 from vector<1xf32>
        %mul3A_383 = arith.constant 16 : i32
        %mul3A_384 = arith.muli %scan3A_294, %mul3A_383 : i32
        %add3A_385 = arith.constant 6 : i32
        %add3A_386 = arith.addi %mul3A_384, %add3A_385 : i32
        %get3A_387 = arith.index_cast %add3A_386 : i32 to index
        %get3A_388 = arith.constant 0 : index
        %get3A_389 = tpu.vector_load %arg15[%get3A_387, %get3A_388] {strides = array<i32>} : memref<80x16xf32, #tpu.memory_space<vmem>>, vector<16xf32>,
        %mul3A_390 = vector.broadcast %squeeze3A_382 : f32 to vector<16xf32>
        %mul3A_391 = arith.mulf %get3A_389, %mul3A_390 : vector<16xf32>
        %swap3A_392 = arith.index_cast %add3A_386 : i32 to index
        %swap3A_393 = arith.constant 0 : index
        %swap3A_394 = tpu.vector_load %arg17[%swap3A_392, %swap3A_393] {strides = array<i32>} : memref<80x16xf32, #tpu.memory_space<vmem>>, vector<16xf32>,
        tpu.vector_store %arg17[%swap3A_392, %swap3A_393], %mul3A_391 {strides = array<i32>} : memref<80x16xf32, #tpu.memory_space<vmem>>, vector<16xf32>,
        %slice3A_395 = vector.extract_strided_slice %get3A_299 {offsets = [7], sizes = [1], strides = [1]} : vector<16xf32> to vector<1xf32>
        %squeeze3A_396 = vector.extract %slice3A_395[0] : f32 from vector<1xf32>
        %mul3A_397 = arith.constant 16 : i32
        %mul3A_398 = arith.muli %scan3A_294, %mul3A_397 : i32
        %add3A_399 = arith.constant 7 : i32
        %add3A_400 = arith.addi %mul3A_398, %add3A_399 : i32
        %get3A_401 = arith.index_cast %add3A_400 : i32 to index
        %get3A_402 = arith.constant 0 : index
        %get3A_403 = tpu.vector_load %arg15[%get3A_401, %get3A_402] {strides = array<i32>} : memref<80x16xf32, #tpu.memory_space<vmem>>, vector<16xf32>,
        %mul3A_404 = vector.broadcast %squeeze3A_396 : f32 to vector<16xf32>
        %mul3A_405 = arith.mulf %get3A_403, %mul3A_404 : vector<16xf32>
        %swap3A_406 = arith.index_cast %add3A_400 : i32 to index
        %swap3A_407 = arith.constant 0 : index
        %swap3A_408 = tpu.vector_load %arg17[%swap3A_406, %swap3A_407] {strides = array<i32>} : memref<80x16xf32, #tpu.memory_space<vmem>>, vector<16xf32>,
        tpu.vector_store %arg17[%swap3A_406, %swap3A_407], %mul3A_405 {strides = array<i32>} : memref<80x16xf32, #tpu.memory_space<vmem>>, vector<16xf32>,
        %slice3A_409 = vector.extract_strided_slice %get3A_299 {offsets = [8], sizes = [1], strides = [1]} : vector<16xf32> to vector<1xf32>
        %squeeze3A_410 = vector.extract %slice3A_409[0] : f32 from vector<1xf32>
        %mul3A_411 = arith.constant 16 : i32
        %mul3A_412 = arith.muli %scan3A_294, %mul3A_411 : i32
        %add3A_413 = arith.constant 8 : i32
        %add3A_414 = arith.addi %mul3A_412, %add3A_413 : i32
        %get3A_415 = arith.index_cast %add3A_414 : i32 to index
        %get3A_416 = arith.constant 0 : index
        %get3A_417 = tpu.vector_load %arg15[%get3A_415, %get3A_416] {strides = array<i32>} : memref<80x16xf32, #tpu.memory_space<vmem>>, vector<16xf32>,
        %mul3A_418 = vector.broadcast %squeeze3A_410 : f32 to vector<16xf32>
        %mul3A_419 = arith.mulf %get3A_417, %mul3A_418 : vector<16xf32>
        %swap3A_420 = arith.index_cast %add3A_414 : i32 to index
        %swap3A_421 = arith.constant 0 : index
        %swap3A_422 = tpu.vector_load %arg17[%swap3A_420, %swap3A_421] {strides = array<i32>} : memref<80x16xf32, #tpu.memory_space<vmem>>, vector<16xf32>,
        tpu.vector_store %arg17[%swap3A_420, %swap3A_421], %mul3A_419 {strides = array<i32>} : memref<80x16xf32, #tpu.memory_space<vmem>>, vector<16xf32>,
        %slice3A_423 = vector.extract_strided_slice %get3A_299 {offsets = [9], sizes = [1], strides = [1]} : vector<16xf32> to vector<1xf32>
        %squeeze3A_424 = vector.extract %slice3A_423[0] : f32 from vector<1xf32>
        %mul3A_425 = arith.constant 16 : i32
        %mul3A_426 = arith.muli %scan3A_294, %mul3A_425 : i32
        %add3A_427 = arith.constant 9 : i32
        %add3A_428 = arith.addi %mul3A_426, %add3A_427 : i32
        %get3A_429 = arith.index_cast %add3A_428 : i32 to index
        %get3A_430 = arith.constant 0 : index
        %get3A_431 = tpu.vector_load %arg15[%get3A_429, %get3A_430] {strides = array<i32>} : memref<80x16xf32, #tpu.memory_space<vmem>>, vector<16xf32>,
        %mul3A_432 = vector.broadcast %squeeze3A_424 : f32 to vector<16xf32>
        %mul3A_433 = arith.mulf %get3A_431, %mul3A_432 : vector<16xf32>
        %swap3A_434 = arith.index_cast %add3A_428 : i32 to index
        %swap3A_435 = arith.constant 0 : index
        %swap3A_436 = tpu.vector_load %arg17[%swap3A_434, %swap3A_435] {strides = array<i32>} : memref<80x16xf32, #tpu.memory_space<vmem>>, vector<16xf32>,
        tpu.vector_store %arg17[%swap3A_434, %swap3A_435], %mul3A_433 {strides = array<i32>} : memref<80x16xf32, #tpu.memory_space<vmem>>, vector<16xf32>,
        %slice3A_437 = vector.extract_strided_slice %get3A_299 {offsets = [10], sizes = [1], strides = [1]} : vector<16xf32> to vector<1xf32>
        %squeeze3A_438 = vector.extract %slice3A_437[0] : f32 from vector<1xf32>
        %mul3A_439 = arith.constant 16 : i32
        %mul3A_440 = arith.muli %scan3A_294, %mul3A_439 : i32
        %add3A_441 = arith.constant 10 : i32
        %add3A_442 = arith.addi %mul3A_440, %add3A_441 : i32
        %get3A_443 = arith.index_cast %add3A_442 : i32 to index
        %get3A_444 = arith.constant 0 : index
        %get3A_445 = tpu.vector_load %arg15[%get3A_443, %get3A_444] {strides = array<i32>} : memref<80x16xf32, #tpu.memory_space<vmem>>, vector<16xf32>,
        %mul3A_446 = vector.broadcast %squeeze3A_438 : f32 to vector<16xf32>
        %mul3A_447 = arith.mulf %get3A_445, %mul3A_446 : vector<16xf32>
        %swap3A_448 = arith.index_cast %add3A_442 : i32 to index
        %swap3A_449 = arith.constant 0 : index
        %swap3A_450 = tpu.vector_load %arg17[%swap3A_448, %swap3A_449] {strides = array<i32>} : memref<80x16xf32, #tpu.memory_space<vmem>>, vector<16xf32>,
        tpu.vector_store %arg17[%swap3A_448, %swap3A_449], %mul3A_447 {strides = array<i32>} : memref<80x16xf32, #tpu.memory_space<vmem>>, vector<16xf32>,
        %slice3A_451 = vector.extract_strided_slice %get3A_299 {offsets = [11], sizes = [1], strides = [1]} : vector<16xf32> to vector<1xf32>
        %squeeze3A_452 = vector.extract %slice3A_451[0] : f32 from vector<1xf32>
        %mul3A_453 = arith.constant 16 : i32
        %mul3A_454 = arith.muli %scan3A_294, %mul3A_453 : i32
        %add3A_455 = arith.constant 11 : i32
        %add3A_456 = arith.addi %mul3A_454, %add3A_455 : i32
        %get3A_457 = arith.index_cast %add3A_456 : i32 to index
        %get3A_458 = arith.constant 0 : index
        %get3A_459 = tpu.vector_load %arg15[%get3A_457, %get3A_458] {strides = array<i32>} : memref<80x16xf32, #tpu.memory_space<vmem>>, vector<16xf32>,
        %mul3A_460 = vector.broadcast %squeeze3A_452 : f32 to vector<16xf32>
        %mul3A_461 = arith.mulf %get3A_459, %mul3A_460 : vector<16xf32>
        %swap3A_462 = arith.index_cast %add3A_456 : i32 to index
        %swap3A_463 = arith.constant 0 : index
        %swap3A_464 = tpu.vector_load %arg17[%swap3A_462, %swap3A_463] {strides = array<i32>} : memref<80x16xf32, #tpu.memory_space<vmem>>, vector<16xf32>,
        tpu.vector_store %arg17[%swap3A_462, %swap3A_463], %mul3A_461 {strides = array<i32>} : memref<80x16xf32, #tpu.memory_space<vmem>>, vector<16xf32>,
        %slice3A_465 = vector.extract_strided_slice %get3A_299 {offsets = [12], sizes = [1], strides = [1]} : vector<16xf32> to vector<1xf32>
        %squeeze3A_466 = vector.extract %slice3A_465[0] : f32 from vector<1xf32>
        %mul3A_467 = arith.constant 16 : i32
        %mul3A_468 = arith.muli %scan3A_294, %mul3A_467 : i32
        %add3A_469 = arith.constant 12 : i32
        %add3A_470 = arith.addi %mul3A_468, %add3A_469 : i32
        %get3A_471 = arith.index_cast %add3A_470 : i32 to index
        %get3A_472 = arith.constant 0 : index
        %get3A_473 = tpu.vector_load %arg15[%get3A_471, %get3A_472] {strides = array<i32>} : memref<80x16xf32, #tpu.memory_space<vmem>>, vector<16xf32>,
        %mul3A_474 = vector.broadcast %squeeze3A_466 : f32 to vector<16xf32>
        %mul3A_475 = arith.mulf %get3A_473, %mul3A_474 : vector<16xf32>
        %swap3A_476 = arith.index_cast %add3A_470 : i32 to index
        %swap3A_477 = arith.constant 0 : index
        %swap3A_478 = tpu.vector_load %arg17[%swap3A_476, %swap3A_477] {strides = array<i32>} : memref<80x16xf32, #tpu.memory_space<vmem>>, vector<16xf32>,
        tpu.vector_store %arg17[%swap3A_476, %swap3A_477], %mul3A_475 {strides = array<i32>} : memref<80x16xf32, #tpu.memory_space<vmem>>, vector<16xf32>,
        %slice3A_479 = vector.extract_strided_slice %get3A_299 {offsets = [13], sizes = [1], strides = [1]} : vector<16xf32> to vector<1xf32>
        %squeeze3A_480 = vector.extract %slice3A_479[0] : f32 from vector<1xf32>
        %mul3A_481 = arith.constant 16 : i32
        %mul3A_482 = arith.muli %scan3A_294, %mul3A_481 : i32
        %add3A_483 = arith.constant 13 : i32
        %add3A_484 = arith.addi %mul3A_482, %add3A_483 : i32
        %get3A_485 = arith.index_cast %add3A_484 : i32 to index
        %get3A_486 = arith.constant 0 : index
        %get3A_487 = tpu.vector_load %arg15[%get3A_485, %get3A_486] {strides = array<i32>} : memref<80x16xf32, #tpu.memory_space<vmem>>, vector<16xf32>,
        %mul3A_488 = vector.broadcast %squeeze3A_480 : f32 to vector<16xf32>
        %mul3A_489 = arith.mulf %get3A_487, %mul3A_488 : vector<16xf32>
        %swap3A_490 = arith.index_cast %add3A_484 : i32 to index
        %swap3A_491 = arith.constant 0 : index
        %swap3A_492 = tpu.vector_load %arg17[%swap3A_490, %swap3A_491] {strides = array<i32>} : memref<80x16xf32, #tpu.memory_space<vmem>>, vector<16xf32>,
        tpu.vector_store %arg17[%swap3A_490, %swap3A_491], %mul3A_489 {strides = array<i32>} : memref<80x16xf32, #tpu.memory_space<vmem>>, vector<16xf32>,
        %slice3A_493 = vector.extract_strided_slice %get3A_299 {offsets = [14], sizes = [1], strides = [1]} : vector<16xf32> to vector<1xf32>
        %squeeze3A_494 = vector.extract %slice3A_493[0] : f32 from vector<1xf32>
        %mul3A_495 = arith.constant 16 : i32
        %mul3A_496 = arith.muli %scan3A_294, %mul3A_495 : i32
        %add3A_497 = arith.constant 14 : i32
        %add3A_498 = arith.addi %mul3A_496, %add3A_497 : i32
        %get3A_499 = arith.index_cast %add3A_498 : i32 to index
        %get3A_500 = arith.constant 0 : index
        %get3A_501 = tpu.vector_load %arg15[%get3A_499, %get3A_500] {strides = array<i32>} : memref<80x16xf32, #tpu.memory_space<vmem>>, vector<16xf32>,
        %mul3A_502 = vector.broadcast %squeeze3A_494 : f32 to vector<16xf32>
        %mul3A_503 = arith.mulf %get3A_501, %mul3A_502 : vector<16xf32>
        %swap3A_504 = arith.index_cast %add3A_498 : i32 to index
        %swap3A_505 = arith.constant 0 : index
        %swap3A_506 = tpu.vector_load %arg17[%swap3A_504, %swap3A_505] {strides = array<i32>} : memref<80x16xf32, #tpu.memory_space<vmem>>, vector<16xf32>,
        tpu.vector_store %arg17[%swap3A_504, %swap3A_505], %mul3A_503 {strides = array<i32>} : memref<80x16xf32, #tpu.memory_space<vmem>>, vector<16xf32>,
        %slice3A_507 = vector.extract_strided_slice %get3A_299 {offsets = [15], sizes = [1], strides = [1]} : vector<16xf32> to vector<1xf32>
        %squeeze3A_508 = vector.extract %slice3A_507[0] : f32 from vector<1xf32>
        %mul3A_509 = arith.constant 16 : i32
        %mul3A_510 = arith.muli %scan3A_294, %mul3A_509 : i32
        %add3A_511 = arith.constant 15 : i32
        %add3A_512 = arith.addi %mul3A_510, %add3A_511 : i32
        %get3A_513 = arith.index_cast %add3A_512 : i32 to index
        %get3A_514 = arith.constant 0 : index
        %get3A_515 = tpu.vector_load %arg15[%get3A_513, %get3A_514] {strides = array<i32>} : memref<80x16xf32, #tpu.memory_space<vmem>>, vector<16xf32>,
        %mul3A_516 = vector.broadcast %squeeze3A_508 : f32 to vector<16xf32>
        %mul3A_517 = arith.mulf %get3A_515, %mul3A_516 : vector<16xf32>
        %swap3A_518 = arith.index_cast %add3A_512 : i32 to index
        %swap3A_519 = arith.constant 0 : index
        %swap3A_520 = tpu.vector_load %arg17[%swap3A_518, %swap3A_519] {strides = array<i32>} : memref<80x16xf32, #tpu.memory_space<vmem>>, vector<16xf32>,
        tpu.vector_store %arg17[%swap3A_518, %swap3A_519], %mul3A_517 {strides = array<i32>} : memref<80x16xf32, #tpu.memory_space<vmem>>, vector<16xf32>,
        %scan3A_521 = arith.constant 0 : i32
        scf.yield %scan3A_521 : i32
      }
      %scan3A_271 = arith.constant 5 : i32
      %add3A_272 = arith.constant 2 : i32
      %add3A_273 = arith.addi %add3A_253, %add3A_272 : i32
      %lt3A_274 = arith.constant 125 : i32
      %lt3A_275 = arith.cmpi slt, %add3A_273, %lt3A_274 : i32
      %convert_element_type3A_276 = arith.extui %lt3A_275 : i1 to i32
      %cond3A_277 = arith.constant 0 : i32
      %cond3A_278 = arith.cmpi ne, %convert_element_type3A_276, %cond3A_277 : i32
      scf.if %cond3A_278 {
        %add3A_294 = arith.constant 2 : i32
        %add3A_295 = arith.addi %add3A_253, %add3A_294 : i32
        %dma_start3A_296 = arith.constant 0 : i32
        %dma_start3A_297 = tpu.memref_slice %arg9[%add3A_295, %dma_start3A_296] : memref<125x80xi32, #tpu.memory_space<vmem>> -> memref<1x80xi32, #tpu.memory_space<vmem>>
        %dma_start3A_298 = tpu.memref_squeeze %dma_start3A_297 : memref<1x80xi32, #tpu.memory_space<vmem>> -> memref<80xi32, #tpu.memory_space<vmem>>
        %dma_start3A_299 = arith.constant 0 : i32
        %dma_start3A_300 = arith.constant 0 : i32
        %dma_start3A_301 = tpu.memref_slice %arg33[%dma_start3A_299, %dma_start3A_300] : memref<10000x16xf32, #tpu.memory_space<vmem_shared>> -> memref<10000x16xf32, #tpu.memory_space<vmem_shared>>
        tpu.enqueue_indirect_dma source(%dma_start3A_301 : memref<10000x16xf32, #tpu.memory_space<vmem_shared>>) target(%arg15 : memref<80x16xf32, #tpu.memory_space<vmem>>) offsets(%dma_start3A_298 : memref<80xi32, #tpu.memory_space<vmem>>) semaphore(%arg26 : memref<!tpu.dma_semaphore, #tpu.memory_space<semaphore_mem>>)
      } else {
      }
      %dma_start3A_279 = arith.constant 0 : i32
      %dma_start3A_280 = tpu.memref_slice %arg10[%add3A_253, %dma_start3A_279] : memref<125x80xi32, #tpu.memory_space<vmem>> -> memref<1x80xi32, #tpu.memory_space<vmem>>
      %dma_start3A_281 = tpu.memref_squeeze %dma_start3A_280 : memref<1x80xi32, #tpu.memory_space<vmem>> -> memref<80xi32, #tpu.memory_space<vmem>>
      %dma_start3A_282 = arith.constant 0 : i32
      %dma_start3A_283 = arith.constant 0 : i32
      %dma_start3A_284 = tpu.memref_slice %arg32[%dma_start3A_282, %dma_start3A_283] : memref<10000x16xf32, #tpu.memory_space<vmem_shared>> -> memref<10000x16xf32, #tpu.memory_space<vmem_shared>>
      tpu.enqueue_indirect_dma source(%arg17 : memref<80x16xf32, #tpu.memory_space<vmem>>) target(%dma_start3A_284 : memref<10000x16xf32, #tpu.memory_space<vmem_shared>>) offsets(%dma_start3A_281 : memref<80xi32, #tpu.memory_space<vmem>>) semaphore(%arg28 : memref<!tpu.dma_semaphore, #tpu.memory_space<semaphore_mem>>) {add = true}
      %dma_start3A_285 = arith.constant 0 : i32
      %dma_start3A_286 = tpu.memref_slice %arg12[%add3A_253, %dma_start3A_285] : memref<125x80xf32, #tpu.memory_space<vmem>> -> memref<1x80xf32, #tpu.memory_space<vmem>>
      %dma_start3A_287 = tpu.memref_squeeze %dma_start3A_286 : memref<1x80xf32, #tpu.memory_space<vmem>> -> memref<80xf32, #tpu.memory_space<vmem>>
      %dma_start3A_288 = arith.constant 0 : i32
      %dma_start3A_289 = tpu.memref_slice %arg9[%add3A_253, %dma_start3A_288] : memref<125x80xi32, #tpu.memory_space<vmem>> -> memref<1x80xi32, #tpu.memory_space<vmem>>
      %dma_start3A_290 = tpu.memref_squeeze %dma_start3A_289 : memref<1x80xi32, #tpu.memory_space<vmem>> -> memref<80xi32, #tpu.memory_space<vmem>>
      %dma_start3A_291 = arith.constant 0 : i32
      %dma_start3A_292 = tpu.memref_slice %arg31[%dma_start3A_291] : memref<10000xf32, #tpu.memory_space<vmem_shared>> -> memref<10000xf32, #tpu.memory_space<vmem_shared>>
      tpu.enqueue_indirect_dma source(%dma_start3A_287 : memref<80xf32, #tpu.memory_space<vmem>>) target(%dma_start3A_292 : memref<10000xf32, #tpu.memory_space<vmem_shared>>) offsets(%dma_start3A_290 : memref<80xi32, #tpu.memory_space<vmem>>) semaphore(%arg29 : memref<!tpu.dma_semaphore, #tpu.memory_space<semaphore_mem>>) {add = true}
      %scan3A_293 = arith.constant 0 : i32
      scf.yield %scan3A_293 : i32
    }
    %scan3A_130 = arith.constant 62 : i32
    %dma_wait3A_131 = arith.constant 124 : i32
    %dma_wait3A_132 = arith.constant 0 : i32
    %dma_wait3A_133 = tpu.memref_slice %arg9[%dma_wait3A_131, %dma_wait3A_132] : memref<125x80xi32, #tpu.memory_space<vmem>> -> memref<1x80xi32, #tpu.memory_space<vmem>>
    %dma_wait3A_134 = tpu.memref_squeeze %dma_wait3A_133 : memref<1x80xi32, #tpu.memory_space<vmem>> -> memref<80xi32, #tpu.memory_space<vmem>>
    %dma_wait3A_135 = arith.constant 0 : i32
    %dma_wait3A_136 = arith.constant 0 : i32
    %dma_wait3A_137 = tpu.memref_slice %arg33[%dma_wait3A_135, %dma_wait3A_136] : memref<10000x16xf32, #tpu.memory_space<vmem_shared>> -> memref<10000x16xf32, #tpu.memory_space<vmem_shared>>
    tpu.wait_indirect_dma semaphore(%arg25 : memref<!tpu.dma_semaphore, #tpu.memory_space<semaphore_mem>>) src(%dma_wait3A_137 : memref<10000x16xf32, #tpu.memory_space<vmem_shared>>) dst(%arg14 : memref<80x16xf32, #tpu.memory_space<vmem>>)
    %dma_wait3A_138 = arith.constant 124 : i32
    %dma_wait3A_139 = arith.constant 0 : i32
    %dma_wait3A_140 = tpu.memref_slice %arg10[%dma_wait3A_138, %dma_wait3A_139] : memref<125x80xi32, #tpu.memory_space<vmem>> -> memref<1x80xi32, #tpu.memory_space<vmem>>
    %dma_wait3A_141 = tpu.memref_squeeze %dma_wait3A_140 : memref<1x80xi32, #tpu.memory_space<vmem>> -> memref<80xi32, #tpu.memory_space<vmem>>
    %dma_wait3A_142 = arith.constant 0 : i32
    %dma_wait3A_143 = arith.constant 0 : i32
    %dma_wait3A_144 = tpu.memref_slice %arg32[%dma_wait3A_142, %dma_wait3A_143] : memref<10000x16xf32, #tpu.memory_space<vmem_shared>> -> memref<10000x16xf32, #tpu.memory_space<vmem_shared>>
    tpu.wait_indirect_dma semaphore(%arg27 : memref<!tpu.dma_semaphore, #tpu.memory_space<semaphore_mem>>) src(%arg16 : memref<80x16xf32, #tpu.memory_space<vmem>>) dst(%dma_wait3A_144 : memref<10000x16xf32, #tpu.memory_space<vmem_shared>>)
    %scan3A_145 = arith.constant 0 : i32
    %scan3A_146 = arith.constant 0 : i32
    %scan3A_147 = arith.constant 5 : i32
    %scan3A_148 = arith.addi %scan3A_146, %scan3A_147 : i32
    %scan3A_149 = arith.constant 1 : i32
    %scan3A_150 = scf.for %scan3A_206 = %scan3A_146 to %scan3A_148 step %scan3A_149 iter_args(%scan3A_207 = %scan3A_145) -> (i32)  : i32 {
      %mul3A_208 = arith.constant 16 : i32
      %mul3A_209 = arith.muli %scan3A_206, %mul3A_208 : i32
      %get3A = arith.constant 124 : i32
      %get3A_210 = arith.index_cast %get3A : i32 to index
      %get3A_211 = arith.index_cast %mul3A_209 : i32 to index
      %get3A_212 = tpu.vector_load %arg12[%get3A_210, %get3A_211] {strides = array<i32>} : memref<125x80xf32, #tpu.memory_space<vmem>>, vector<16xf32>,
      %slice3A = vector.extract_strided_slice %get3A_212 {offsets = [0], sizes = [1], strides = [1]} : vector<16xf32> to vector<1xf32>
      %squeeze3A = vector.extract %slice3A[0] : f32 from vector<1xf32>
      %mul3A_213 = arith.constant 16 : i32
      %mul3A_214 = arith.muli %scan3A_206, %mul3A_213 : i32
      %add3A_215 = arith.constant 0 : i32
      %add3A_216 = arith.addi %mul3A_214, %add3A_215 : i32
      %get3A_217 = arith.index_cast %add3A_216 : i32 to index
      %get3A_218 = arith.constant 0 : index
      %get3A_219 = tpu.vector_load %arg14[%get3A_217, %get3A_218] {strides = array<i32>} : memref<80x16xf32, #tpu.memory_space<vmem>>, vector<16xf32>,
      %mul3A_220 = vector.broadcast %squeeze3A : f32 to vector<16xf32>
      %mul3A_221 = arith.mulf %get3A_219, %mul3A_220 : vector<16xf32>
      %swap3A = arith.index_cast %add3A_216 : i32 to index
      %swap3A_222 = arith.constant 0 : index
      %swap3A_223 = tpu.vector_load %arg16[%swap3A, %swap3A_222] {strides = array<i32>} : memref<80x16xf32, #tpu.memory_space<vmem>>, vector<16xf32>,
      tpu.vector_store %arg16[%swap3A, %swap3A_222], %mul3A_221 {strides = array<i32>} : memref<80x16xf32, #tpu.memory_space<vmem>>, vector<16xf32>,
      %slice3A_224 = vector.extract_strided_slice %get3A_212 {offsets = [1], sizes = [1], strides = [1]} : vector<16xf32> to vector<1xf32>
      %squeeze3A_225 = vector.extract %slice3A_224[0] : f32 from vector<1xf32>
      %mul3A_226 = arith.constant 16 : i32
      %mul3A_227 = arith.muli %scan3A_206, %mul3A_226 : i32
      %add3A_228 = arith.constant 1 : i32
      %add3A_229 = arith.addi %mul3A_227, %add3A_228 : i32
      %get3A_230 = arith.index_cast %add3A_229 : i32 to index
      %get3A_231 = arith.constant 0 : index
      %get3A_232 = tpu.vector_load %arg14[%get3A_230, %get3A_231] {strides = array<i32>} : memref<80x16xf32, #tpu.memory_space<vmem>>, vector<16xf32>,
      %mul3A_233 = vector.broadcast %squeeze3A_225 : f32 to vector<16xf32>
      %mul3A_234 = arith.mulf %get3A_232, %mul3A_233 : vector<16xf32>
      %swap3A_235 = arith.index_cast %add3A_229 : i32 to index
      %swap3A_236 = arith.constant 0 : index
      %swap3A_237 = tpu.vector_load %arg16[%swap3A_235, %swap3A_236] {strides = array<i32>} : memref<80x16xf32, #tpu.memory_space<vmem>>, vector<16xf32>,
      tpu.vector_store %arg16[%swap3A_235, %swap3A_236], %mul3A_234 {strides = array<i32>} : memref<80x16xf32, #tpu.memory_space<vmem>>, vector<16xf32>,
      %slice3A_238 = vector.extract_strided_slice %get3A_212 {offsets = [2], sizes = [1], strides = [1]} : vector<16xf32> to vector<1xf32>
      %squeeze3A_239 = vector.extract %slice3A_238[0] : f32 from vector<1xf32>
      %mul3A_240 = arith.constant 16 : i32
      %mul3A_241 = arith.muli %scan3A_206, %mul3A_240 : i32
      %add3A_242 = arith.constant 2 : i32
      %add3A_243 = arith.addi %mul3A_241, %add3A_242 : i32
      %get3A_244 = arith.index_cast %add3A_243 : i32 to index
      %get3A_245 = arith.constant 0 : index
      %get3A_246 = tpu.vector_load %arg14[%get3A_244, %get3A_245] {strides = array<i32>} : memref<80x16xf32, #tpu.memory_space<vmem>>, vector<16xf32>,
      %mul3A_247 = vector.broadcast %squeeze3A_239 : f32 to vector<16xf32>
      %mul3A_248 = arith.mulf %get3A_246, %mul3A_247 : vector<16xf32>
      %swap3A_249 = arith.index_cast %add3A_243 : i32 to index
      %swap3A_250 = arith.constant 0 : index
      %swap3A_251 = tpu.vector_load %arg16[%swap3A_249, %swap3A_250] {strides = array<i32>} : memref<80x16xf32, #tpu.memory_space<vmem>>, vector<16xf32>,
      tpu.vector_store %arg16[%swap3A_249, %swap3A_250], %mul3A_248 {strides = array<i32>} : memref<80x16xf32, #tpu.memory_space<vmem>>, vector<16xf32>,
      %slice3A_252 = vector.extract_strided_slice %get3A_212 {offsets = [3], sizes = [1], strides = [1]} : vector<16xf32> to vector<1xf32>
      %squeeze3A_253 = vector.extract %slice3A_252[0] : f32 from vector<1xf32>
      %mul3A_254 = arith.constant 16 : i32
      %mul3A_255 = arith.muli %scan3A_206, %mul3A_254 : i32
      %add3A_256 = arith.constant 3 : i32
      %add3A_257 = arith.addi %mul3A_255, %add3A_256 : i32
      %get3A_258 = arith.index_cast %add3A_257 : i32 to index
      %get3A_259 = arith.constant 0 : index
      %get3A_260 = tpu.vector_load %arg14[%get3A_258, %get3A_259] {strides = array<i32>} : memref<80x16xf32, #tpu.memory_space<vmem>>, vector<16xf32>,
      %mul3A_261 = vector.broadcast %squeeze3A_253 : f32 to vector<16xf32>
      %mul3A_262 = arith.mulf %get3A_260, %mul3A_261 : vector<16xf32>
      %swap3A_263 = arith.index_cast %add3A_257 : i32 to index
      %swap3A_264 = arith.constant 0 : index
      %swap3A_265 = tpu.vector_load %arg16[%swap3A_263, %swap3A_264] {strides = array<i32>} : memref<80x16xf32, #tpu.memory_space<vmem>>, vector<16xf32>,
      tpu.vector_store %arg16[%swap3A_263, %swap3A_264], %mul3A_262 {strides = array<i32>} : memref<80x16xf32, #tpu.memory_space<vmem>>, vector<16xf32>,
      %slice3A_266 = vector.extract_strided_slice %get3A_212 {offsets = [4], sizes = [1], strides = [1]} : vector<16xf32> to vector<1xf32>
      %squeeze3A_267 = vector.extract %slice3A_266[0] : f32 from vector<1xf32>
      %mul3A_268 = arith.constant 16 : i32
      %mul3A_269 = arith.muli %scan3A_206, %mul3A_268 : i32
      %add3A_270 = arith.constant 4 : i32
      %add3A_271 = arith.addi %mul3A_269, %add3A_270 : i32
      %get3A_272 = arith.index_cast %add3A_271 : i32 to index
      %get3A_273 = arith.constant 0 : index
      %get3A_274 = tpu.vector_load %arg14[%get3A_272, %get3A_273] {strides = array<i32>} : memref<80x16xf32, #tpu.memory_space<vmem>>, vector<16xf32>,
      %mul3A_275 = vector.broadcast %squeeze3A_267 : f32 to vector<16xf32>
      %mul3A_276 = arith.mulf %get3A_274, %mul3A_275 : vector<16xf32>
      %swap3A_277 = arith.index_cast %add3A_271 : i32 to index
      %swap3A_278 = arith.constant 0 : index
      %swap3A_279 = tpu.vector_load %arg16[%swap3A_277, %swap3A_278] {strides = array<i32>} : memref<80x16xf32, #tpu.memory_space<vmem>>, vector<16xf32>,
      tpu.vector_store %arg16[%swap3A_277, %swap3A_278], %mul3A_276 {strides = array<i32>} : memref<80x16xf32, #tpu.memory_space<vmem>>, vector<16xf32>,
      %slice3A_280 = vector.extract_strided_slice %get3A_212 {offsets = [5], sizes = [1], strides = [1]} : vector<16xf32> to vector<1xf32>
      %squeeze3A_281 = vector.extract %slice3A_280[0] : f32 from vector<1xf32>
      %mul3A_282 = arith.constant 16 : i32
      %mul3A_283 = arith.muli %scan3A_206, %mul3A_282 : i32
      %add3A_284 = arith.constant 5 : i32
      %add3A_285 = arith.addi %mul3A_283, %add3A_284 : i32
      %get3A_286 = arith.index_cast %add3A_285 : i32 to index
      %get3A_287 = arith.constant 0 : index
      %get3A_288 = tpu.vector_load %arg14[%get3A_286, %get3A_287] {strides = array<i32>} : memref<80x16xf32, #tpu.memory_space<vmem>>, vector<16xf32>,
      %mul3A_289 = vector.broadcast %squeeze3A_281 : f32 to vector<16xf32>
      %mul3A_290 = arith.mulf %get3A_288, %mul3A_289 : vector<16xf32>
      %swap3A_291 = arith.index_cast %add3A_285 : i32 to index
      %swap3A_292 = arith.constant 0 : index
      %swap3A_293 = tpu.vector_load %arg16[%swap3A_291, %swap3A_292] {strides = array<i32>} : memref<80x16xf32, #tpu.memory_space<vmem>>, vector<16xf32>,
      tpu.vector_store %arg16[%swap3A_291, %swap3A_292], %mul3A_290 {strides = array<i32>} : memref<80x16xf32, #tpu.memory_space<vmem>>, vector<16xf32>,
      %slice3A_294 = vector.extract_strided_slice %get3A_212 {offsets = [6], sizes = [1], strides = [1]} : vector<16xf32> to vector<1xf32>
      %squeeze3A_295 = vector.extract %slice3A_294[0] : f32 from vector<1xf32>
      %mul3A_296 = arith.constant 16 : i32
      %mul3A_297 = arith.muli %scan3A_206, %mul3A_296 : i32
      %add3A_298 = arith.constant 6 : i32
      %add3A_299 = arith.addi %mul3A_297, %add3A_298 : i32
      %get3A_300 = arith.index_cast %add3A_299 : i32 to index
      %get3A_301 = arith.constant 0 : index
      %get3A_302 = tpu.vector_load %arg14[%get3A_300, %get3A_301] {strides = array<i32>} : memref<80x16xf32, #tpu.memory_space<vmem>>, vector<16xf32>,
      %mul3A_303 = vector.broadcast %squeeze3A_295 : f32 to vector<16xf32>
      %mul3A_304 = arith.mulf %get3A_302, %mul3A_303 : vector<16xf32>
      %swap3A_305 = arith.index_cast %add3A_299 : i32 to index
      %swap3A_306 = arith.constant 0 : index
      %swap3A_307 = tpu.vector_load %arg16[%swap3A_305, %swap3A_306] {strides = array<i32>} : memref<80x16xf32, #tpu.memory_space<vmem>>, vector<16xf32>,
      tpu.vector_store %arg16[%swap3A_305, %swap3A_306], %mul3A_304 {strides = array<i32>} : memref<80x16xf32, #tpu.memory_space<vmem>>, vector<16xf32>,
      %slice3A_308 = vector.extract_strided_slice %get3A_212 {offsets = [7], sizes = [1], strides = [1]} : vector<16xf32> to vector<1xf32>
      %squeeze3A_309 = vector.extract %slice3A_308[0] : f32 from vector<1xf32>
      %mul3A_310 = arith.constant 16 : i32
      %mul3A_311 = arith.muli %scan3A_206, %mul3A_310 : i32
      %add3A_312 = arith.constant 7 : i32
      %add3A_313 = arith.addi %mul3A_311, %add3A_312 : i32
      %get3A_314 = arith.index_cast %add3A_313 : i32 to index
      %get3A_315 = arith.constant 0 : index
      %get3A_316 = tpu.vector_load %arg14[%get3A_314, %get3A_315] {strides = array<i32>} : memref<80x16xf32, #tpu.memory_space<vmem>>, vector<16xf32>,
      %mul3A_317 = vector.broadcast %squeeze3A_309 : f32 to vector<16xf32>
      %mul3A_318 = arith.mulf %get3A_316, %mul3A_317 : vector<16xf32>
      %swap3A_319 = arith.index_cast %add3A_313 : i32 to index
      %swap3A_320 = arith.constant 0 : index
      %swap3A_321 = tpu.vector_load %arg16[%swap3A_319, %swap3A_320] {strides = array<i32>} : memref<80x16xf32, #tpu.memory_space<vmem>>, vector<16xf32>,
      tpu.vector_store %arg16[%swap3A_319, %swap3A_320], %mul3A_318 {strides = array<i32>} : memref<80x16xf32, #tpu.memory_space<vmem>>, vector<16xf32>,
      %slice3A_322 = vector.extract_strided_slice %get3A_212 {offsets = [8], sizes = [1], strides = [1]} : vector<16xf32> to vector<1xf32>
      %squeeze3A_323 = vector.extract %slice3A_322[0] : f32 from vector<1xf32>
      %mul3A_324 = arith.constant 16 : i32
      %mul3A_325 = arith.muli %scan3A_206, %mul3A_324 : i32
      %add3A_326 = arith.constant 8 : i32
      %add3A_327 = arith.addi %mul3A_325, %add3A_326 : i32
      %get3A_328 = arith.index_cast %add3A_327 : i32 to index
      %get3A_329 = arith.constant 0 : index
      %get3A_330 = tpu.vector_load %arg14[%get3A_328, %get3A_329] {strides = array<i32>} : memref<80x16xf32, #tpu.memory_space<vmem>>, vector<16xf32>,
      %mul3A_331 = vector.broadcast %squeeze3A_323 : f32 to vector<16xf32>
      %mul3A_332 = arith.mulf %get3A_330, %mul3A_331 : vector<16xf32>
      %swap3A_333 = arith.index_cast %add3A_327 : i32 to index
      %swap3A_334 = arith.constant 0 : index
      %swap3A_335 = tpu.vector_load %arg16[%swap3A_333, %swap3A_334] {strides = array<i32>} : memref<80x16xf32, #tpu.memory_space<vmem>>, vector<16xf32>,
      tpu.vector_store %arg16[%swap3A_333, %swap3A_334], %mul3A_332 {strides = array<i32>} : memref<80x16xf32, #tpu.memory_space<vmem>>, vector<16xf32>,
      %slice3A_336 = vector.extract_strided_slice %get3A_212 {offsets = [9], sizes = [1], strides = [1]} : vector<16xf32> to vector<1xf32>
      %squeeze3A_337 = vector.extract %slice3A_336[0] : f32 from vector<1xf32>
      %mul3A_338 = arith.constant 16 : i32
      %mul3A_339 = arith.muli %scan3A_206, %mul3A_338 : i32
      %add3A_340 = arith.constant 9 : i32
      %add3A_341 = arith.addi %mul3A_339, %add3A_340 : i32
      %get3A_342 = arith.index_cast %add3A_341 : i32 to index
      %get3A_343 = arith.constant 0 : index
      %get3A_344 = tpu.vector_load %arg14[%get3A_342, %get3A_343] {strides = array<i32>} : memref<80x16xf32, #tpu.memory_space<vmem>>, vector<16xf32>,
      %mul3A_345 = vector.broadcast %squeeze3A_337 : f32 to vector<16xf32>
      %mul3A_346 = arith.mulf %get3A_344, %mul3A_345 : vector<16xf32>
      %swap3A_347 = arith.index_cast %add3A_341 : i32 to index
      %swap3A_348 = arith.constant 0 : index
      %swap3A_349 = tpu.vector_load %arg16[%swap3A_347, %swap3A_348] {strides = array<i32>} : memref<80x16xf32, #tpu.memory_space<vmem>>, vector<16xf32>,
      tpu.vector_store %arg16[%swap3A_347, %swap3A_348], %mul3A_346 {strides = array<i32>} : memref<80x16xf32, #tpu.memory_space<vmem>>, vector<16xf32>,
      %slice3A_350 = vector.extract_strided_slice %get3A_212 {offsets = [10], sizes = [1], strides = [1]} : vector<16xf32> to vector<1xf32>
      %squeeze3A_351 = vector.extract %slice3A_350[0] : f32 from vector<1xf32>
      %mul3A_352 = arith.constant 16 : i32
      %mul3A_353 = arith.muli %scan3A_206, %mul3A_352 : i32
      %add3A_354 = arith.constant 10 : i32
      %add3A_355 = arith.addi %mul3A_353, %add3A_354 : i32
      %get3A_356 = arith.index_cast %add3A_355 : i32 to index
      %get3A_357 = arith.constant 0 : index
      %get3A_358 = tpu.vector_load %arg14[%get3A_356, %get3A_357] {strides = array<i32>} : memref<80x16xf32, #tpu.memory_space<vmem>>, vector<16xf32>,
      %mul3A_359 = vector.broadcast %squeeze3A_351 : f32 to vector<16xf32>
      %mul3A_360 = arith.mulf %get3A_358, %mul3A_359 : vector<16xf32>
      %swap3A_361 = arith.index_cast %add3A_355 : i32 to index
      %swap3A_362 = arith.constant 0 : index
      %swap3A_363 = tpu.vector_load %arg16[%swap3A_361, %swap3A_362] {strides = array<i32>} : memref<80x16xf32, #tpu.memory_space<vmem>>, vector<16xf32>,
      tpu.vector_store %arg16[%swap3A_361, %swap3A_362], %mul3A_360 {strides = array<i32>} : memref<80x16xf32, #tpu.memory_space<vmem>>, vector<16xf32>,
      %slice3A_364 = vector.extract_strided_slice %get3A_212 {offsets = [11], sizes = [1], strides = [1]} : vector<16xf32> to vector<1xf32>
      %squeeze3A_365 = vector.extract %slice3A_364[0] : f32 from vector<1xf32>
      %mul3A_366 = arith.constant 16 : i32
      %mul3A_367 = arith.muli %scan3A_206, %mul3A_366 : i32
      %add3A_368 = arith.constant 11 : i32
      %add3A_369 = arith.addi %mul3A_367, %add3A_368 : i32
      %get3A_370 = arith.index_cast %add3A_369 : i32 to index
      %get3A_371 = arith.constant 0 : index
      %get3A_372 = tpu.vector_load %arg14[%get3A_370, %get3A_371] {strides = array<i32>} : memref<80x16xf32, #tpu.memory_space<vmem>>, vector<16xf32>,
      %mul3A_373 = vector.broadcast %squeeze3A_365 : f32 to vector<16xf32>
      %mul3A_374 = arith.mulf %get3A_372, %mul3A_373 : vector<16xf32>
      %swap3A_375 = arith.index_cast %add3A_369 : i32 to index
      %swap3A_376 = arith.constant 0 : index
      %swap3A_377 = tpu.vector_load %arg16[%swap3A_375, %swap3A_376] {strides = array<i32>} : memref<80x16xf32, #tpu.memory_space<vmem>>, vector<16xf32>,
      tpu.vector_store %arg16[%swap3A_375, %swap3A_376], %mul3A_374 {strides = array<i32>} : memref<80x16xf32, #tpu.memory_space<vmem>>, vector<16xf32>,
      %slice3A_378 = vector.extract_strided_slice %get3A_212 {offsets = [12], sizes = [1], strides = [1]} : vector<16xf32> to vector<1xf32>
      %squeeze3A_379 = vector.extract %slice3A_378[0] : f32 from vector<1xf32>
      %mul3A_380 = arith.constant 16 : i32
      %mul3A_381 = arith.muli %scan3A_206, %mul3A_380 : i32
      %add3A_382 = arith.constant 12 : i32
      %add3A_383 = arith.addi %mul3A_381, %add3A_382 : i32
      %get3A_384 = arith.index_cast %add3A_383 : i32 to index
      %get3A_385 = arith.constant 0 : index
      %get3A_386 = tpu.vector_load %arg14[%get3A_384, %get3A_385] {strides = array<i32>} : memref<80x16xf32, #tpu.memory_space<vmem>>, vector<16xf32>,
      %mul3A_387 = vector.broadcast %squeeze3A_379 : f32 to vector<16xf32>
      %mul3A_388 = arith.mulf %get3A_386, %mul3A_387 : vector<16xf32>
      %swap3A_389 = arith.index_cast %add3A_383 : i32 to index
      %swap3A_390 = arith.constant 0 : index
      %swap3A_391 = tpu.vector_load %arg16[%swap3A_389, %swap3A_390] {strides = array<i32>} : memref<80x16xf32, #tpu.memory_space<vmem>>, vector<16xf32>,
      tpu.vector_store %arg16[%swap3A_389, %swap3A_390], %mul3A_388 {strides = array<i32>} : memref<80x16xf32, #tpu.memory_space<vmem>>, vector<16xf32>,
      %slice3A_392 = vector.extract_strided_slice %get3A_212 {offsets = [13], sizes = [1], strides = [1]} : vector<16xf32> to vector<1xf32>
      %squeeze3A_393 = vector.extract %slice3A_392[0] : f32 from vector<1xf32>
      %mul3A_394 = arith.constant 16 : i32
      %mul3A_395 = arith.muli %scan3A_206, %mul3A_394 : i32
      %add3A_396 = arith.constant 13 : i32
      %add3A_397 = arith.addi %mul3A_395, %add3A_396 : i32
      %get3A_398 = arith.index_cast %add3A_397 : i32 to index
      %get3A_399 = arith.constant 0 : index
      %get3A_400 = tpu.vector_load %arg14[%get3A_398, %get3A_399] {strides = array<i32>} : memref<80x16xf32, #tpu.memory_space<vmem>>, vector<16xf32>,
      %mul3A_401 = vector.broadcast %squeeze3A_393 : f32 to vector<16xf32>
      %mul3A_402 = arith.mulf %get3A_400, %mul3A_401 : vector<16xf32>
      %swap3A_403 = arith.index_cast %add3A_397 : i32 to index
      %swap3A_404 = arith.constant 0 : index
      %swap3A_405 = tpu.vector_load %arg16[%swap3A_403, %swap3A_404] {strides = array<i32>} : memref<80x16xf32, #tpu.memory_space<vmem>>, vector<16xf32>,
      tpu.vector_store %arg16[%swap3A_403, %swap3A_404], %mul3A_402 {strides = array<i32>} : memref<80x16xf32, #tpu.memory_space<vmem>>, vector<16xf32>,
      %slice3A_406 = vector.extract_strided_slice %get3A_212 {offsets = [14], sizes = [1], strides = [1]} : vector<16xf32> to vector<1xf32>
      %squeeze3A_407 = vector.extract %slice3A_406[0] : f32 from vector<1xf32>
      %mul3A_408 = arith.constant 16 : i32
      %mul3A_409 = arith.muli %scan3A_206, %mul3A_408 : i32
      %add3A_410 = arith.constant 14 : i32
      %add3A_411 = arith.addi %mul3A_409, %add3A_410 : i32
      %get3A_412 = arith.index_cast %add3A_411 : i32 to index
      %get3A_413 = arith.constant 0 : index
      %get3A_414 = tpu.vector_load %arg14[%get3A_412, %get3A_413] {strides = array<i32>} : memref<80x16xf32, #tpu.memory_space<vmem>>, vector<16xf32>,
      %mul3A_415 = vector.broadcast %squeeze3A_407 : f32 to vector<16xf32>
      %mul3A_416 = arith.mulf %get3A_414, %mul3A_415 : vector<16xf32>
      %swap3A_417 = arith.index_cast %add3A_411 : i32 to index
      %swap3A_418 = arith.constant 0 : index
      %swap3A_419 = tpu.vector_load %arg16[%swap3A_417, %swap3A_418] {strides = array<i32>} : memref<80x16xf32, #tpu.memory_space<vmem>>, vector<16xf32>,
      tpu.vector_store %arg16[%swap3A_417, %swap3A_418], %mul3A_416 {strides = array<i32>} : memref<80x16xf32, #tpu.memory_space<vmem>>, vector<16xf32>,
      %slice3A_420 = vector.extract_strided_slice %get3A_212 {offsets = [15], sizes = [1], strides = [1]} : vector<16xf32> to vector<1xf32>
      %squeeze3A_421 = vector.extract %slice3A_420[0] : f32 from vector<1xf32>
      %mul3A_422 = arith.constant 16 : i32
      %mul3A_423 = arith.muli %scan3A_206, %mul3A_422 : i32
      %add3A_424 = arith.constant 15 : i32
      %add3A_425 = arith.addi %mul3A_423, %add3A_424 : i32
      %get3A_426 = arith.index_cast %add3A_425 : i32 to index
      %get3A_427 = arith.constant 0 : index
      %get3A_428 = tpu.vector_load %arg14[%get3A_426, %get3A_427] {strides = array<i32>} : memref<80x16xf32, #tpu.memory_space<vmem>>, vector<16xf32>,
      %mul3A_429 = vector.broadcast %squeeze3A_421 : f32 to vector<16xf32>
      %mul3A_430 = arith.mulf %get3A_428, %mul3A_429 : vector<16xf32>
      %swap3A_431 = arith.index_cast %add3A_425 : i32 to index
      %swap3A_432 = arith.constant 0 : index
      %swap3A_433 = tpu.vector_load %arg16[%swap3A_431, %swap3A_432] {strides = array<i32>} : memref<80x16xf32, #tpu.memory_space<vmem>>, vector<16xf32>,
      tpu.vector_store %arg16[%swap3A_431, %swap3A_432], %mul3A_430 {strides = array<i32>} : memref<80x16xf32, #tpu.memory_space<vmem>>, vector<16xf32>,
      %scan3A_434 = arith.constant 0 : i32
      scf.yield %scan3A_434 : i32
    }
    %scan3A_151 = arith.constant 5 : i32
    %dma_start3A_152 = arith.constant 124 : i32
    %dma_start3A_153 = arith.constant 0 : i32
    %dma_start3A_154 = tpu.memref_slice %arg10[%dma_start3A_152, %dma_start3A_153] : memref<125x80xi32, #tpu.memory_space<vmem>> -> memref<1x80xi32, #tpu.memory_space<vmem>>
    %dma_start3A_155 = tpu.memref_squeeze %dma_start3A_154 : memref<1x80xi32, #tpu.memory_space<vmem>> -> memref<80xi32, #tpu.memory_space<vmem>>
    %dma_start3A_156 = arith.constant 0 : i32
    %dma_start3A_157 = arith.constant 0 : i32
    %dma_start3A_158 = tpu.memref_slice %arg32[%dma_start3A_156, %dma_start3A_157] : memref<10000x16xf32, #tpu.memory_space<vmem_shared>> -> memref<10000x16xf32, #tpu.memory_space<vmem_shared>>
    tpu.enqueue_indirect_dma source(%arg16 : memref<80x16xf32, #tpu.memory_space<vmem>>) target(%dma_start3A_158 : memref<10000x16xf32, #tpu.memory_space<vmem_shared>>) offsets(%dma_start3A_155 : memref<80xi32, #tpu.memory_space<vmem>>) semaphore(%arg27 : memref<!tpu.dma_semaphore, #tpu.memory_space<semaphore_mem>>) {add = true}
    %dma_start3A_159 = arith.constant 124 : i32
    %dma_start3A_160 = arith.constant 124 : i32
    %dma_start3A_161 = arith.constant 0 : i32
    %dma_start3A_162 = tpu.memref_slice %arg12[%dma_start3A_159, %dma_start3A_161] : memref<125x80xf32, #tpu.memory_space<vmem>> -> memref<1x80xf32, #tpu.memory_space<vmem>>
    %dma_start3A_163 = tpu.memref_squeeze %dma_start3A_162 : memref<1x80xf32, #tpu.memory_space<vmem>> -> memref<80xf32, #tpu.memory_space<vmem>>
    %dma_start3A_164 = arith.constant 0 : i32
    %dma_start3A_165 = tpu.memref_slice %arg9[%dma_start3A_160, %dma_start3A_164] : memref<125x80xi32, #tpu.memory_space<vmem>> -> memref<1x80xi32, #tpu.memory_space<vmem>>
    %dma_start3A_166 = tpu.memref_squeeze %dma_start3A_165 : memref<1x80xi32, #tpu.memory_space<vmem>> -> memref<80xi32, #tpu.memory_space<vmem>>
    %dma_start3A_167 = arith.constant 0 : i32
    %dma_start3A_168 = tpu.memref_slice %arg31[%dma_start3A_167] : memref<10000xf32, #tpu.memory_space<vmem_shared>> -> memref<10000xf32, #tpu.memory_space<vmem_shared>>
    tpu.enqueue_indirect_dma source(%dma_start3A_163 : memref<80xf32, #tpu.memory_space<vmem>>) target(%dma_start3A_168 : memref<10000xf32, #tpu.memory_space<vmem_shared>>) offsets(%dma_start3A_166 : memref<80xi32, #tpu.memory_space<vmem>>) semaphore(%arg29 : memref<!tpu.dma_semaphore, #tpu.memory_space<semaphore_mem>>) {add = true}
    %dma_wait3A_169 = arith.constant 0 : i32
    %dma_wait3A_170 = arith.constant 0 : i32
    %dma_wait3A_171 = tpu.memref_slice %arg10[%dma_wait3A_169, %dma_wait3A_170] : memref<125x80xi32, #tpu.memory_space<vmem>> -> memref<1x80xi32, #tpu.memory_space<vmem>>
    %dma_wait3A_172 = tpu.memref_squeeze %dma_wait3A_171 : memref<1x80xi32, #tpu.memory_space<vmem>> -> memref<80xi32, #tpu.memory_space<vmem>>
    %dma_wait3A_173 = arith.constant 0 : i32
    %dma_wait3A_174 = arith.constant 0 : i32
    %dma_wait3A_175 = tpu.memref_slice %arg32[%dma_wait3A_173, %dma_wait3A_174] : memref<10000x16xf32, #tpu.memory_space<vmem_shared>> -> memref<10000x16xf32, #tpu.memory_space<vmem_shared>>
    tpu.wait_indirect_dma semaphore(%arg27 : memref<!tpu.dma_semaphore, #tpu.memory_space<semaphore_mem>>) src(%arg16 : memref<80x16xf32, #tpu.memory_space<vmem>>) dst(%dma_wait3A_175 : memref<10000x16xf32, #tpu.memory_space<vmem_shared>>)
    %dma_wait3A_176 = arith.constant 0 : i32
    %dma_wait3A_177 = arith.constant 0 : i32
    %dma_wait3A_178 = tpu.memref_slice %arg10[%dma_wait3A_176, %dma_wait3A_177] : memref<125x80xi32, #tpu.memory_space<vmem>> -> memref<1x80xi32, #tpu.memory_space<vmem>>
    %dma_wait3A_179 = tpu.memref_squeeze %dma_wait3A_178 : memref<1x80xi32, #tpu.memory_space<vmem>> -> memref<80xi32, #tpu.memory_space<vmem>>
    %dma_wait3A_180 = arith.constant 0 : i32
    %dma_wait3A_181 = arith.constant 0 : i32
    %dma_wait3A_182 = tpu.memref_slice %arg32[%dma_wait3A_180, %dma_wait3A_181] : memref<10000x16xf32, #tpu.memory_space<vmem_shared>> -> memref<10000x16xf32, #tpu.memory_space<vmem_shared>>
    tpu.wait_indirect_dma semaphore(%arg28 : memref<!tpu.dma_semaphore, #tpu.memory_space<semaphore_mem>>) src(%arg17 : memref<80x16xf32, #tpu.memory_space<vmem>>) dst(%dma_wait3A_182 : memref<10000x16xf32, #tpu.memory_space<vmem_shared>>)
    %scan3A_183 = arith.constant 0 : i32
    %scan3A_184 = arith.constant 0 : i32
    %scan3A_185 = arith.constant 125 : i32
    %scan3A_186 = arith.addi %scan3A_184, %scan3A_185 : i32
    %scan3A_187 = arith.constant 1 : i32
    %scan3A_188 = scf.for %scan3A_206 = %scan3A_184 to %scan3A_186 step %scan3A_187 iter_args(%scan3A_207 = %scan3A_183) -> (i32)  : i32 {
      %dma_wait3A_208 = arith.constant 0 : i32
      %dma_wait3A_209 = arith.constant 0 : i32
      %dma_wait3A_210 = arith.constant 0 : i32
      %dma_wait3A_211 = tpu.memref_slice %arg12[%dma_wait3A_208, %dma_wait3A_210] : memref<125x80xf32, #tpu.memory_space<vmem>> -> memref<1x80xf32, #tpu.memory_space<vmem>>
      %dma_wait3A_212 = tpu.memref_squeeze %dma_wait3A_211 : memref<1x80xf32, #tpu.memory_space<vmem>> -> memref<80xf32, #tpu.memory_space<vmem>>
      %dma_wait3A_213 = arith.constant 0 : i32
      %dma_wait3A_214 = tpu.memref_slice %arg9[%dma_wait3A_209, %dma_wait3A_213] : memref<125x80xi32, #tpu.memory_space<vmem>> -> memref<1x80xi32, #tpu.memory_space<vmem>>
      %dma_wait3A_215 = tpu.memref_squeeze %dma_wait3A_214 : memref<1x80xi32, #tpu.memory_space<vmem>> -> memref<80xi32, #tpu.memory_space<vmem>>
      %dma_wait3A_216 = arith.constant 0 : i32
      %dma_wait3A_217 = tpu.memref_slice %arg31[%dma_wait3A_216] : memref<10000xf32, #tpu.memory_space<vmem_shared>> -> memref<10000xf32, #tpu.memory_space<vmem_shared>>
      tpu.wait_indirect_dma semaphore(%arg29 : memref<!tpu.dma_semaphore, #tpu.memory_space<semaphore_mem>>) src(%dma_wait3A_212 : memref<80xf32, #tpu.memory_space<vmem>>) dst(%dma_wait3A_217 : memref<10000xf32, #tpu.memory_space<vmem_shared>>)
      %scan3A_218 = arith.constant 0 : i32
      scf.yield %scan3A_218 : i32
    }
    %scan3A_189 = arith.constant 125 : i32
    %barrier3A_190 = arith.constant 0 : index
    tpu.barrier barrier_id(%barrier3A_190)
    %mul3A_191 = arith.constant 625 : i32
    %mul3A_192 = arith.muli %arg1, %mul3A_191 : i32
    %mul3A_193 = arith.constant 625 : i32
    %mul3A_194 = arith.muli %arg1, %mul3A_193 : i32
    "tpu.region"() ({
      %run_scoped3A = tpu.sem_alloc : memref<!tpu.dma_semaphore, #tpu.memory_space<semaphore_mem>>
      %dma_start3A_206 = arith.constant 0 : i32
      %dma_start3A_207 = tpu.memref_slice %arg5[%arg0, %mul3A_194, %dma_start3A_206] : memref<2x10000x16xf32, #tpu.memory_space<hbm>> -> memref<1x625x16xf32, #tpu.memory_space<hbm>>
      %dma_start3A_208 = tpu.memref_squeeze %dma_start3A_207 : memref<1x625x16xf32, #tpu.memory_space<hbm>> -> memref<625x16xf32, #tpu.memory_space<hbm>>
      %dma_start3A_209 = arith.constant 0 : i32
      %dma_start3A_210 = tpu.memref_slice %arg32[%mul3A_192, %dma_start3A_209] : memref<10000x16xf32, #tpu.memory_space<vmem_shared>> -> memref<625x16xf32, #tpu.memory_space<vmem_shared>>
      tpu.enqueue_dma source(%dma_start3A_210 : memref<625x16xf32, #tpu.memory_space<vmem_shared>>) target(%dma_start3A_208 : memref<625x16xf32, #tpu.memory_space<hbm>>) target_semaphore(%run_scoped3A : memref<!tpu.dma_semaphore, #tpu.memory_space<semaphore_mem>>)
      %dma_wait3A_211 = arith.constant 0 : i32
      %dma_wait3A_212 = tpu.memref_slice %arg5[%arg0, %mul3A_194, %dma_wait3A_211] : memref<2x10000x16xf32, #tpu.memory_space<hbm>> -> memref<1x625x16xf32, #tpu.memory_space<hbm>>
      %dma_wait3A_213 = tpu.memref_squeeze %dma_wait3A_212 : memref<1x625x16xf32, #tpu.memory_space<hbm>> -> memref<625x16xf32, #tpu.memory_space<hbm>>
      %dma_wait3A_214 = arith.constant 0 : i32
      %dma_wait3A_215 = tpu.memref_slice %arg32[%mul3A_192, %dma_wait3A_214] : memref<10000x16xf32, #tpu.memory_space<vmem_shared>> -> memref<625x16xf32, #tpu.memory_space<vmem_shared>>
      tpu.wait_dma2 semaphore(%run_scoped3A : memref<!tpu.dma_semaphore, #tpu.memory_space<semaphore_mem>>) src(%dma_wait3A_215 : memref<625x16xf32, #tpu.memory_space<vmem_shared>>) dst(%dma_wait3A_213 : memref<625x16xf32, #tpu.memory_space<hbm>>)
      tpu.yield
    }) : () -> ()
    %lt3A_195 = arith.constant 10 : i32
    %lt3A_196 = arith.cmpi slt, %arg1, %lt3A_195 : i32
    %convert_element_type3A_197 = arith.extui %lt3A_196 : i1 to i32
    %cond3A_198 = arith.constant 0 : i32
    %cond3A_199 = arith.cmpi ne, %convert_element_type3A_197, %cond3A_198 : i32
    scf.if %cond3A_199 {
      %mul3A_206 = arith.constant 1000 : i32
      %mul3A_207 = arith.muli %arg1, %mul3A_206 : i32
      %mul3A_208 = arith.constant 1000 : i32
      %mul3A_209 = arith.muli %arg1, %mul3A_208 : i32
      "tpu.region"() ({
        %run_scoped3A = tpu.sem_alloc : memref<!tpu.dma_semaphore, #tpu.memory_space<semaphore_mem>>
        %dma_start3A_210 = tpu.memref_slice %arg6[%arg0, %mul3A_209] : memref<2x10000xf32, #tpu.memory_space<hbm>> -> memref<1x1000xf32, #tpu.memory_space<hbm>>
        %dma_start3A_211 = tpu.memref_squeeze %dma_start3A_210 : memref<1x1000xf32, #tpu.memory_space<hbm>> -> memref<1000xf32, #tpu.memory_space<hbm>>
        %dma_start3A_212 = tpu.memref_slice %arg31[%mul3A_207] : memref<10000xf32, #tpu.memory_space<vmem_shared>> -> memref<1000xf32, #tpu.memory_space<vmem_shared>>
        tpu.enqueue_dma source(%dma_start3A_212 : memref<1000xf32, #tpu.memory_space<vmem_shared>>) target(%dma_start3A_211 : memref<1000xf32, #tpu.memory_space<hbm>>) target_semaphore(%run_scoped3A : memref<!tpu.dma_semaphore, #tpu.memory_space<semaphore_mem>>)
        %dma_wait3A_213 = tpu.memref_slice %arg6[%arg0, %mul3A_209] : memref<2x10000xf32, #tpu.memory_space<hbm>> -> memref<1x1000xf32, #tpu.memory_space<hbm>>
        %dma_wait3A_214 = tpu.memref_squeeze %dma_wait3A_213 : memref<1x1000xf32, #tpu.memory_space<hbm>> -> memref<1000xf32, #tpu.memory_space<hbm>>
        %dma_wait3A_215 = tpu.memref_slice %arg31[%mul3A_207] : memref<10000xf32, #tpu.memory_space<vmem_shared>> -> memref<1000xf32, #tpu.memory_space<vmem_shared>>
        tpu.wait_dma2 semaphore(%run_scoped3A : memref<!tpu.dma_semaphore, #tpu.memory_space<semaphore_mem>>) src(%dma_wait3A_215 : memref<1000xf32, #tpu.memory_space<vmem_shared>>) dst(%dma_wait3A_214 : memref<1000xf32, #tpu.memory_space<hbm>>)
        tpu.yield
      }) : () -> ()
    } else {
    }
    %eq3A = arith.constant 0 : i32
    %eq3A_200 = arith.cmpi eq, %arg0, %eq3A : i32
    %lt3A_201 = arith.constant 10 : i32
    %lt3A_202 = arith.cmpi slt, %arg1, %lt3A_201 : i32
    %and3A = arith.andi %eq3A_200, %lt3A_202 : i1
    %convert_element_type3A_203 = arith.extui %and3A : i1 to i32
    %cond3A_204 = arith.constant 0 : i32
    %cond3A_205 = arith.cmpi ne, %convert_element_type3A_203, %cond3A_204 : i32
    scf.if %cond3A_205 {
      %mul3A_206 = arith.constant 1000 : i32
      %mul3A_207 = arith.muli %arg1, %mul3A_206 : i32
      %mul3A_208 = arith.constant 1000 : i32
      %mul3A_209 = arith.muli %arg1, %mul3A_208 : i32
      "tpu.region"() ({
        %run_scoped3A = tpu.sem_alloc : memref<!tpu.dma_semaphore, #tpu.memory_space<semaphore_mem>>
        %dma_start3A_210 = tpu.memref_slice %arg11[%mul3A_207] : memref<10000xf32, #tpu.memory_space<vmem>> -> memref<1000xf32, #tpu.memory_space<vmem>>
        %dma_start3A_211 = tpu.memref_slice %arg7[%mul3A_209] : memref<10000xf32, #tpu.memory_space<hbm>> -> memref<1000xf32, #tpu.memory_space<hbm>>
        %dma_start3A_212 = tpu.memref_slice %arg7[%mul3A_209] : memref<10000xf32, #tpu.memory_space<hbm>> -> memref<1000xf32, #tpu.memory_space<hbm>>
        %dma_start3A_213 = tpu.memref_slice %arg11[%mul3A_207] : memref<10000xf32, #tpu.memory_space<vmem>> -> memref<1000xf32, #tpu.memory_space<vmem>>
        tpu.enqueue_dma source(%dma_start3A_213 : memref<1000xf32, #tpu.memory_space<vmem>>) target(%dma_start3A_212 : memref<1000xf32, #tpu.memory_space<hbm>>) target_semaphore(%run_scoped3A : memref<!tpu.dma_semaphore, #tpu.memory_space<semaphore_mem>>)
        %dma_wait3A_214 = tpu.memref_slice %arg11[%mul3A_207] : memref<10000xf32, #tpu.memory_space<vmem>> -> memref<1000xf32, #tpu.memory_space<vmem>>
        %dma_wait3A_215 = tpu.memref_slice %arg7[%mul3A_209] : memref<10000xf32, #tpu.memory_space<hbm>> -> memref<1000xf32, #tpu.memory_space<hbm>>
        %dma_wait3A_216 = tpu.memref_slice %arg7[%mul3A_209] : memref<10000xf32, #tpu.memory_space<hbm>> -> memref<1000xf32, #tpu.memory_space<hbm>>
        %dma_wait3A_217 = tpu.memref_slice %arg11[%mul3A_207] : memref<10000xf32, #tpu.memory_space<vmem>> -> memref<1000xf32, #tpu.memory_space<vmem>>
        tpu.wait_dma2 semaphore(%run_scoped3A : memref<!tpu.dma_semaphore, #tpu.memory_space<semaphore_mem>>) src(%dma_wait3A_217 : memref<1000xf32, #tpu.memory_space<vmem>>) dst(%dma_wait3A_216 : memref<1000xf32, #tpu.memory_space<hbm>>)
        tpu.yield
      }) : () -> ()
    } else {
    }
    return
  }
}

#map = affine_map<(d0, d1) -> (0, 0)>
#map1 = affine_map<(d0, d1) -> (0, 0, 0)>
#map2 = affine_map<(d0, d1) -> (0)>
module attributes {stable_mosaic.version = 14 : i64} {
  func.func @_sc_body(%arg0: i32, %arg1: i32, %arg2: memref<10000x24xf32, #tpu.memory_space<hbm>>, %arg3: memref<4000x80xi32, #tpu.memory_space<hbm>>, %arg4: memref<4000x80xi32, #tpu.memory_space<hbm>>, %arg5: memref<2x10000x24xf32, #tpu.memory_space<hbm>>, %arg6: memref<2x10000xf32, #tpu.memory_space<hbm>>, %arg7: memref<10000xf32, #tpu.memory_space<hbm>>, %arg8: memref<250x80xi32, #tpu.memory_space<vmem>>, %arg9: memref<125x80xi32, #tpu.memory_space<vmem>>, %arg10: memref<125x80xi32, #tpu.memory_space<vmem>>, %arg11: memref<10000xf32, #tpu.memory_space<vmem>>, %arg12: memref<125x80xf32, #tpu.memory_space<vmem>>, %arg13: memref<80xf32, #tpu.memory_space<vmem>>, %arg14: memref<80x24xf32, #tpu.memory_space<vmem>>, %arg15: memref<80x24xf32, #tpu.memory_space<vmem>>, %arg16: memref<80x24xf32, #tpu.memory_space<vmem>>, %arg17: memref<80x24xf32, #tpu.memory_space<vmem>>, %arg18: memref<625x24xf32, #tpu.memory_space<vmem>>, %arg19: memref<1024xf32, #tpu.memory_space<vmem>>, %arg20: memref<!tpu.dma_semaphore, #tpu.memory_space<semaphore_mem>>, %arg21: memref<!tpu.dma_semaphore, #tpu.memory_space<semaphore_mem>>, %arg22: memref<!tpu.dma_semaphore, #tpu.memory_space<semaphore_mem>>, %arg23: memref<!tpu.dma_semaphore, #tpu.memory_space<semaphore_mem>>, %arg24: memref<!tpu.dma_semaphore, #tpu.memory_space<semaphore_mem>>, %arg25: memref<!tpu.dma_semaphore, #tpu.memory_space<semaphore_mem>>, %arg26: memref<!tpu.dma_semaphore, #tpu.memory_space<semaphore_mem>>, %arg27: memref<!tpu.dma_semaphore, #tpu.memory_space<semaphore_mem>>, %arg28: memref<!tpu.dma_semaphore, #tpu.memory_space<semaphore_mem>>, %arg29: memref<!tpu.dma_semaphore, #tpu.memory_space<semaphore_mem>>, %arg30: memref<10000xf32, #tpu.memory_space<vmem_shared>>, %arg31: memref<10000xf32, #tpu.memory_space<vmem_shared>>, %arg32: memref<10000x24xf32, #tpu.memory_space<vmem_shared>>, %arg33: memref<10000x24xf32, #tpu.memory_space<vmem_shared>>) attributes {dimension_semantics = [#tpu.dimension_semantics<core_parallel>, #tpu.dimension_semantics<subcore_parallel>], iteration_bounds = array<i64: 2, 16>, scalar_prefetch = 0 : i64, scratch_operands = 26 : i64, tpu.core_type = #tpu.core_type<sc_vector_subcore>, window_params = [{transform_indices = #map}, {transform_indices = #map}, {transform_indices = #map}, {transform_indices = #map1}, {transform_indices = #map}, {transform_indices = #map2}]} {
    %scan3A = arith.constant 0 : i32
    %scan3A_0 = arith.constant 0 : i32
    %scan3A_1 = arith.constant 625 : i32
    %scan3A_2 = arith.addi %scan3A_0, %scan3A_1 : i32
    %scan3A_3 = arith.constant 1 : i32
    %scan3A_4 = scf.for %scan3A_206 = %scan3A_0 to %scan3A_2 step %scan3A_3 iter_args(%scan3A_207 = %scan3A) -> (i32)  : i32 {
      %broadcast_in_dim3A = arith.constant 0.000000e+00 : f32
      %broadcast_in_dim3A_208 = vector.broadcast %broadcast_in_dim3A : f32 to vector<16xf32>
      %swap3A = arith.index_cast %scan3A_206 : i32 to index
      %swap3A_209 = arith.constant 0 : index
      %swap3A_210 = tpu.vector_load %arg18[%swap3A, %swap3A_209] {strides = array<i32>} : memref<625x24xf32, #tpu.memory_space<vmem>>, vector<16xf32>,
      tpu.vector_store %arg18[%swap3A, %swap3A_209], %broadcast_in_dim3A_208 {strides = array<i32>} : memref<625x24xf32, #tpu.memory_space<vmem>>, vector<16xf32>,
      %broadcast_in_dim3A_211 = arith.constant 0.000000e+00 : f32
      %broadcast_in_dim3A_212 = vector.broadcast %broadcast_in_dim3A_211 : f32 to vector<16xf32>
      %swap3A_213 = arith.index_cast %scan3A_206 : i32 to index
      %swap3A_214 = arith.constant 8 : index
      %swap3A_215 = tpu.vector_load %arg18[%swap3A_213, %swap3A_214] {strides = array<i32>} : memref<625x24xf32, #tpu.memory_space<vmem>>, vector<16xf32>,
      tpu.vector_store %arg18[%swap3A_213, %swap3A_214], %broadcast_in_dim3A_212 {strides = array<i32>} : memref<625x24xf32, #tpu.memory_space<vmem>>, vector<16xf32>,
      %scan3A_216 = arith.constant 0 : i32
      scf.yield %scan3A_216 : i32
    }
    %scan3A_5 = arith.constant 625 : i32
    %scan3A_6 = arith.constant 0 : i32
    %scan3A_7 = arith.constant 0 : i32
    %scan3A_8 = arith.constant 64 : i32
    %scan3A_9 = arith.addi %scan3A_7, %scan3A_8 : i32
    %scan3A_10 = arith.constant 1 : i32
    %scan3A_11 = scf.for %scan3A_206 = %scan3A_7 to %scan3A_9 step %scan3A_10 iter_args(%scan3A_207 = %scan3A_6) -> (i32)  : i32 {
      %broadcast_in_dim3A = arith.constant 0.000000e+00 : f32
      %broadcast_in_dim3A_208 = vector.broadcast %broadcast_in_dim3A : f32 to vector<16xf32>
      %mul3A_209 = arith.constant 16 : i32
      %mul3A_210 = arith.muli %scan3A_206, %mul3A_209 : i32
      %swap3A = arith.index_cast %mul3A_210 : i32 to index
      %swap3A_211 = tpu.vector_load %arg19[%swap3A] {strides = array<i32>} : memref<1024xf32, #tpu.memory_space<vmem>>, vector<16xf32>,
      tpu.vector_store %arg19[%swap3A], %broadcast_in_dim3A_208 {strides = array<i32>} : memref<1024xf32, #tpu.memory_space<vmem>>, vector<16xf32>,
      %scan3A_212 = arith.constant 0 : i32
      scf.yield %scan3A_212 : i32
    }
    %scan3A_12 = arith.constant 64 : i32
    %scan3A_13 = arith.constant 0 : i32
    %scan3A_14 = arith.constant 0 : i32
    %scan3A_15 = arith.constant 5 : i32
    %scan3A_16 = arith.addi %scan3A_14, %scan3A_15 : i32
    %scan3A_17 = arith.constant 1 : i32
    %scan3A_18 = scf.for %scan3A_206 = %scan3A_14 to %scan3A_16 step %scan3A_17 iter_args(%scan3A_207 = %scan3A_13) -> (i32)  : i32 {
      %broadcast_in_dim3A = arith.constant 1.000000e+00 : f32
      %broadcast_in_dim3A_208 = vector.broadcast %broadcast_in_dim3A : f32 to vector<16xf32>
      %mul3A_209 = arith.constant 16 : i32
      %mul3A_210 = arith.muli %scan3A_206, %mul3A_209 : i32
      %swap3A = arith.index_cast %mul3A_210 : i32 to index
      %swap3A_211 = tpu.vector_load %arg13[%swap3A] {strides = array<i32>} : memref<80xf32, #tpu.memory_space<vmem>>, vector<16xf32>,
      tpu.vector_store %arg13[%swap3A], %broadcast_in_dim3A_208 {strides = array<i32>} : memref<80xf32, #tpu.memory_space<vmem>>, vector<16xf32>,
      %scan3A_212 = arith.constant 0 : i32
      scf.yield %scan3A_212 : i32
    }
    %scan3A_19 = arith.constant 5 : i32
    %mul3A = arith.constant 625 : i32
    %mul3A_20 = arith.muli %arg1, %mul3A : i32
    %mul3A_21 = arith.constant 1000 : i32
    %mul3A_22 = arith.muli %arg1, %mul3A_21 : i32
    %dma_start3A = arith.constant 0 : i32
    %dma_start3A_23 = tpu.memref_slice %arg32[%mul3A_20, %dma_start3A] : memref<10000x24xf32, #tpu.memory_space<vmem_shared>> -> memref<625x24xf32, #tpu.memory_space<vmem_shared>>
    %dma_start3A_24 = arith.constant 0 : i32
    %dma_start3A_25 = tpu.memref_slice %arg32[%mul3A_20, %dma_start3A_24] : memref<10000x24xf32, #tpu.memory_space<vmem_shared>> -> memref<625x24xf32, #tpu.memory_space<vmem_shared>>
    tpu.enqueue_dma source(%arg18 : memref<625x24xf32, #tpu.memory_space<vmem>>) target(%dma_start3A_25 : memref<625x24xf32, #tpu.memory_space<vmem_shared>>) target_semaphore(%arg21 : memref<!tpu.dma_semaphore, #tpu.memory_space<semaphore_mem>>)
    %dma_start3A_26 = arith.constant 0 : i32
    %dma_start3A_27 = tpu.memref_slice %arg33[%mul3A_20, %dma_start3A_26] : memref<10000x24xf32, #tpu.memory_space<vmem_shared>> -> memref<625x24xf32, #tpu.memory_space<vmem_shared>>
    %dma_start3A_28 = arith.constant 0 : i32
    %dma_start3A_29 = tpu.memref_slice %arg2[%mul3A_20, %dma_start3A_28] : memref<10000x24xf32, #tpu.memory_space<hbm>> -> memref<625x24xf32, #tpu.memory_space<hbm>>
    tpu.enqueue_dma source(%dma_start3A_29 : memref<625x24xf32, #tpu.memory_space<hbm>>) target(%dma_start3A_27 : memref<625x24xf32, #tpu.memory_space<vmem_shared>>) target_semaphore(%arg22 : memref<!tpu.dma_semaphore, #tpu.memory_space<semaphore_mem>>)
    %lt3A = arith.constant 10 : i32
    %lt3A_30 = arith.cmpi slt, %arg1, %lt3A : i32
    %convert_element_type3A = arith.extui %lt3A_30 : i1 to i32
    %cond3A = arith.constant 0 : i32
    %cond3A_31 = arith.cmpi ne, %convert_element_type3A, %cond3A : i32
    scf.if %cond3A_31 {
      %dma_start3A_206 = arith.constant 0 : i32
      %dma_start3A_207 = tpu.memref_slice %arg19[%dma_start3A_206] : memref<1024xf32, #tpu.memory_space<vmem>> -> memref<1000xf32, #tpu.memory_space<vmem>>
      %dma_start3A_208 = tpu.memref_slice %arg30[%mul3A_22] : memref<10000xf32, #tpu.memory_space<vmem_shared>> -> memref<1000xf32, #tpu.memory_space<vmem_shared>>
      %dma_start3A_209 = tpu.memref_slice %arg30[%mul3A_22] : memref<10000xf32, #tpu.memory_space<vmem_shared>> -> memref<1000xf32, #tpu.memory_space<vmem_shared>>
      %dma_start3A_210 = arith.constant 0 : i32
      %dma_start3A_211 = tpu.memref_slice %arg19[%dma_start3A_210] : memref<1024xf32, #tpu.memory_space<vmem>> -> memref<1000xf32, #tpu.memory_space<vmem>>
      tpu.enqueue_dma source(%dma_start3A_211 : memref<1000xf32, #tpu.memory_space<vmem>>) target(%dma_start3A_209 : memref<1000xf32, #tpu.memory_space<vmem_shared>>) target_semaphore(%arg20 : memref<!tpu.dma_semaphore, #tpu.memory_space<semaphore_mem>>)
      %dma_start3A_212 = arith.constant 0 : i32
      %dma_start3A_213 = tpu.memref_slice %arg19[%dma_start3A_212] : memref<1024xf32, #tpu.memory_space<vmem>> -> memref<1000xf32, #tpu.memory_space<vmem>>
      %dma_start3A_214 = tpu.memref_slice %arg31[%mul3A_22] : memref<10000xf32, #tpu.memory_space<vmem_shared>> -> memref<1000xf32, #tpu.memory_space<vmem_shared>>
      %dma_start3A_215 = tpu.memref_slice %arg31[%mul3A_22] : memref<10000xf32, #tpu.memory_space<vmem_shared>> -> memref<1000xf32, #tpu.memory_space<vmem_shared>>
      %dma_start3A_216 = arith.constant 0 : i32
      %dma_start3A_217 = tpu.memref_slice %arg19[%dma_start3A_216] : memref<1024xf32, #tpu.memory_space<vmem>> -> memref<1000xf32, #tpu.memory_space<vmem>>
      tpu.enqueue_dma source(%dma_start3A_217 : memref<1000xf32, #tpu.memory_space<vmem>>) target(%dma_start3A_215 : memref<1000xf32, #tpu.memory_space<vmem_shared>>) target_semaphore(%arg21 : memref<!tpu.dma_semaphore, #tpu.memory_space<semaphore_mem>>)
    } else {
    }
    %mul3A_32 = arith.constant 250 : i32
    %mul3A_33 = arith.muli %arg1, %mul3A_32 : i32
    %dma_start3A_34 = arith.constant 0 : i32
    %dma_start3A_35 = tpu.memref_slice %arg4[%mul3A_33, %dma_start3A_34] : memref<4000x80xi32, #tpu.memory_space<hbm>> -> memref<250x80xi32, #tpu.memory_space<hbm>>
    %dma_start3A_36 = arith.constant 0 : i32
    %dma_start3A_37 = tpu.memref_slice %arg4[%mul3A_33, %dma_start3A_36] : memref<4000x80xi32, #tpu.memory_space<hbm>> -> memref<250x80xi32, #tpu.memory_space<hbm>>
    tpu.enqueue_dma source(%dma_start3A_37 : memref<250x80xi32, #tpu.memory_space<hbm>>) target(%arg8 : memref<250x80xi32, #tpu.memory_space<vmem>>) target_semaphore(%arg23 : memref<!tpu.dma_semaphore, #tpu.memory_space<semaphore_mem>>)
    %mul3A_38 = arith.constant 2000 : i32
    %mul3A_39 = arith.muli %arg0, %mul3A_38 : i32
    %mul3A_40 = arith.constant 125 : i32
    %mul3A_41 = arith.muli %arg1, %mul3A_40 : i32
    %add3A = arith.addi %mul3A_39, %mul3A_41 : i32
    %dma_start3A_42 = arith.constant 0 : i32
    %dma_start3A_43 = tpu.memref_slice %arg3[%add3A, %dma_start3A_42] : memref<4000x80xi32, #tpu.memory_space<hbm>> -> memref<125x80xi32, #tpu.memory_space<hbm>>
    %dma_start3A_44 = arith.constant 0 : i32
    %dma_start3A_45 = tpu.memref_slice %arg3[%add3A, %dma_start3A_44] : memref<4000x80xi32, #tpu.memory_space<hbm>> -> memref<125x80xi32, #tpu.memory_space<hbm>>
    tpu.enqueue_dma source(%dma_start3A_45 : memref<125x80xi32, #tpu.memory_space<hbm>>) target(%arg9 : memref<125x80xi32, #tpu.memory_space<vmem>>) target_semaphore(%arg23 : memref<!tpu.dma_semaphore, #tpu.memory_space<semaphore_mem>>)
    %dma_start3A_46 = arith.constant 0 : i32
    %dma_start3A_47 = tpu.memref_slice %arg4[%add3A, %dma_start3A_46] : memref<4000x80xi32, #tpu.memory_space<hbm>> -> memref<125x80xi32, #tpu.memory_space<hbm>>
    %dma_start3A_48 = arith.constant 0 : i32
    %dma_start3A_49 = tpu.memref_slice %arg4[%add3A, %dma_start3A_48] : memref<4000x80xi32, #tpu.memory_space<hbm>> -> memref<125x80xi32, #tpu.memory_space<hbm>>
    tpu.enqueue_dma source(%dma_start3A_49 : memref<125x80xi32, #tpu.memory_space<hbm>>) target(%arg10 : memref<125x80xi32, #tpu.memory_space<vmem>>) target_semaphore(%arg23 : memref<!tpu.dma_semaphore, #tpu.memory_space<semaphore_mem>>)
    %lt3A_50 = arith.constant 10 : i32
    %lt3A_51 = arith.cmpi slt, %arg1, %lt3A_50 : i32
    %convert_element_type3A_52 = arith.extui %lt3A_51 : i1 to i32
    %cond3A_53 = arith.constant 0 : i32
    %cond3A_54 = arith.cmpi ne, %convert_element_type3A_52, %cond3A_53 : i32
    scf.if %cond3A_54 {
      %dma_wait3A_206 = arith.constant 0 : i32
      %dma_wait3A_207 = tpu.memref_slice %arg19[%dma_wait3A_206] : memref<1024xf32, #tpu.memory_space<vmem>> -> memref<1000xf32, #tpu.memory_space<vmem>>
      %dma_wait3A_208 = tpu.memref_slice %arg30[%mul3A_22] : memref<10000xf32, #tpu.memory_space<vmem_shared>> -> memref<1000xf32, #tpu.memory_space<vmem_shared>>
      %dma_wait3A_209 = tpu.memref_slice %arg30[%mul3A_22] : memref<10000xf32, #tpu.memory_space<vmem_shared>> -> memref<1000xf32, #tpu.memory_space<vmem_shared>>
      %dma_wait3A_210 = arith.constant 0 : i32
      %dma_wait3A_211 = tpu.memref_slice %arg19[%dma_wait3A_210] : memref<1024xf32, #tpu.memory_space<vmem>> -> memref<1000xf32, #tpu.memory_space<vmem>>
      tpu.wait_dma2 semaphore(%arg20 : memref<!tpu.dma_semaphore, #tpu.memory_space<semaphore_mem>>) src(%dma_wait3A_211 : memref<1000xf32, #tpu.memory_space<vmem>>) dst(%dma_wait3A_209 : memref<1000xf32, #tpu.memory_space<vmem_shared>>)
    } else {
    }
    %barrier3A = arith.constant 0 : index
    tpu.barrier barrier_id(%barrier3A)
    %mul3A_55 = arith.constant 250 : i32
    %mul3A_56 = arith.muli %arg1, %mul3A_55 : i32
    %dma_wait3A = arith.constant 0 : i32
    %dma_wait3A_57 = tpu.memref_slice %arg4[%mul3A_56, %dma_wait3A] : memref<4000x80xi32, #tpu.memory_space<hbm>> -> memref<250x80xi32, #tpu.memory_space<hbm>>
    %dma_wait3A_58 = arith.constant 0 : i32
    %dma_wait3A_59 = tpu.memref_slice %arg4[%mul3A_56, %dma_wait3A_58] : memref<4000x80xi32, #tpu.memory_space<hbm>> -> memref<250x80xi32, #tpu.memory_space<hbm>>
    tpu.wait_dma2 semaphore(%arg23 : memref<!tpu.dma_semaphore, #tpu.memory_space<semaphore_mem>>) src(%dma_wait3A_59 : memref<250x80xi32, #tpu.memory_space<hbm>>) dst(%arg8 : memref<250x80xi32, #tpu.memory_space<vmem>>)
    %dma_wait3A_60 = arith.constant 0 : i32
    %dma_wait3A_61 = tpu.memref_slice %arg3[%add3A, %dma_wait3A_60] : memref<4000x80xi32, #tpu.memory_space<hbm>> -> memref<125x80xi32, #tpu.memory_space<hbm>>
    %dma_wait3A_62 = arith.constant 0 : i32
    %dma_wait3A_63 = tpu.memref_slice %arg3[%add3A, %dma_wait3A_62] : memref<4000x80xi32, #tpu.memory_space<hbm>> -> memref<125x80xi32, #tpu.memory_space<hbm>>
    tpu.wait_dma2 semaphore(%arg23 : memref<!tpu.dma_semaphore, #tpu.memory_space<semaphore_mem>>) src(%dma_wait3A_63 : memref<125x80xi32, #tpu.memory_space<hbm>>) dst(%arg9 : memref<125x80xi32, #tpu.memory_space<vmem>>)
    %dma_wait3A_64 = arith.constant 0 : i32
    %dma_wait3A_65 = tpu.memref_slice %arg4[%add3A, %dma_wait3A_64] : memref<4000x80xi32, #tpu.memory_space<hbm>> -> memref<125x80xi32, #tpu.memory_space<hbm>>
    %dma_wait3A_66 = arith.constant 0 : i32
    %dma_wait3A_67 = tpu.memref_slice %arg4[%add3A, %dma_wait3A_66] : memref<4000x80xi32, #tpu.memory_space<hbm>> -> memref<125x80xi32, #tpu.memory_space<hbm>>
    tpu.wait_dma2 semaphore(%arg23 : memref<!tpu.dma_semaphore, #tpu.memory_space<semaphore_mem>>) src(%dma_wait3A_67 : memref<125x80xi32, #tpu.memory_space<hbm>>) dst(%arg10 : memref<125x80xi32, #tpu.memory_space<vmem>>)
    %scan3A_68 = arith.constant 0 : i32
    %scan3A_69 = arith.constant 0 : i32
    %scan3A_70 = arith.constant 250 : i32
    %scan3A_71 = arith.addi %scan3A_69, %scan3A_70 : i32
    %scan3A_72 = arith.constant 1 : i32
    %scan3A_73 = scf.for %scan3A_206 = %scan3A_69 to %scan3A_71 step %scan3A_72 iter_args(%scan3A_207 = %scan3A_68) -> (i32)  : i32 {
      %dma_start3A_208 = arith.constant 0 : i32
      %dma_start3A_209 = tpu.memref_slice %arg8[%scan3A_206, %dma_start3A_208] : memref<250x80xi32, #tpu.memory_space<vmem>> -> memref<1x80xi32, #tpu.memory_space<vmem>>
      %dma_start3A_210 = tpu.memref_squeeze %dma_start3A_209 : memref<1x80xi32, #tpu.memory_space<vmem>> -> memref<80xi32, #tpu.memory_space<vmem>>
      %dma_start3A_211 = arith.constant 0 : i32
      %dma_start3A_212 = tpu.memref_slice %arg30[%dma_start3A_211] : memref<10000xf32, #tpu.memory_space<vmem_shared>> -> memref<10000xf32, #tpu.memory_space<vmem_shared>>
      tpu.enqueue_indirect_dma source(%arg13 : memref<80xf32, #tpu.memory_space<vmem>>) target(%dma_start3A_212 : memref<10000xf32, #tpu.memory_space<vmem_shared>>) offsets(%dma_start3A_210 : memref<80xi32, #tpu.memory_space<vmem>>) semaphore(%arg24 : memref<!tpu.dma_semaphore, #tpu.memory_space<semaphore_mem>>) {add = true}
      %ge3A = arith.constant 8 : i32
      %ge3A_213 = arith.cmpi sge, %scan3A_206, %ge3A : i32
      %convert_element_type3A_214 = arith.extui %ge3A_213 : i1 to i32
      %cond3A_215 = arith.constant 0 : i32
      %cond3A_216 = arith.cmpi ne, %convert_element_type3A_214, %cond3A_215 : i32
      scf.if %cond3A_216 {
        %dma_wait3A_218 = arith.constant 0 : i32
        %dma_wait3A_219 = arith.constant 0 : i32
        %dma_wait3A_220 = tpu.memref_slice %arg8[%dma_wait3A_218, %dma_wait3A_219] : memref<250x80xi32, #tpu.memory_space<vmem>> -> memref<1x80xi32, #tpu.memory_space<vmem>>
        %dma_wait3A_221 = tpu.memref_squeeze %dma_wait3A_220 : memref<1x80xi32, #tpu.memory_space<vmem>> -> memref<80xi32, #tpu.memory_space<vmem>>
        %dma_wait3A_222 = arith.constant 0 : i32
        %dma_wait3A_223 = tpu.memref_slice %arg30[%dma_wait3A_222] : memref<10000xf32, #tpu.memory_space<vmem_shared>> -> memref<10000xf32, #tpu.memory_space<vmem_shared>>
        tpu.wait_indirect_dma semaphore(%arg24 : memref<!tpu.dma_semaphore, #tpu.memory_space<semaphore_mem>>) src(%arg13 : memref<80xf32, #tpu.memory_space<vmem>>) dst(%dma_wait3A_223 : memref<10000xf32, #tpu.memory_space<vmem_shared>>)
      } else {
      }
      %scan3A_217 = arith.constant 0 : i32
      scf.yield %scan3A_217 : i32
    }
    %scan3A_74 = arith.constant 250 : i32
    %scan3A_75 = arith.constant 0 : i32
    %scan3A_76 = arith.constant 0 : i32
    %scan3A_77 = arith.constant 8 : i32
    %scan3A_78 = arith.addi %scan3A_76, %scan3A_77 : i32
    %scan3A_79 = arith.constant 1 : i32
    %scan3A_80 = scf.for %scan3A_206 = %scan3A_76 to %scan3A_78 step %scan3A_79 iter_args(%scan3A_207 = %scan3A_75) -> (i32)  : i32 {
      %dma_wait3A_208 = arith.constant 0 : i32
      %dma_wait3A_209 = arith.constant 0 : i32
      %dma_wait3A_210 = tpu.memref_slice %arg8[%dma_wait3A_208, %dma_wait3A_209] : memref<250x80xi32, #tpu.memory_space<vmem>> -> memref<1x80xi32, #tpu.memory_space<vmem>>
      %dma_wait3A_211 = tpu.memref_squeeze %dma_wait3A_210 : memref<1x80xi32, #tpu.memory_space<vmem>> -> memref<80xi32, #tpu.memory_space<vmem>>
      %dma_wait3A_212 = arith.constant 0 : i32
      %dma_wait3A_213 = tpu.memref_slice %arg30[%dma_wait3A_212] : memref<10000xf32, #tpu.memory_space<vmem_shared>> -> memref<10000xf32, #tpu.memory_space<vmem_shared>>
      tpu.wait_indirect_dma semaphore(%arg24 : memref<!tpu.dma_semaphore, #tpu.memory_space<semaphore_mem>>) src(%arg13 : memref<80xf32, #tpu.memory_space<vmem>>) dst(%dma_wait3A_213 : memref<10000xf32, #tpu.memory_space<vmem_shared>>)
      %scan3A_214 = arith.constant 0 : i32
      scf.yield %scan3A_214 : i32
    }
    %scan3A_81 = arith.constant 8 : i32
    %dma_wait3A_82 = arith.constant 0 : i32
    %dma_wait3A_83 = tpu.memref_slice %arg32[%mul3A_20, %dma_wait3A_82] : memref<10000x24xf32, #tpu.memory_space<vmem_shared>> -> memref<625x24xf32, #tpu.memory_space<vmem_shared>>
    %dma_wait3A_84 = arith.constant 0 : i32
    %dma_wait3A_85 = tpu.memref_slice %arg32[%mul3A_20, %dma_wait3A_84] : memref<10000x24xf32, #tpu.memory_space<vmem_shared>> -> memref<625x24xf32, #tpu.memory_space<vmem_shared>>
    tpu.wait_dma2 semaphore(%arg21 : memref<!tpu.dma_semaphore, #tpu.memory_space<semaphore_mem>>) src(%arg18 : memref<625x24xf32, #tpu.memory_space<vmem>>) dst(%dma_wait3A_85 : memref<625x24xf32, #tpu.memory_space<vmem_shared>>)
    %dma_wait3A_86 = arith.constant 0 : i32
    %dma_wait3A_87 = tpu.memref_slice %arg33[%mul3A_20, %dma_wait3A_86] : memref<10000x24xf32, #tpu.memory_space<vmem_shared>> -> memref<625x24xf32, #tpu.memory_space<vmem_shared>>
    %dma_wait3A_88 = arith.constant 0 : i32
    %dma_wait3A_89 = tpu.memref_slice %arg2[%mul3A_20, %dma_wait3A_88] : memref<10000x24xf32, #tpu.memory_space<hbm>> -> memref<625x24xf32, #tpu.memory_space<hbm>>
    tpu.wait_dma2 semaphore(%arg22 : memref<!tpu.dma_semaphore, #tpu.memory_space<semaphore_mem>>) src(%dma_wait3A_89 : memref<625x24xf32, #tpu.memory_space<hbm>>) dst(%dma_wait3A_87 : memref<625x24xf32, #tpu.memory_space<vmem_shared>>)
    %lt3A_90 = arith.constant 10 : i32
    %lt3A_91 = arith.cmpi slt, %arg1, %lt3A_90 : i32
    %convert_element_type3A_92 = arith.extui %lt3A_91 : i1 to i32
    %cond3A_93 = arith.constant 0 : i32
    %cond3A_94 = arith.cmpi ne, %convert_element_type3A_92, %cond3A_93 : i32
    scf.if %cond3A_94 {
      %dma_wait3A_206 = arith.constant 0 : i32
      %dma_wait3A_207 = tpu.memref_slice %arg19[%dma_wait3A_206] : memref<1024xf32, #tpu.memory_space<vmem>> -> memref<1000xf32, #tpu.memory_space<vmem>>
      %dma_wait3A_208 = tpu.memref_slice %arg31[%mul3A_22] : memref<10000xf32, #tpu.memory_space<vmem_shared>> -> memref<1000xf32, #tpu.memory_space<vmem_shared>>
      %dma_wait3A_209 = tpu.memref_slice %arg31[%mul3A_22] : memref<10000xf32, #tpu.memory_space<vmem_shared>> -> memref<1000xf32, #tpu.memory_space<vmem_shared>>
      %dma_wait3A_210 = arith.constant 0 : i32
      %dma_wait3A_211 = tpu.memref_slice %arg19[%dma_wait3A_210] : memref<1024xf32, #tpu.memory_space<vmem>> -> memref<1000xf32, #tpu.memory_space<vmem>>
      tpu.wait_dma2 semaphore(%arg21 : memref<!tpu.dma_semaphore, #tpu.memory_space<semaphore_mem>>) src(%dma_wait3A_211 : memref<1000xf32, #tpu.memory_space<vmem>>) dst(%dma_wait3A_209 : memref<1000xf32, #tpu.memory_space<vmem_shared>>)
    } else {
    }
    %barrier3A_95 = arith.constant 0 : index
    tpu.barrier barrier_id(%barrier3A_95)
    "tpu.region"() ({
      %run_scoped3A = tpu.sem_alloc : memref<!tpu.dma_semaphore, #tpu.memory_space<semaphore_mem>>
      tpu.enqueue_dma source(%arg30 : memref<10000xf32, #tpu.memory_space<vmem_shared>>) target(%arg11 : memref<10000xf32, #tpu.memory_space<vmem>>) target_semaphore(%run_scoped3A : memref<!tpu.dma_semaphore, #tpu.memory_space<semaphore_mem>>)
      tpu.wait_dma2 semaphore(%run_scoped3A : memref<!tpu.dma_semaphore, #tpu.memory_space<semaphore_mem>>) src(%arg30 : memref<10000xf32, #tpu.memory_space<vmem_shared>>) dst(%arg11 : memref<10000xf32, #tpu.memory_space<vmem>>)
      tpu.yield
    }) : () -> ()
    %scan3A_96 = arith.constant 0 : i32
    %scan3A_97 = arith.constant 0 : i32
    %scan3A_98 = arith.constant 625 : i32
    %scan3A_99 = arith.addi %scan3A_97, %scan3A_98 : i32
    %scan3A_100 = arith.constant 1 : i32
    %scan3A_101 = scf.for %scan3A_206 = %scan3A_97 to %scan3A_99 step %scan3A_100 iter_args(%scan3A_207 = %scan3A_96) -> (i32)  : i32 {
      %mul3A_208 = arith.constant 16 : i32
      %mul3A_209 = arith.muli %scan3A_206, %mul3A_208 : i32
      %get3A = arith.index_cast %mul3A_209 : i32 to index
      %get3A_210 = tpu.vector_load %arg11[%get3A] {strides = array<i32>} : memref<10000xf32, #tpu.memory_space<vmem>>, vector<16xf32>,
      %add3A_211 = arith.constant 1.000000e+00 : f32
      %add3A_212 = vector.broadcast %add3A_211 : f32 to vector<16xf32>
      %add3A_213 = arith.addf %get3A_210, %add3A_212 : vector<16xf32>
      %bitcast3A = vector.bitcast %add3A_213 : vector<16xf32> to vector<16xi32>
      %shift_right_arithmetic3A = arith.constant 1 : i32
      %shift_right_arithmetic3A_214 = vector.broadcast %shift_right_arithmetic3A : i32 to vector<16xi32>
      %shift_right_arithmetic3A_215 = arith.shrsi %bitcast3A, %shift_right_arithmetic3A_214 : vector<16xi32>
      %sub3A = arith.constant 1597463007 : i32
      %sub3A_216 = vector.broadcast %sub3A : i32 to vector<16xi32>
      %sub3A_217 = arith.subi %sub3A_216, %shift_right_arithmetic3A_215 : vector<16xi32>
      %bitcast3A_218 = vector.bitcast %sub3A_217 : vector<16xi32> to vector<16xf32>
      %mul3A_219 = arith.constant 5.000000e-01 : f32
      %mul3A_220 = vector.broadcast %mul3A_219 : f32 to vector<16xf32>
      %mul3A_221 = arith.mulf %mul3A_220, %add3A_213 : vector<16xf32>
      %mul3A_222 = arith.mulf %mul3A_221, %bitcast3A_218 : vector<16xf32>
      %mul3A_223 = arith.mulf %mul3A_222, %bitcast3A_218 : vector<16xf32>
      %sub3A_224 = arith.constant 1.500000e+00 : f32
      %sub3A_225 = vector.broadcast %sub3A_224 : f32 to vector<16xf32>
      %sub3A_226 = arith.subf %sub3A_225, %mul3A_223 : vector<16xf32>
      %mul3A_227 = arith.mulf %bitcast3A_218, %sub3A_226 : vector<16xf32>
      %mul3A_228 = arith.constant 5.000000e-01 : f32
      %mul3A_229 = vector.broadcast %mul3A_228 : f32 to vector<16xf32>
      %mul3A_230 = arith.mulf %mul3A_229, %add3A_213 : vector<16xf32>
      %mul3A_231 = arith.mulf %mul3A_230, %mul3A_227 : vector<16xf32>
      %mul3A_232 = arith.mulf %mul3A_231, %mul3A_227 : vector<16xf32>
      %sub3A_233 = arith.constant 1.500000e+00 : f32
      %sub3A_234 = vector.broadcast %sub3A_233 : f32 to vector<16xf32>
      %sub3A_235 = arith.subf %sub3A_234, %mul3A_232 : vector<16xf32>
      %mul3A_236 = arith.mulf %mul3A_227, %sub3A_235 : vector<16xf32>
      %mul3A_237 = arith.constant 5.000000e-01 : f32
      %mul3A_238 = vector.broadcast %mul3A_237 : f32 to vector<16xf32>
      %mul3A_239 = arith.mulf %mul3A_238, %add3A_213 : vector<16xf32>
      %mul3A_240 = arith.mulf %mul3A_239, %mul3A_236 : vector<16xf32>
      %mul3A_241 = arith.mulf %mul3A_240, %mul3A_236 : vector<16xf32>
      %sub3A_242 = arith.constant 1.500000e+00 : f32
      %sub3A_243 = vector.broadcast %sub3A_242 : f32 to vector<16xf32>
      %sub3A_244 = arith.subf %sub3A_243, %mul3A_241 : vector<16xf32>
      %mul3A_245 = arith.mulf %mul3A_236, %sub3A_244 : vector<16xf32>
      %mul3A_246 = arith.constant 16 : i32
      %mul3A_247 = arith.muli %scan3A_206, %mul3A_246 : i32
      %swap3A = arith.index_cast %mul3A_247 : i32 to index
      %swap3A_248 = tpu.vector_load %arg11[%swap3A] {strides = array<i32>} : memref<10000xf32, #tpu.memory_space<vmem>>, vector<16xf32>,
      tpu.vector_store %arg11[%swap3A], %mul3A_245 {strides = array<i32>} : memref<10000xf32, #tpu.memory_space<vmem>>, vector<16xf32>,
      %scan3A_249 = arith.constant 0 : i32
      scf.yield %scan3A_249 : i32
    }
    %scan3A_102 = arith.constant 625 : i32
    %scan3A_103 = arith.constant 0 : i32
    %scan3A_104 = arith.constant 0 : i32
    %scan3A_105 = arith.constant 125 : i32
    %scan3A_106 = arith.addi %scan3A_104, %scan3A_105 : i32
    %scan3A_107 = arith.constant 1 : i32
    %scan3A_108 = scf.for %scan3A_206 = %scan3A_104 to %scan3A_106 step %scan3A_107 iter_args(%scan3A_207 = %scan3A_103) -> (i32)  : i32 {
      %scan3A_208 = arith.constant 0 : i32
      %scan3A_209 = arith.constant 0 : i32
      %scan3A_210 = arith.constant 5 : i32
      %scan3A_211 = arith.addi %scan3A_209, %scan3A_210 : i32
      %scan3A_212 = arith.constant 1 : i32
      %scan3A_213 = scf.for %scan3A_216 = %scan3A_209 to %scan3A_211 step %scan3A_212 iter_args(%scan3A_217 = %scan3A_208) -> (i32)  : i32 {
        %mul3A_218 = arith.constant 16 : i32
        %mul3A_219 = arith.muli %scan3A_216, %mul3A_218 : i32
        %get3A = arith.index_cast %scan3A_206 : i32 to index
        %get3A_220 = arith.index_cast %mul3A_219 : i32 to index
        %get3A_221 = tpu.vector_load %arg9[%get3A, %get3A_220] {strides = array<i32>} : memref<125x80xi32, #tpu.memory_space<vmem>>, vector<16xi32>,
        %mul3A_222 = arith.constant 16 : i32
        %mul3A_223 = arith.muli %scan3A_216, %mul3A_222 : i32
        %get3A_224 = arith.index_cast %scan3A_206 : i32 to index
        %get3A_225 = arith.index_cast %mul3A_223 : i32 to index
        %get3A_226 = tpu.vector_load %arg10[%get3A_224, %get3A_225] {strides = array<i32>} : memref<125x80xi32, #tpu.memory_space<vmem>>, vector<16xi32>,
        %gather3A = tpu.vector_load_idx %arg11[%get3A_221] : memref<10000xf32, #tpu.memory_space<vmem>>[vector<16xi32>], vector<16xf32>,
        %gather3A_227 = tpu.vector_load_idx %arg11[%get3A_226] : memref<10000xf32, #tpu.memory_space<vmem>>[vector<16xi32>], vector<16xf32>,
        %mul3A_228 = arith.mulf %gather3A, %gather3A_227 : vector<16xf32>
        %mul3A_229 = arith.constant 16 : i32
        %mul3A_230 = arith.muli %scan3A_216, %mul3A_229 : i32
        %swap3A = arith.index_cast %scan3A_206 : i32 to index
        %swap3A_231 = arith.index_cast %mul3A_230 : i32 to index
        %swap3A_232 = tpu.vector_load %arg12[%swap3A, %swap3A_231] {strides = array<i32>} : memref<125x80xf32, #tpu.memory_space<vmem>>, vector<16xf32>,
        tpu.vector_store %arg12[%swap3A, %swap3A_231], %mul3A_228 {strides = array<i32>} : memref<125x80xf32, #tpu.memory_space<vmem>>, vector<16xf32>,
        %scan3A_233 = arith.constant 0 : i32
        scf.yield %scan3A_233 : i32
      }
      %scan3A_214 = arith.constant 5 : i32
      %scan3A_215 = arith.constant 0 : i32
      scf.yield %scan3A_215 : i32
    }
    %scan3A_109 = arith.constant 125 : i32
    %dma_start3A_110 = arith.constant 0 : i32
    %dma_start3A_111 = arith.constant 0 : i32
    %dma_start3A_112 = tpu.memref_slice %arg9[%dma_start3A_110, %dma_start3A_111] : memref<125x80xi32, #tpu.memory_space<vmem>> -> memref<1x80xi32, #tpu.memory_space<vmem>>
    %dma_start3A_113 = tpu.memref_squeeze %dma_start3A_112 : memref<1x80xi32, #tpu.memory_space<vmem>> -> memref<80xi32, #tpu.memory_space<vmem>>
    %dma_start3A_114 = arith.constant 0 : i32
    %dma_start3A_115 = arith.constant 0 : i32
    %dma_start3A_116 = tpu.memref_slice %arg33[%dma_start3A_114, %dma_start3A_115] : memref<10000x24xf32, #tpu.memory_space<vmem_shared>> -> memref<10000x24xf32, #tpu.memory_space<vmem_shared>>
    tpu.enqueue_indirect_dma source(%dma_start3A_116 : memref<10000x24xf32, #tpu.memory_space<vmem_shared>>) target(%arg14 : memref<80x24xf32, #tpu.memory_space<vmem>>) offsets(%dma_start3A_113 : memref<80xi32, #tpu.memory_space<vmem>>) semaphore(%arg25 : memref<!tpu.dma_semaphore, #tpu.memory_space<semaphore_mem>>)
    %dma_start3A_117 = arith.constant 1 : i32
    %dma_start3A_118 = arith.constant 0 : i32
    %dma_start3A_119 = tpu.memref_slice %arg9[%dma_start3A_117, %dma_start3A_118] : memref<125x80xi32, #tpu.memory_space<vmem>> -> memref<1x80xi32, #tpu.memory_space<vmem>>
    %dma_start3A_120 = tpu.memref_squeeze %dma_start3A_119 : memref<1x80xi32, #tpu.memory_space<vmem>> -> memref<80xi32, #tpu.memory_space<vmem>>
    %dma_start3A_121 = arith.constant 0 : i32
    %dma_start3A_122 = arith.constant 0 : i32
    %dma_start3A_123 = tpu.memref_slice %arg33[%dma_start3A_121, %dma_start3A_122] : memref<10000x24xf32, #tpu.memory_space<vmem_shared>> -> memref<10000x24xf32, #tpu.memory_space<vmem_shared>>
    tpu.enqueue_indirect_dma source(%dma_start3A_123 : memref<10000x24xf32, #tpu.memory_space<vmem_shared>>) target(%arg15 : memref<80x24xf32, #tpu.memory_space<vmem>>) offsets(%dma_start3A_120 : memref<80xi32, #tpu.memory_space<vmem>>) semaphore(%arg26 : memref<!tpu.dma_semaphore, #tpu.memory_space<semaphore_mem>>)
    %scan3A_124 = arith.constant 0 : i32
    %scan3A_125 = arith.constant 0 : i32
    %scan3A_126 = arith.constant 62 : i32
    %scan3A_127 = arith.addi %scan3A_125, %scan3A_126 : i32
    %scan3A_128 = arith.constant 1 : i32
    %scan3A_129 = scf.for %scan3A_206 = %scan3A_125 to %scan3A_127 step %scan3A_128 iter_args(%scan3A_207 = %scan3A_124) -> (i32)  : i32 {
      %mul3A_208 = arith.constant 2 : i32
      %mul3A_209 = arith.muli %mul3A_208, %scan3A_206 : i32
      %add3A_210 = arith.constant 0 : i32
      %add3A_211 = arith.addi %mul3A_209, %add3A_210 : i32
      %dma_wait3A_212 = arith.constant 0 : i32
      %dma_wait3A_213 = tpu.memref_slice %arg9[%add3A_211, %dma_wait3A_212] : memref<125x80xi32, #tpu.memory_space<vmem>> -> memref<1x80xi32, #tpu.memory_space<vmem>>
      %dma_wait3A_214 = tpu.memref_squeeze %dma_wait3A_213 : memref<1x80xi32, #tpu.memory_space<vmem>> -> memref<80xi32, #tpu.memory_space<vmem>>
      %dma_wait3A_215 = arith.constant 0 : i32
      %dma_wait3A_216 = arith.constant 0 : i32
      %dma_wait3A_217 = tpu.memref_slice %arg33[%dma_wait3A_215, %dma_wait3A_216] : memref<10000x24xf32, #tpu.memory_space<vmem_shared>> -> memref<10000x24xf32, #tpu.memory_space<vmem_shared>>
      tpu.wait_indirect_dma semaphore(%arg25 : memref<!tpu.dma_semaphore, #tpu.memory_space<semaphore_mem>>) src(%dma_wait3A_217 : memref<10000x24xf32, #tpu.memory_space<vmem_shared>>) dst(%arg14 : memref<80x24xf32, #tpu.memory_space<vmem>>)
      %gt3A = arith.constant 0 : i32
      %gt3A_218 = arith.cmpi sgt, %scan3A_206, %gt3A : i32
      %convert_element_type3A_219 = arith.extui %gt3A_218 : i1 to i32
      %cond3A_220 = arith.constant 0 : i32
      %cond3A_221 = arith.cmpi ne, %convert_element_type3A_219, %cond3A_220 : i32
      scf.if %cond3A_221 {
        %dma_wait3A_294 = arith.constant 0 : i32
        %dma_wait3A_295 = tpu.memref_slice %arg10[%add3A_211, %dma_wait3A_294] : memref<125x80xi32, #tpu.memory_space<vmem>> -> memref<1x80xi32, #tpu.memory_space<vmem>>
        %dma_wait3A_296 = tpu.memref_squeeze %dma_wait3A_295 : memref<1x80xi32, #tpu.memory_space<vmem>> -> memref<80xi32, #tpu.memory_space<vmem>>
        %dma_wait3A_297 = arith.constant 0 : i32
        %dma_wait3A_298 = arith.constant 0 : i32
        %dma_wait3A_299 = tpu.memref_slice %arg32[%dma_wait3A_297, %dma_wait3A_298] : memref<10000x24xf32, #tpu.memory_space<vmem_shared>> -> memref<10000x24xf32, #tpu.memory_space<vmem_shared>>
        tpu.wait_indirect_dma semaphore(%arg27 : memref<!tpu.dma_semaphore, #tpu.memory_space<semaphore_mem>>) src(%arg16 : memref<80x24xf32, #tpu.memory_space<vmem>>) dst(%dma_wait3A_299 : memref<10000x24xf32, #tpu.memory_space<vmem_shared>>)
      } else {
      }
      %scan3A_222 = arith.constant 0 : i32
      %scan3A_223 = arith.constant 0 : i32
      %scan3A_224 = arith.constant 5 : i32
      %scan3A_225 = arith.addi %scan3A_223, %scan3A_224 : i32
      %scan3A_226 = arith.constant 1 : i32
      %scan3A_227 = scf.for %scan3A_294 = %scan3A_223 to %scan3A_225 step %scan3A_226 iter_args(%scan3A_295 = %scan3A_222) -> (i32)  : i32 {
        %mul3A_296 = arith.constant 16 : i32
        %mul3A_297 = arith.muli %scan3A_294, %mul3A_296 : i32
        %get3A = arith.index_cast %add3A_211 : i32 to index
        %get3A_298 = arith.index_cast %mul3A_297 : i32 to index
        %get3A_299 = tpu.vector_load %arg12[%get3A, %get3A_298] {strides = array<i32>} : memref<125x80xf32, #tpu.memory_space<vmem>>, vector<16xf32>,
        %slice3A = vector.extract_strided_slice %get3A_299 {offsets = [0], sizes = [1], strides = [1]} : vector<16xf32> to vector<1xf32>
        %squeeze3A = vector.extract %slice3A[0] : f32 from vector<1xf32>
        %mul3A_300 = arith.constant 16 : i32
        %mul3A_301 = arith.muli %scan3A_294, %mul3A_300 : i32
        %add3A_302 = arith.constant 0 : i32
        %add3A_303 = arith.addi %mul3A_301, %add3A_302 : i32
        %get3A_304 = arith.index_cast %add3A_303 : i32 to index
        %get3A_305 = arith.constant 0 : index
        %get3A_306 = tpu.vector_load %arg14[%get3A_304, %get3A_305] {strides = array<i32>} : memref<80x24xf32, #tpu.memory_space<vmem>>, vector<16xf32>,
        %mul3A_307 = vector.broadcast %squeeze3A : f32 to vector<16xf32>
        %mul3A_308 = arith.mulf %get3A_306, %mul3A_307 : vector<16xf32>
        %swap3A = arith.index_cast %add3A_303 : i32 to index
        %swap3A_309 = arith.constant 0 : index
        %swap3A_310 = tpu.vector_load %arg16[%swap3A, %swap3A_309] {strides = array<i32>} : memref<80x24xf32, #tpu.memory_space<vmem>>, vector<16xf32>,
        tpu.vector_store %arg16[%swap3A, %swap3A_309], %mul3A_308 {strides = array<i32>} : memref<80x24xf32, #tpu.memory_space<vmem>>, vector<16xf32>,
        %get3A_311 = arith.index_cast %add3A_303 : i32 to index
        %get3A_312 = arith.constant 8 : index
        %get3A_313 = tpu.vector_load %arg14[%get3A_311, %get3A_312] {strides = array<i32>} : memref<80x24xf32, #tpu.memory_space<vmem>>, vector<16xf32>,
        %mul3A_314 = vector.broadcast %squeeze3A : f32 to vector<16xf32>
        %mul3A_315 = arith.mulf %get3A_313, %mul3A_314 : vector<16xf32>
        %swap3A_316 = arith.index_cast %add3A_303 : i32 to index
        %swap3A_317 = arith.constant 8 : index
        %swap3A_318 = tpu.vector_load %arg16[%swap3A_316, %swap3A_317] {strides = array<i32>} : memref<80x24xf32, #tpu.memory_space<vmem>>, vector<16xf32>,
        tpu.vector_store %arg16[%swap3A_316, %swap3A_317], %mul3A_315 {strides = array<i32>} : memref<80x24xf32, #tpu.memory_space<vmem>>, vector<16xf32>,
        %slice3A_319 = vector.extract_strided_slice %get3A_299 {offsets = [1], sizes = [1], strides = [1]} : vector<16xf32> to vector<1xf32>
        %squeeze3A_320 = vector.extract %slice3A_319[0] : f32 from vector<1xf32>
        %mul3A_321 = arith.constant 16 : i32
        %mul3A_322 = arith.muli %scan3A_294, %mul3A_321 : i32
        %add3A_323 = arith.constant 1 : i32
        %add3A_324 = arith.addi %mul3A_322, %add3A_323 : i32
        %get3A_325 = arith.index_cast %add3A_324 : i32 to index
        %get3A_326 = arith.constant 0 : index
        %get3A_327 = tpu.vector_load %arg14[%get3A_325, %get3A_326] {strides = array<i32>} : memref<80x24xf32, #tpu.memory_space<vmem>>, vector<16xf32>,
        %mul3A_328 = vector.broadcast %squeeze3A_320 : f32 to vector<16xf32>
        %mul3A_329 = arith.mulf %get3A_327, %mul3A_328 : vector<16xf32>
        %swap3A_330 = arith.index_cast %add3A_324 : i32 to index
        %swap3A_331 = arith.constant 0 : index
        %swap3A_332 = tpu.vector_load %arg16[%swap3A_330, %swap3A_331] {strides = array<i32>} : memref<80x24xf32, #tpu.memory_space<vmem>>, vector<16xf32>,
        tpu.vector_store %arg16[%swap3A_330, %swap3A_331], %mul3A_329 {strides = array<i32>} : memref<80x24xf32, #tpu.memory_space<vmem>>, vector<16xf32>,
        %get3A_333 = arith.index_cast %add3A_324 : i32 to index
        %get3A_334 = arith.constant 8 : index
        %get3A_335 = tpu.vector_load %arg14[%get3A_333, %get3A_334] {strides = array<i32>} : memref<80x24xf32, #tpu.memory_space<vmem>>, vector<16xf32>,
        %mul3A_336 = vector.broadcast %squeeze3A_320 : f32 to vector<16xf32>
        %mul3A_337 = arith.mulf %get3A_335, %mul3A_336 : vector<16xf32>
        %swap3A_338 = arith.index_cast %add3A_324 : i32 to index
        %swap3A_339 = arith.constant 8 : index
        %swap3A_340 = tpu.vector_load %arg16[%swap3A_338, %swap3A_339] {strides = array<i32>} : memref<80x24xf32, #tpu.memory_space<vmem>>, vector<16xf32>,
        tpu.vector_store %arg16[%swap3A_338, %swap3A_339], %mul3A_337 {strides = array<i32>} : memref<80x24xf32, #tpu.memory_space<vmem>>, vector<16xf32>,
        %slice3A_341 = vector.extract_strided_slice %get3A_299 {offsets = [2], sizes = [1], strides = [1]} : vector<16xf32> to vector<1xf32>
        %squeeze3A_342 = vector.extract %slice3A_341[0] : f32 from vector<1xf32>
        %mul3A_343 = arith.constant 16 : i32
        %mul3A_344 = arith.muli %scan3A_294, %mul3A_343 : i32
        %add3A_345 = arith.constant 2 : i32
        %add3A_346 = arith.addi %mul3A_344, %add3A_345 : i32
        %get3A_347 = arith.index_cast %add3A_346 : i32 to index
        %get3A_348 = arith.constant 0 : index
        %get3A_349 = tpu.vector_load %arg14[%get3A_347, %get3A_348] {strides = array<i32>} : memref<80x24xf32, #tpu.memory_space<vmem>>, vector<16xf32>,
        %mul3A_350 = vector.broadcast %squeeze3A_342 : f32 to vector<16xf32>
        %mul3A_351 = arith.mulf %get3A_349, %mul3A_350 : vector<16xf32>
        %swap3A_352 = arith.index_cast %add3A_346 : i32 to index
        %swap3A_353 = arith.constant 0 : index
        %swap3A_354 = tpu.vector_load %arg16[%swap3A_352, %swap3A_353] {strides = array<i32>} : memref<80x24xf32, #tpu.memory_space<vmem>>, vector<16xf32>,
        tpu.vector_store %arg16[%swap3A_352, %swap3A_353], %mul3A_351 {strides = array<i32>} : memref<80x24xf32, #tpu.memory_space<vmem>>, vector<16xf32>,
        %get3A_355 = arith.index_cast %add3A_346 : i32 to index
        %get3A_356 = arith.constant 8 : index
        %get3A_357 = tpu.vector_load %arg14[%get3A_355, %get3A_356] {strides = array<i32>} : memref<80x24xf32, #tpu.memory_space<vmem>>, vector<16xf32>,
        %mul3A_358 = vector.broadcast %squeeze3A_342 : f32 to vector<16xf32>
        %mul3A_359 = arith.mulf %get3A_357, %mul3A_358 : vector<16xf32>
        %swap3A_360 = arith.index_cast %add3A_346 : i32 to index
        %swap3A_361 = arith.constant 8 : index
        %swap3A_362 = tpu.vector_load %arg16[%swap3A_360, %swap3A_361] {strides = array<i32>} : memref<80x24xf32, #tpu.memory_space<vmem>>, vector<16xf32>,
        tpu.vector_store %arg16[%swap3A_360, %swap3A_361], %mul3A_359 {strides = array<i32>} : memref<80x24xf32, #tpu.memory_space<vmem>>, vector<16xf32>,
        %slice3A_363 = vector.extract_strided_slice %get3A_299 {offsets = [3], sizes = [1], strides = [1]} : vector<16xf32> to vector<1xf32>
        %squeeze3A_364 = vector.extract %slice3A_363[0] : f32 from vector<1xf32>
        %mul3A_365 = arith.constant 16 : i32
        %mul3A_366 = arith.muli %scan3A_294, %mul3A_365 : i32
        %add3A_367 = arith.constant 3 : i32
        %add3A_368 = arith.addi %mul3A_366, %add3A_367 : i32
        %get3A_369 = arith.index_cast %add3A_368 : i32 to index
        %get3A_370 = arith.constant 0 : index
        %get3A_371 = tpu.vector_load %arg14[%get3A_369, %get3A_370] {strides = array<i32>} : memref<80x24xf32, #tpu.memory_space<vmem>>, vector<16xf32>,
        %mul3A_372 = vector.broadcast %squeeze3A_364 : f32 to vector<16xf32>
        %mul3A_373 = arith.mulf %get3A_371, %mul3A_372 : vector<16xf32>
        %swap3A_374 = arith.index_cast %add3A_368 : i32 to index
        %swap3A_375 = arith.constant 0 : index
        %swap3A_376 = tpu.vector_load %arg16[%swap3A_374, %swap3A_375] {strides = array<i32>} : memref<80x24xf32, #tpu.memory_space<vmem>>, vector<16xf32>,
        tpu.vector_store %arg16[%swap3A_374, %swap3A_375], %mul3A_373 {strides = array<i32>} : memref<80x24xf32, #tpu.memory_space<vmem>>, vector<16xf32>,
        %get3A_377 = arith.index_cast %add3A_368 : i32 to index
        %get3A_378 = arith.constant 8 : index
        %get3A_379 = tpu.vector_load %arg14[%get3A_377, %get3A_378] {strides = array<i32>} : memref<80x24xf32, #tpu.memory_space<vmem>>, vector<16xf32>,
        %mul3A_380 = vector.broadcast %squeeze3A_364 : f32 to vector<16xf32>
        %mul3A_381 = arith.mulf %get3A_379, %mul3A_380 : vector<16xf32>
        %swap3A_382 = arith.index_cast %add3A_368 : i32 to index
        %swap3A_383 = arith.constant 8 : index
        %swap3A_384 = tpu.vector_load %arg16[%swap3A_382, %swap3A_383] {strides = array<i32>} : memref<80x24xf32, #tpu.memory_space<vmem>>, vector<16xf32>,
        tpu.vector_store %arg16[%swap3A_382, %swap3A_383], %mul3A_381 {strides = array<i32>} : memref<80x24xf32, #tpu.memory_space<vmem>>, vector<16xf32>,
        %slice3A_385 = vector.extract_strided_slice %get3A_299 {offsets = [4], sizes = [1], strides = [1]} : vector<16xf32> to vector<1xf32>
        %squeeze3A_386 = vector.extract %slice3A_385[0] : f32 from vector<1xf32>
        %mul3A_387 = arith.constant 16 : i32
        %mul3A_388 = arith.muli %scan3A_294, %mul3A_387 : i32
        %add3A_389 = arith.constant 4 : i32
        %add3A_390 = arith.addi %mul3A_388, %add3A_389 : i32
        %get3A_391 = arith.index_cast %add3A_390 : i32 to index
        %get3A_392 = arith.constant 0 : index
        %get3A_393 = tpu.vector_load %arg14[%get3A_391, %get3A_392] {strides = array<i32>} : memref<80x24xf32, #tpu.memory_space<vmem>>, vector<16xf32>,
        %mul3A_394 = vector.broadcast %squeeze3A_386 : f32 to vector<16xf32>
        %mul3A_395 = arith.mulf %get3A_393, %mul3A_394 : vector<16xf32>
        %swap3A_396 = arith.index_cast %add3A_390 : i32 to index
        %swap3A_397 = arith.constant 0 : index
        %swap3A_398 = tpu.vector_load %arg16[%swap3A_396, %swap3A_397] {strides = array<i32>} : memref<80x24xf32, #tpu.memory_space<vmem>>, vector<16xf32>,
        tpu.vector_store %arg16[%swap3A_396, %swap3A_397], %mul3A_395 {strides = array<i32>} : memref<80x24xf32, #tpu.memory_space<vmem>>, vector<16xf32>,
        %get3A_399 = arith.index_cast %add3A_390 : i32 to index
        %get3A_400 = arith.constant 8 : index
        %get3A_401 = tpu.vector_load %arg14[%get3A_399, %get3A_400] {strides = array<i32>} : memref<80x24xf32, #tpu.memory_space<vmem>>, vector<16xf32>,
        %mul3A_402 = vector.broadcast %squeeze3A_386 : f32 to vector<16xf32>
        %mul3A_403 = arith.mulf %get3A_401, %mul3A_402 : vector<16xf32>
        %swap3A_404 = arith.index_cast %add3A_390 : i32 to index
        %swap3A_405 = arith.constant 8 : index
        %swap3A_406 = tpu.vector_load %arg16[%swap3A_404, %swap3A_405] {strides = array<i32>} : memref<80x24xf32, #tpu.memory_space<vmem>>, vector<16xf32>,
        tpu.vector_store %arg16[%swap3A_404, %swap3A_405], %mul3A_403 {strides = array<i32>} : memref<80x24xf32, #tpu.memory_space<vmem>>, vector<16xf32>,
        %slice3A_407 = vector.extract_strided_slice %get3A_299 {offsets = [5], sizes = [1], strides = [1]} : vector<16xf32> to vector<1xf32>
        %squeeze3A_408 = vector.extract %slice3A_407[0] : f32 from vector<1xf32>
        %mul3A_409 = arith.constant 16 : i32
        %mul3A_410 = arith.muli %scan3A_294, %mul3A_409 : i32
        %add3A_411 = arith.constant 5 : i32
        %add3A_412 = arith.addi %mul3A_410, %add3A_411 : i32
        %get3A_413 = arith.index_cast %add3A_412 : i32 to index
        %get3A_414 = arith.constant 0 : index
        %get3A_415 = tpu.vector_load %arg14[%get3A_413, %get3A_414] {strides = array<i32>} : memref<80x24xf32, #tpu.memory_space<vmem>>, vector<16xf32>,
        %mul3A_416 = vector.broadcast %squeeze3A_408 : f32 to vector<16xf32>
        %mul3A_417 = arith.mulf %get3A_415, %mul3A_416 : vector<16xf32>
        %swap3A_418 = arith.index_cast %add3A_412 : i32 to index
        %swap3A_419 = arith.constant 0 : index
        %swap3A_420 = tpu.vector_load %arg16[%swap3A_418, %swap3A_419] {strides = array<i32>} : memref<80x24xf32, #tpu.memory_space<vmem>>, vector<16xf32>,
        tpu.vector_store %arg16[%swap3A_418, %swap3A_419], %mul3A_417 {strides = array<i32>} : memref<80x24xf32, #tpu.memory_space<vmem>>, vector<16xf32>,
        %get3A_421 = arith.index_cast %add3A_412 : i32 to index
        %get3A_422 = arith.constant 8 : index
        %get3A_423 = tpu.vector_load %arg14[%get3A_421, %get3A_422] {strides = array<i32>} : memref<80x24xf32, #tpu.memory_space<vmem>>, vector<16xf32>,
        %mul3A_424 = vector.broadcast %squeeze3A_408 : f32 to vector<16xf32>
        %mul3A_425 = arith.mulf %get3A_423, %mul3A_424 : vector<16xf32>
        %swap3A_426 = arith.index_cast %add3A_412 : i32 to index
        %swap3A_427 = arith.constant 8 : index
        %swap3A_428 = tpu.vector_load %arg16[%swap3A_426, %swap3A_427] {strides = array<i32>} : memref<80x24xf32, #tpu.memory_space<vmem>>, vector<16xf32>,
        tpu.vector_store %arg16[%swap3A_426, %swap3A_427], %mul3A_425 {strides = array<i32>} : memref<80x24xf32, #tpu.memory_space<vmem>>, vector<16xf32>,
        %slice3A_429 = vector.extract_strided_slice %get3A_299 {offsets = [6], sizes = [1], strides = [1]} : vector<16xf32> to vector<1xf32>
        %squeeze3A_430 = vector.extract %slice3A_429[0] : f32 from vector<1xf32>
        %mul3A_431 = arith.constant 16 : i32
        %mul3A_432 = arith.muli %scan3A_294, %mul3A_431 : i32
        %add3A_433 = arith.constant 6 : i32
        %add3A_434 = arith.addi %mul3A_432, %add3A_433 : i32
        %get3A_435 = arith.index_cast %add3A_434 : i32 to index
        %get3A_436 = arith.constant 0 : index
        %get3A_437 = tpu.vector_load %arg14[%get3A_435, %get3A_436] {strides = array<i32>} : memref<80x24xf32, #tpu.memory_space<vmem>>, vector<16xf32>,
        %mul3A_438 = vector.broadcast %squeeze3A_430 : f32 to vector<16xf32>
        %mul3A_439 = arith.mulf %get3A_437, %mul3A_438 : vector<16xf32>
        %swap3A_440 = arith.index_cast %add3A_434 : i32 to index
        %swap3A_441 = arith.constant 0 : index
        %swap3A_442 = tpu.vector_load %arg16[%swap3A_440, %swap3A_441] {strides = array<i32>} : memref<80x24xf32, #tpu.memory_space<vmem>>, vector<16xf32>,
        tpu.vector_store %arg16[%swap3A_440, %swap3A_441], %mul3A_439 {strides = array<i32>} : memref<80x24xf32, #tpu.memory_space<vmem>>, vector<16xf32>,
        %get3A_443 = arith.index_cast %add3A_434 : i32 to index
        %get3A_444 = arith.constant 8 : index
        %get3A_445 = tpu.vector_load %arg14[%get3A_443, %get3A_444] {strides = array<i32>} : memref<80x24xf32, #tpu.memory_space<vmem>>, vector<16xf32>,
        %mul3A_446 = vector.broadcast %squeeze3A_430 : f32 to vector<16xf32>
        %mul3A_447 = arith.mulf %get3A_445, %mul3A_446 : vector<16xf32>
        %swap3A_448 = arith.index_cast %add3A_434 : i32 to index
        %swap3A_449 = arith.constant 8 : index
        %swap3A_450 = tpu.vector_load %arg16[%swap3A_448, %swap3A_449] {strides = array<i32>} : memref<80x24xf32, #tpu.memory_space<vmem>>, vector<16xf32>,
        tpu.vector_store %arg16[%swap3A_448, %swap3A_449], %mul3A_447 {strides = array<i32>} : memref<80x24xf32, #tpu.memory_space<vmem>>, vector<16xf32>,
        %slice3A_451 = vector.extract_strided_slice %get3A_299 {offsets = [7], sizes = [1], strides = [1]} : vector<16xf32> to vector<1xf32>
        %squeeze3A_452 = vector.extract %slice3A_451[0] : f32 from vector<1xf32>
        %mul3A_453 = arith.constant 16 : i32
        %mul3A_454 = arith.muli %scan3A_294, %mul3A_453 : i32
        %add3A_455 = arith.constant 7 : i32
        %add3A_456 = arith.addi %mul3A_454, %add3A_455 : i32
        %get3A_457 = arith.index_cast %add3A_456 : i32 to index
        %get3A_458 = arith.constant 0 : index
        %get3A_459 = tpu.vector_load %arg14[%get3A_457, %get3A_458] {strides = array<i32>} : memref<80x24xf32, #tpu.memory_space<vmem>>, vector<16xf32>,
        %mul3A_460 = vector.broadcast %squeeze3A_452 : f32 to vector<16xf32>
        %mul3A_461 = arith.mulf %get3A_459, %mul3A_460 : vector<16xf32>
        %swap3A_462 = arith.index_cast %add3A_456 : i32 to index
        %swap3A_463 = arith.constant 0 : index
        %swap3A_464 = tpu.vector_load %arg16[%swap3A_462, %swap3A_463] {strides = array<i32>} : memref<80x24xf32, #tpu.memory_space<vmem>>, vector<16xf32>,
        tpu.vector_store %arg16[%swap3A_462, %swap3A_463], %mul3A_461 {strides = array<i32>} : memref<80x24xf32, #tpu.memory_space<vmem>>, vector<16xf32>,
        %get3A_465 = arith.index_cast %add3A_456 : i32 to index
        %get3A_466 = arith.constant 8 : index
        %get3A_467 = tpu.vector_load %arg14[%get3A_465, %get3A_466] {strides = array<i32>} : memref<80x24xf32, #tpu.memory_space<vmem>>, vector<16xf32>,
        %mul3A_468 = vector.broadcast %squeeze3A_452 : f32 to vector<16xf32>
        %mul3A_469 = arith.mulf %get3A_467, %mul3A_468 : vector<16xf32>
        %swap3A_470 = arith.index_cast %add3A_456 : i32 to index
        %swap3A_471 = arith.constant 8 : index
        %swap3A_472 = tpu.vector_load %arg16[%swap3A_470, %swap3A_471] {strides = array<i32>} : memref<80x24xf32, #tpu.memory_space<vmem>>, vector<16xf32>,
        tpu.vector_store %arg16[%swap3A_470, %swap3A_471], %mul3A_469 {strides = array<i32>} : memref<80x24xf32, #tpu.memory_space<vmem>>, vector<16xf32>,
        %slice3A_473 = vector.extract_strided_slice %get3A_299 {offsets = [8], sizes = [1], strides = [1]} : vector<16xf32> to vector<1xf32>
        %squeeze3A_474 = vector.extract %slice3A_473[0] : f32 from vector<1xf32>
        %mul3A_475 = arith.constant 16 : i32
        %mul3A_476 = arith.muli %scan3A_294, %mul3A_475 : i32
        %add3A_477 = arith.constant 8 : i32
        %add3A_478 = arith.addi %mul3A_476, %add3A_477 : i32
        %get3A_479 = arith.index_cast %add3A_478 : i32 to index
        %get3A_480 = arith.constant 0 : index
        %get3A_481 = tpu.vector_load %arg14[%get3A_479, %get3A_480] {strides = array<i32>} : memref<80x24xf32, #tpu.memory_space<vmem>>, vector<16xf32>,
        %mul3A_482 = vector.broadcast %squeeze3A_474 : f32 to vector<16xf32>
        %mul3A_483 = arith.mulf %get3A_481, %mul3A_482 : vector<16xf32>
        %swap3A_484 = arith.index_cast %add3A_478 : i32 to index
        %swap3A_485 = arith.constant 0 : index
        %swap3A_486 = tpu.vector_load %arg16[%swap3A_484, %swap3A_485] {strides = array<i32>} : memref<80x24xf32, #tpu.memory_space<vmem>>, vector<16xf32>,
        tpu.vector_store %arg16[%swap3A_484, %swap3A_485], %mul3A_483 {strides = array<i32>} : memref<80x24xf32, #tpu.memory_space<vmem>>, vector<16xf32>,
        %get3A_487 = arith.index_cast %add3A_478 : i32 to index
        %get3A_488 = arith.constant 8 : index
        %get3A_489 = tpu.vector_load %arg14[%get3A_487, %get3A_488] {strides = array<i32>} : memref<80x24xf32, #tpu.memory_space<vmem>>, vector<16xf32>,
        %mul3A_490 = vector.broadcast %squeeze3A_474 : f32 to vector<16xf32>
        %mul3A_491 = arith.mulf %get3A_489, %mul3A_490 : vector<16xf32>
        %swap3A_492 = arith.index_cast %add3A_478 : i32 to index
        %swap3A_493 = arith.constant 8 : index
        %swap3A_494 = tpu.vector_load %arg16[%swap3A_492, %swap3A_493] {strides = array<i32>} : memref<80x24xf32, #tpu.memory_space<vmem>>, vector<16xf32>,
        tpu.vector_store %arg16[%swap3A_492, %swap3A_493], %mul3A_491 {strides = array<i32>} : memref<80x24xf32, #tpu.memory_space<vmem>>, vector<16xf32>,
        %slice3A_495 = vector.extract_strided_slice %get3A_299 {offsets = [9], sizes = [1], strides = [1]} : vector<16xf32> to vector<1xf32>
        %squeeze3A_496 = vector.extract %slice3A_495[0] : f32 from vector<1xf32>
        %mul3A_497 = arith.constant 16 : i32
        %mul3A_498 = arith.muli %scan3A_294, %mul3A_497 : i32
        %add3A_499 = arith.constant 9 : i32
        %add3A_500 = arith.addi %mul3A_498, %add3A_499 : i32
        %get3A_501 = arith.index_cast %add3A_500 : i32 to index
        %get3A_502 = arith.constant 0 : index
        %get3A_503 = tpu.vector_load %arg14[%get3A_501, %get3A_502] {strides = array<i32>} : memref<80x24xf32, #tpu.memory_space<vmem>>, vector<16xf32>,
        %mul3A_504 = vector.broadcast %squeeze3A_496 : f32 to vector<16xf32>
        %mul3A_505 = arith.mulf %get3A_503, %mul3A_504 : vector<16xf32>
        %swap3A_506 = arith.index_cast %add3A_500 : i32 to index
        %swap3A_507 = arith.constant 0 : index
        %swap3A_508 = tpu.vector_load %arg16[%swap3A_506, %swap3A_507] {strides = array<i32>} : memref<80x24xf32, #tpu.memory_space<vmem>>, vector<16xf32>,
        tpu.vector_store %arg16[%swap3A_506, %swap3A_507], %mul3A_505 {strides = array<i32>} : memref<80x24xf32, #tpu.memory_space<vmem>>, vector<16xf32>,
        %get3A_509 = arith.index_cast %add3A_500 : i32 to index
        %get3A_510 = arith.constant 8 : index
        %get3A_511 = tpu.vector_load %arg14[%get3A_509, %get3A_510] {strides = array<i32>} : memref<80x24xf32, #tpu.memory_space<vmem>>, vector<16xf32>,
        %mul3A_512 = vector.broadcast %squeeze3A_496 : f32 to vector<16xf32>
        %mul3A_513 = arith.mulf %get3A_511, %mul3A_512 : vector<16xf32>
        %swap3A_514 = arith.index_cast %add3A_500 : i32 to index
        %swap3A_515 = arith.constant 8 : index
        %swap3A_516 = tpu.vector_load %arg16[%swap3A_514, %swap3A_515] {strides = array<i32>} : memref<80x24xf32, #tpu.memory_space<vmem>>, vector<16xf32>,
        tpu.vector_store %arg16[%swap3A_514, %swap3A_515], %mul3A_513 {strides = array<i32>} : memref<80x24xf32, #tpu.memory_space<vmem>>, vector<16xf32>,
        %slice3A_517 = vector.extract_strided_slice %get3A_299 {offsets = [10], sizes = [1], strides = [1]} : vector<16xf32> to vector<1xf32>
        %squeeze3A_518 = vector.extract %slice3A_517[0] : f32 from vector<1xf32>
        %mul3A_519 = arith.constant 16 : i32
        %mul3A_520 = arith.muli %scan3A_294, %mul3A_519 : i32
        %add3A_521 = arith.constant 10 : i32
        %add3A_522 = arith.addi %mul3A_520, %add3A_521 : i32
        %get3A_523 = arith.index_cast %add3A_522 : i32 to index
        %get3A_524 = arith.constant 0 : index
        %get3A_525 = tpu.vector_load %arg14[%get3A_523, %get3A_524] {strides = array<i32>} : memref<80x24xf32, #tpu.memory_space<vmem>>, vector<16xf32>,
        %mul3A_526 = vector.broadcast %squeeze3A_518 : f32 to vector<16xf32>
        %mul3A_527 = arith.mulf %get3A_525, %mul3A_526 : vector<16xf32>
        %swap3A_528 = arith.index_cast %add3A_522 : i32 to index
        %swap3A_529 = arith.constant 0 : index
        %swap3A_530 = tpu.vector_load %arg16[%swap3A_528, %swap3A_529] {strides = array<i32>} : memref<80x24xf32, #tpu.memory_space<vmem>>, vector<16xf32>,
        tpu.vector_store %arg16[%swap3A_528, %swap3A_529], %mul3A_527 {strides = array<i32>} : memref<80x24xf32, #tpu.memory_space<vmem>>, vector<16xf32>,
        %get3A_531 = arith.index_cast %add3A_522 : i32 to index
        %get3A_532 = arith.constant 8 : index
        %get3A_533 = tpu.vector_load %arg14[%get3A_531, %get3A_532] {strides = array<i32>} : memref<80x24xf32, #tpu.memory_space<vmem>>, vector<16xf32>,
        %mul3A_534 = vector.broadcast %squeeze3A_518 : f32 to vector<16xf32>
        %mul3A_535 = arith.mulf %get3A_533, %mul3A_534 : vector<16xf32>
        %swap3A_536 = arith.index_cast %add3A_522 : i32 to index
        %swap3A_537 = arith.constant 8 : index
        %swap3A_538 = tpu.vector_load %arg16[%swap3A_536, %swap3A_537] {strides = array<i32>} : memref<80x24xf32, #tpu.memory_space<vmem>>, vector<16xf32>,
        tpu.vector_store %arg16[%swap3A_536, %swap3A_537], %mul3A_535 {strides = array<i32>} : memref<80x24xf32, #tpu.memory_space<vmem>>, vector<16xf32>,
        %slice3A_539 = vector.extract_strided_slice %get3A_299 {offsets = [11], sizes = [1], strides = [1]} : vector<16xf32> to vector<1xf32>
        %squeeze3A_540 = vector.extract %slice3A_539[0] : f32 from vector<1xf32>
        %mul3A_541 = arith.constant 16 : i32
        %mul3A_542 = arith.muli %scan3A_294, %mul3A_541 : i32
        %add3A_543 = arith.constant 11 : i32
        %add3A_544 = arith.addi %mul3A_542, %add3A_543 : i32
        %get3A_545 = arith.index_cast %add3A_544 : i32 to index
        %get3A_546 = arith.constant 0 : index
        %get3A_547 = tpu.vector_load %arg14[%get3A_545, %get3A_546] {strides = array<i32>} : memref<80x24xf32, #tpu.memory_space<vmem>>, vector<16xf32>,
        %mul3A_548 = vector.broadcast %squeeze3A_540 : f32 to vector<16xf32>
        %mul3A_549 = arith.mulf %get3A_547, %mul3A_548 : vector<16xf32>
        %swap3A_550 = arith.index_cast %add3A_544 : i32 to index
        %swap3A_551 = arith.constant 0 : index
        %swap3A_552 = tpu.vector_load %arg16[%swap3A_550, %swap3A_551] {strides = array<i32>} : memref<80x24xf32, #tpu.memory_space<vmem>>, vector<16xf32>,
        tpu.vector_store %arg16[%swap3A_550, %swap3A_551], %mul3A_549 {strides = array<i32>} : memref<80x24xf32, #tpu.memory_space<vmem>>, vector<16xf32>,
        %get3A_553 = arith.index_cast %add3A_544 : i32 to index
        %get3A_554 = arith.constant 8 : index
        %get3A_555 = tpu.vector_load %arg14[%get3A_553, %get3A_554] {strides = array<i32>} : memref<80x24xf32, #tpu.memory_space<vmem>>, vector<16xf32>,
        %mul3A_556 = vector.broadcast %squeeze3A_540 : f32 to vector<16xf32>
        %mul3A_557 = arith.mulf %get3A_555, %mul3A_556 : vector<16xf32>
        %swap3A_558 = arith.index_cast %add3A_544 : i32 to index
        %swap3A_559 = arith.constant 8 : index
        %swap3A_560 = tpu.vector_load %arg16[%swap3A_558, %swap3A_559] {strides = array<i32>} : memref<80x24xf32, #tpu.memory_space<vmem>>, vector<16xf32>,
        tpu.vector_store %arg16[%swap3A_558, %swap3A_559], %mul3A_557 {strides = array<i32>} : memref<80x24xf32, #tpu.memory_space<vmem>>, vector<16xf32>,
        %slice3A_561 = vector.extract_strided_slice %get3A_299 {offsets = [12], sizes = [1], strides = [1]} : vector<16xf32> to vector<1xf32>
        %squeeze3A_562 = vector.extract %slice3A_561[0] : f32 from vector<1xf32>
        %mul3A_563 = arith.constant 16 : i32
        %mul3A_564 = arith.muli %scan3A_294, %mul3A_563 : i32
        %add3A_565 = arith.constant 12 : i32
        %add3A_566 = arith.addi %mul3A_564, %add3A_565 : i32
        %get3A_567 = arith.index_cast %add3A_566 : i32 to index
        %get3A_568 = arith.constant 0 : index
        %get3A_569 = tpu.vector_load %arg14[%get3A_567, %get3A_568] {strides = array<i32>} : memref<80x24xf32, #tpu.memory_space<vmem>>, vector<16xf32>,
        %mul3A_570 = vector.broadcast %squeeze3A_562 : f32 to vector<16xf32>
        %mul3A_571 = arith.mulf %get3A_569, %mul3A_570 : vector<16xf32>
        %swap3A_572 = arith.index_cast %add3A_566 : i32 to index
        %swap3A_573 = arith.constant 0 : index
        %swap3A_574 = tpu.vector_load %arg16[%swap3A_572, %swap3A_573] {strides = array<i32>} : memref<80x24xf32, #tpu.memory_space<vmem>>, vector<16xf32>,
        tpu.vector_store %arg16[%swap3A_572, %swap3A_573], %mul3A_571 {strides = array<i32>} : memref<80x24xf32, #tpu.memory_space<vmem>>, vector<16xf32>,
        %get3A_575 = arith.index_cast %add3A_566 : i32 to index
        %get3A_576 = arith.constant 8 : index
        %get3A_577 = tpu.vector_load %arg14[%get3A_575, %get3A_576] {strides = array<i32>} : memref<80x24xf32, #tpu.memory_space<vmem>>, vector<16xf32>,
        %mul3A_578 = vector.broadcast %squeeze3A_562 : f32 to vector<16xf32>
        %mul3A_579 = arith.mulf %get3A_577, %mul3A_578 : vector<16xf32>
        %swap3A_580 = arith.index_cast %add3A_566 : i32 to index
        %swap3A_581 = arith.constant 8 : index
        %swap3A_582 = tpu.vector_load %arg16[%swap3A_580, %swap3A_581] {strides = array<i32>} : memref<80x24xf32, #tpu.memory_space<vmem>>, vector<16xf32>,
        tpu.vector_store %arg16[%swap3A_580, %swap3A_581], %mul3A_579 {strides = array<i32>} : memref<80x24xf32, #tpu.memory_space<vmem>>, vector<16xf32>,
        %slice3A_583 = vector.extract_strided_slice %get3A_299 {offsets = [13], sizes = [1], strides = [1]} : vector<16xf32> to vector<1xf32>
        %squeeze3A_584 = vector.extract %slice3A_583[0] : f32 from vector<1xf32>
        %mul3A_585 = arith.constant 16 : i32
        %mul3A_586 = arith.muli %scan3A_294, %mul3A_585 : i32
        %add3A_587 = arith.constant 13 : i32
        %add3A_588 = arith.addi %mul3A_586, %add3A_587 : i32
        %get3A_589 = arith.index_cast %add3A_588 : i32 to index
        %get3A_590 = arith.constant 0 : index
        %get3A_591 = tpu.vector_load %arg14[%get3A_589, %get3A_590] {strides = array<i32>} : memref<80x24xf32, #tpu.memory_space<vmem>>, vector<16xf32>,
        %mul3A_592 = vector.broadcast %squeeze3A_584 : f32 to vector<16xf32>
        %mul3A_593 = arith.mulf %get3A_591, %mul3A_592 : vector<16xf32>
        %swap3A_594 = arith.index_cast %add3A_588 : i32 to index
        %swap3A_595 = arith.constant 0 : index
        %swap3A_596 = tpu.vector_load %arg16[%swap3A_594, %swap3A_595] {strides = array<i32>} : memref<80x24xf32, #tpu.memory_space<vmem>>, vector<16xf32>,
        tpu.vector_store %arg16[%swap3A_594, %swap3A_595], %mul3A_593 {strides = array<i32>} : memref<80x24xf32, #tpu.memory_space<vmem>>, vector<16xf32>,
        %get3A_597 = arith.index_cast %add3A_588 : i32 to index
        %get3A_598 = arith.constant 8 : index
        %get3A_599 = tpu.vector_load %arg14[%get3A_597, %get3A_598] {strides = array<i32>} : memref<80x24xf32, #tpu.memory_space<vmem>>, vector<16xf32>,
        %mul3A_600 = vector.broadcast %squeeze3A_584 : f32 to vector<16xf32>
        %mul3A_601 = arith.mulf %get3A_599, %mul3A_600 : vector<16xf32>
        %swap3A_602 = arith.index_cast %add3A_588 : i32 to index
        %swap3A_603 = arith.constant 8 : index
        %swap3A_604 = tpu.vector_load %arg16[%swap3A_602, %swap3A_603] {strides = array<i32>} : memref<80x24xf32, #tpu.memory_space<vmem>>, vector<16xf32>,
        tpu.vector_store %arg16[%swap3A_602, %swap3A_603], %mul3A_601 {strides = array<i32>} : memref<80x24xf32, #tpu.memory_space<vmem>>, vector<16xf32>,
        %slice3A_605 = vector.extract_strided_slice %get3A_299 {offsets = [14], sizes = [1], strides = [1]} : vector<16xf32> to vector<1xf32>
        %squeeze3A_606 = vector.extract %slice3A_605[0] : f32 from vector<1xf32>
        %mul3A_607 = arith.constant 16 : i32
        %mul3A_608 = arith.muli %scan3A_294, %mul3A_607 : i32
        %add3A_609 = arith.constant 14 : i32
        %add3A_610 = arith.addi %mul3A_608, %add3A_609 : i32
        %get3A_611 = arith.index_cast %add3A_610 : i32 to index
        %get3A_612 = arith.constant 0 : index
        %get3A_613 = tpu.vector_load %arg14[%get3A_611, %get3A_612] {strides = array<i32>} : memref<80x24xf32, #tpu.memory_space<vmem>>, vector<16xf32>,
        %mul3A_614 = vector.broadcast %squeeze3A_606 : f32 to vector<16xf32>
        %mul3A_615 = arith.mulf %get3A_613, %mul3A_614 : vector<16xf32>
        %swap3A_616 = arith.index_cast %add3A_610 : i32 to index
        %swap3A_617 = arith.constant 0 : index
        %swap3A_618 = tpu.vector_load %arg16[%swap3A_616, %swap3A_617] {strides = array<i32>} : memref<80x24xf32, #tpu.memory_space<vmem>>, vector<16xf32>,
        tpu.vector_store %arg16[%swap3A_616, %swap3A_617], %mul3A_615 {strides = array<i32>} : memref<80x24xf32, #tpu.memory_space<vmem>>, vector<16xf32>,
        %get3A_619 = arith.index_cast %add3A_610 : i32 to index
        %get3A_620 = arith.constant 8 : index
        %get3A_621 = tpu.vector_load %arg14[%get3A_619, %get3A_620] {strides = array<i32>} : memref<80x24xf32, #tpu.memory_space<vmem>>, vector<16xf32>,
        %mul3A_622 = vector.broadcast %squeeze3A_606 : f32 to vector<16xf32>
        %mul3A_623 = arith.mulf %get3A_621, %mul3A_622 : vector<16xf32>
        %swap3A_624 = arith.index_cast %add3A_610 : i32 to index
        %swap3A_625 = arith.constant 8 : index
        %swap3A_626 = tpu.vector_load %arg16[%swap3A_624, %swap3A_625] {strides = array<i32>} : memref<80x24xf32, #tpu.memory_space<vmem>>, vector<16xf32>,
        tpu.vector_store %arg16[%swap3A_624, %swap3A_625], %mul3A_623 {strides = array<i32>} : memref<80x24xf32, #tpu.memory_space<vmem>>, vector<16xf32>,
        %slice3A_627 = vector.extract_strided_slice %get3A_299 {offsets = [15], sizes = [1], strides = [1]} : vector<16xf32> to vector<1xf32>
        %squeeze3A_628 = vector.extract %slice3A_627[0] : f32 from vector<1xf32>
        %mul3A_629 = arith.constant 16 : i32
        %mul3A_630 = arith.muli %scan3A_294, %mul3A_629 : i32
        %add3A_631 = arith.constant 15 : i32
        %add3A_632 = arith.addi %mul3A_630, %add3A_631 : i32
        %get3A_633 = arith.index_cast %add3A_632 : i32 to index
        %get3A_634 = arith.constant 0 : index
        %get3A_635 = tpu.vector_load %arg14[%get3A_633, %get3A_634] {strides = array<i32>} : memref<80x24xf32, #tpu.memory_space<vmem>>, vector<16xf32>,
        %mul3A_636 = vector.broadcast %squeeze3A_628 : f32 to vector<16xf32>
        %mul3A_637 = arith.mulf %get3A_635, %mul3A_636 : vector<16xf32>
        %swap3A_638 = arith.index_cast %add3A_632 : i32 to index
        %swap3A_639 = arith.constant 0 : index
        %swap3A_640 = tpu.vector_load %arg16[%swap3A_638, %swap3A_639] {strides = array<i32>} : memref<80x24xf32, #tpu.memory_space<vmem>>, vector<16xf32>,
        tpu.vector_store %arg16[%swap3A_638, %swap3A_639], %mul3A_637 {strides = array<i32>} : memref<80x24xf32, #tpu.memory_space<vmem>>, vector<16xf32>,
        %get3A_641 = arith.index_cast %add3A_632 : i32 to index
        %get3A_642 = arith.constant 8 : index
        %get3A_643 = tpu.vector_load %arg14[%get3A_641, %get3A_642] {strides = array<i32>} : memref<80x24xf32, #tpu.memory_space<vmem>>, vector<16xf32>,
        %mul3A_644 = vector.broadcast %squeeze3A_628 : f32 to vector<16xf32>
        %mul3A_645 = arith.mulf %get3A_643, %mul3A_644 : vector<16xf32>
        %swap3A_646 = arith.index_cast %add3A_632 : i32 to index
        %swap3A_647 = arith.constant 8 : index
        %swap3A_648 = tpu.vector_load %arg16[%swap3A_646, %swap3A_647] {strides = array<i32>} : memref<80x24xf32, #tpu.memory_space<vmem>>, vector<16xf32>,
        tpu.vector_store %arg16[%swap3A_646, %swap3A_647], %mul3A_645 {strides = array<i32>} : memref<80x24xf32, #tpu.memory_space<vmem>>, vector<16xf32>,
        %scan3A_649 = arith.constant 0 : i32
        scf.yield %scan3A_649 : i32
      }
      %scan3A_228 = arith.constant 5 : i32
      %add3A_229 = arith.constant 2 : i32
      %add3A_230 = arith.addi %add3A_211, %add3A_229 : i32
      %lt3A_231 = arith.constant 125 : i32
      %lt3A_232 = arith.cmpi slt, %add3A_230, %lt3A_231 : i32
      %convert_element_type3A_233 = arith.extui %lt3A_232 : i1 to i32
      %cond3A_234 = arith.constant 0 : i32
      %cond3A_235 = arith.cmpi ne, %convert_element_type3A_233, %cond3A_234 : i32
      scf.if %cond3A_235 {
        %add3A_294 = arith.constant 2 : i32
        %add3A_295 = arith.addi %add3A_211, %add3A_294 : i32
        %dma_start3A_296 = arith.constant 0 : i32
        %dma_start3A_297 = tpu.memref_slice %arg9[%add3A_295, %dma_start3A_296] : memref<125x80xi32, #tpu.memory_space<vmem>> -> memref<1x80xi32, #tpu.memory_space<vmem>>
        %dma_start3A_298 = tpu.memref_squeeze %dma_start3A_297 : memref<1x80xi32, #tpu.memory_space<vmem>> -> memref<80xi32, #tpu.memory_space<vmem>>
        %dma_start3A_299 = arith.constant 0 : i32
        %dma_start3A_300 = arith.constant 0 : i32
        %dma_start3A_301 = tpu.memref_slice %arg33[%dma_start3A_299, %dma_start3A_300] : memref<10000x24xf32, #tpu.memory_space<vmem_shared>> -> memref<10000x24xf32, #tpu.memory_space<vmem_shared>>
        tpu.enqueue_indirect_dma source(%dma_start3A_301 : memref<10000x24xf32, #tpu.memory_space<vmem_shared>>) target(%arg14 : memref<80x24xf32, #tpu.memory_space<vmem>>) offsets(%dma_start3A_298 : memref<80xi32, #tpu.memory_space<vmem>>) semaphore(%arg25 : memref<!tpu.dma_semaphore, #tpu.memory_space<semaphore_mem>>)
      } else {
      }
      %dma_start3A_236 = arith.constant 0 : i32
      %dma_start3A_237 = tpu.memref_slice %arg10[%add3A_211, %dma_start3A_236] : memref<125x80xi32, #tpu.memory_space<vmem>> -> memref<1x80xi32, #tpu.memory_space<vmem>>
      %dma_start3A_238 = tpu.memref_squeeze %dma_start3A_237 : memref<1x80xi32, #tpu.memory_space<vmem>> -> memref<80xi32, #tpu.memory_space<vmem>>
      %dma_start3A_239 = arith.constant 0 : i32
      %dma_start3A_240 = arith.constant 0 : i32
      %dma_start3A_241 = tpu.memref_slice %arg32[%dma_start3A_239, %dma_start3A_240] : memref<10000x24xf32, #tpu.memory_space<vmem_shared>> -> memref<10000x24xf32, #tpu.memory_space<vmem_shared>>
      tpu.enqueue_indirect_dma source(%arg16 : memref<80x24xf32, #tpu.memory_space<vmem>>) target(%dma_start3A_241 : memref<10000x24xf32, #tpu.memory_space<vmem_shared>>) offsets(%dma_start3A_238 : memref<80xi32, #tpu.memory_space<vmem>>) semaphore(%arg27 : memref<!tpu.dma_semaphore, #tpu.memory_space<semaphore_mem>>) {add = true}
      %dma_start3A_242 = arith.constant 0 : i32
      %dma_start3A_243 = tpu.memref_slice %arg12[%add3A_211, %dma_start3A_242] : memref<125x80xf32, #tpu.memory_space<vmem>> -> memref<1x80xf32, #tpu.memory_space<vmem>>
      %dma_start3A_244 = tpu.memref_squeeze %dma_start3A_243 : memref<1x80xf32, #tpu.memory_space<vmem>> -> memref<80xf32, #tpu.memory_space<vmem>>
      %dma_start3A_245 = arith.constant 0 : i32
      %dma_start3A_246 = tpu.memref_slice %arg9[%add3A_211, %dma_start3A_245] : memref<125x80xi32, #tpu.memory_space<vmem>> -> memref<1x80xi32, #tpu.memory_space<vmem>>
      %dma_start3A_247 = tpu.memref_squeeze %dma_start3A_246 : memref<1x80xi32, #tpu.memory_space<vmem>> -> memref<80xi32, #tpu.memory_space<vmem>>
      %dma_start3A_248 = arith.constant 0 : i32
      %dma_start3A_249 = tpu.memref_slice %arg31[%dma_start3A_248] : memref<10000xf32, #tpu.memory_space<vmem_shared>> -> memref<10000xf32, #tpu.memory_space<vmem_shared>>
      tpu.enqueue_indirect_dma source(%dma_start3A_244 : memref<80xf32, #tpu.memory_space<vmem>>) target(%dma_start3A_249 : memref<10000xf32, #tpu.memory_space<vmem_shared>>) offsets(%dma_start3A_247 : memref<80xi32, #tpu.memory_space<vmem>>) semaphore(%arg29 : memref<!tpu.dma_semaphore, #tpu.memory_space<semaphore_mem>>) {add = true}
      %mul3A_250 = arith.constant 2 : i32
      %mul3A_251 = arith.muli %mul3A_250, %scan3A_206 : i32
      %add3A_252 = arith.constant 1 : i32
      %add3A_253 = arith.addi %mul3A_251, %add3A_252 : i32
      %dma_wait3A_254 = arith.constant 0 : i32
      %dma_wait3A_255 = tpu.memref_slice %arg9[%add3A_253, %dma_wait3A_254] : memref<125x80xi32, #tpu.memory_space<vmem>> -> memref<1x80xi32, #tpu.memory_space<vmem>>
      %dma_wait3A_256 = tpu.memref_squeeze %dma_wait3A_255 : memref<1x80xi32, #tpu.memory_space<vmem>> -> memref<80xi32, #tpu.memory_space<vmem>>
      %dma_wait3A_257 = arith.constant 0 : i32
      %dma_wait3A_258 = arith.constant 0 : i32
      %dma_wait3A_259 = tpu.memref_slice %arg33[%dma_wait3A_257, %dma_wait3A_258] : memref<10000x24xf32, #tpu.memory_space<vmem_shared>> -> memref<10000x24xf32, #tpu.memory_space<vmem_shared>>
      tpu.wait_indirect_dma semaphore(%arg26 : memref<!tpu.dma_semaphore, #tpu.memory_space<semaphore_mem>>) src(%dma_wait3A_259 : memref<10000x24xf32, #tpu.memory_space<vmem_shared>>) dst(%arg15 : memref<80x24xf32, #tpu.memory_space<vmem>>)
      %gt3A_260 = arith.constant 0 : i32
      %gt3A_261 = arith.cmpi sgt, %scan3A_206, %gt3A_260 : i32
      %convert_element_type3A_262 = arith.extui %gt3A_261 : i1 to i32
      %cond3A_263 = arith.constant 0 : i32
      %cond3A_264 = arith.cmpi ne, %convert_element_type3A_262, %cond3A_263 : i32
      scf.if %cond3A_264 {
        %dma_wait3A_294 = arith.constant 0 : i32
        %dma_wait3A_295 = tpu.memref_slice %arg10[%add3A_253, %dma_wait3A_294] : memref<125x80xi32, #tpu.memory_space<vmem>> -> memref<1x80xi32, #tpu.memory_space<vmem>>
        %dma_wait3A_296 = tpu.memref_squeeze %dma_wait3A_295 : memref<1x80xi32, #tpu.memory_space<vmem>> -> memref<80xi32, #tpu.memory_space<vmem>>
        %dma_wait3A_297 = arith.constant 0 : i32
        %dma_wait3A_298 = arith.constant 0 : i32
        %dma_wait3A_299 = tpu.memref_slice %arg32[%dma_wait3A_297, %dma_wait3A_298] : memref<10000x24xf32, #tpu.memory_space<vmem_shared>> -> memref<10000x24xf32, #tpu.memory_space<vmem_shared>>
        tpu.wait_indirect_dma semaphore(%arg28 : memref<!tpu.dma_semaphore, #tpu.memory_space<semaphore_mem>>) src(%arg17 : memref<80x24xf32, #tpu.memory_space<vmem>>) dst(%dma_wait3A_299 : memref<10000x24xf32, #tpu.memory_space<vmem_shared>>)
      } else {
      }
      %scan3A_265 = arith.constant 0 : i32
      %scan3A_266 = arith.constant 0 : i32
      %scan3A_267 = arith.constant 5 : i32
      %scan3A_268 = arith.addi %scan3A_266, %scan3A_267 : i32
      %scan3A_269 = arith.constant 1 : i32
      %scan3A_270 = scf.for %scan3A_294 = %scan3A_266 to %scan3A_268 step %scan3A_269 iter_args(%scan3A_295 = %scan3A_265) -> (i32)  : i32 {
        %mul3A_296 = arith.constant 16 : i32
        %mul3A_297 = arith.muli %scan3A_294, %mul3A_296 : i32
        %get3A = arith.index_cast %add3A_253 : i32 to index
        %get3A_298 = arith.index_cast %mul3A_297 : i32 to index
        %get3A_299 = tpu.vector_load %arg12[%get3A, %get3A_298] {strides = array<i32>} : memref<125x80xf32, #tpu.memory_space<vmem>>, vector<16xf32>,
        %slice3A = vector.extract_strided_slice %get3A_299 {offsets = [0], sizes = [1], strides = [1]} : vector<16xf32> to vector<1xf32>
        %squeeze3A = vector.extract %slice3A[0] : f32 from vector<1xf32>
        %mul3A_300 = arith.constant 16 : i32
        %mul3A_301 = arith.muli %scan3A_294, %mul3A_300 : i32
        %add3A_302 = arith.constant 0 : i32
        %add3A_303 = arith.addi %mul3A_301, %add3A_302 : i32
        %get3A_304 = arith.index_cast %add3A_303 : i32 to index
        %get3A_305 = arith.constant 0 : index
        %get3A_306 = tpu.vector_load %arg15[%get3A_304, %get3A_305] {strides = array<i32>} : memref<80x24xf32, #tpu.memory_space<vmem>>, vector<16xf32>,
        %mul3A_307 = vector.broadcast %squeeze3A : f32 to vector<16xf32>
        %mul3A_308 = arith.mulf %get3A_306, %mul3A_307 : vector<16xf32>
        %swap3A = arith.index_cast %add3A_303 : i32 to index
        %swap3A_309 = arith.constant 0 : index
        %swap3A_310 = tpu.vector_load %arg17[%swap3A, %swap3A_309] {strides = array<i32>} : memref<80x24xf32, #tpu.memory_space<vmem>>, vector<16xf32>,
        tpu.vector_store %arg17[%swap3A, %swap3A_309], %mul3A_308 {strides = array<i32>} : memref<80x24xf32, #tpu.memory_space<vmem>>, vector<16xf32>,
        %get3A_311 = arith.index_cast %add3A_303 : i32 to index
        %get3A_312 = arith.constant 8 : index
        %get3A_313 = tpu.vector_load %arg15[%get3A_311, %get3A_312] {strides = array<i32>} : memref<80x24xf32, #tpu.memory_space<vmem>>, vector<16xf32>,
        %mul3A_314 = vector.broadcast %squeeze3A : f32 to vector<16xf32>
        %mul3A_315 = arith.mulf %get3A_313, %mul3A_314 : vector<16xf32>
        %swap3A_316 = arith.index_cast %add3A_303 : i32 to index
        %swap3A_317 = arith.constant 8 : index
        %swap3A_318 = tpu.vector_load %arg17[%swap3A_316, %swap3A_317] {strides = array<i32>} : memref<80x24xf32, #tpu.memory_space<vmem>>, vector<16xf32>,
        tpu.vector_store %arg17[%swap3A_316, %swap3A_317], %mul3A_315 {strides = array<i32>} : memref<80x24xf32, #tpu.memory_space<vmem>>, vector<16xf32>,
        %slice3A_319 = vector.extract_strided_slice %get3A_299 {offsets = [1], sizes = [1], strides = [1]} : vector<16xf32> to vector<1xf32>
        %squeeze3A_320 = vector.extract %slice3A_319[0] : f32 from vector<1xf32>
        %mul3A_321 = arith.constant 16 : i32
        %mul3A_322 = arith.muli %scan3A_294, %mul3A_321 : i32
        %add3A_323 = arith.constant 1 : i32
        %add3A_324 = arith.addi %mul3A_322, %add3A_323 : i32
        %get3A_325 = arith.index_cast %add3A_324 : i32 to index
        %get3A_326 = arith.constant 0 : index
        %get3A_327 = tpu.vector_load %arg15[%get3A_325, %get3A_326] {strides = array<i32>} : memref<80x24xf32, #tpu.memory_space<vmem>>, vector<16xf32>,
        %mul3A_328 = vector.broadcast %squeeze3A_320 : f32 to vector<16xf32>
        %mul3A_329 = arith.mulf %get3A_327, %mul3A_328 : vector<16xf32>
        %swap3A_330 = arith.index_cast %add3A_324 : i32 to index
        %swap3A_331 = arith.constant 0 : index
        %swap3A_332 = tpu.vector_load %arg17[%swap3A_330, %swap3A_331] {strides = array<i32>} : memref<80x24xf32, #tpu.memory_space<vmem>>, vector<16xf32>,
        tpu.vector_store %arg17[%swap3A_330, %swap3A_331], %mul3A_329 {strides = array<i32>} : memref<80x24xf32, #tpu.memory_space<vmem>>, vector<16xf32>,
        %get3A_333 = arith.index_cast %add3A_324 : i32 to index
        %get3A_334 = arith.constant 8 : index
        %get3A_335 = tpu.vector_load %arg15[%get3A_333, %get3A_334] {strides = array<i32>} : memref<80x24xf32, #tpu.memory_space<vmem>>, vector<16xf32>,
        %mul3A_336 = vector.broadcast %squeeze3A_320 : f32 to vector<16xf32>
        %mul3A_337 = arith.mulf %get3A_335, %mul3A_336 : vector<16xf32>
        %swap3A_338 = arith.index_cast %add3A_324 : i32 to index
        %swap3A_339 = arith.constant 8 : index
        %swap3A_340 = tpu.vector_load %arg17[%swap3A_338, %swap3A_339] {strides = array<i32>} : memref<80x24xf32, #tpu.memory_space<vmem>>, vector<16xf32>,
        tpu.vector_store %arg17[%swap3A_338, %swap3A_339], %mul3A_337 {strides = array<i32>} : memref<80x24xf32, #tpu.memory_space<vmem>>, vector<16xf32>,
        %slice3A_341 = vector.extract_strided_slice %get3A_299 {offsets = [2], sizes = [1], strides = [1]} : vector<16xf32> to vector<1xf32>
        %squeeze3A_342 = vector.extract %slice3A_341[0] : f32 from vector<1xf32>
        %mul3A_343 = arith.constant 16 : i32
        %mul3A_344 = arith.muli %scan3A_294, %mul3A_343 : i32
        %add3A_345 = arith.constant 2 : i32
        %add3A_346 = arith.addi %mul3A_344, %add3A_345 : i32
        %get3A_347 = arith.index_cast %add3A_346 : i32 to index
        %get3A_348 = arith.constant 0 : index
        %get3A_349 = tpu.vector_load %arg15[%get3A_347, %get3A_348] {strides = array<i32>} : memref<80x24xf32, #tpu.memory_space<vmem>>, vector<16xf32>,
        %mul3A_350 = vector.broadcast %squeeze3A_342 : f32 to vector<16xf32>
        %mul3A_351 = arith.mulf %get3A_349, %mul3A_350 : vector<16xf32>
        %swap3A_352 = arith.index_cast %add3A_346 : i32 to index
        %swap3A_353 = arith.constant 0 : index
        %swap3A_354 = tpu.vector_load %arg17[%swap3A_352, %swap3A_353] {strides = array<i32>} : memref<80x24xf32, #tpu.memory_space<vmem>>, vector<16xf32>,
        tpu.vector_store %arg17[%swap3A_352, %swap3A_353], %mul3A_351 {strides = array<i32>} : memref<80x24xf32, #tpu.memory_space<vmem>>, vector<16xf32>,
        %get3A_355 = arith.index_cast %add3A_346 : i32 to index
        %get3A_356 = arith.constant 8 : index
        %get3A_357 = tpu.vector_load %arg15[%get3A_355, %get3A_356] {strides = array<i32>} : memref<80x24xf32, #tpu.memory_space<vmem>>, vector<16xf32>,
        %mul3A_358 = vector.broadcast %squeeze3A_342 : f32 to vector<16xf32>
        %mul3A_359 = arith.mulf %get3A_357, %mul3A_358 : vector<16xf32>
        %swap3A_360 = arith.index_cast %add3A_346 : i32 to index
        %swap3A_361 = arith.constant 8 : index
        %swap3A_362 = tpu.vector_load %arg17[%swap3A_360, %swap3A_361] {strides = array<i32>} : memref<80x24xf32, #tpu.memory_space<vmem>>, vector<16xf32>,
        tpu.vector_store %arg17[%swap3A_360, %swap3A_361], %mul3A_359 {strides = array<i32>} : memref<80x24xf32, #tpu.memory_space<vmem>>, vector<16xf32>,
        %slice3A_363 = vector.extract_strided_slice %get3A_299 {offsets = [3], sizes = [1], strides = [1]} : vector<16xf32> to vector<1xf32>
        %squeeze3A_364 = vector.extract %slice3A_363[0] : f32 from vector<1xf32>
        %mul3A_365 = arith.constant 16 : i32
        %mul3A_366 = arith.muli %scan3A_294, %mul3A_365 : i32
        %add3A_367 = arith.constant 3 : i32
        %add3A_368 = arith.addi %mul3A_366, %add3A_367 : i32
        %get3A_369 = arith.index_cast %add3A_368 : i32 to index
        %get3A_370 = arith.constant 0 : index
        %get3A_371 = tpu.vector_load %arg15[%get3A_369, %get3A_370] {strides = array<i32>} : memref<80x24xf32, #tpu.memory_space<vmem>>, vector<16xf32>,
        %mul3A_372 = vector.broadcast %squeeze3A_364 : f32 to vector<16xf32>
        %mul3A_373 = arith.mulf %get3A_371, %mul3A_372 : vector<16xf32>
        %swap3A_374 = arith.index_cast %add3A_368 : i32 to index
        %swap3A_375 = arith.constant 0 : index
        %swap3A_376 = tpu.vector_load %arg17[%swap3A_374, %swap3A_375] {strides = array<i32>} : memref<80x24xf32, #tpu.memory_space<vmem>>, vector<16xf32>,
        tpu.vector_store %arg17[%swap3A_374, %swap3A_375], %mul3A_373 {strides = array<i32>} : memref<80x24xf32, #tpu.memory_space<vmem>>, vector<16xf32>,
        %get3A_377 = arith.index_cast %add3A_368 : i32 to index
        %get3A_378 = arith.constant 8 : index
        %get3A_379 = tpu.vector_load %arg15[%get3A_377, %get3A_378] {strides = array<i32>} : memref<80x24xf32, #tpu.memory_space<vmem>>, vector<16xf32>,
        %mul3A_380 = vector.broadcast %squeeze3A_364 : f32 to vector<16xf32>
        %mul3A_381 = arith.mulf %get3A_379, %mul3A_380 : vector<16xf32>
        %swap3A_382 = arith.index_cast %add3A_368 : i32 to index
        %swap3A_383 = arith.constant 8 : index
        %swap3A_384 = tpu.vector_load %arg17[%swap3A_382, %swap3A_383] {strides = array<i32>} : memref<80x24xf32, #tpu.memory_space<vmem>>, vector<16xf32>,
        tpu.vector_store %arg17[%swap3A_382, %swap3A_383], %mul3A_381 {strides = array<i32>} : memref<80x24xf32, #tpu.memory_space<vmem>>, vector<16xf32>,
        %slice3A_385 = vector.extract_strided_slice %get3A_299 {offsets = [4], sizes = [1], strides = [1]} : vector<16xf32> to vector<1xf32>
        %squeeze3A_386 = vector.extract %slice3A_385[0] : f32 from vector<1xf32>
        %mul3A_387 = arith.constant 16 : i32
        %mul3A_388 = arith.muli %scan3A_294, %mul3A_387 : i32
        %add3A_389 = arith.constant 4 : i32
        %add3A_390 = arith.addi %mul3A_388, %add3A_389 : i32
        %get3A_391 = arith.index_cast %add3A_390 : i32 to index
        %get3A_392 = arith.constant 0 : index
        %get3A_393 = tpu.vector_load %arg15[%get3A_391, %get3A_392] {strides = array<i32>} : memref<80x24xf32, #tpu.memory_space<vmem>>, vector<16xf32>,
        %mul3A_394 = vector.broadcast %squeeze3A_386 : f32 to vector<16xf32>
        %mul3A_395 = arith.mulf %get3A_393, %mul3A_394 : vector<16xf32>
        %swap3A_396 = arith.index_cast %add3A_390 : i32 to index
        %swap3A_397 = arith.constant 0 : index
        %swap3A_398 = tpu.vector_load %arg17[%swap3A_396, %swap3A_397] {strides = array<i32>} : memref<80x24xf32, #tpu.memory_space<vmem>>, vector<16xf32>,
        tpu.vector_store %arg17[%swap3A_396, %swap3A_397], %mul3A_395 {strides = array<i32>} : memref<80x24xf32, #tpu.memory_space<vmem>>, vector<16xf32>,
        %get3A_399 = arith.index_cast %add3A_390 : i32 to index
        %get3A_400 = arith.constant 8 : index
        %get3A_401 = tpu.vector_load %arg15[%get3A_399, %get3A_400] {strides = array<i32>} : memref<80x24xf32, #tpu.memory_space<vmem>>, vector<16xf32>,
        %mul3A_402 = vector.broadcast %squeeze3A_386 : f32 to vector<16xf32>
        %mul3A_403 = arith.mulf %get3A_401, %mul3A_402 : vector<16xf32>
        %swap3A_404 = arith.index_cast %add3A_390 : i32 to index
        %swap3A_405 = arith.constant 8 : index
        %swap3A_406 = tpu.vector_load %arg17[%swap3A_404, %swap3A_405] {strides = array<i32>} : memref<80x24xf32, #tpu.memory_space<vmem>>, vector<16xf32>,
        tpu.vector_store %arg17[%swap3A_404, %swap3A_405], %mul3A_403 {strides = array<i32>} : memref<80x24xf32, #tpu.memory_space<vmem>>, vector<16xf32>,
        %slice3A_407 = vector.extract_strided_slice %get3A_299 {offsets = [5], sizes = [1], strides = [1]} : vector<16xf32> to vector<1xf32>
        %squeeze3A_408 = vector.extract %slice3A_407[0] : f32 from vector<1xf32>
        %mul3A_409 = arith.constant 16 : i32
        %mul3A_410 = arith.muli %scan3A_294, %mul3A_409 : i32
        %add3A_411 = arith.constant 5 : i32
        %add3A_412 = arith.addi %mul3A_410, %add3A_411 : i32
        %get3A_413 = arith.index_cast %add3A_412 : i32 to index
        %get3A_414 = arith.constant 0 : index
        %get3A_415 = tpu.vector_load %arg15[%get3A_413, %get3A_414] {strides = array<i32>} : memref<80x24xf32, #tpu.memory_space<vmem>>, vector<16xf32>,
        %mul3A_416 = vector.broadcast %squeeze3A_408 : f32 to vector<16xf32>
        %mul3A_417 = arith.mulf %get3A_415, %mul3A_416 : vector<16xf32>
        %swap3A_418 = arith.index_cast %add3A_412 : i32 to index
        %swap3A_419 = arith.constant 0 : index
        %swap3A_420 = tpu.vector_load %arg17[%swap3A_418, %swap3A_419] {strides = array<i32>} : memref<80x24xf32, #tpu.memory_space<vmem>>, vector<16xf32>,
        tpu.vector_store %arg17[%swap3A_418, %swap3A_419], %mul3A_417 {strides = array<i32>} : memref<80x24xf32, #tpu.memory_space<vmem>>, vector<16xf32>,
        %get3A_421 = arith.index_cast %add3A_412 : i32 to index
        %get3A_422 = arith.constant 8 : index
        %get3A_423 = tpu.vector_load %arg15[%get3A_421, %get3A_422] {strides = array<i32>} : memref<80x24xf32, #tpu.memory_space<vmem>>, vector<16xf32>,
        %mul3A_424 = vector.broadcast %squeeze3A_408 : f32 to vector<16xf32>
        %mul3A_425 = arith.mulf %get3A_423, %mul3A_424 : vector<16xf32>
        %swap3A_426 = arith.index_cast %add3A_412 : i32 to index
        %swap3A_427 = arith.constant 8 : index
        %swap3A_428 = tpu.vector_load %arg17[%swap3A_426, %swap3A_427] {strides = array<i32>} : memref<80x24xf32, #tpu.memory_space<vmem>>, vector<16xf32>,
        tpu.vector_store %arg17[%swap3A_426, %swap3A_427], %mul3A_425 {strides = array<i32>} : memref<80x24xf32, #tpu.memory_space<vmem>>, vector<16xf32>,
        %slice3A_429 = vector.extract_strided_slice %get3A_299 {offsets = [6], sizes = [1], strides = [1]} : vector<16xf32> to vector<1xf32>
        %squeeze3A_430 = vector.extract %slice3A_429[0] : f32 from vector<1xf32>
        %mul3A_431 = arith.constant 16 : i32
        %mul3A_432 = arith.muli %scan3A_294, %mul3A_431 : i32
        %add3A_433 = arith.constant 6 : i32
        %add3A_434 = arith.addi %mul3A_432, %add3A_433 : i32
        %get3A_435 = arith.index_cast %add3A_434 : i32 to index
        %get3A_436 = arith.constant 0 : index
        %get3A_437 = tpu.vector_load %arg15[%get3A_435, %get3A_436] {strides = array<i32>} : memref<80x24xf32, #tpu.memory_space<vmem>>, vector<16xf32>,
        %mul3A_438 = vector.broadcast %squeeze3A_430 : f32 to vector<16xf32>
        %mul3A_439 = arith.mulf %get3A_437, %mul3A_438 : vector<16xf32>
        %swap3A_440 = arith.index_cast %add3A_434 : i32 to index
        %swap3A_441 = arith.constant 0 : index
        %swap3A_442 = tpu.vector_load %arg17[%swap3A_440, %swap3A_441] {strides = array<i32>} : memref<80x24xf32, #tpu.memory_space<vmem>>, vector<16xf32>,
        tpu.vector_store %arg17[%swap3A_440, %swap3A_441], %mul3A_439 {strides = array<i32>} : memref<80x24xf32, #tpu.memory_space<vmem>>, vector<16xf32>,
        %get3A_443 = arith.index_cast %add3A_434 : i32 to index
        %get3A_444 = arith.constant 8 : index
        %get3A_445 = tpu.vector_load %arg15[%get3A_443, %get3A_444] {strides = array<i32>} : memref<80x24xf32, #tpu.memory_space<vmem>>, vector<16xf32>,
        %mul3A_446 = vector.broadcast %squeeze3A_430 : f32 to vector<16xf32>
        %mul3A_447 = arith.mulf %get3A_445, %mul3A_446 : vector<16xf32>
        %swap3A_448 = arith.index_cast %add3A_434 : i32 to index
        %swap3A_449 = arith.constant 8 : index
        %swap3A_450 = tpu.vector_load %arg17[%swap3A_448, %swap3A_449] {strides = array<i32>} : memref<80x24xf32, #tpu.memory_space<vmem>>, vector<16xf32>,
        tpu.vector_store %arg17[%swap3A_448, %swap3A_449], %mul3A_447 {strides = array<i32>} : memref<80x24xf32, #tpu.memory_space<vmem>>, vector<16xf32>,
        %slice3A_451 = vector.extract_strided_slice %get3A_299 {offsets = [7], sizes = [1], strides = [1]} : vector<16xf32> to vector<1xf32>
        %squeeze3A_452 = vector.extract %slice3A_451[0] : f32 from vector<1xf32>
        %mul3A_453 = arith.constant 16 : i32
        %mul3A_454 = arith.muli %scan3A_294, %mul3A_453 : i32
        %add3A_455 = arith.constant 7 : i32
        %add3A_456 = arith.addi %mul3A_454, %add3A_455 : i32
        %get3A_457 = arith.index_cast %add3A_456 : i32 to index
        %get3A_458 = arith.constant 0 : index
        %get3A_459 = tpu.vector_load %arg15[%get3A_457, %get3A_458] {strides = array<i32>} : memref<80x24xf32, #tpu.memory_space<vmem>>, vector<16xf32>,
        %mul3A_460 = vector.broadcast %squeeze3A_452 : f32 to vector<16xf32>
        %mul3A_461 = arith.mulf %get3A_459, %mul3A_460 : vector<16xf32>
        %swap3A_462 = arith.index_cast %add3A_456 : i32 to index
        %swap3A_463 = arith.constant 0 : index
        %swap3A_464 = tpu.vector_load %arg17[%swap3A_462, %swap3A_463] {strides = array<i32>} : memref<80x24xf32, #tpu.memory_space<vmem>>, vector<16xf32>,
        tpu.vector_store %arg17[%swap3A_462, %swap3A_463], %mul3A_461 {strides = array<i32>} : memref<80x24xf32, #tpu.memory_space<vmem>>, vector<16xf32>,
        %get3A_465 = arith.index_cast %add3A_456 : i32 to index
        %get3A_466 = arith.constant 8 : index
        %get3A_467 = tpu.vector_load %arg15[%get3A_465, %get3A_466] {strides = array<i32>} : memref<80x24xf32, #tpu.memory_space<vmem>>, vector<16xf32>,
        %mul3A_468 = vector.broadcast %squeeze3A_452 : f32 to vector<16xf32>
        %mul3A_469 = arith.mulf %get3A_467, %mul3A_468 : vector<16xf32>
        %swap3A_470 = arith.index_cast %add3A_456 : i32 to index
        %swap3A_471 = arith.constant 8 : index
        %swap3A_472 = tpu.vector_load %arg17[%swap3A_470, %swap3A_471] {strides = array<i32>} : memref<80x24xf32, #tpu.memory_space<vmem>>, vector<16xf32>,
        tpu.vector_store %arg17[%swap3A_470, %swap3A_471], %mul3A_469 {strides = array<i32>} : memref<80x24xf32, #tpu.memory_space<vmem>>, vector<16xf32>,
        %slice3A_473 = vector.extract_strided_slice %get3A_299 {offsets = [8], sizes = [1], strides = [1]} : vector<16xf32> to vector<1xf32>
        %squeeze3A_474 = vector.extract %slice3A_473[0] : f32 from vector<1xf32>
        %mul3A_475 = arith.constant 16 : i32
        %mul3A_476 = arith.muli %scan3A_294, %mul3A_475 : i32
        %add3A_477 = arith.constant 8 : i32
        %add3A_478 = arith.addi %mul3A_476, %add3A_477 : i32
        %get3A_479 = arith.index_cast %add3A_478 : i32 to index
        %get3A_480 = arith.constant 0 : index
        %get3A_481 = tpu.vector_load %arg15[%get3A_479, %get3A_480] {strides = array<i32>} : memref<80x24xf32, #tpu.memory_space<vmem>>, vector<16xf32>,
        %mul3A_482 = vector.broadcast %squeeze3A_474 : f32 to vector<16xf32>
        %mul3A_483 = arith.mulf %get3A_481, %mul3A_482 : vector<16xf32>
        %swap3A_484 = arith.index_cast %add3A_478 : i32 to index
        %swap3A_485 = arith.constant 0 : index
        %swap3A_486 = tpu.vector_load %arg17[%swap3A_484, %swap3A_485] {strides = array<i32>} : memref<80x24xf32, #tpu.memory_space<vmem>>, vector<16xf32>,
        tpu.vector_store %arg17[%swap3A_484, %swap3A_485], %mul3A_483 {strides = array<i32>} : memref<80x24xf32, #tpu.memory_space<vmem>>, vector<16xf32>,
        %get3A_487 = arith.index_cast %add3A_478 : i32 to index
        %get3A_488 = arith.constant 8 : index
        %get3A_489 = tpu.vector_load %arg15[%get3A_487, %get3A_488] {strides = array<i32>} : memref<80x24xf32, #tpu.memory_space<vmem>>, vector<16xf32>,
        %mul3A_490 = vector.broadcast %squeeze3A_474 : f32 to vector<16xf32>
        %mul3A_491 = arith.mulf %get3A_489, %mul3A_490 : vector<16xf32>
        %swap3A_492 = arith.index_cast %add3A_478 : i32 to index
        %swap3A_493 = arith.constant 8 : index
        %swap3A_494 = tpu.vector_load %arg17[%swap3A_492, %swap3A_493] {strides = array<i32>} : memref<80x24xf32, #tpu.memory_space<vmem>>, vector<16xf32>,
        tpu.vector_store %arg17[%swap3A_492, %swap3A_493], %mul3A_491 {strides = array<i32>} : memref<80x24xf32, #tpu.memory_space<vmem>>, vector<16xf32>,
        %slice3A_495 = vector.extract_strided_slice %get3A_299 {offsets = [9], sizes = [1], strides = [1]} : vector<16xf32> to vector<1xf32>
        %squeeze3A_496 = vector.extract %slice3A_495[0] : f32 from vector<1xf32>
        %mul3A_497 = arith.constant 16 : i32
        %mul3A_498 = arith.muli %scan3A_294, %mul3A_497 : i32
        %add3A_499 = arith.constant 9 : i32
        %add3A_500 = arith.addi %mul3A_498, %add3A_499 : i32
        %get3A_501 = arith.index_cast %add3A_500 : i32 to index
        %get3A_502 = arith.constant 0 : index
        %get3A_503 = tpu.vector_load %arg15[%get3A_501, %get3A_502] {strides = array<i32>} : memref<80x24xf32, #tpu.memory_space<vmem>>, vector<16xf32>,
        %mul3A_504 = vector.broadcast %squeeze3A_496 : f32 to vector<16xf32>
        %mul3A_505 = arith.mulf %get3A_503, %mul3A_504 : vector<16xf32>
        %swap3A_506 = arith.index_cast %add3A_500 : i32 to index
        %swap3A_507 = arith.constant 0 : index
        %swap3A_508 = tpu.vector_load %arg17[%swap3A_506, %swap3A_507] {strides = array<i32>} : memref<80x24xf32, #tpu.memory_space<vmem>>, vector<16xf32>,
        tpu.vector_store %arg17[%swap3A_506, %swap3A_507], %mul3A_505 {strides = array<i32>} : memref<80x24xf32, #tpu.memory_space<vmem>>, vector<16xf32>,
        %get3A_509 = arith.index_cast %add3A_500 : i32 to index
        %get3A_510 = arith.constant 8 : index
        %get3A_511 = tpu.vector_load %arg15[%get3A_509, %get3A_510] {strides = array<i32>} : memref<80x24xf32, #tpu.memory_space<vmem>>, vector<16xf32>,
        %mul3A_512 = vector.broadcast %squeeze3A_496 : f32 to vector<16xf32>
        %mul3A_513 = arith.mulf %get3A_511, %mul3A_512 : vector<16xf32>
        %swap3A_514 = arith.index_cast %add3A_500 : i32 to index
        %swap3A_515 = arith.constant 8 : index
        %swap3A_516 = tpu.vector_load %arg17[%swap3A_514, %swap3A_515] {strides = array<i32>} : memref<80x24xf32, #tpu.memory_space<vmem>>, vector<16xf32>,
        tpu.vector_store %arg17[%swap3A_514, %swap3A_515], %mul3A_513 {strides = array<i32>} : memref<80x24xf32, #tpu.memory_space<vmem>>, vector<16xf32>,
        %slice3A_517 = vector.extract_strided_slice %get3A_299 {offsets = [10], sizes = [1], strides = [1]} : vector<16xf32> to vector<1xf32>
        %squeeze3A_518 = vector.extract %slice3A_517[0] : f32 from vector<1xf32>
        %mul3A_519 = arith.constant 16 : i32
        %mul3A_520 = arith.muli %scan3A_294, %mul3A_519 : i32
        %add3A_521 = arith.constant 10 : i32
        %add3A_522 = arith.addi %mul3A_520, %add3A_521 : i32
        %get3A_523 = arith.index_cast %add3A_522 : i32 to index
        %get3A_524 = arith.constant 0 : index
        %get3A_525 = tpu.vector_load %arg15[%get3A_523, %get3A_524] {strides = array<i32>} : memref<80x24xf32, #tpu.memory_space<vmem>>, vector<16xf32>,
        %mul3A_526 = vector.broadcast %squeeze3A_518 : f32 to vector<16xf32>
        %mul3A_527 = arith.mulf %get3A_525, %mul3A_526 : vector<16xf32>
        %swap3A_528 = arith.index_cast %add3A_522 : i32 to index
        %swap3A_529 = arith.constant 0 : index
        %swap3A_530 = tpu.vector_load %arg17[%swap3A_528, %swap3A_529] {strides = array<i32>} : memref<80x24xf32, #tpu.memory_space<vmem>>, vector<16xf32>,
        tpu.vector_store %arg17[%swap3A_528, %swap3A_529], %mul3A_527 {strides = array<i32>} : memref<80x24xf32, #tpu.memory_space<vmem>>, vector<16xf32>,
        %get3A_531 = arith.index_cast %add3A_522 : i32 to index
        %get3A_532 = arith.constant 8 : index
        %get3A_533 = tpu.vector_load %arg15[%get3A_531, %get3A_532] {strides = array<i32>} : memref<80x24xf32, #tpu.memory_space<vmem>>, vector<16xf32>,
        %mul3A_534 = vector.broadcast %squeeze3A_518 : f32 to vector<16xf32>
        %mul3A_535 = arith.mulf %get3A_533, %mul3A_534 : vector<16xf32>
        %swap3A_536 = arith.index_cast %add3A_522 : i32 to index
        %swap3A_537 = arith.constant 8 : index
        %swap3A_538 = tpu.vector_load %arg17[%swap3A_536, %swap3A_537] {strides = array<i32>} : memref<80x24xf32, #tpu.memory_space<vmem>>, vector<16xf32>,
        tpu.vector_store %arg17[%swap3A_536, %swap3A_537], %mul3A_535 {strides = array<i32>} : memref<80x24xf32, #tpu.memory_space<vmem>>, vector<16xf32>,
        %slice3A_539 = vector.extract_strided_slice %get3A_299 {offsets = [11], sizes = [1], strides = [1]} : vector<16xf32> to vector<1xf32>
        %squeeze3A_540 = vector.extract %slice3A_539[0] : f32 from vector<1xf32>
        %mul3A_541 = arith.constant 16 : i32
        %mul3A_542 = arith.muli %scan3A_294, %mul3A_541 : i32
        %add3A_543 = arith.constant 11 : i32
        %add3A_544 = arith.addi %mul3A_542, %add3A_543 : i32
        %get3A_545 = arith.index_cast %add3A_544 : i32 to index
        %get3A_546 = arith.constant 0 : index
        %get3A_547 = tpu.vector_load %arg15[%get3A_545, %get3A_546] {strides = array<i32>} : memref<80x24xf32, #tpu.memory_space<vmem>>, vector<16xf32>,
        %mul3A_548 = vector.broadcast %squeeze3A_540 : f32 to vector<16xf32>
        %mul3A_549 = arith.mulf %get3A_547, %mul3A_548 : vector<16xf32>
        %swap3A_550 = arith.index_cast %add3A_544 : i32 to index
        %swap3A_551 = arith.constant 0 : index
        %swap3A_552 = tpu.vector_load %arg17[%swap3A_550, %swap3A_551] {strides = array<i32>} : memref<80x24xf32, #tpu.memory_space<vmem>>, vector<16xf32>,
        tpu.vector_store %arg17[%swap3A_550, %swap3A_551], %mul3A_549 {strides = array<i32>} : memref<80x24xf32, #tpu.memory_space<vmem>>, vector<16xf32>,
        %get3A_553 = arith.index_cast %add3A_544 : i32 to index
        %get3A_554 = arith.constant 8 : index
        %get3A_555 = tpu.vector_load %arg15[%get3A_553, %get3A_554] {strides = array<i32>} : memref<80x24xf32, #tpu.memory_space<vmem>>, vector<16xf32>,
        %mul3A_556 = vector.broadcast %squeeze3A_540 : f32 to vector<16xf32>
        %mul3A_557 = arith.mulf %get3A_555, %mul3A_556 : vector<16xf32>
        %swap3A_558 = arith.index_cast %add3A_544 : i32 to index
        %swap3A_559 = arith.constant 8 : index
        %swap3A_560 = tpu.vector_load %arg17[%swap3A_558, %swap3A_559] {strides = array<i32>} : memref<80x24xf32, #tpu.memory_space<vmem>>, vector<16xf32>,
        tpu.vector_store %arg17[%swap3A_558, %swap3A_559], %mul3A_557 {strides = array<i32>} : memref<80x24xf32, #tpu.memory_space<vmem>>, vector<16xf32>,
        %slice3A_561 = vector.extract_strided_slice %get3A_299 {offsets = [12], sizes = [1], strides = [1]} : vector<16xf32> to vector<1xf32>
        %squeeze3A_562 = vector.extract %slice3A_561[0] : f32 from vector<1xf32>
        %mul3A_563 = arith.constant 16 : i32
        %mul3A_564 = arith.muli %scan3A_294, %mul3A_563 : i32
        %add3A_565 = arith.constant 12 : i32
        %add3A_566 = arith.addi %mul3A_564, %add3A_565 : i32
        %get3A_567 = arith.index_cast %add3A_566 : i32 to index
        %get3A_568 = arith.constant 0 : index
        %get3A_569 = tpu.vector_load %arg15[%get3A_567, %get3A_568] {strides = array<i32>} : memref<80x24xf32, #tpu.memory_space<vmem>>, vector<16xf32>,
        %mul3A_570 = vector.broadcast %squeeze3A_562 : f32 to vector<16xf32>
        %mul3A_571 = arith.mulf %get3A_569, %mul3A_570 : vector<16xf32>
        %swap3A_572 = arith.index_cast %add3A_566 : i32 to index
        %swap3A_573 = arith.constant 0 : index
        %swap3A_574 = tpu.vector_load %arg17[%swap3A_572, %swap3A_573] {strides = array<i32>} : memref<80x24xf32, #tpu.memory_space<vmem>>, vector<16xf32>,
        tpu.vector_store %arg17[%swap3A_572, %swap3A_573], %mul3A_571 {strides = array<i32>} : memref<80x24xf32, #tpu.memory_space<vmem>>, vector<16xf32>,
        %get3A_575 = arith.index_cast %add3A_566 : i32 to index
        %get3A_576 = arith.constant 8 : index
        %get3A_577 = tpu.vector_load %arg15[%get3A_575, %get3A_576] {strides = array<i32>} : memref<80x24xf32, #tpu.memory_space<vmem>>, vector<16xf32>,
        %mul3A_578 = vector.broadcast %squeeze3A_562 : f32 to vector<16xf32>
        %mul3A_579 = arith.mulf %get3A_577, %mul3A_578 : vector<16xf32>
        %swap3A_580 = arith.index_cast %add3A_566 : i32 to index
        %swap3A_581 = arith.constant 8 : index
        %swap3A_582 = tpu.vector_load %arg17[%swap3A_580, %swap3A_581] {strides = array<i32>} : memref<80x24xf32, #tpu.memory_space<vmem>>, vector<16xf32>,
        tpu.vector_store %arg17[%swap3A_580, %swap3A_581], %mul3A_579 {strides = array<i32>} : memref<80x24xf32, #tpu.memory_space<vmem>>, vector<16xf32>,
        %slice3A_583 = vector.extract_strided_slice %get3A_299 {offsets = [13], sizes = [1], strides = [1]} : vector<16xf32> to vector<1xf32>
        %squeeze3A_584 = vector.extract %slice3A_583[0] : f32 from vector<1xf32>
        %mul3A_585 = arith.constant 16 : i32
        %mul3A_586 = arith.muli %scan3A_294, %mul3A_585 : i32
        %add3A_587 = arith.constant 13 : i32
        %add3A_588 = arith.addi %mul3A_586, %add3A_587 : i32
        %get3A_589 = arith.index_cast %add3A_588 : i32 to index
        %get3A_590 = arith.constant 0 : index
        %get3A_591 = tpu.vector_load %arg15[%get3A_589, %get3A_590] {strides = array<i32>} : memref<80x24xf32, #tpu.memory_space<vmem>>, vector<16xf32>,
        %mul3A_592 = vector.broadcast %squeeze3A_584 : f32 to vector<16xf32>
        %mul3A_593 = arith.mulf %get3A_591, %mul3A_592 : vector<16xf32>
        %swap3A_594 = arith.index_cast %add3A_588 : i32 to index
        %swap3A_595 = arith.constant 0 : index
        %swap3A_596 = tpu.vector_load %arg17[%swap3A_594, %swap3A_595] {strides = array<i32>} : memref<80x24xf32, #tpu.memory_space<vmem>>, vector<16xf32>,
        tpu.vector_store %arg17[%swap3A_594, %swap3A_595], %mul3A_593 {strides = array<i32>} : memref<80x24xf32, #tpu.memory_space<vmem>>, vector<16xf32>,
        %get3A_597 = arith.index_cast %add3A_588 : i32 to index
        %get3A_598 = arith.constant 8 : index
        %get3A_599 = tpu.vector_load %arg15[%get3A_597, %get3A_598] {strides = array<i32>} : memref<80x24xf32, #tpu.memory_space<vmem>>, vector<16xf32>,
        %mul3A_600 = vector.broadcast %squeeze3A_584 : f32 to vector<16xf32>
        %mul3A_601 = arith.mulf %get3A_599, %mul3A_600 : vector<16xf32>
        %swap3A_602 = arith.index_cast %add3A_588 : i32 to index
        %swap3A_603 = arith.constant 8 : index
        %swap3A_604 = tpu.vector_load %arg17[%swap3A_602, %swap3A_603] {strides = array<i32>} : memref<80x24xf32, #tpu.memory_space<vmem>>, vector<16xf32>,
        tpu.vector_store %arg17[%swap3A_602, %swap3A_603], %mul3A_601 {strides = array<i32>} : memref<80x24xf32, #tpu.memory_space<vmem>>, vector<16xf32>,
        %slice3A_605 = vector.extract_strided_slice %get3A_299 {offsets = [14], sizes = [1], strides = [1]} : vector<16xf32> to vector<1xf32>
        %squeeze3A_606 = vector.extract %slice3A_605[0] : f32 from vector<1xf32>
        %mul3A_607 = arith.constant 16 : i32
        %mul3A_608 = arith.muli %scan3A_294, %mul3A_607 : i32
        %add3A_609 = arith.constant 14 : i32
        %add3A_610 = arith.addi %mul3A_608, %add3A_609 : i32
        %get3A_611 = arith.index_cast %add3A_610 : i32 to index
        %get3A_612 = arith.constant 0 : index
        %get3A_613 = tpu.vector_load %arg15[%get3A_611, %get3A_612] {strides = array<i32>} : memref<80x24xf32, #tpu.memory_space<vmem>>, vector<16xf32>,
        %mul3A_614 = vector.broadcast %squeeze3A_606 : f32 to vector<16xf32>
        %mul3A_615 = arith.mulf %get3A_613, %mul3A_614 : vector<16xf32>
        %swap3A_616 = arith.index_cast %add3A_610 : i32 to index
        %swap3A_617 = arith.constant 0 : index
        %swap3A_618 = tpu.vector_load %arg17[%swap3A_616, %swap3A_617] {strides = array<i32>} : memref<80x24xf32, #tpu.memory_space<vmem>>, vector<16xf32>,
        tpu.vector_store %arg17[%swap3A_616, %swap3A_617], %mul3A_615 {strides = array<i32>} : memref<80x24xf32, #tpu.memory_space<vmem>>, vector<16xf32>,
        %get3A_619 = arith.index_cast %add3A_610 : i32 to index
        %get3A_620 = arith.constant 8 : index
        %get3A_621 = tpu.vector_load %arg15[%get3A_619, %get3A_620] {strides = array<i32>} : memref<80x24xf32, #tpu.memory_space<vmem>>, vector<16xf32>,
        %mul3A_622 = vector.broadcast %squeeze3A_606 : f32 to vector<16xf32>
        %mul3A_623 = arith.mulf %get3A_621, %mul3A_622 : vector<16xf32>
        %swap3A_624 = arith.index_cast %add3A_610 : i32 to index
        %swap3A_625 = arith.constant 8 : index
        %swap3A_626 = tpu.vector_load %arg17[%swap3A_624, %swap3A_625] {strides = array<i32>} : memref<80x24xf32, #tpu.memory_space<vmem>>, vector<16xf32>,
        tpu.vector_store %arg17[%swap3A_624, %swap3A_625], %mul3A_623 {strides = array<i32>} : memref<80x24xf32, #tpu.memory_space<vmem>>, vector<16xf32>,
        %slice3A_627 = vector.extract_strided_slice %get3A_299 {offsets = [15], sizes = [1], strides = [1]} : vector<16xf32> to vector<1xf32>
        %squeeze3A_628 = vector.extract %slice3A_627[0] : f32 from vector<1xf32>
        %mul3A_629 = arith.constant 16 : i32
        %mul3A_630 = arith.muli %scan3A_294, %mul3A_629 : i32
        %add3A_631 = arith.constant 15 : i32
        %add3A_632 = arith.addi %mul3A_630, %add3A_631 : i32
        %get3A_633 = arith.index_cast %add3A_632 : i32 to index
        %get3A_634 = arith.constant 0 : index
        %get3A_635 = tpu.vector_load %arg15[%get3A_633, %get3A_634] {strides = array<i32>} : memref<80x24xf32, #tpu.memory_space<vmem>>, vector<16xf32>,
        %mul3A_636 = vector.broadcast %squeeze3A_628 : f32 to vector<16xf32>
        %mul3A_637 = arith.mulf %get3A_635, %mul3A_636 : vector<16xf32>
        %swap3A_638 = arith.index_cast %add3A_632 : i32 to index
        %swap3A_639 = arith.constant 0 : index
        %swap3A_640 = tpu.vector_load %arg17[%swap3A_638, %swap3A_639] {strides = array<i32>} : memref<80x24xf32, #tpu.memory_space<vmem>>, vector<16xf32>,
        tpu.vector_store %arg17[%swap3A_638, %swap3A_639], %mul3A_637 {strides = array<i32>} : memref<80x24xf32, #tpu.memory_space<vmem>>, vector<16xf32>,
        %get3A_641 = arith.index_cast %add3A_632 : i32 to index
        %get3A_642 = arith.constant 8 : index
        %get3A_643 = tpu.vector_load %arg15[%get3A_641, %get3A_642] {strides = array<i32>} : memref<80x24xf32, #tpu.memory_space<vmem>>, vector<16xf32>,
        %mul3A_644 = vector.broadcast %squeeze3A_628 : f32 to vector<16xf32>
        %mul3A_645 = arith.mulf %get3A_643, %mul3A_644 : vector<16xf32>
        %swap3A_646 = arith.index_cast %add3A_632 : i32 to index
        %swap3A_647 = arith.constant 8 : index
        %swap3A_648 = tpu.vector_load %arg17[%swap3A_646, %swap3A_647] {strides = array<i32>} : memref<80x24xf32, #tpu.memory_space<vmem>>, vector<16xf32>,
        tpu.vector_store %arg17[%swap3A_646, %swap3A_647], %mul3A_645 {strides = array<i32>} : memref<80x24xf32, #tpu.memory_space<vmem>>, vector<16xf32>,
        %scan3A_649 = arith.constant 0 : i32
        scf.yield %scan3A_649 : i32
      }
      %scan3A_271 = arith.constant 5 : i32
      %add3A_272 = arith.constant 2 : i32
      %add3A_273 = arith.addi %add3A_253, %add3A_272 : i32
      %lt3A_274 = arith.constant 125 : i32
      %lt3A_275 = arith.cmpi slt, %add3A_273, %lt3A_274 : i32
      %convert_element_type3A_276 = arith.extui %lt3A_275 : i1 to i32
      %cond3A_277 = arith.constant 0 : i32
      %cond3A_278 = arith.cmpi ne, %convert_element_type3A_276, %cond3A_277 : i32
      scf.if %cond3A_278 {
        %add3A_294 = arith.constant 2 : i32
        %add3A_295 = arith.addi %add3A_253, %add3A_294 : i32
        %dma_start3A_296 = arith.constant 0 : i32
        %dma_start3A_297 = tpu.memref_slice %arg9[%add3A_295, %dma_start3A_296] : memref<125x80xi32, #tpu.memory_space<vmem>> -> memref<1x80xi32, #tpu.memory_space<vmem>>
        %dma_start3A_298 = tpu.memref_squeeze %dma_start3A_297 : memref<1x80xi32, #tpu.memory_space<vmem>> -> memref<80xi32, #tpu.memory_space<vmem>>
        %dma_start3A_299 = arith.constant 0 : i32
        %dma_start3A_300 = arith.constant 0 : i32
        %dma_start3A_301 = tpu.memref_slice %arg33[%dma_start3A_299, %dma_start3A_300] : memref<10000x24xf32, #tpu.memory_space<vmem_shared>> -> memref<10000x24xf32, #tpu.memory_space<vmem_shared>>
        tpu.enqueue_indirect_dma source(%dma_start3A_301 : memref<10000x24xf32, #tpu.memory_space<vmem_shared>>) target(%arg15 : memref<80x24xf32, #tpu.memory_space<vmem>>) offsets(%dma_start3A_298 : memref<80xi32, #tpu.memory_space<vmem>>) semaphore(%arg26 : memref<!tpu.dma_semaphore, #tpu.memory_space<semaphore_mem>>)
      } else {
      }
      %dma_start3A_279 = arith.constant 0 : i32
      %dma_start3A_280 = tpu.memref_slice %arg10[%add3A_253, %dma_start3A_279] : memref<125x80xi32, #tpu.memory_space<vmem>> -> memref<1x80xi32, #tpu.memory_space<vmem>>
      %dma_start3A_281 = tpu.memref_squeeze %dma_start3A_280 : memref<1x80xi32, #tpu.memory_space<vmem>> -> memref<80xi32, #tpu.memory_space<vmem>>
      %dma_start3A_282 = arith.constant 0 : i32
      %dma_start3A_283 = arith.constant 0 : i32
      %dma_start3A_284 = tpu.memref_slice %arg32[%dma_start3A_282, %dma_start3A_283] : memref<10000x24xf32, #tpu.memory_space<vmem_shared>> -> memref<10000x24xf32, #tpu.memory_space<vmem_shared>>
      tpu.enqueue_indirect_dma source(%arg17 : memref<80x24xf32, #tpu.memory_space<vmem>>) target(%dma_start3A_284 : memref<10000x24xf32, #tpu.memory_space<vmem_shared>>) offsets(%dma_start3A_281 : memref<80xi32, #tpu.memory_space<vmem>>) semaphore(%arg28 : memref<!tpu.dma_semaphore, #tpu.memory_space<semaphore_mem>>) {add = true}
      %dma_start3A_285 = arith.constant 0 : i32
      %dma_start3A_286 = tpu.memref_slice %arg12[%add3A_253, %dma_start3A_285] : memref<125x80xf32, #tpu.memory_space<vmem>> -> memref<1x80xf32, #tpu.memory_space<vmem>>
      %dma_start3A_287 = tpu.memref_squeeze %dma_start3A_286 : memref<1x80xf32, #tpu.memory_space<vmem>> -> memref<80xf32, #tpu.memory_space<vmem>>
      %dma_start3A_288 = arith.constant 0 : i32
      %dma_start3A_289 = tpu.memref_slice %arg9[%add3A_253, %dma_start3A_288] : memref<125x80xi32, #tpu.memory_space<vmem>> -> memref<1x80xi32, #tpu.memory_space<vmem>>
      %dma_start3A_290 = tpu.memref_squeeze %dma_start3A_289 : memref<1x80xi32, #tpu.memory_space<vmem>> -> memref<80xi32, #tpu.memory_space<vmem>>
      %dma_start3A_291 = arith.constant 0 : i32
      %dma_start3A_292 = tpu.memref_slice %arg31[%dma_start3A_291] : memref<10000xf32, #tpu.memory_space<vmem_shared>> -> memref<10000xf32, #tpu.memory_space<vmem_shared>>
      tpu.enqueue_indirect_dma source(%dma_start3A_287 : memref<80xf32, #tpu.memory_space<vmem>>) target(%dma_start3A_292 : memref<10000xf32, #tpu.memory_space<vmem_shared>>) offsets(%dma_start3A_290 : memref<80xi32, #tpu.memory_space<vmem>>) semaphore(%arg29 : memref<!tpu.dma_semaphore, #tpu.memory_space<semaphore_mem>>) {add = true}
      %scan3A_293 = arith.constant 0 : i32
      scf.yield %scan3A_293 : i32
    }
    %scan3A_130 = arith.constant 62 : i32
    %dma_wait3A_131 = arith.constant 124 : i32
    %dma_wait3A_132 = arith.constant 0 : i32
    %dma_wait3A_133 = tpu.memref_slice %arg9[%dma_wait3A_131, %dma_wait3A_132] : memref<125x80xi32, #tpu.memory_space<vmem>> -> memref<1x80xi32, #tpu.memory_space<vmem>>
    %dma_wait3A_134 = tpu.memref_squeeze %dma_wait3A_133 : memref<1x80xi32, #tpu.memory_space<vmem>> -> memref<80xi32, #tpu.memory_space<vmem>>
    %dma_wait3A_135 = arith.constant 0 : i32
    %dma_wait3A_136 = arith.constant 0 : i32
    %dma_wait3A_137 = tpu.memref_slice %arg33[%dma_wait3A_135, %dma_wait3A_136] : memref<10000x24xf32, #tpu.memory_space<vmem_shared>> -> memref<10000x24xf32, #tpu.memory_space<vmem_shared>>
    tpu.wait_indirect_dma semaphore(%arg25 : memref<!tpu.dma_semaphore, #tpu.memory_space<semaphore_mem>>) src(%dma_wait3A_137 : memref<10000x24xf32, #tpu.memory_space<vmem_shared>>) dst(%arg14 : memref<80x24xf32, #tpu.memory_space<vmem>>)
    %dma_wait3A_138 = arith.constant 124 : i32
    %dma_wait3A_139 = arith.constant 0 : i32
    %dma_wait3A_140 = tpu.memref_slice %arg10[%dma_wait3A_138, %dma_wait3A_139] : memref<125x80xi32, #tpu.memory_space<vmem>> -> memref<1x80xi32, #tpu.memory_space<vmem>>
    %dma_wait3A_141 = tpu.memref_squeeze %dma_wait3A_140 : memref<1x80xi32, #tpu.memory_space<vmem>> -> memref<80xi32, #tpu.memory_space<vmem>>
    %dma_wait3A_142 = arith.constant 0 : i32
    %dma_wait3A_143 = arith.constant 0 : i32
    %dma_wait3A_144 = tpu.memref_slice %arg32[%dma_wait3A_142, %dma_wait3A_143] : memref<10000x24xf32, #tpu.memory_space<vmem_shared>> -> memref<10000x24xf32, #tpu.memory_space<vmem_shared>>
    tpu.wait_indirect_dma semaphore(%arg27 : memref<!tpu.dma_semaphore, #tpu.memory_space<semaphore_mem>>) src(%arg16 : memref<80x24xf32, #tpu.memory_space<vmem>>) dst(%dma_wait3A_144 : memref<10000x24xf32, #tpu.memory_space<vmem_shared>>)
    %scan3A_145 = arith.constant 0 : i32
    %scan3A_146 = arith.constant 0 : i32
    %scan3A_147 = arith.constant 5 : i32
    %scan3A_148 = arith.addi %scan3A_146, %scan3A_147 : i32
    %scan3A_149 = arith.constant 1 : i32
    %scan3A_150 = scf.for %scan3A_206 = %scan3A_146 to %scan3A_148 step %scan3A_149 iter_args(%scan3A_207 = %scan3A_145) -> (i32)  : i32 {
      %mul3A_208 = arith.constant 16 : i32
      %mul3A_209 = arith.muli %scan3A_206, %mul3A_208 : i32
      %get3A = arith.constant 124 : i32
      %get3A_210 = arith.index_cast %get3A : i32 to index
      %get3A_211 = arith.index_cast %mul3A_209 : i32 to index
      %get3A_212 = tpu.vector_load %arg12[%get3A_210, %get3A_211] {strides = array<i32>} : memref<125x80xf32, #tpu.memory_space<vmem>>, vector<16xf32>,
      %slice3A = vector.extract_strided_slice %get3A_212 {offsets = [0], sizes = [1], strides = [1]} : vector<16xf32> to vector<1xf32>
      %squeeze3A = vector.extract %slice3A[0] : f32 from vector<1xf32>
      %mul3A_213 = arith.constant 16 : i32
      %mul3A_214 = arith.muli %scan3A_206, %mul3A_213 : i32
      %add3A_215 = arith.constant 0 : i32
      %add3A_216 = arith.addi %mul3A_214, %add3A_215 : i32
      %get3A_217 = arith.index_cast %add3A_216 : i32 to index
      %get3A_218 = arith.constant 0 : index
      %get3A_219 = tpu.vector_load %arg14[%get3A_217, %get3A_218] {strides = array<i32>} : memref<80x24xf32, #tpu.memory_space<vmem>>, vector<16xf32>,
      %mul3A_220 = vector.broadcast %squeeze3A : f32 to vector<16xf32>
      %mul3A_221 = arith.mulf %get3A_219, %mul3A_220 : vector<16xf32>
      %swap3A = arith.index_cast %add3A_216 : i32 to index
      %swap3A_222 = arith.constant 0 : index
      %swap3A_223 = tpu.vector_load %arg16[%swap3A, %swap3A_222] {strides = array<i32>} : memref<80x24xf32, #tpu.memory_space<vmem>>, vector<16xf32>,
      tpu.vector_store %arg16[%swap3A, %swap3A_222], %mul3A_221 {strides = array<i32>} : memref<80x24xf32, #tpu.memory_space<vmem>>, vector<16xf32>,
      %get3A_224 = arith.index_cast %add3A_216 : i32 to index
      %get3A_225 = arith.constant 8 : index
      %get3A_226 = tpu.vector_load %arg14[%get3A_224, %get3A_225] {strides = array<i32>} : memref<80x24xf32, #tpu.memory_space<vmem>>, vector<16xf32>,
      %mul3A_227 = vector.broadcast %squeeze3A : f32 to vector<16xf32>
      %mul3A_228 = arith.mulf %get3A_226, %mul3A_227 : vector<16xf32>
      %swap3A_229 = arith.index_cast %add3A_216 : i32 to index
      %swap3A_230 = arith.constant 8 : index
      %swap3A_231 = tpu.vector_load %arg16[%swap3A_229, %swap3A_230] {strides = array<i32>} : memref<80x24xf32, #tpu.memory_space<vmem>>, vector<16xf32>,
      tpu.vector_store %arg16[%swap3A_229, %swap3A_230], %mul3A_228 {strides = array<i32>} : memref<80x24xf32, #tpu.memory_space<vmem>>, vector<16xf32>,
      %slice3A_232 = vector.extract_strided_slice %get3A_212 {offsets = [1], sizes = [1], strides = [1]} : vector<16xf32> to vector<1xf32>
      %squeeze3A_233 = vector.extract %slice3A_232[0] : f32 from vector<1xf32>
      %mul3A_234 = arith.constant 16 : i32
      %mul3A_235 = arith.muli %scan3A_206, %mul3A_234 : i32
      %add3A_236 = arith.constant 1 : i32
      %add3A_237 = arith.addi %mul3A_235, %add3A_236 : i32
      %get3A_238 = arith.index_cast %add3A_237 : i32 to index
      %get3A_239 = arith.constant 0 : index
      %get3A_240 = tpu.vector_load %arg14[%get3A_238, %get3A_239] {strides = array<i32>} : memref<80x24xf32, #tpu.memory_space<vmem>>, vector<16xf32>,
      %mul3A_241 = vector.broadcast %squeeze3A_233 : f32 to vector<16xf32>
      %mul3A_242 = arith.mulf %get3A_240, %mul3A_241 : vector<16xf32>
      %swap3A_243 = arith.index_cast %add3A_237 : i32 to index
      %swap3A_244 = arith.constant 0 : index
      %swap3A_245 = tpu.vector_load %arg16[%swap3A_243, %swap3A_244] {strides = array<i32>} : memref<80x24xf32, #tpu.memory_space<vmem>>, vector<16xf32>,
      tpu.vector_store %arg16[%swap3A_243, %swap3A_244], %mul3A_242 {strides = array<i32>} : memref<80x24xf32, #tpu.memory_space<vmem>>, vector<16xf32>,
      %get3A_246 = arith.index_cast %add3A_237 : i32 to index
      %get3A_247 = arith.constant 8 : index
      %get3A_248 = tpu.vector_load %arg14[%get3A_246, %get3A_247] {strides = array<i32>} : memref<80x24xf32, #tpu.memory_space<vmem>>, vector<16xf32>,
      %mul3A_249 = vector.broadcast %squeeze3A_233 : f32 to vector<16xf32>
      %mul3A_250 = arith.mulf %get3A_248, %mul3A_249 : vector<16xf32>
      %swap3A_251 = arith.index_cast %add3A_237 : i32 to index
      %swap3A_252 = arith.constant 8 : index
      %swap3A_253 = tpu.vector_load %arg16[%swap3A_251, %swap3A_252] {strides = array<i32>} : memref<80x24xf32, #tpu.memory_space<vmem>>, vector<16xf32>,
      tpu.vector_store %arg16[%swap3A_251, %swap3A_252], %mul3A_250 {strides = array<i32>} : memref<80x24xf32, #tpu.memory_space<vmem>>, vector<16xf32>,
      %slice3A_254 = vector.extract_strided_slice %get3A_212 {offsets = [2], sizes = [1], strides = [1]} : vector<16xf32> to vector<1xf32>
      %squeeze3A_255 = vector.extract %slice3A_254[0] : f32 from vector<1xf32>
      %mul3A_256 = arith.constant 16 : i32
      %mul3A_257 = arith.muli %scan3A_206, %mul3A_256 : i32
      %add3A_258 = arith.constant 2 : i32
      %add3A_259 = arith.addi %mul3A_257, %add3A_258 : i32
      %get3A_260 = arith.index_cast %add3A_259 : i32 to index
      %get3A_261 = arith.constant 0 : index
      %get3A_262 = tpu.vector_load %arg14[%get3A_260, %get3A_261] {strides = array<i32>} : memref<80x24xf32, #tpu.memory_space<vmem>>, vector<16xf32>,
      %mul3A_263 = vector.broadcast %squeeze3A_255 : f32 to vector<16xf32>
      %mul3A_264 = arith.mulf %get3A_262, %mul3A_263 : vector<16xf32>
      %swap3A_265 = arith.index_cast %add3A_259 : i32 to index
      %swap3A_266 = arith.constant 0 : index
      %swap3A_267 = tpu.vector_load %arg16[%swap3A_265, %swap3A_266] {strides = array<i32>} : memref<80x24xf32, #tpu.memory_space<vmem>>, vector<16xf32>,
      tpu.vector_store %arg16[%swap3A_265, %swap3A_266], %mul3A_264 {strides = array<i32>} : memref<80x24xf32, #tpu.memory_space<vmem>>, vector<16xf32>,
      %get3A_268 = arith.index_cast %add3A_259 : i32 to index
      %get3A_269 = arith.constant 8 : index
      %get3A_270 = tpu.vector_load %arg14[%get3A_268, %get3A_269] {strides = array<i32>} : memref<80x24xf32, #tpu.memory_space<vmem>>, vector<16xf32>,
      %mul3A_271 = vector.broadcast %squeeze3A_255 : f32 to vector<16xf32>
      %mul3A_272 = arith.mulf %get3A_270, %mul3A_271 : vector<16xf32>
      %swap3A_273 = arith.index_cast %add3A_259 : i32 to index
      %swap3A_274 = arith.constant 8 : index
      %swap3A_275 = tpu.vector_load %arg16[%swap3A_273, %swap3A_274] {strides = array<i32>} : memref<80x24xf32, #tpu.memory_space<vmem>>, vector<16xf32>,
      tpu.vector_store %arg16[%swap3A_273, %swap3A_274], %mul3A_272 {strides = array<i32>} : memref<80x24xf32, #tpu.memory_space<vmem>>, vector<16xf32>,
      %slice3A_276 = vector.extract_strided_slice %get3A_212 {offsets = [3], sizes = [1], strides = [1]} : vector<16xf32> to vector<1xf32>
      %squeeze3A_277 = vector.extract %slice3A_276[0] : f32 from vector<1xf32>
      %mul3A_278 = arith.constant 16 : i32
      %mul3A_279 = arith.muli %scan3A_206, %mul3A_278 : i32
      %add3A_280 = arith.constant 3 : i32
      %add3A_281 = arith.addi %mul3A_279, %add3A_280 : i32
      %get3A_282 = arith.index_cast %add3A_281 : i32 to index
      %get3A_283 = arith.constant 0 : index
      %get3A_284 = tpu.vector_load %arg14[%get3A_282, %get3A_283] {strides = array<i32>} : memref<80x24xf32, #tpu.memory_space<vmem>>, vector<16xf32>,
      %mul3A_285 = vector.broadcast %squeeze3A_277 : f32 to vector<16xf32>
      %mul3A_286 = arith.mulf %get3A_284, %mul3A_285 : vector<16xf32>
      %swap3A_287 = arith.index_cast %add3A_281 : i32 to index
      %swap3A_288 = arith.constant 0 : index
      %swap3A_289 = tpu.vector_load %arg16[%swap3A_287, %swap3A_288] {strides = array<i32>} : memref<80x24xf32, #tpu.memory_space<vmem>>, vector<16xf32>,
      tpu.vector_store %arg16[%swap3A_287, %swap3A_288], %mul3A_286 {strides = array<i32>} : memref<80x24xf32, #tpu.memory_space<vmem>>, vector<16xf32>,
      %get3A_290 = arith.index_cast %add3A_281 : i32 to index
      %get3A_291 = arith.constant 8 : index
      %get3A_292 = tpu.vector_load %arg14[%get3A_290, %get3A_291] {strides = array<i32>} : memref<80x24xf32, #tpu.memory_space<vmem>>, vector<16xf32>,
      %mul3A_293 = vector.broadcast %squeeze3A_277 : f32 to vector<16xf32>
      %mul3A_294 = arith.mulf %get3A_292, %mul3A_293 : vector<16xf32>
      %swap3A_295 = arith.index_cast %add3A_281 : i32 to index
      %swap3A_296 = arith.constant 8 : index
      %swap3A_297 = tpu.vector_load %arg16[%swap3A_295, %swap3A_296] {strides = array<i32>} : memref<80x24xf32, #tpu.memory_space<vmem>>, vector<16xf32>,
      tpu.vector_store %arg16[%swap3A_295, %swap3A_296], %mul3A_294 {strides = array<i32>} : memref<80x24xf32, #tpu.memory_space<vmem>>, vector<16xf32>,
      %slice3A_298 = vector.extract_strided_slice %get3A_212 {offsets = [4], sizes = [1], strides = [1]} : vector<16xf32> to vector<1xf32>
      %squeeze3A_299 = vector.extract %slice3A_298[0] : f32 from vector<1xf32>
      %mul3A_300 = arith.constant 16 : i32
      %mul3A_301 = arith.muli %scan3A_206, %mul3A_300 : i32
      %add3A_302 = arith.constant 4 : i32
      %add3A_303 = arith.addi %mul3A_301, %add3A_302 : i32
      %get3A_304 = arith.index_cast %add3A_303 : i32 to index
      %get3A_305 = arith.constant 0 : index
      %get3A_306 = tpu.vector_load %arg14[%get3A_304, %get3A_305] {strides = array<i32>} : memref<80x24xf32, #tpu.memory_space<vmem>>, vector<16xf32>,
      %mul3A_307 = vector.broadcast %squeeze3A_299 : f32 to vector<16xf32>
      %mul3A_308 = arith.mulf %get3A_306, %mul3A_307 : vector<16xf32>
      %swap3A_309 = arith.index_cast %add3A_303 : i32 to index
      %swap3A_310 = arith.constant 0 : index
      %swap3A_311 = tpu.vector_load %arg16[%swap3A_309, %swap3A_310] {strides = array<i32>} : memref<80x24xf32, #tpu.memory_space<vmem>>, vector<16xf32>,
      tpu.vector_store %arg16[%swap3A_309, %swap3A_310], %mul3A_308 {strides = array<i32>} : memref<80x24xf32, #tpu.memory_space<vmem>>, vector<16xf32>,
      %get3A_312 = arith.index_cast %add3A_303 : i32 to index
      %get3A_313 = arith.constant 8 : index
      %get3A_314 = tpu.vector_load %arg14[%get3A_312, %get3A_313] {strides = array<i32>} : memref<80x24xf32, #tpu.memory_space<vmem>>, vector<16xf32>,
      %mul3A_315 = vector.broadcast %squeeze3A_299 : f32 to vector<16xf32>
      %mul3A_316 = arith.mulf %get3A_314, %mul3A_315 : vector<16xf32>
      %swap3A_317 = arith.index_cast %add3A_303 : i32 to index
      %swap3A_318 = arith.constant 8 : index
      %swap3A_319 = tpu.vector_load %arg16[%swap3A_317, %swap3A_318] {strides = array<i32>} : memref<80x24xf32, #tpu.memory_space<vmem>>, vector<16xf32>,
      tpu.vector_store %arg16[%swap3A_317, %swap3A_318], %mul3A_316 {strides = array<i32>} : memref<80x24xf32, #tpu.memory_space<vmem>>, vector<16xf32>,
      %slice3A_320 = vector.extract_strided_slice %get3A_212 {offsets = [5], sizes = [1], strides = [1]} : vector<16xf32> to vector<1xf32>
      %squeeze3A_321 = vector.extract %slice3A_320[0] : f32 from vector<1xf32>
      %mul3A_322 = arith.constant 16 : i32
      %mul3A_323 = arith.muli %scan3A_206, %mul3A_322 : i32
      %add3A_324 = arith.constant 5 : i32
      %add3A_325 = arith.addi %mul3A_323, %add3A_324 : i32
      %get3A_326 = arith.index_cast %add3A_325 : i32 to index
      %get3A_327 = arith.constant 0 : index
      %get3A_328 = tpu.vector_load %arg14[%get3A_326, %get3A_327] {strides = array<i32>} : memref<80x24xf32, #tpu.memory_space<vmem>>, vector<16xf32>,
      %mul3A_329 = vector.broadcast %squeeze3A_321 : f32 to vector<16xf32>
      %mul3A_330 = arith.mulf %get3A_328, %mul3A_329 : vector<16xf32>
      %swap3A_331 = arith.index_cast %add3A_325 : i32 to index
      %swap3A_332 = arith.constant 0 : index
      %swap3A_333 = tpu.vector_load %arg16[%swap3A_331, %swap3A_332] {strides = array<i32>} : memref<80x24xf32, #tpu.memory_space<vmem>>, vector<16xf32>,
      tpu.vector_store %arg16[%swap3A_331, %swap3A_332], %mul3A_330 {strides = array<i32>} : memref<80x24xf32, #tpu.memory_space<vmem>>, vector<16xf32>,
      %get3A_334 = arith.index_cast %add3A_325 : i32 to index
      %get3A_335 = arith.constant 8 : index
      %get3A_336 = tpu.vector_load %arg14[%get3A_334, %get3A_335] {strides = array<i32>} : memref<80x24xf32, #tpu.memory_space<vmem>>, vector<16xf32>,
      %mul3A_337 = vector.broadcast %squeeze3A_321 : f32 to vector<16xf32>
      %mul3A_338 = arith.mulf %get3A_336, %mul3A_337 : vector<16xf32>
      %swap3A_339 = arith.index_cast %add3A_325 : i32 to index
      %swap3A_340 = arith.constant 8 : index
      %swap3A_341 = tpu.vector_load %arg16[%swap3A_339, %swap3A_340] {strides = array<i32>} : memref<80x24xf32, #tpu.memory_space<vmem>>, vector<16xf32>,
      tpu.vector_store %arg16[%swap3A_339, %swap3A_340], %mul3A_338 {strides = array<i32>} : memref<80x24xf32, #tpu.memory_space<vmem>>, vector<16xf32>,
      %slice3A_342 = vector.extract_strided_slice %get3A_212 {offsets = [6], sizes = [1], strides = [1]} : vector<16xf32> to vector<1xf32>
      %squeeze3A_343 = vector.extract %slice3A_342[0] : f32 from vector<1xf32>
      %mul3A_344 = arith.constant 16 : i32
      %mul3A_345 = arith.muli %scan3A_206, %mul3A_344 : i32
      %add3A_346 = arith.constant 6 : i32
      %add3A_347 = arith.addi %mul3A_345, %add3A_346 : i32
      %get3A_348 = arith.index_cast %add3A_347 : i32 to index
      %get3A_349 = arith.constant 0 : index
      %get3A_350 = tpu.vector_load %arg14[%get3A_348, %get3A_349] {strides = array<i32>} : memref<80x24xf32, #tpu.memory_space<vmem>>, vector<16xf32>,
      %mul3A_351 = vector.broadcast %squeeze3A_343 : f32 to vector<16xf32>
      %mul3A_352 = arith.mulf %get3A_350, %mul3A_351 : vector<16xf32>
      %swap3A_353 = arith.index_cast %add3A_347 : i32 to index
      %swap3A_354 = arith.constant 0 : index
      %swap3A_355 = tpu.vector_load %arg16[%swap3A_353, %swap3A_354] {strides = array<i32>} : memref<80x24xf32, #tpu.memory_space<vmem>>, vector<16xf32>,
      tpu.vector_store %arg16[%swap3A_353, %swap3A_354], %mul3A_352 {strides = array<i32>} : memref<80x24xf32, #tpu.memory_space<vmem>>, vector<16xf32>,
      %get3A_356 = arith.index_cast %add3A_347 : i32 to index
      %get3A_357 = arith.constant 8 : index
      %get3A_358 = tpu.vector_load %arg14[%get3A_356, %get3A_357] {strides = array<i32>} : memref<80x24xf32, #tpu.memory_space<vmem>>, vector<16xf32>,
      %mul3A_359 = vector.broadcast %squeeze3A_343 : f32 to vector<16xf32>
      %mul3A_360 = arith.mulf %get3A_358, %mul3A_359 : vector<16xf32>
      %swap3A_361 = arith.index_cast %add3A_347 : i32 to index
      %swap3A_362 = arith.constant 8 : index
      %swap3A_363 = tpu.vector_load %arg16[%swap3A_361, %swap3A_362] {strides = array<i32>} : memref<80x24xf32, #tpu.memory_space<vmem>>, vector<16xf32>,
      tpu.vector_store %arg16[%swap3A_361, %swap3A_362], %mul3A_360 {strides = array<i32>} : memref<80x24xf32, #tpu.memory_space<vmem>>, vector<16xf32>,
      %slice3A_364 = vector.extract_strided_slice %get3A_212 {offsets = [7], sizes = [1], strides = [1]} : vector<16xf32> to vector<1xf32>
      %squeeze3A_365 = vector.extract %slice3A_364[0] : f32 from vector<1xf32>
      %mul3A_366 = arith.constant 16 : i32
      %mul3A_367 = arith.muli %scan3A_206, %mul3A_366 : i32
      %add3A_368 = arith.constant 7 : i32
      %add3A_369 = arith.addi %mul3A_367, %add3A_368 : i32
      %get3A_370 = arith.index_cast %add3A_369 : i32 to index
      %get3A_371 = arith.constant 0 : index
      %get3A_372 = tpu.vector_load %arg14[%get3A_370, %get3A_371] {strides = array<i32>} : memref<80x24xf32, #tpu.memory_space<vmem>>, vector<16xf32>,
      %mul3A_373 = vector.broadcast %squeeze3A_365 : f32 to vector<16xf32>
      %mul3A_374 = arith.mulf %get3A_372, %mul3A_373 : vector<16xf32>
      %swap3A_375 = arith.index_cast %add3A_369 : i32 to index
      %swap3A_376 = arith.constant 0 : index
      %swap3A_377 = tpu.vector_load %arg16[%swap3A_375, %swap3A_376] {strides = array<i32>} : memref<80x24xf32, #tpu.memory_space<vmem>>, vector<16xf32>,
      tpu.vector_store %arg16[%swap3A_375, %swap3A_376], %mul3A_374 {strides = array<i32>} : memref<80x24xf32, #tpu.memory_space<vmem>>, vector<16xf32>,
      %get3A_378 = arith.index_cast %add3A_369 : i32 to index
      %get3A_379 = arith.constant 8 : index
      %get3A_380 = tpu.vector_load %arg14[%get3A_378, %get3A_379] {strides = array<i32>} : memref<80x24xf32, #tpu.memory_space<vmem>>, vector<16xf32>,
      %mul3A_381 = vector.broadcast %squeeze3A_365 : f32 to vector<16xf32>
      %mul3A_382 = arith.mulf %get3A_380, %mul3A_381 : vector<16xf32>
      %swap3A_383 = arith.index_cast %add3A_369 : i32 to index
      %swap3A_384 = arith.constant 8 : index
      %swap3A_385 = tpu.vector_load %arg16[%swap3A_383, %swap3A_384] {strides = array<i32>} : memref<80x24xf32, #tpu.memory_space<vmem>>, vector<16xf32>,
      tpu.vector_store %arg16[%swap3A_383, %swap3A_384], %mul3A_382 {strides = array<i32>} : memref<80x24xf32, #tpu.memory_space<vmem>>, vector<16xf32>,
      %slice3A_386 = vector.extract_strided_slice %get3A_212 {offsets = [8], sizes = [1], strides = [1]} : vector<16xf32> to vector<1xf32>
      %squeeze3A_387 = vector.extract %slice3A_386[0] : f32 from vector<1xf32>
      %mul3A_388 = arith.constant 16 : i32
      %mul3A_389 = arith.muli %scan3A_206, %mul3A_388 : i32
      %add3A_390 = arith.constant 8 : i32
      %add3A_391 = arith.addi %mul3A_389, %add3A_390 : i32
      %get3A_392 = arith.index_cast %add3A_391 : i32 to index
      %get3A_393 = arith.constant 0 : index
      %get3A_394 = tpu.vector_load %arg14[%get3A_392, %get3A_393] {strides = array<i32>} : memref<80x24xf32, #tpu.memory_space<vmem>>, vector<16xf32>,
      %mul3A_395 = vector.broadcast %squeeze3A_387 : f32 to vector<16xf32>
      %mul3A_396 = arith.mulf %get3A_394, %mul3A_395 : vector<16xf32>
      %swap3A_397 = arith.index_cast %add3A_391 : i32 to index
      %swap3A_398 = arith.constant 0 : index
      %swap3A_399 = tpu.vector_load %arg16[%swap3A_397, %swap3A_398] {strides = array<i32>} : memref<80x24xf32, #tpu.memory_space<vmem>>, vector<16xf32>,
      tpu.vector_store %arg16[%swap3A_397, %swap3A_398], %mul3A_396 {strides = array<i32>} : memref<80x24xf32, #tpu.memory_space<vmem>>, vector<16xf32>,
      %get3A_400 = arith.index_cast %add3A_391 : i32 to index
      %get3A_401 = arith.constant 8 : index
      %get3A_402 = tpu.vector_load %arg14[%get3A_400, %get3A_401] {strides = array<i32>} : memref<80x24xf32, #tpu.memory_space<vmem>>, vector<16xf32>,
      %mul3A_403 = vector.broadcast %squeeze3A_387 : f32 to vector<16xf32>
      %mul3A_404 = arith.mulf %get3A_402, %mul3A_403 : vector<16xf32>
      %swap3A_405 = arith.index_cast %add3A_391 : i32 to index
      %swap3A_406 = arith.constant 8 : index
      %swap3A_407 = tpu.vector_load %arg16[%swap3A_405, %swap3A_406] {strides = array<i32>} : memref<80x24xf32, #tpu.memory_space<vmem>>, vector<16xf32>,
      tpu.vector_store %arg16[%swap3A_405, %swap3A_406], %mul3A_404 {strides = array<i32>} : memref<80x24xf32, #tpu.memory_space<vmem>>, vector<16xf32>,
      %slice3A_408 = vector.extract_strided_slice %get3A_212 {offsets = [9], sizes = [1], strides = [1]} : vector<16xf32> to vector<1xf32>
      %squeeze3A_409 = vector.extract %slice3A_408[0] : f32 from vector<1xf32>
      %mul3A_410 = arith.constant 16 : i32
      %mul3A_411 = arith.muli %scan3A_206, %mul3A_410 : i32
      %add3A_412 = arith.constant 9 : i32
      %add3A_413 = arith.addi %mul3A_411, %add3A_412 : i32
      %get3A_414 = arith.index_cast %add3A_413 : i32 to index
      %get3A_415 = arith.constant 0 : index
      %get3A_416 = tpu.vector_load %arg14[%get3A_414, %get3A_415] {strides = array<i32>} : memref<80x24xf32, #tpu.memory_space<vmem>>, vector<16xf32>,
      %mul3A_417 = vector.broadcast %squeeze3A_409 : f32 to vector<16xf32>
      %mul3A_418 = arith.mulf %get3A_416, %mul3A_417 : vector<16xf32>
      %swap3A_419 = arith.index_cast %add3A_413 : i32 to index
      %swap3A_420 = arith.constant 0 : index
      %swap3A_421 = tpu.vector_load %arg16[%swap3A_419, %swap3A_420] {strides = array<i32>} : memref<80x24xf32, #tpu.memory_space<vmem>>, vector<16xf32>,
      tpu.vector_store %arg16[%swap3A_419, %swap3A_420], %mul3A_418 {strides = array<i32>} : memref<80x24xf32, #tpu.memory_space<vmem>>, vector<16xf32>,
      %get3A_422 = arith.index_cast %add3A_413 : i32 to index
      %get3A_423 = arith.constant 8 : index
      %get3A_424 = tpu.vector_load %arg14[%get3A_422, %get3A_423] {strides = array<i32>} : memref<80x24xf32, #tpu.memory_space<vmem>>, vector<16xf32>,
      %mul3A_425 = vector.broadcast %squeeze3A_409 : f32 to vector<16xf32>
      %mul3A_426 = arith.mulf %get3A_424, %mul3A_425 : vector<16xf32>
      %swap3A_427 = arith.index_cast %add3A_413 : i32 to index
      %swap3A_428 = arith.constant 8 : index
      %swap3A_429 = tpu.vector_load %arg16[%swap3A_427, %swap3A_428] {strides = array<i32>} : memref<80x24xf32, #tpu.memory_space<vmem>>, vector<16xf32>,
      tpu.vector_store %arg16[%swap3A_427, %swap3A_428], %mul3A_426 {strides = array<i32>} : memref<80x24xf32, #tpu.memory_space<vmem>>, vector<16xf32>,
      %slice3A_430 = vector.extract_strided_slice %get3A_212 {offsets = [10], sizes = [1], strides = [1]} : vector<16xf32> to vector<1xf32>
      %squeeze3A_431 = vector.extract %slice3A_430[0] : f32 from vector<1xf32>
      %mul3A_432 = arith.constant 16 : i32
      %mul3A_433 = arith.muli %scan3A_206, %mul3A_432 : i32
      %add3A_434 = arith.constant 10 : i32
      %add3A_435 = arith.addi %mul3A_433, %add3A_434 : i32
      %get3A_436 = arith.index_cast %add3A_435 : i32 to index
      %get3A_437 = arith.constant 0 : index
      %get3A_438 = tpu.vector_load %arg14[%get3A_436, %get3A_437] {strides = array<i32>} : memref<80x24xf32, #tpu.memory_space<vmem>>, vector<16xf32>,
      %mul3A_439 = vector.broadcast %squeeze3A_431 : f32 to vector<16xf32>
      %mul3A_440 = arith.mulf %get3A_438, %mul3A_439 : vector<16xf32>
      %swap3A_441 = arith.index_cast %add3A_435 : i32 to index
      %swap3A_442 = arith.constant 0 : index
      %swap3A_443 = tpu.vector_load %arg16[%swap3A_441, %swap3A_442] {strides = array<i32>} : memref<80x24xf32, #tpu.memory_space<vmem>>, vector<16xf32>,
      tpu.vector_store %arg16[%swap3A_441, %swap3A_442], %mul3A_440 {strides = array<i32>} : memref<80x24xf32, #tpu.memory_space<vmem>>, vector<16xf32>,
      %get3A_444 = arith.index_cast %add3A_435 : i32 to index
      %get3A_445 = arith.constant 8 : index
      %get3A_446 = tpu.vector_load %arg14[%get3A_444, %get3A_445] {strides = array<i32>} : memref<80x24xf32, #tpu.memory_space<vmem>>, vector<16xf32>,
      %mul3A_447 = vector.broadcast %squeeze3A_431 : f32 to vector<16xf32>
      %mul3A_448 = arith.mulf %get3A_446, %mul3A_447 : vector<16xf32>
      %swap3A_449 = arith.index_cast %add3A_435 : i32 to index
      %swap3A_450 = arith.constant 8 : index
      %swap3A_451 = tpu.vector_load %arg16[%swap3A_449, %swap3A_450] {strides = array<i32>} : memref<80x24xf32, #tpu.memory_space<vmem>>, vector<16xf32>,
      tpu.vector_store %arg16[%swap3A_449, %swap3A_450], %mul3A_448 {strides = array<i32>} : memref<80x24xf32, #tpu.memory_space<vmem>>, vector<16xf32>,
      %slice3A_452 = vector.extract_strided_slice %get3A_212 {offsets = [11], sizes = [1], strides = [1]} : vector<16xf32> to vector<1xf32>
      %squeeze3A_453 = vector.extract %slice3A_452[0] : f32 from vector<1xf32>
      %mul3A_454 = arith.constant 16 : i32
      %mul3A_455 = arith.muli %scan3A_206, %mul3A_454 : i32
      %add3A_456 = arith.constant 11 : i32
      %add3A_457 = arith.addi %mul3A_455, %add3A_456 : i32
      %get3A_458 = arith.index_cast %add3A_457 : i32 to index
      %get3A_459 = arith.constant 0 : index
      %get3A_460 = tpu.vector_load %arg14[%get3A_458, %get3A_459] {strides = array<i32>} : memref<80x24xf32, #tpu.memory_space<vmem>>, vector<16xf32>,
      %mul3A_461 = vector.broadcast %squeeze3A_453 : f32 to vector<16xf32>
      %mul3A_462 = arith.mulf %get3A_460, %mul3A_461 : vector<16xf32>
      %swap3A_463 = arith.index_cast %add3A_457 : i32 to index
      %swap3A_464 = arith.constant 0 : index
      %swap3A_465 = tpu.vector_load %arg16[%swap3A_463, %swap3A_464] {strides = array<i32>} : memref<80x24xf32, #tpu.memory_space<vmem>>, vector<16xf32>,
      tpu.vector_store %arg16[%swap3A_463, %swap3A_464], %mul3A_462 {strides = array<i32>} : memref<80x24xf32, #tpu.memory_space<vmem>>, vector<16xf32>,
      %get3A_466 = arith.index_cast %add3A_457 : i32 to index
      %get3A_467 = arith.constant 8 : index
      %get3A_468 = tpu.vector_load %arg14[%get3A_466, %get3A_467] {strides = array<i32>} : memref<80x24xf32, #tpu.memory_space<vmem>>, vector<16xf32>,
      %mul3A_469 = vector.broadcast %squeeze3A_453 : f32 to vector<16xf32>
      %mul3A_470 = arith.mulf %get3A_468, %mul3A_469 : vector<16xf32>
      %swap3A_471 = arith.index_cast %add3A_457 : i32 to index
      %swap3A_472 = arith.constant 8 : index
      %swap3A_473 = tpu.vector_load %arg16[%swap3A_471, %swap3A_472] {strides = array<i32>} : memref<80x24xf32, #tpu.memory_space<vmem>>, vector<16xf32>,
      tpu.vector_store %arg16[%swap3A_471, %swap3A_472], %mul3A_470 {strides = array<i32>} : memref<80x24xf32, #tpu.memory_space<vmem>>, vector<16xf32>,
      %slice3A_474 = vector.extract_strided_slice %get3A_212 {offsets = [12], sizes = [1], strides = [1]} : vector<16xf32> to vector<1xf32>
      %squeeze3A_475 = vector.extract %slice3A_474[0] : f32 from vector<1xf32>
      %mul3A_476 = arith.constant 16 : i32
      %mul3A_477 = arith.muli %scan3A_206, %mul3A_476 : i32
      %add3A_478 = arith.constant 12 : i32
      %add3A_479 = arith.addi %mul3A_477, %add3A_478 : i32
      %get3A_480 = arith.index_cast %add3A_479 : i32 to index
      %get3A_481 = arith.constant 0 : index
      %get3A_482 = tpu.vector_load %arg14[%get3A_480, %get3A_481] {strides = array<i32>} : memref<80x24xf32, #tpu.memory_space<vmem>>, vector<16xf32>,
      %mul3A_483 = vector.broadcast %squeeze3A_475 : f32 to vector<16xf32>
      %mul3A_484 = arith.mulf %get3A_482, %mul3A_483 : vector<16xf32>
      %swap3A_485 = arith.index_cast %add3A_479 : i32 to index
      %swap3A_486 = arith.constant 0 : index
      %swap3A_487 = tpu.vector_load %arg16[%swap3A_485, %swap3A_486] {strides = array<i32>} : memref<80x24xf32, #tpu.memory_space<vmem>>, vector<16xf32>,
      tpu.vector_store %arg16[%swap3A_485, %swap3A_486], %mul3A_484 {strides = array<i32>} : memref<80x24xf32, #tpu.memory_space<vmem>>, vector<16xf32>,
      %get3A_488 = arith.index_cast %add3A_479 : i32 to index
      %get3A_489 = arith.constant 8 : index
      %get3A_490 = tpu.vector_load %arg14[%get3A_488, %get3A_489] {strides = array<i32>} : memref<80x24xf32, #tpu.memory_space<vmem>>, vector<16xf32>,
      %mul3A_491 = vector.broadcast %squeeze3A_475 : f32 to vector<16xf32>
      %mul3A_492 = arith.mulf %get3A_490, %mul3A_491 : vector<16xf32>
      %swap3A_493 = arith.index_cast %add3A_479 : i32 to index
      %swap3A_494 = arith.constant 8 : index
      %swap3A_495 = tpu.vector_load %arg16[%swap3A_493, %swap3A_494] {strides = array<i32>} : memref<80x24xf32, #tpu.memory_space<vmem>>, vector<16xf32>,
      tpu.vector_store %arg16[%swap3A_493, %swap3A_494], %mul3A_492 {strides = array<i32>} : memref<80x24xf32, #tpu.memory_space<vmem>>, vector<16xf32>,
      %slice3A_496 = vector.extract_strided_slice %get3A_212 {offsets = [13], sizes = [1], strides = [1]} : vector<16xf32> to vector<1xf32>
      %squeeze3A_497 = vector.extract %slice3A_496[0] : f32 from vector<1xf32>
      %mul3A_498 = arith.constant 16 : i32
      %mul3A_499 = arith.muli %scan3A_206, %mul3A_498 : i32
      %add3A_500 = arith.constant 13 : i32
      %add3A_501 = arith.addi %mul3A_499, %add3A_500 : i32
      %get3A_502 = arith.index_cast %add3A_501 : i32 to index
      %get3A_503 = arith.constant 0 : index
      %get3A_504 = tpu.vector_load %arg14[%get3A_502, %get3A_503] {strides = array<i32>} : memref<80x24xf32, #tpu.memory_space<vmem>>, vector<16xf32>,
      %mul3A_505 = vector.broadcast %squeeze3A_497 : f32 to vector<16xf32>
      %mul3A_506 = arith.mulf %get3A_504, %mul3A_505 : vector<16xf32>
      %swap3A_507 = arith.index_cast %add3A_501 : i32 to index
      %swap3A_508 = arith.constant 0 : index
      %swap3A_509 = tpu.vector_load %arg16[%swap3A_507, %swap3A_508] {strides = array<i32>} : memref<80x24xf32, #tpu.memory_space<vmem>>, vector<16xf32>,
      tpu.vector_store %arg16[%swap3A_507, %swap3A_508], %mul3A_506 {strides = array<i32>} : memref<80x24xf32, #tpu.memory_space<vmem>>, vector<16xf32>,
      %get3A_510 = arith.index_cast %add3A_501 : i32 to index
      %get3A_511 = arith.constant 8 : index
      %get3A_512 = tpu.vector_load %arg14[%get3A_510, %get3A_511] {strides = array<i32>} : memref<80x24xf32, #tpu.memory_space<vmem>>, vector<16xf32>,
      %mul3A_513 = vector.broadcast %squeeze3A_497 : f32 to vector<16xf32>
      %mul3A_514 = arith.mulf %get3A_512, %mul3A_513 : vector<16xf32>
      %swap3A_515 = arith.index_cast %add3A_501 : i32 to index
      %swap3A_516 = arith.constant 8 : index
      %swap3A_517 = tpu.vector_load %arg16[%swap3A_515, %swap3A_516] {strides = array<i32>} : memref<80x24xf32, #tpu.memory_space<vmem>>, vector<16xf32>,
      tpu.vector_store %arg16[%swap3A_515, %swap3A_516], %mul3A_514 {strides = array<i32>} : memref<80x24xf32, #tpu.memory_space<vmem>>, vector<16xf32>,
      %slice3A_518 = vector.extract_strided_slice %get3A_212 {offsets = [14], sizes = [1], strides = [1]} : vector<16xf32> to vector<1xf32>
      %squeeze3A_519 = vector.extract %slice3A_518[0] : f32 from vector<1xf32>
      %mul3A_520 = arith.constant 16 : i32
      %mul3A_521 = arith.muli %scan3A_206, %mul3A_520 : i32
      %add3A_522 = arith.constant 14 : i32
      %add3A_523 = arith.addi %mul3A_521, %add3A_522 : i32
      %get3A_524 = arith.index_cast %add3A_523 : i32 to index
      %get3A_525 = arith.constant 0 : index
      %get3A_526 = tpu.vector_load %arg14[%get3A_524, %get3A_525] {strides = array<i32>} : memref<80x24xf32, #tpu.memory_space<vmem>>, vector<16xf32>,
      %mul3A_527 = vector.broadcast %squeeze3A_519 : f32 to vector<16xf32>
      %mul3A_528 = arith.mulf %get3A_526, %mul3A_527 : vector<16xf32>
      %swap3A_529 = arith.index_cast %add3A_523 : i32 to index
      %swap3A_530 = arith.constant 0 : index
      %swap3A_531 = tpu.vector_load %arg16[%swap3A_529, %swap3A_530] {strides = array<i32>} : memref<80x24xf32, #tpu.memory_space<vmem>>, vector<16xf32>,
      tpu.vector_store %arg16[%swap3A_529, %swap3A_530], %mul3A_528 {strides = array<i32>} : memref<80x24xf32, #tpu.memory_space<vmem>>, vector<16xf32>,
      %get3A_532 = arith.index_cast %add3A_523 : i32 to index
      %get3A_533 = arith.constant 8 : index
      %get3A_534 = tpu.vector_load %arg14[%get3A_532, %get3A_533] {strides = array<i32>} : memref<80x24xf32, #tpu.memory_space<vmem>>, vector<16xf32>,
      %mul3A_535 = vector.broadcast %squeeze3A_519 : f32 to vector<16xf32>
      %mul3A_536 = arith.mulf %get3A_534, %mul3A_535 : vector<16xf32>
      %swap3A_537 = arith.index_cast %add3A_523 : i32 to index
      %swap3A_538 = arith.constant 8 : index
      %swap3A_539 = tpu.vector_load %arg16[%swap3A_537, %swap3A_538] {strides = array<i32>} : memref<80x24xf32, #tpu.memory_space<vmem>>, vector<16xf32>,
      tpu.vector_store %arg16[%swap3A_537, %swap3A_538], %mul3A_536 {strides = array<i32>} : memref<80x24xf32, #tpu.memory_space<vmem>>, vector<16xf32>,
      %slice3A_540 = vector.extract_strided_slice %get3A_212 {offsets = [15], sizes = [1], strides = [1]} : vector<16xf32> to vector<1xf32>
      %squeeze3A_541 = vector.extract %slice3A_540[0] : f32 from vector<1xf32>
      %mul3A_542 = arith.constant 16 : i32
      %mul3A_543 = arith.muli %scan3A_206, %mul3A_542 : i32
      %add3A_544 = arith.constant 15 : i32
      %add3A_545 = arith.addi %mul3A_543, %add3A_544 : i32
      %get3A_546 = arith.index_cast %add3A_545 : i32 to index
      %get3A_547 = arith.constant 0 : index
      %get3A_548 = tpu.vector_load %arg14[%get3A_546, %get3A_547] {strides = array<i32>} : memref<80x24xf32, #tpu.memory_space<vmem>>, vector<16xf32>,
      %mul3A_549 = vector.broadcast %squeeze3A_541 : f32 to vector<16xf32>
      %mul3A_550 = arith.mulf %get3A_548, %mul3A_549 : vector<16xf32>
      %swap3A_551 = arith.index_cast %add3A_545 : i32 to index
      %swap3A_552 = arith.constant 0 : index
      %swap3A_553 = tpu.vector_load %arg16[%swap3A_551, %swap3A_552] {strides = array<i32>} : memref<80x24xf32, #tpu.memory_space<vmem>>, vector<16xf32>,
      tpu.vector_store %arg16[%swap3A_551, %swap3A_552], %mul3A_550 {strides = array<i32>} : memref<80x24xf32, #tpu.memory_space<vmem>>, vector<16xf32>,
      %get3A_554 = arith.index_cast %add3A_545 : i32 to index
      %get3A_555 = arith.constant 8 : index
      %get3A_556 = tpu.vector_load %arg14[%get3A_554, %get3A_555] {strides = array<i32>} : memref<80x24xf32, #tpu.memory_space<vmem>>, vector<16xf32>,
      %mul3A_557 = vector.broadcast %squeeze3A_541 : f32 to vector<16xf32>
      %mul3A_558 = arith.mulf %get3A_556, %mul3A_557 : vector<16xf32>
      %swap3A_559 = arith.index_cast %add3A_545 : i32 to index
      %swap3A_560 = arith.constant 8 : index
      %swap3A_561 = tpu.vector_load %arg16[%swap3A_559, %swap3A_560] {strides = array<i32>} : memref<80x24xf32, #tpu.memory_space<vmem>>, vector<16xf32>,
      tpu.vector_store %arg16[%swap3A_559, %swap3A_560], %mul3A_558 {strides = array<i32>} : memref<80x24xf32, #tpu.memory_space<vmem>>, vector<16xf32>,
      %scan3A_562 = arith.constant 0 : i32
      scf.yield %scan3A_562 : i32
    }
    %scan3A_151 = arith.constant 5 : i32
    %dma_start3A_152 = arith.constant 124 : i32
    %dma_start3A_153 = arith.constant 0 : i32
    %dma_start3A_154 = tpu.memref_slice %arg10[%dma_start3A_152, %dma_start3A_153] : memref<125x80xi32, #tpu.memory_space<vmem>> -> memref<1x80xi32, #tpu.memory_space<vmem>>
    %dma_start3A_155 = tpu.memref_squeeze %dma_start3A_154 : memref<1x80xi32, #tpu.memory_space<vmem>> -> memref<80xi32, #tpu.memory_space<vmem>>
    %dma_start3A_156 = arith.constant 0 : i32
    %dma_start3A_157 = arith.constant 0 : i32
    %dma_start3A_158 = tpu.memref_slice %arg32[%dma_start3A_156, %dma_start3A_157] : memref<10000x24xf32, #tpu.memory_space<vmem_shared>> -> memref<10000x24xf32, #tpu.memory_space<vmem_shared>>
    tpu.enqueue_indirect_dma source(%arg16 : memref<80x24xf32, #tpu.memory_space<vmem>>) target(%dma_start3A_158 : memref<10000x24xf32, #tpu.memory_space<vmem_shared>>) offsets(%dma_start3A_155 : memref<80xi32, #tpu.memory_space<vmem>>) semaphore(%arg27 : memref<!tpu.dma_semaphore, #tpu.memory_space<semaphore_mem>>) {add = true}
    %dma_start3A_159 = arith.constant 124 : i32
    %dma_start3A_160 = arith.constant 124 : i32
    %dma_start3A_161 = arith.constant 0 : i32
    %dma_start3A_162 = tpu.memref_slice %arg12[%dma_start3A_159, %dma_start3A_161] : memref<125x80xf32, #tpu.memory_space<vmem>> -> memref<1x80xf32, #tpu.memory_space<vmem>>
    %dma_start3A_163 = tpu.memref_squeeze %dma_start3A_162 : memref<1x80xf32, #tpu.memory_space<vmem>> -> memref<80xf32, #tpu.memory_space<vmem>>
    %dma_start3A_164 = arith.constant 0 : i32
    %dma_start3A_165 = tpu.memref_slice %arg9[%dma_start3A_160, %dma_start3A_164] : memref<125x80xi32, #tpu.memory_space<vmem>> -> memref<1x80xi32, #tpu.memory_space<vmem>>
    %dma_start3A_166 = tpu.memref_squeeze %dma_start3A_165 : memref<1x80xi32, #tpu.memory_space<vmem>> -> memref<80xi32, #tpu.memory_space<vmem>>
    %dma_start3A_167 = arith.constant 0 : i32
    %dma_start3A_168 = tpu.memref_slice %arg31[%dma_start3A_167] : memref<10000xf32, #tpu.memory_space<vmem_shared>> -> memref<10000xf32, #tpu.memory_space<vmem_shared>>
    tpu.enqueue_indirect_dma source(%dma_start3A_163 : memref<80xf32, #tpu.memory_space<vmem>>) target(%dma_start3A_168 : memref<10000xf32, #tpu.memory_space<vmem_shared>>) offsets(%dma_start3A_166 : memref<80xi32, #tpu.memory_space<vmem>>) semaphore(%arg29 : memref<!tpu.dma_semaphore, #tpu.memory_space<semaphore_mem>>) {add = true}
    %dma_wait3A_169 = arith.constant 0 : i32
    %dma_wait3A_170 = arith.constant 0 : i32
    %dma_wait3A_171 = tpu.memref_slice %arg10[%dma_wait3A_169, %dma_wait3A_170] : memref<125x80xi32, #tpu.memory_space<vmem>> -> memref<1x80xi32, #tpu.memory_space<vmem>>
    %dma_wait3A_172 = tpu.memref_squeeze %dma_wait3A_171 : memref<1x80xi32, #tpu.memory_space<vmem>> -> memref<80xi32, #tpu.memory_space<vmem>>
    %dma_wait3A_173 = arith.constant 0 : i32
    %dma_wait3A_174 = arith.constant 0 : i32
    %dma_wait3A_175 = tpu.memref_slice %arg32[%dma_wait3A_173, %dma_wait3A_174] : memref<10000x24xf32, #tpu.memory_space<vmem_shared>> -> memref<10000x24xf32, #tpu.memory_space<vmem_shared>>
    tpu.wait_indirect_dma semaphore(%arg27 : memref<!tpu.dma_semaphore, #tpu.memory_space<semaphore_mem>>) src(%arg16 : memref<80x24xf32, #tpu.memory_space<vmem>>) dst(%dma_wait3A_175 : memref<10000x24xf32, #tpu.memory_space<vmem_shared>>)
    %dma_wait3A_176 = arith.constant 0 : i32
    %dma_wait3A_177 = arith.constant 0 : i32
    %dma_wait3A_178 = tpu.memref_slice %arg10[%dma_wait3A_176, %dma_wait3A_177] : memref<125x80xi32, #tpu.memory_space<vmem>> -> memref<1x80xi32, #tpu.memory_space<vmem>>
    %dma_wait3A_179 = tpu.memref_squeeze %dma_wait3A_178 : memref<1x80xi32, #tpu.memory_space<vmem>> -> memref<80xi32, #tpu.memory_space<vmem>>
    %dma_wait3A_180 = arith.constant 0 : i32
    %dma_wait3A_181 = arith.constant 0 : i32
    %dma_wait3A_182 = tpu.memref_slice %arg32[%dma_wait3A_180, %dma_wait3A_181] : memref<10000x24xf32, #tpu.memory_space<vmem_shared>> -> memref<10000x24xf32, #tpu.memory_space<vmem_shared>>
    tpu.wait_indirect_dma semaphore(%arg28 : memref<!tpu.dma_semaphore, #tpu.memory_space<semaphore_mem>>) src(%arg17 : memref<80x24xf32, #tpu.memory_space<vmem>>) dst(%dma_wait3A_182 : memref<10000x24xf32, #tpu.memory_space<vmem_shared>>)
    %scan3A_183 = arith.constant 0 : i32
    %scan3A_184 = arith.constant 0 : i32
    %scan3A_185 = arith.constant 125 : i32
    %scan3A_186 = arith.addi %scan3A_184, %scan3A_185 : i32
    %scan3A_187 = arith.constant 1 : i32
    %scan3A_188 = scf.for %scan3A_206 = %scan3A_184 to %scan3A_186 step %scan3A_187 iter_args(%scan3A_207 = %scan3A_183) -> (i32)  : i32 {
      %dma_wait3A_208 = arith.constant 0 : i32
      %dma_wait3A_209 = arith.constant 0 : i32
      %dma_wait3A_210 = arith.constant 0 : i32
      %dma_wait3A_211 = tpu.memref_slice %arg12[%dma_wait3A_208, %dma_wait3A_210] : memref<125x80xf32, #tpu.memory_space<vmem>> -> memref<1x80xf32, #tpu.memory_space<vmem>>
      %dma_wait3A_212 = tpu.memref_squeeze %dma_wait3A_211 : memref<1x80xf32, #tpu.memory_space<vmem>> -> memref<80xf32, #tpu.memory_space<vmem>>
      %dma_wait3A_213 = arith.constant 0 : i32
      %dma_wait3A_214 = tpu.memref_slice %arg9[%dma_wait3A_209, %dma_wait3A_213] : memref<125x80xi32, #tpu.memory_space<vmem>> -> memref<1x80xi32, #tpu.memory_space<vmem>>
      %dma_wait3A_215 = tpu.memref_squeeze %dma_wait3A_214 : memref<1x80xi32, #tpu.memory_space<vmem>> -> memref<80xi32, #tpu.memory_space<vmem>>
      %dma_wait3A_216 = arith.constant 0 : i32
      %dma_wait3A_217 = tpu.memref_slice %arg31[%dma_wait3A_216] : memref<10000xf32, #tpu.memory_space<vmem_shared>> -> memref<10000xf32, #tpu.memory_space<vmem_shared>>
      tpu.wait_indirect_dma semaphore(%arg29 : memref<!tpu.dma_semaphore, #tpu.memory_space<semaphore_mem>>) src(%dma_wait3A_212 : memref<80xf32, #tpu.memory_space<vmem>>) dst(%dma_wait3A_217 : memref<10000xf32, #tpu.memory_space<vmem_shared>>)
      %scan3A_218 = arith.constant 0 : i32
      scf.yield %scan3A_218 : i32
    }
    %scan3A_189 = arith.constant 125 : i32
    %barrier3A_190 = arith.constant 0 : index
    tpu.barrier barrier_id(%barrier3A_190)
    %mul3A_191 = arith.constant 625 : i32
    %mul3A_192 = arith.muli %arg1, %mul3A_191 : i32
    %mul3A_193 = arith.constant 625 : i32
    %mul3A_194 = arith.muli %arg1, %mul3A_193 : i32
    "tpu.region"() ({
      %run_scoped3A = tpu.sem_alloc : memref<!tpu.dma_semaphore, #tpu.memory_space<semaphore_mem>>
      %dma_start3A_206 = arith.constant 0 : i32
      %dma_start3A_207 = tpu.memref_slice %arg5[%arg0, %mul3A_194, %dma_start3A_206] : memref<2x10000x24xf32, #tpu.memory_space<hbm>> -> memref<1x625x24xf32, #tpu.memory_space<hbm>>
      %dma_start3A_208 = tpu.memref_squeeze %dma_start3A_207 : memref<1x625x24xf32, #tpu.memory_space<hbm>> -> memref<625x24xf32, #tpu.memory_space<hbm>>
      %dma_start3A_209 = arith.constant 0 : i32
      %dma_start3A_210 = tpu.memref_slice %arg32[%mul3A_192, %dma_start3A_209] : memref<10000x24xf32, #tpu.memory_space<vmem_shared>> -> memref<625x24xf32, #tpu.memory_space<vmem_shared>>
      tpu.enqueue_dma source(%dma_start3A_210 : memref<625x24xf32, #tpu.memory_space<vmem_shared>>) target(%dma_start3A_208 : memref<625x24xf32, #tpu.memory_space<hbm>>) target_semaphore(%run_scoped3A : memref<!tpu.dma_semaphore, #tpu.memory_space<semaphore_mem>>)
      %dma_wait3A_211 = arith.constant 0 : i32
      %dma_wait3A_212 = tpu.memref_slice %arg5[%arg0, %mul3A_194, %dma_wait3A_211] : memref<2x10000x24xf32, #tpu.memory_space<hbm>> -> memref<1x625x24xf32, #tpu.memory_space<hbm>>
      %dma_wait3A_213 = tpu.memref_squeeze %dma_wait3A_212 : memref<1x625x24xf32, #tpu.memory_space<hbm>> -> memref<625x24xf32, #tpu.memory_space<hbm>>
      %dma_wait3A_214 = arith.constant 0 : i32
      %dma_wait3A_215 = tpu.memref_slice %arg32[%mul3A_192, %dma_wait3A_214] : memref<10000x24xf32, #tpu.memory_space<vmem_shared>> -> memref<625x24xf32, #tpu.memory_space<vmem_shared>>
      tpu.wait_dma2 semaphore(%run_scoped3A : memref<!tpu.dma_semaphore, #tpu.memory_space<semaphore_mem>>) src(%dma_wait3A_215 : memref<625x24xf32, #tpu.memory_space<vmem_shared>>) dst(%dma_wait3A_213 : memref<625x24xf32, #tpu.memory_space<hbm>>)
      tpu.yield
    }) : () -> ()
    %lt3A_195 = arith.constant 10 : i32
    %lt3A_196 = arith.cmpi slt, %arg1, %lt3A_195 : i32
    %convert_element_type3A_197 = arith.extui %lt3A_196 : i1 to i32
    %cond3A_198 = arith.constant 0 : i32
    %cond3A_199 = arith.cmpi ne, %convert_element_type3A_197, %cond3A_198 : i32
    scf.if %cond3A_199 {
      %mul3A_206 = arith.constant 1000 : i32
      %mul3A_207 = arith.muli %arg1, %mul3A_206 : i32
      %mul3A_208 = arith.constant 1000 : i32
      %mul3A_209 = arith.muli %arg1, %mul3A_208 : i32
      "tpu.region"() ({
        %run_scoped3A = tpu.sem_alloc : memref<!tpu.dma_semaphore, #tpu.memory_space<semaphore_mem>>
        %dma_start3A_210 = tpu.memref_slice %arg6[%arg0, %mul3A_209] : memref<2x10000xf32, #tpu.memory_space<hbm>> -> memref<1x1000xf32, #tpu.memory_space<hbm>>
        %dma_start3A_211 = tpu.memref_squeeze %dma_start3A_210 : memref<1x1000xf32, #tpu.memory_space<hbm>> -> memref<1000xf32, #tpu.memory_space<hbm>>
        %dma_start3A_212 = tpu.memref_slice %arg31[%mul3A_207] : memref<10000xf32, #tpu.memory_space<vmem_shared>> -> memref<1000xf32, #tpu.memory_space<vmem_shared>>
        tpu.enqueue_dma source(%dma_start3A_212 : memref<1000xf32, #tpu.memory_space<vmem_shared>>) target(%dma_start3A_211 : memref<1000xf32, #tpu.memory_space<hbm>>) target_semaphore(%run_scoped3A : memref<!tpu.dma_semaphore, #tpu.memory_space<semaphore_mem>>)
        %dma_wait3A_213 = tpu.memref_slice %arg6[%arg0, %mul3A_209] : memref<2x10000xf32, #tpu.memory_space<hbm>> -> memref<1x1000xf32, #tpu.memory_space<hbm>>
        %dma_wait3A_214 = tpu.memref_squeeze %dma_wait3A_213 : memref<1x1000xf32, #tpu.memory_space<hbm>> -> memref<1000xf32, #tpu.memory_space<hbm>>
        %dma_wait3A_215 = tpu.memref_slice %arg31[%mul3A_207] : memref<10000xf32, #tpu.memory_space<vmem_shared>> -> memref<1000xf32, #tpu.memory_space<vmem_shared>>
        tpu.wait_dma2 semaphore(%run_scoped3A : memref<!tpu.dma_semaphore, #tpu.memory_space<semaphore_mem>>) src(%dma_wait3A_215 : memref<1000xf32, #tpu.memory_space<vmem_shared>>) dst(%dma_wait3A_214 : memref<1000xf32, #tpu.memory_space<hbm>>)
        tpu.yield
      }) : () -> ()
    } else {
    }
    %eq3A = arith.constant 0 : i32
    %eq3A_200 = arith.cmpi eq, %arg0, %eq3A : i32
    %lt3A_201 = arith.constant 10 : i32
    %lt3A_202 = arith.cmpi slt, %arg1, %lt3A_201 : i32
    %and3A = arith.andi %eq3A_200, %lt3A_202 : i1
    %convert_element_type3A_203 = arith.extui %and3A : i1 to i32
    %cond3A_204 = arith.constant 0 : i32
    %cond3A_205 = arith.cmpi ne, %convert_element_type3A_203, %cond3A_204 : i32
    scf.if %cond3A_205 {
      %mul3A_206 = arith.constant 1000 : i32
      %mul3A_207 = arith.muli %arg1, %mul3A_206 : i32
      %mul3A_208 = arith.constant 1000 : i32
      %mul3A_209 = arith.muli %arg1, %mul3A_208 : i32
      "tpu.region"() ({
        %run_scoped3A = tpu.sem_alloc : memref<!tpu.dma_semaphore, #tpu.memory_space<semaphore_mem>>
        %dma_start3A_210 = tpu.memref_slice %arg11[%mul3A_207] : memref<10000xf32, #tpu.memory_space<vmem>> -> memref<1000xf32, #tpu.memory_space<vmem>>
        %dma_start3A_211 = tpu.memref_slice %arg7[%mul3A_209] : memref<10000xf32, #tpu.memory_space<hbm>> -> memref<1000xf32, #tpu.memory_space<hbm>>
        %dma_start3A_212 = tpu.memref_slice %arg7[%mul3A_209] : memref<10000xf32, #tpu.memory_space<hbm>> -> memref<1000xf32, #tpu.memory_space<hbm>>
        %dma_start3A_213 = tpu.memref_slice %arg11[%mul3A_207] : memref<10000xf32, #tpu.memory_space<vmem>> -> memref<1000xf32, #tpu.memory_space<vmem>>
        tpu.enqueue_dma source(%dma_start3A_213 : memref<1000xf32, #tpu.memory_space<vmem>>) target(%dma_start3A_212 : memref<1000xf32, #tpu.memory_space<hbm>>) target_semaphore(%run_scoped3A : memref<!tpu.dma_semaphore, #tpu.memory_space<semaphore_mem>>)
        %dma_wait3A_214 = tpu.memref_slice %arg11[%mul3A_207] : memref<10000xf32, #tpu.memory_space<vmem>> -> memref<1000xf32, #tpu.memory_space<vmem>>
        %dma_wait3A_215 = tpu.memref_slice %arg7[%mul3A_209] : memref<10000xf32, #tpu.memory_space<hbm>> -> memref<1000xf32, #tpu.memory_space<hbm>>
        %dma_wait3A_216 = tpu.memref_slice %arg7[%mul3A_209] : memref<10000xf32, #tpu.memory_space<hbm>> -> memref<1000xf32, #tpu.memory_space<hbm>>
        %dma_wait3A_217 = tpu.memref_slice %arg11[%mul3A_207] : memref<10000xf32, #tpu.memory_space<vmem>> -> memref<1000xf32, #tpu.memory_space<vmem>>
        tpu.wait_dma2 semaphore(%run_scoped3A : memref<!tpu.dma_semaphore, #tpu.memory_space<semaphore_mem>>) src(%dma_wait3A_217 : memref<1000xf32, #tpu.memory_space<vmem>>) dst(%dma_wait3A_216 : memref<1000xf32, #tpu.memory_space<hbm>>)
        tpu.yield
      }) : () -> ()
    } else {
    }
    return
  }
}

module attributes {stable_mosaic.version = 14 : i64} {
  func.func @_tc_body(%arg0: memref<2x10000x16xf32, #tpu.memory_space<vmem>>, %arg1: memref<10000x2xf32, #tpu.memory_space<vmem>>, %arg2: memref<10000x1xf32, #tpu.memory_space<vmem>>, %arg3: memref<10000x16xf32, #tpu.memory_space<vmem>>, %arg4: memref<2x10000x24xf32, #tpu.memory_space<vmem>>, %arg5: memref<10000x2xf32, #tpu.memory_space<vmem>>, %arg6: memref<10000x1xf32, #tpu.memory_space<vmem>>, %arg7: memref<10000x24xf32, #tpu.memory_space<vmem>>, %arg8: memref<8x6xf32, #tpu.memory_space<vmem>>, %arg9: memref<16x1200xf32, #tpu.memory_space<vmem>>, %arg10: memref<1x1200xf32, #tpu.memory_space<vmem>>, %arg11: memref<150x64xf32, #tpu.memory_space<vmem>>, %arg12: memref<1x64xf32, #tpu.memory_space<vmem>>, %arg13: memref<24x1200xf32, #tpu.memory_space<vmem>>, %arg14: memref<1x1200xf32, #tpu.memory_space<vmem>>, %arg15: memref<150x64xf32, #tpu.memory_space<vmem>>, %arg16: memref<1x64xf32, #tpu.memory_space<vmem>>, %arg17: memref<134x128xf32, #tpu.memory_space<vmem>>, %arg18: memref<1x128xf32, #tpu.memory_space<vmem>>, %arg19: memref<128x64xf32, #tpu.memory_space<vmem>>, %arg20: memref<1x64xf32, #tpu.memory_space<vmem>>, %arg21: memref<64x4xf32, #tpu.memory_space<vmem>>, %arg22: memref<1x4xf32, #tpu.memory_space<vmem>>, %arg23: memref<8x134xf32, #tpu.memory_space<vmem>>, %arg24: memref<8x4xf32, #tpu.memory_space<vmem>>) attributes {dimension_semantics = [], scalar_prefetch = 0 : i64, scratch_operands = 0 : i64, tpu.core_type = #tpu.core_type<tc>} {
    %get3A = arith.constant 0 : index
    %get3A_0 = arith.constant 0 : index
    %get3A_1 = vector.load %arg9[%get3A, %get3A_0] : memref<16x1200xf32, #tpu.memory_space<vmem>>, vector<16x1200xf32>
    %get3A_2 = arith.constant 0 : index
    %get3A_3 = arith.constant 0 : index
    %get3A_4 = vector.load %arg10[%get3A_2, %get3A_3] : memref<1x1200xf32, #tpu.memory_space<vmem>>, vector<1x1200xf32>
    %broadcast_in_dim3A = arith.constant 0.000000e+00 : f32
    %broadcast_in_dim3A_5 = vector.broadcast %broadcast_in_dim3A : f32 to vector<1x1200xf32>
    %scan3A = arith.constant 0 : i32
    %scan3A_6 = arith.constant 10 : i32
    %scan3A_7 = arith.addi %scan3A, %scan3A_6 : i32
    %scan3A_8 = arith.constant 1 : i32
    %scan3A_9 = scf.for %scan3A_109 = %scan3A to %scan3A_7 step %scan3A_8 iter_args(%scan3A_110 = %broadcast_in_dim3A_5) -> (vector<1x1200xf32>)  : i32 {
      %mul3A_111 = arith.constant 1000 : i32
      %mul3A_112 = arith.muli %scan3A_109, %mul3A_111 : i32
      %get3A_113 = arith.index_cast %mul3A_112 : i32 to index
      %get3A_114 = arith.constant 0 : index
      %get3A_115 = vector.load %arg2[%get3A_113, %get3A_114] : memref<10000x1xf32, #tpu.memory_space<vmem>>, vector<1000x1xf32>
      %mul3A_116 = arith.mulf %get3A_115, %get3A_115 : vector<1000x1xf32>
      %get3A_117 = arith.constant 0 : index
      %get3A_118 = arith.index_cast %mul3A_112 : i32 to index
      %get3A_119 = arith.constant 0 : index
      %get3A_120 = vector.load %arg0[%get3A_117, %get3A_118, %get3A_119] : memref<2x10000x16xf32, #tpu.memory_space<vmem>>, vector<1x1000x16xf32>
      %get3A_121 = vector.shape_cast %get3A_120 : vector<1x1000x16xf32> to vector<1000x16xf32>
      %get3A_122 = arith.constant 1 : index
      %get3A_123 = arith.index_cast %mul3A_112 : i32 to index
      %get3A_124 = arith.constant 0 : index
      %get3A_125 = vector.load %arg0[%get3A_122, %get3A_123, %get3A_124] : memref<2x10000x16xf32, #tpu.memory_space<vmem>>, vector<1x1000x16xf32>
      %get3A_126 = vector.shape_cast %get3A_125 : vector<1x1000x16xf32> to vector<1000x16xf32>
      %add3A_127 = arith.addf %get3A_121, %get3A_126 : vector<1000x16xf32>
      %get3A_128 = arith.index_cast %mul3A_112 : i32 to index
      %get3A_129 = arith.constant 0 : index
      %get3A_130 = vector.load %arg3[%get3A_128, %get3A_129] : memref<10000x16xf32, #tpu.memory_space<vmem>>, vector<1000x16xf32>
      %mul3A_131 = vector.broadcast %mul3A_116 : vector<1000x1xf32> to vector<1000x16xf32>
      %mul3A_132 = arith.mulf %mul3A_131, %get3A_130 : vector<1000x16xf32>
      %add3A_133 = arith.addf %add3A_127, %mul3A_132 : vector<1000x16xf32>
      %get3A_134 = arith.index_cast %mul3A_112 : i32 to index
      %get3A_135 = arith.constant 0 : index
      %get3A_136 = vector.load %arg1[%get3A_134, %get3A_135] : memref<10000x2xf32, #tpu.memory_space<vmem>>, vector<1000x2xf32>
      %slice3A_137 = vector.extract_strided_slice %get3A_136 {offsets = [0, 0], sizes = [1000, 1], strides = [1, 1]} : vector<1000x2xf32> to vector<1000x1xf32>
      %slice3A_138 = vector.extract_strided_slice %get3A_136 {offsets = [0, 1], sizes = [1000, 1], strides = [1, 1]} : vector<1000x2xf32> to vector<1000x1xf32>
      %add3A_139 = arith.addf %slice3A_137, %slice3A_138 : vector<1000x1xf32>
      %add3A_140 = arith.addf %add3A_139, %mul3A_116 : vector<1000x1xf32>
      %mul3A_141 = arith.constant 9.99999974E-5 : f32
      %mul3A_142 = vector.broadcast %mul3A_141 : f32 to vector<1000x1xf32>
      %mul3A_143 = arith.mulf %add3A_140, %mul3A_142 : vector<1000x1xf32>
      %dot_general3A_144 = arith.constant dense<0.000000e+00> : vector<1000x1200xf32>
      %dot_general3A_145 = tpu.matmul %add3A_133, %get3A_1, %dot_general3A_144 {dimension_numbers = #tpu.dot_dimension_numbers<[1], [0], [0], [1], [0, 0, 1, 1], [], []>, transpose_lhs_hint = false} : vector<1000x16xf32>, vector<16x1200xf32>, vector<1000x1200xf32> -> vector<1000x1200xf32>
      %add3A_146 = vector.broadcast %get3A_4 : vector<1x1200xf32> to vector<1000x1200xf32>
      %add3A_147 = arith.addf %dot_general3A_145, %add3A_146 : vector<1000x1200xf32>
      %gt3A_148 = arith.constant 0.000000e+00 : f32
      %gt3A_149 = vector.broadcast %gt3A_148 : f32 to vector<1000x1200xf32>
      %gt3A_150 = arith.cmpf ogt, %add3A_147, %gt3A_149 : vector<1000x1200xf32>
      %mul3A_151 = arith.constant 1.000000e-01 : f32
      %mul3A_152 = vector.broadcast %mul3A_151 : f32 to vector<1000x1200xf32>
      %mul3A_153 = arith.mulf %mul3A_152, %add3A_147 : vector<1000x1200xf32>
      %select_n3A_154 = arith.select %gt3A_150, %add3A_147, %mul3A_153 : vector<1000x1200xi1>, vector<1000x1200xf32>
      %mul3A_155 = vector.broadcast %mul3A_143 : vector<1000x1xf32> to vector<1000x1200xf32>
      %mul3A_156 = arith.mulf %mul3A_155, %select_n3A_154 : vector<1000x1200xf32>
      %reduce_sum3A = arith.constant dense<0.000000e+00> : vector<1200xf32>
      %reduce_sum3A_157 = vector.multi_reduction <add>, %mul3A_156, %reduce_sum3A [0] : vector<1000x1200xf32> to vector<1200xf32>
      %broadcast_in_dim3A_158 = vector.shape_cast %reduce_sum3A_157 : vector<1200xf32> to vector<1x1200xf32>
      %add3A_159 = arith.addf %scan3A_110, %broadcast_in_dim3A_158 : vector<1x1200xf32>
      scf.yield %add3A_159 : vector<1x1200xf32>
    }
    %scan3A_10 = arith.constant 10 : i32
    %slice3A = vector.extract_strided_slice %scan3A_9 {offsets = [0, 0], sizes = [1, 150], strides = [1, 1]} : vector<1x1200xf32> to vector<1x150xf32>
    %slice3A_11 = vector.extract_strided_slice %scan3A_9 {offsets = [0, 150], sizes = [1, 150], strides = [1, 1]} : vector<1x1200xf32> to vector<1x150xf32>
    %slice3A_12 = vector.extract_strided_slice %scan3A_9 {offsets = [0, 300], sizes = [1, 150], strides = [1, 1]} : vector<1x1200xf32> to vector<1x150xf32>
    %slice3A_13 = vector.extract_strided_slice %scan3A_9 {offsets = [0, 450], sizes = [1, 150], strides = [1, 1]} : vector<1x1200xf32> to vector<1x150xf32>
    %slice3A_14 = vector.extract_strided_slice %scan3A_9 {offsets = [0, 600], sizes = [1, 150], strides = [1, 1]} : vector<1x1200xf32> to vector<1x150xf32>
    %slice3A_15 = vector.extract_strided_slice %scan3A_9 {offsets = [0, 750], sizes = [1, 150], strides = [1, 1]} : vector<1x1200xf32> to vector<1x150xf32>
    %slice3A_16 = vector.extract_strided_slice %scan3A_9 {offsets = [0, 900], sizes = [1, 150], strides = [1, 1]} : vector<1x1200xf32> to vector<1x150xf32>
    %slice3A_17 = vector.extract_strided_slice %scan3A_9 {offsets = [0, 1050], sizes = [1, 150], strides = [1, 1]} : vector<1x1200xf32> to vector<1x150xf32>
    %concatenate3A = tpu.concatenate %slice3A, %slice3A_11, %slice3A_12, %slice3A_13, %slice3A_14, %slice3A_15, %slice3A_16, %slice3A_17 in 0 : vector<1x150xf32>, vector<1x150xf32>, vector<1x150xf32>, vector<1x150xf32>, vector<1x150xf32>, vector<1x150xf32>, vector<1x150xf32>, vector<1x150xf32> -> vector<8x150xf32>
    %get3A_18 = arith.constant 0 : index
    %get3A_19 = arith.constant 0 : index
    %get3A_20 = vector.load %arg13[%get3A_18, %get3A_19] : memref<24x1200xf32, #tpu.memory_space<vmem>>, vector<24x1200xf32>
    %get3A_21 = arith.constant 0 : index
    %get3A_22 = arith.constant 0 : index
    %get3A_23 = vector.load %arg14[%get3A_21, %get3A_22] : memref<1x1200xf32, #tpu.memory_space<vmem>>, vector<1x1200xf32>
    %broadcast_in_dim3A_24 = arith.constant 0.000000e+00 : f32
    %broadcast_in_dim3A_25 = vector.broadcast %broadcast_in_dim3A_24 : f32 to vector<1x1200xf32>
    %scan3A_26 = arith.constant 0 : i32
    %scan3A_27 = arith.constant 10 : i32
    %scan3A_28 = arith.addi %scan3A_26, %scan3A_27 : i32
    %scan3A_29 = arith.constant 1 : i32
    %scan3A_30 = scf.for %scan3A_109 = %scan3A_26 to %scan3A_28 step %scan3A_29 iter_args(%scan3A_110 = %broadcast_in_dim3A_25) -> (vector<1x1200xf32>)  : i32 {
      %mul3A_111 = arith.constant 1000 : i32
      %mul3A_112 = arith.muli %scan3A_109, %mul3A_111 : i32
      %get3A_113 = arith.index_cast %mul3A_112 : i32 to index
      %get3A_114 = arith.constant 0 : index
      %get3A_115 = vector.load %arg6[%get3A_113, %get3A_114] : memref<10000x1xf32, #tpu.memory_space<vmem>>, vector<1000x1xf32>
      %mul3A_116 = arith.mulf %get3A_115, %get3A_115 : vector<1000x1xf32>
      %get3A_117 = arith.constant 0 : index
      %get3A_118 = arith.index_cast %mul3A_112 : i32 to index
      %get3A_119 = arith.constant 0 : index
      %get3A_120 = vector.load %arg4[%get3A_117, %get3A_118, %get3A_119] : memref<2x10000x24xf32, #tpu.memory_space<vmem>>, vector<1x1000x24xf32>
      %get3A_121 = vector.shape_cast %get3A_120 : vector<1x1000x24xf32> to vector<1000x24xf32>
      %get3A_122 = arith.constant 1 : index
      %get3A_123 = arith.index_cast %mul3A_112 : i32 to index
      %get3A_124 = arith.constant 0 : index
      %get3A_125 = vector.load %arg4[%get3A_122, %get3A_123, %get3A_124] : memref<2x10000x24xf32, #tpu.memory_space<vmem>>, vector<1x1000x24xf32>
      %get3A_126 = vector.shape_cast %get3A_125 : vector<1x1000x24xf32> to vector<1000x24xf32>
      %add3A_127 = arith.addf %get3A_121, %get3A_126 : vector<1000x24xf32>
      %get3A_128 = arith.index_cast %mul3A_112 : i32 to index
      %get3A_129 = arith.constant 0 : index
      %get3A_130 = vector.load %arg7[%get3A_128, %get3A_129] : memref<10000x24xf32, #tpu.memory_space<vmem>>, vector<1000x24xf32>
      %mul3A_131 = vector.broadcast %mul3A_116 : vector<1000x1xf32> to vector<1000x24xf32>
      %mul3A_132 = arith.mulf %mul3A_131, %get3A_130 : vector<1000x24xf32>
      %add3A_133 = arith.addf %add3A_127, %mul3A_132 : vector<1000x24xf32>
      %get3A_134 = arith.index_cast %mul3A_112 : i32 to index
      %get3A_135 = arith.constant 0 : index
      %get3A_136 = vector.load %arg5[%get3A_134, %get3A_135] : memref<10000x2xf32, #tpu.memory_space<vmem>>, vector<1000x2xf32>
      %slice3A_137 = vector.extract_strided_slice %get3A_136 {offsets = [0, 0], sizes = [1000, 1], strides = [1, 1]} : vector<1000x2xf32> to vector<1000x1xf32>
      %slice3A_138 = vector.extract_strided_slice %get3A_136 {offsets = [0, 1], sizes = [1000, 1], strides = [1, 1]} : vector<1000x2xf32> to vector<1000x1xf32>
      %add3A_139 = arith.addf %slice3A_137, %slice3A_138 : vector<1000x1xf32>
      %add3A_140 = arith.addf %add3A_139, %mul3A_116 : vector<1000x1xf32>
      %mul3A_141 = arith.constant 9.99999974E-5 : f32
      %mul3A_142 = vector.broadcast %mul3A_141 : f32 to vector<1000x1xf32>
      %mul3A_143 = arith.mulf %add3A_140, %mul3A_142 : vector<1000x1xf32>
      %dot_general3A_144 = arith.constant dense<0.000000e+00> : vector<1000x1200xf32>
      %dot_general3A_145 = tpu.matmul %add3A_133, %get3A_20, %dot_general3A_144 {dimension_numbers = #tpu.dot_dimension_numbers<[1], [0], [0], [1], [0, 0, 1, 1], [], []>, transpose_lhs_hint = false} : vector<1000x24xf32>, vector<24x1200xf32>, vector<1000x1200xf32> -> vector<1000x1200xf32>
      %add3A_146 = vector.broadcast %get3A_23 : vector<1x1200xf32> to vector<1000x1200xf32>
      %add3A_147 = arith.addf %dot_general3A_145, %add3A_146 : vector<1000x1200xf32>
      %gt3A_148 = arith.constant 0.000000e+00 : f32
      %gt3A_149 = vector.broadcast %gt3A_148 : f32 to vector<1000x1200xf32>
      %gt3A_150 = arith.cmpf ogt, %add3A_147, %gt3A_149 : vector<1000x1200xf32>
      %mul3A_151 = arith.constant 1.000000e-01 : f32
      %mul3A_152 = vector.broadcast %mul3A_151 : f32 to vector<1000x1200xf32>
      %mul3A_153 = arith.mulf %mul3A_152, %add3A_147 : vector<1000x1200xf32>
      %select_n3A_154 = arith.select %gt3A_150, %add3A_147, %mul3A_153 : vector<1000x1200xi1>, vector<1000x1200xf32>
      %mul3A_155 = vector.broadcast %mul3A_143 : vector<1000x1xf32> to vector<1000x1200xf32>
      %mul3A_156 = arith.mulf %mul3A_155, %select_n3A_154 : vector<1000x1200xf32>
      %reduce_sum3A = arith.constant dense<0.000000e+00> : vector<1200xf32>
      %reduce_sum3A_157 = vector.multi_reduction <add>, %mul3A_156, %reduce_sum3A [0] : vector<1000x1200xf32> to vector<1200xf32>
      %broadcast_in_dim3A_158 = vector.shape_cast %reduce_sum3A_157 : vector<1200xf32> to vector<1x1200xf32>
      %add3A_159 = arith.addf %scan3A_110, %broadcast_in_dim3A_158 : vector<1x1200xf32>
      scf.yield %add3A_159 : vector<1x1200xf32>
    }
    %scan3A_31 = arith.constant 10 : i32
    %slice3A_32 = vector.extract_strided_slice %scan3A_30 {offsets = [0, 0], sizes = [1, 150], strides = [1, 1]} : vector<1x1200xf32> to vector<1x150xf32>
    %slice3A_33 = vector.extract_strided_slice %scan3A_30 {offsets = [0, 150], sizes = [1, 150], strides = [1, 1]} : vector<1x1200xf32> to vector<1x150xf32>
    %slice3A_34 = vector.extract_strided_slice %scan3A_30 {offsets = [0, 300], sizes = [1, 150], strides = [1, 1]} : vector<1x1200xf32> to vector<1x150xf32>
    %slice3A_35 = vector.extract_strided_slice %scan3A_30 {offsets = [0, 450], sizes = [1, 150], strides = [1, 1]} : vector<1x1200xf32> to vector<1x150xf32>
    %slice3A_36 = vector.extract_strided_slice %scan3A_30 {offsets = [0, 600], sizes = [1, 150], strides = [1, 1]} : vector<1x1200xf32> to vector<1x150xf32>
    %slice3A_37 = vector.extract_strided_slice %scan3A_30 {offsets = [0, 750], sizes = [1, 150], strides = [1, 1]} : vector<1x1200xf32> to vector<1x150xf32>
    %slice3A_38 = vector.extract_strided_slice %scan3A_30 {offsets = [0, 900], sizes = [1, 150], strides = [1, 1]} : vector<1x1200xf32> to vector<1x150xf32>
    %slice3A_39 = vector.extract_strided_slice %scan3A_30 {offsets = [0, 1050], sizes = [1, 150], strides = [1, 1]} : vector<1x1200xf32> to vector<1x150xf32>
    %concatenate3A_40 = tpu.concatenate %slice3A_32, %slice3A_33, %slice3A_34, %slice3A_35, %slice3A_36, %slice3A_37, %slice3A_38, %slice3A_39 in 0 : vector<1x150xf32>, vector<1x150xf32>, vector<1x150xf32>, vector<1x150xf32>, vector<1x150xf32>, vector<1x150xf32>, vector<1x150xf32>, vector<1x150xf32> -> vector<8x150xf32>
    %get3A_41 = arith.constant 0 : index
    %get3A_42 = arith.constant 0 : index
    %get3A_43 = vector.load %arg11[%get3A_41, %get3A_42] : memref<150x64xf32, #tpu.memory_space<vmem>>, vector<150x64xf32>
    %dot_general3A = arith.constant dense<0.000000e+00> : vector<8x64xf32>
    %dot_general3A_44 = tpu.matmul %concatenate3A, %get3A_43, %dot_general3A {dimension_numbers = #tpu.dot_dimension_numbers<[1], [0], [0], [1], [0, 0, 1, 1], [], []>, transpose_lhs_hint = false} : vector<8x150xf32>, vector<150x64xf32>, vector<8x64xf32> -> vector<8x64xf32>
    %get3A_45 = arith.constant 0 : index
    %get3A_46 = arith.constant 0 : index
    %get3A_47 = vector.load %arg12[%get3A_45, %get3A_46] : memref<1x64xf32, #tpu.memory_space<vmem>>, vector<1x64xf32>
    %add3A = vector.broadcast %get3A_47 : vector<1x64xf32> to vector<8x64xf32>
    %add3A_48 = arith.addf %dot_general3A_44, %add3A : vector<8x64xf32>
    %get3A_49 = arith.constant 0 : index
    %get3A_50 = arith.constant 0 : index
    %get3A_51 = vector.load %arg15[%get3A_49, %get3A_50] : memref<150x64xf32, #tpu.memory_space<vmem>>, vector<150x64xf32>
    %dot_general3A_52 = arith.constant dense<0.000000e+00> : vector<8x64xf32>
    %dot_general3A_53 = tpu.matmul %concatenate3A_40, %get3A_51, %dot_general3A_52 {dimension_numbers = #tpu.dot_dimension_numbers<[1], [0], [0], [1], [0, 0, 1, 1], [], []>, transpose_lhs_hint = false} : vector<8x150xf32>, vector<150x64xf32>, vector<8x64xf32> -> vector<8x64xf32>
    %get3A_54 = arith.constant 0 : index
    %get3A_55 = arith.constant 0 : index
    %get3A_56 = vector.load %arg16[%get3A_54, %get3A_55] : memref<1x64xf32, #tpu.memory_space<vmem>>, vector<1x64xf32>
    %add3A_57 = vector.broadcast %get3A_56 : vector<1x64xf32> to vector<8x64xf32>
    %add3A_58 = arith.addf %dot_general3A_53, %add3A_57 : vector<8x64xf32>
    %get3A_59 = arith.constant 0 : index
    %get3A_60 = arith.constant 0 : index
    %get3A_61 = vector.load %arg8[%get3A_59, %get3A_60] : memref<8x6xf32, #tpu.memory_space<vmem>>, vector<8x6xf32>
    %concatenate3A_62 = tpu.concatenate %add3A_48, %add3A_58, %get3A_61 in 1 : vector<8x64xf32>, vector<8x64xf32>, vector<8x6xf32> -> vector<8x134xf32>
    %swap3A = arith.constant 0 : index
    %swap3A_63 = arith.constant 0 : index
    %swap3A_64 = vector.load %arg23[%swap3A, %swap3A_63] : memref<8x134xf32, #tpu.memory_space<vmem>>, vector<8x134xf32>
    tpu.vector_store %arg23[%swap3A, %swap3A_63], %concatenate3A_62 {strides = array<i32>} : memref<8x134xf32, #tpu.memory_space<vmem>>, vector<8x134xf32>,
    %get3A_65 = arith.constant 0 : index
    %get3A_66 = arith.constant 0 : index
    %get3A_67 = vector.load %arg17[%get3A_65, %get3A_66] : memref<134x128xf32, #tpu.memory_space<vmem>>, vector<134x128xf32>
    %dot_general3A_68 = arith.constant dense<0.000000e+00> : vector<8x128xf32>
    %dot_general3A_69 = tpu.matmul %concatenate3A_62, %get3A_67, %dot_general3A_68 {dimension_numbers = #tpu.dot_dimension_numbers<[1], [0], [0], [1], [0, 0, 1, 1], [], []>, transpose_lhs_hint = false} : vector<8x134xf32>, vector<134x128xf32>, vector<8x128xf32> -> vector<8x128xf32>
    %get3A_70 = arith.constant 0 : index
    %get3A_71 = arith.constant 0 : index
    %get3A_72 = vector.load %arg18[%get3A_70, %get3A_71] : memref<1x128xf32, #tpu.memory_space<vmem>>, vector<1x128xf32>
    %add3A_73 = vector.broadcast %get3A_72 : vector<1x128xf32> to vector<8x128xf32>
    %add3A_74 = arith.addf %dot_general3A_69, %add3A_73 : vector<8x128xf32>
    %gt3A = arith.constant 0.000000e+00 : f32
    %gt3A_75 = vector.broadcast %gt3A : f32 to vector<8x128xf32>
    %gt3A_76 = arith.cmpf ogt, %add3A_74, %gt3A_75 : vector<8x128xf32>
    %mul3A = arith.constant 1.000000e-01 : f32
    %mul3A_77 = vector.broadcast %mul3A : f32 to vector<8x128xf32>
    %mul3A_78 = arith.mulf %mul3A_77, %add3A_74 : vector<8x128xf32>
    %select_n3A = arith.select %gt3A_76, %add3A_74, %mul3A_78 : vector<8x128xi1>, vector<8x128xf32>
    %get3A_79 = arith.constant 0 : index
    %get3A_80 = arith.constant 0 : index
    %get3A_81 = vector.load %arg19[%get3A_79, %get3A_80] : memref<128x64xf32, #tpu.memory_space<vmem>>, vector<128x64xf32>
    %dot_general3A_82 = arith.constant dense<0.000000e+00> : vector<8x64xf32>
    %dot_general3A_83 = tpu.matmul %select_n3A, %get3A_81, %dot_general3A_82 {dimension_numbers = #tpu.dot_dimension_numbers<[1], [0], [0], [1], [0, 0, 1, 1], [], []>, transpose_lhs_hint = false} : vector<8x128xf32>, vector<128x64xf32>, vector<8x64xf32> -> vector<8x64xf32>
    %get3A_84 = arith.constant 0 : index
    %get3A_85 = arith.constant 0 : index
    %get3A_86 = vector.load %arg20[%get3A_84, %get3A_85] : memref<1x64xf32, #tpu.memory_space<vmem>>, vector<1x64xf32>
    %add3A_87 = vector.broadcast %get3A_86 : vector<1x64xf32> to vector<8x64xf32>
    %add3A_88 = arith.addf %dot_general3A_83, %add3A_87 : vector<8x64xf32>
    %gt3A_89 = arith.constant 0.000000e+00 : f32
    %gt3A_90 = vector.broadcast %gt3A_89 : f32 to vector<8x64xf32>
    %gt3A_91 = arith.cmpf ogt, %add3A_88, %gt3A_90 : vector<8x64xf32>
    %mul3A_92 = arith.constant 1.000000e-01 : f32
    %mul3A_93 = vector.broadcast %mul3A_92 : f32 to vector<8x64xf32>
    %mul3A_94 = arith.mulf %mul3A_93, %add3A_88 : vector<8x64xf32>
    %select_n3A_95 = arith.select %gt3A_91, %add3A_88, %mul3A_94 : vector<8x64xi1>, vector<8x64xf32>
    %get3A_96 = arith.constant 0 : index
    %get3A_97 = arith.constant 0 : index
    %get3A_98 = vector.load %arg21[%get3A_96, %get3A_97] : memref<64x4xf32, #tpu.memory_space<vmem>>, vector<64x4xf32>
    %dot_general3A_99 = arith.constant dense<0.000000e+00> : vector<8x4xf32>
    %dot_general3A_100 = tpu.matmul %select_n3A_95, %get3A_98, %dot_general3A_99 {dimension_numbers = #tpu.dot_dimension_numbers<[1], [0], [0], [1], [0, 0, 1, 1], [], []>, transpose_lhs_hint = false} : vector<8x64xf32>, vector<64x4xf32>, vector<8x4xf32> -> vector<8x4xf32>
    %get3A_101 = arith.constant 0 : index
    %get3A_102 = arith.constant 0 : index
    %get3A_103 = vector.load %arg22[%get3A_101, %get3A_102] : memref<1x4xf32, #tpu.memory_space<vmem>>, vector<1x4xf32>
    %add3A_104 = vector.broadcast %get3A_103 : vector<1x4xf32> to vector<8x4xf32>
    %add3A_105 = arith.addf %dot_general3A_100, %add3A_104 : vector<8x4xf32>
    %tanh3A = math.tanh %add3A_105 : vector<8x4xf32>
    %swap3A_106 = arith.constant 0 : index
    %swap3A_107 = arith.constant 0 : index
    %swap3A_108 = vector.load %arg24[%swap3A_106, %swap3A_107] : memref<8x4xf32, #tpu.memory_space<vmem>>, vector<8x4xf32>
    tpu.vector_store %arg24[%swap3A_106, %swap3A_107], %tanh3A {strides = array<i32>} : memref<8x4xf32, #tpu.memory_space<vmem>>, vector<8x4xf32>,
    return
  }
}

</mosaic_0001>

<sc_bundles>
// kernel: kernel.5.cloned.1.call-start
scs
__scs_entry_jumppad:
0x0: {  	(pc) =	sbr.rel $0x88, $3  }
0x1: {  	(tag) =	ssettag $0x0;
	lr =	simm.s32 $0x1  }
0x2: {  	[smem:$0x3F8E] =	sst lr;
	_ =	strace $0xD0000000  }
0x3: {  	_ = 	snop  }
0x4: {  	_ = 	snop  }
0x5: {  	_ = 	snop  }
0x6: {  	_ = 	snop  }
0x7: {  	_ = 	snop  }
__scs_overlays_trampoline_lowered:
0x8: {  	[smem:$0x3F9D] =	sst s0  }
0x9: {  	[smem:$0x3F9E] =	sst s1  }
0xa: {  	[smem:$0x3F9F] =	sst s2  }
0xb: {  	[smem:$0x3FA0] =	sst s3  }
0xc: {  	[smem:$0x3FA1] =	sst s4  }
0xd: {  	[smem:$0x3FA2] =	sst s5  }
0xe: {  	[smem:$0x3FA3] =	sst s6  }
0xf: {  	[smem:$0x3FA4] =	sst s7  }
0x10: {  	[smem:$0x3FA5] =	sst s8  }
0x11: {  	[smem:$0x3FA6] =	sst s9;
	s0 =	simm.s32 @!p0 $0x0  }
0x12: {  	s1 =	sld [smem:$0x3F8C];
	s0 =	simm.s32 @p0 $0x1  }
0x13: {  	[smem:$0x3FA7] =	sst s0;
	s0 =	simm.s32 @!p1 $0x0  }
0x14: {  	s2 =	sld [smem:$0x3F8B];
	s0 =	simm.s32 @p1 $0x1  }
0x15: {  	[smem:$0x3FA8] =	sst s0;
	s0 =	simm.s32 @!p2 $0x0  }
0x16: {  	s3 =	sld [smem:$0x3FDB];
	s0 =	simm.s32 @p2 $0x1  }
0x17: {  	s4 =	simm.s32 $0x1BF5;
	[smem:$0x3FAA] =	sst s0  }
0x18: {  	s0 =	sld [smem:$0x3F8D];
	_ =	swait.ge [sflag:s4], $0x0  }
0x19: {  	s7 =	sld [smem:$0x3F8E]  }
0x1a: {  	s8 =	sadd.s32 $0xFFFFE003, lr  }
0x1b: {  	s9 =	sadd.s32 $0xFFFFFEF7, lr;
	s5 =	simm.s32 $0xFFFFFFFF;
	p2 =	slt.u32 s8, $0xFFFFF086  }
0x1c: {  	p1 =	slt.u32 s9, $0xF7A;
	s5 =	simm.s32 @!p2 $0x0  }
0x1d: {  	s5 =	simm.s32 @p1 $0x1;
	p0 =	seq.s32 s7, s2  }
0x1e: {  	s7 =	smul.u32 @!p0 $0xF7A, s2;
	p2 =	seq.s32 @!p0 s5, $0x0  }
0x1f: {  	s9 =	smul.u32 $0xF7A, s1;
	s8 =	simm.s32 @!p0 $0x1BF5;
	p2 =	por !p2, p0  }
0x20: {  	[sflag:s8] =	ssyncset.s32 @!p0 $0xFFFFF086;
	s6 =	sadd.s32 @!p0 s3, s7;
	s7 =	simm.s32 @!p0 $0x108  }
0x21: {  	s3 =	sadd.s32 s3, s9;
	s6 =	sadd.s32 @!p0 $0x88, s6;
	s7 =	simm.s32 @p2 $0x1082  }
0x22: {  	[simem:s7], [sflag:s8] =	dma.local @!p0 [hbm:s6], $0xF7A  }
0x23: {  	s9 =	sor.u32 $0xD0000000, s2;
	s6 =	simm.s32 $0x108;
	_ =	swait.ge @!p0 [sflag:s8], $0x0  }
0x24: {  	s3 =	sadd.s32 $0x88, s3;
	s6 =	simm.s32 @!p1 $0x1082;
	[sflag:s4] =	ssyncset.s32 $0xFFFFF086  }
0x25: {  	[simem:s6], [sflag:s4] =	dma.local [hbm:s3], $0xF7A  }
0x26: {  	[smem:$0x3F8E] =	sst s1;
	(tag) =	ssettag s2;
	_ =	strace s9  }
0x27: {  	s1 =	sld [smem:$0x3F9E]  }
0x28: {  	s2 =	sld [smem:$0x3F9F]  }
0x29: {  	s4 =	sld [smem:$0x3FA1]  }
0x2a: {  	p0 =	seq.s32 s5, $0x0;
	s5 =	sld [smem:$0x3FA2]  }
0x2b: {  	s6 =	sld [smem:$0x3FA3]  }
0x2c: {  	s7 =	sld [smem:$0x3FA4]  }
0x2d: {  	s3 =	simm.s32 $0x108;
	s8 =	sld [smem:$0x3FA5]  }
0x2e: {  	s3 =	simm.s32 @!p0 $0x1082;
	s9 =	sld [smem:$0x3FA6]  }
0x2f: {  	lr =	sadd.s32 s0, s3;
	s0 =	sld [smem:$0x3F9D]  }
0x30: {  	s3 =	sld [smem:$0x3FA0]  }
0x31: {  	[smem:$0x3FA9] =	sst s10  }
0x32: {  	s10 =	sld [smem:$0x3FA7];
	_ =	sdelay $0x3  }
0x33: {  	p0 =	seq.s32 s10, $0x1;
	s10 =	sld [smem:$0x3FA9];
	_ =	sdelay $0x3  }
0x34: {  	[smem:$0x3FA9] =	sst s10  }
0x35: {  	s10 =	sld [smem:$0x3FA8];
	_ =	sdelay $0x3  }
0x36: {  	p1 =	seq.s32 s10, $0x1;
	s10 =	sld [smem:$0x3FA9];
	_ =	sdelay $0x3  }
0x37: {  	[smem:$0x3FA9] =	sst s10  }
0x38: {  	s10 =	sld [smem:$0x3FAA]  }
0x39: {  	_ = 	snop;
	(pc) =	sbr.ind lr, $3  }
0x3a: {  	_ = 	snop  }
0x3b: {  	_ = 	snop  }
0x3c: {  	p2 =	seq.s32 s10, $0x1;
	s10 =	sld [smem:$0x3FA9]  }
0x3d: {  	_ =	shalt  }
0x3e: {  	_ =	shalt  }
0x3f: {  	_ =	shalt  }
0x40: {  	_ =	shalt  }
0x41: {  	_ =	shalt  }
0x42: {  	_ =	shalt  }
0x43: {  	_ =	shalt  }
0x44: {  	_ =	shalt  }
0x45: {  	_ =	shalt  }
0x46: {  	_ =	shalt  }
0x47: {  	_ =	shalt  }
0x48: {  	_ =	shalt  }
0x49: {  	_ =	shalt  }
0x4a: {  	_ =	shalt  }
0x4b: {  	_ =	shalt  }
0x4c: {  	_ =	shalt  }
0x4d: {  	_ =	shalt  }
0x4e: {  	_ =	shalt  }
0x4f: {  	_ =	shalt  }
0x50: {  	_ =	shalt  }
0x51: {  	_ =	shalt  }
0x52: {  	_ =	shalt  }
0x53: {  	_ =	shalt  }
0x54: {  	_ =	shalt  }
0x55: {  	_ =	shalt  }
0x56: {  	_ =	shalt  }
0x57: {  	_ =	shalt  }
0x58: {  	_ =	shalt  }
0x59: {  	_ =	shalt  }
0x5a: {  	_ =	shalt  }
0x5b: {  	_ =	shalt  }
0x5c: {  	_ =	shalt  }
0x5d: {  	_ =	shalt  }
0x5e: {  	_ =	shalt  }
0x5f: {  	_ =	shalt  }
0x60: {  	_ =	shalt  }
0x61: {  	_ =	shalt  }
0x62: {  	_ =	shalt  }
0x63: {  	_ =	shalt  }
0x64: {  	_ =	shalt  }
0x65: {  	_ =	shalt  }
0x66: {  	_ =	shalt  }
0x67: {  	_ =	shalt  }
0x68: {  	_ =	shalt  }
0x69: {  	_ =	shalt  }
0x6a: {  	_ =	shalt  }
0x6b: {  	_ =	shalt  }
0x6c: {  	_ =	shalt  }
0x6d: {  	_ =	shalt  }
0x6e: {  	_ =	shalt  }
0x6f: {  	_ =	shalt  }
0x70: {  	_ =	shalt  }
0x71: {  	_ =	shalt  }
0x72: {  	_ =	shalt  }
0x73: {  	_ =	shalt  }
0x74: {  	_ =	shalt  }
0x75: {  	_ =	shalt  }
0x76: {  	_ =	shalt  }
0x77: {  	_ =	shalt  }
0x78: {  	_ =	shalt  }
0x79: {  	_ =	shalt  }
0x7a: {  	_ =	shalt  }
0x7b: {  	_ =	shalt  }
0x7c: {  	_ =	shalt  }
0x7d: {  	_ =	shalt  }
0x7e: {  	_ =	shalt  }
0x7f: {  	_ =	shalt  }
0x80: {  	_ =	shalt  }
0x81: {  	_ =	shalt  }
0x82: {  	_ =	shalt  }
0x83: {  	_ =	shalt  }
0x84: {  	_ =	shalt  }
0x85: {  	_ =	shalt  }
0x86: {  	_ =	shalt  }
0x87: {  	_ =	shalt  }
.Lfunc_end0:
.L_simem_size_0:
called_computation_lowered:
.L_overlay_start_0:
0x88: {  	s2 =	sld [smem:$0x3FD9]  }
0x89: {  	s3 =	sld [smem:$0x3FFE];
	_ =	sdelay $0x1  }
0x8a: {  	s1 =	srdreg.scid  }
0x8b: {  	s0 =	sand.u32 $0x1, s1  }
0x8c: {  	s17 =	sshll.u32 s0, $0xA;
	s2 =	sadd.s32 s3, s2  }
0x8d: {  	s2 =	sadd.s32 s2, s17  }
0x8e: {  	[smem:$0x3FB5] =	sst s2  }
0x8f: {  	_ = 	snop  }
0x90: {  	(tm) =	ssettm $0x1  }
0x91: {  	s18 =	sld [smem:$0x3FFB];
	_ =	sdelay $0x3  }
0x92: {  	_ =	strace s18  }
0x93: {  	s2 =	sld [smem:$0x3FFC];
	_ =	sdelay $0x3  }
0x94: {  	_ =	strace s2  }
0x95: {  	s2 =	sld [smem:$0x3FFD];
	_ =	sdelay $0x3  }
0x96: {  	_ =	strace s2  }
0x97: {  	_ =	strace $0x8FFFFFFF  }
0x98: {  	s19 =	sld [smem:$0x3FDB];
	_ =	sdelay $0x1  }
0x99: {  	s20 =	simm.s32 $_scs_section_size  }
0x9a: {  	s4 =	simm.s32 $_size__tile_overlayer_lowered;
	s5 =	simm.s32 $_tile_overlayer_lowered  }
0x9b: {  	s6 =	simm.s32 $0x1BFF;
	s21 =	sshll.u32 s5, $0x1;
	s3 =	sadd.s32 s20, s19  }
0x9c: {  	s22 =	simm.s32 $0x0;
	s4 =	sshll.u32 s4, $0x1;
	s5 =	sadd.s32 s21, s3  }
0x9d: {  	[timem:s22], [sflag:s6] =	dma.local [hbm:s5], s4  }
0x9e: {  	_ =	swait.ge [sflag:s6], s4  }
0x9f: {  	s4 =	ssub.s32 $0x0, s4;
	[sflag:s6] =	ssyncset.done $0x0  }
0xa0: {  	[sflag:s6] =	ssyncadd.s32 s4;
	_ =	sdelay $0x1  }
0xa1: {  	s23 =	simm.s32 $0x1B8B  }
0xa2: {  	_ =	swait.ge [sflag:s23], $0x1  }
0xa3: {  	[sflag:s23] =	ssyncset.done $0x0  }
0xa4: {  	[sflag:s23] =	ssyncadd.s32 $0xFFFFFFFF  }
0xa5: {  	s4 =	sld [smem:$0x0]  }
0xa6: {  	s5 =	sand.u32 $0xFFFFFFFE, s1  }
0xa7: {  	p0 =	sne.s32 s1, s5  }
0xa8: {  	s5 =	sshll.u32 @p0 s5, $0xE  }
0xa9: {  	s5 =	sadd.s32 @p0 $0x11B8D, s5;
	s6 =	sshll.u32 @p0 s4, $0x11  }
0xaa: {  	s5 =	sor.u32 @p0 s6, s5  }
0xab: {  	[sflag:s5] =	ssyncadd.remote.s32 @p0 $0x1;
	_ =	sdelay $0x1  }
0xac: {  	s5 =	simm.s32 @p0 $0x1B8D  }
0xad: {  	_ =	swait.eq @p0 [sflag:s5], $0x1  }
0xae: {  	[sflag:s5] =	ssyncadd.s32 @p0 $0xFFFFFFFF  }
0xaf: {  	s6 =	sshll.u32 @!p0 s1, $0xE  }
0xb0: {  	s6 =	sor.u32 @!p0 $0x4000, s6;
	s5 =	simm.s32 @!p0 $0x1B8D  }
0xb1: {  	s4 =	sshll.u32 @!p0 s4, $0x11;
	s6 =	sadd.s32 @!p0 $0x11B8D, s6;
	_ =	swait.eq @!p0 [sflag:s5], $0x1  }
0xb2: {  	s4 =	sor.u32 @!p0 s4, s6;
	[sflag:s5] =	ssyncadd.s32 @!p0 $0xFFFFFFFF  }
0xb3: {  	s25 =	simm.s32 $0x1B8E;
	s24 =	sld [smem:$0x3FFE];
	[sflag:s4] =	ssyncadd.remote.s32 @!p0 $0x1  }
0xb4: {  	s26 =	simm.s32 $execute0_lowered;
	[smem:$0x3FD2] =	sst s25  }
0xb5: {  	s5 =	sshll.u32 s26, $0x1;
	_ =	strace $0x80000049;
	[dreg:$0x1] =	wrdreg $0xFFFFFFFF  }
0xb6: {  	s28 =	simm.s32 $_size_execute0_lowered;
	s3 =	sadd.s32 s3, s5;
	[dreg:$0x0] =	wrdreg $0x0  }
0xb7: {  	s5 =	sshll.u32 s28, $0x1;
	[dreg:$0x2] =	wrdreg s3  }
0xb8: {  	[dreg:$0x3] =	wrdreg s5  }
0xb9: {  	[dreg:$0x4] =	wrdreg $0xC0  }
0xba: {  	_ =	task [dreg:s22], $0x5FFFF  }
0xbb: {  	[dreg:$0x1] =	wrdreg $0xFFFFFFFF  }
0xbc: {  	[dreg:$0x0] =	wrdreg $0x60  }
0xbd: {  	[dreg:$0x2] =	wrdreg s24  }
0xbe: {  	[dreg:$0x3] =	wrdreg $0x12EB00  }
0xbf: {  	[dreg:$0x4] =	wrdreg $0x155C00  }
0xc0: {  	[dreg:$0x5] =	wrdreg $0x129C00  }
0xc1: {  	[dreg:$0x6] =	wrdreg $0x12C380  }
0xc2: {  	[dreg:$0x7] =	wrdreg $0x9  }
0xc3: {  	_ =	task.clear_ibuf [dreg:s22], $0x8FFFF;
	_ =	strace $0x90000049  }
0xc4: {  	s29 =	simm.s32 $0x9;
	_ =	strace $0x8000004B  }
0xc5: {  	_ =	swait.ge [sflag:s29], $0x1  }
0xc6: {  	[sflag:s29] =	ssyncadd.s32 $0xFFFFFFFF  }
0xc7: {  	_ =	strace $0x9000004B  }
0xc8: {  	_ =	sfence  }
0xc9: {  	s30 =	sld [smem:$0x0];
	_ =	sdelay $0x2  }
0xca: {  	s31 =	sshll.u32 s1, $0xD;
	s1 =	sshrl.u32 s1, $0x2  }
0xcb: {  	s4 =	sand.u32 $0x4000, s31;
	s1 =	sadd.s32 s1, s30  }
0xcc: {  	s0 =	sor.u32 s4, s0;
	s1 =	sshll.u32 s1, $0x11  }
0xcd: {  	s0 =	sor.u32 s1, s0  }
0xce: {  	s0 =	sadd.s32 $0x8F2B, s0  }
0xcf: {  	[sflag:s0] =	ssyncadd.remote.s32 $0x1  }
0xd0: {  	_ =	sfence.sel $0xFFFF  }
0xd1: {  	[dreg:$0x0] =	wrdreg $0xFFFFFFFF;
	(pc) =	sbr.abs _section_cstart, $3  }
0xd2: {  	[dreg:$0x1] =	wrdreg $0xFFFFFFFF  }
0xd3: {  	_ =	task.clear_ibuf [dreg:s22], $0x2FFFF;
	_ =	strace $0x9FFFFFFF  }
0xd4: {  	(tm) =	ssettm $0x7FFFFFFF  }
0xd5: {  	_ =	shalt  }
tec
execute0_lowered:
.L_overlay_start_1:
0x0: {  	(tag) =	ssettag $0x1  }
0x1: {  	s0 =	rddreg [dreg:$0x0]  }
0x2: {  	s1 =	rddreg [dreg:$0x1]  }
0x3: {  	s2 =	rddreg [dreg:$0x2];
	s18 =	stileid.u32  }
0x4: {  	s3 =	srdreg.scid;
	s4 =	rddreg [dreg:$0x3]  }
0x5: {  	s5 =	rddreg [dreg:$0x4];
	s6 =	smul.u32 $0x2710, s18  }
0x6: {  	s9 =	simm.s32 $0x0;
	s28 =	simm.s32 $0xEA60;
	s8 =	smul.u32 $0x4E2, s18  }
0x7: {  	s29 =	simm.s32 $0x5;
	s31 =	simm.s32 $0x3;
	s11 =	smul.u32 $0x3E8, s18  }
0x8: {  	s3 =	sand.u32 $0x1, s3;
	[smem:$0x7FF] =	sst s9;
	s30 =	smul.u32 $0x9C4, s18  }
0x9: {  	s14 =	sadd.s32 $0x59E00, s0;
	s26 =	sshll.u32 s18, $0x6;
	s7 =	smul.u32 $0x4E20, s3  }
0xa: {  	p0 =	sgt.u32 s18, $0x9;
	s18 =	simm.s32 $0x4E20;
	s10 =	smul.u32 $0x27100, s3  }
0xb: {  	_ =	strace $0x8000004A;
	s23 =	smul.u32 $0x2710, s3;
	s25 =	ssub.s32 $0x2, s3  }
0xc: {  	[dreg:$0x6] =	wrdreg s26;
	s19 =	sor.u32 $0x1C03, s26;
	p1 =	sne.s32 @!p0 s3, $0x0  }
0xd: {  	s3 =	simm.s32 $0x9C40;
	s21 =	sshrl.u32 s6, $0x3;
	s12 =	sshrl.u32 s11, $0x3  }
0xe: {  	s16 =	sshrl.u32 s25, $0x1;
	[dreg:$0x8] =	wrdreg s19;
	s20 =	sadd.s32 s11, s4  }
0xf: {  	p1 =	por p1, p0;
	s9 =	sadd.s32 s21, s0;
	s8 =	sadd.s32 s8, s7  }
0x10: {  	s22 =	sadd.s32 s6, s10;
	s24 =	sadd.s32 s11, s23;
	s10 =	ssub.s32 s25, s16  }
0x11: {  	[dreg:$0x9] =	wrdreg s20;
	s21 =	sadd.s32 s14, s30;
	s25 =	sadd.s32 $0x9C40, s11  }
0x12: {  	s13 =	sadd.s32 s8, s0;
	s7 =	sshrl.u32 s22, $0x3;
	[dreg:$0xa] =	wrdreg s21  }
0x13: {  	s9 =	sadd.s32 $0x54E00, s9;
	s8 =	sadd.s32 s14, s8;
	[dreg:$0x10] =	wrdreg s25  }
0x14: {  	s26 =	smax.u32 s10, $0x1;
	s25 =	simm.s32 $0x4;
	s21 =	simm.s32 $0xEAB0  }
0x15: {  	s10 =	simm.s32 $0xF9B0;
	s14 =	simm.s32 $0xA;
	[dreg:$0x7] =	wrdreg s9  }
0x16: {  	s15 =	sadd.s32 s7, s0;
	s7 =	sshrl.u32 s24, $0x3;
	[dreg:$0xc] =	wrdreg s8  }
0x17: {  	s22 =	sadd.s32 $0x63C00, s13;
	[dreg:$0x11] =	wrdreg s26;
	s26 =	simm.s32 $0x50  }
0x18: {  	s9 =	simm.s32 $0x7;
	s13 =	simm.s32 $0x9;
	s17 =	sadd.s32 s7, s0  }
0x19: {  	s0 =	sadd.s32 s12, s0;
	s7 =	sadd.s32 s6, s1;
	s6 =	sadd.s32 s6, s2  }
0x1a: {  	s12 =	sadd.s32 s11, s5;
	[dreg:$0xb] =	wrdreg s22;
	s23 =	sadd.s32 $0x6DA00, s15  }
0x1b: {  	s11 =	simm.s32 $0x8;
	[dreg:$0xd] =	wrdreg s23;
	s24 =	sadd.s32 $0x77800, s17  }
0x1c: {  	s15 =	simm.s32 $0x0;
	s0 =	sadd.s32 $0x78200, s0;
	[dreg:$0xe] =	wrdreg s24  }
0x1d: {  	s30 =	sshrl.u32 s6, $0x3;
	s23 =	simm.s32 $0xF4B0;
	[dreg:$0xf] =	wrdreg s0  }
0x1e: {  	v0 =	vimm.f32 $0.0e+00;
	v1 =	vimm.f32 $1.000000000e+00;
	[dreg:$0x12] =	wrdreg s30;
	s0 =	simm.s32 $0xB;
	s24 =	simm.s32 $0x6  }
.LBB2_1:
0x1f: {  	s6 =	simm.s32 $0x0  }
.LBB2_2:
0x20: {  	p2 =	sne.s32 s6, $0x9C00  }
.Ltmp0:
0x21: {  	_ = 	snop;
	(pc) =	sbr.rel @p2 .LBB2_2-.Ltmp0, $3  }
0x22: {  	_ =	sdelay $0x1  }
0x23: {  	s8 =	sshra.s32 s6, $0x2  }
0x24: {  	s6 =	sadd.s32 $0x40, s6;
	[tilespmem:s8+$0xFEB0] =	vst v0  }
0x25: {  	s6 =	simm.s32 $0x40;
	s8 =	simm.s32 $0x0  }
.LBB2_4:
0x26: {  	p2 =	sne.s32 s6, $0xFC0;
	[tilespmem:s8+$0x125C0] =	vst v0;
	s8 =	smov.u32 s6;
	s6 =	sadd.s32 $0x40, s6  }
.Ltmp1:
0x27: {  	(pc) =	sbr.rel @p2 .LBB2_4-.Ltmp1, $2  }
0x28: {  	_ =	sdelay $0x2  }
0x29: {  	s8 =	sshra.s32 s8, $0x2  }
0x2a: {  	[tilespmem:s8+$0x125C0] =	vst v0  }
0x2b: {  	[tilespmem:$0xEA60] =	vst v1  }
0x2c: {  	[tilespmem:$0xEA70] =	vst v1  }
0x2d: {  	s22 =	rddreg [dreg:$0x7];
	[tilespmem:$0xEA80] =	vst v1  }
0x2e: {  	s30 =	rddreg [dreg:$0x8];
	[tilespmem:$0xEA90] =	vst v1  }
0x2f: {  	s6 =	simm.s32 $0xFEB0;
	s16 =	rddreg [dreg:$0x12];
	[tilespmem:$0xEAA0] =	vst v1  }
0x30: {  	[spmem:s7] =	stream.linear.scatter [tilespmem:s6], [sflag:$0x2], $0x2710, $0x38;
	[tilespmem:$0x17CD0] =	vst v63  }
0x31: {  	[spmem:s16], [sflag:s30] =	dma.local [hbm:s22], $0x4E2  }
0x32: {  	s6 =	simm.s32 @!p0 $0x125C0;
	s8 =	rddreg [dreg:$0x9]  }
0x33: {  	[spmem:s8] =	stream.linear.scatter @!p0 [tilespmem:s6], [sflag:$0x1], $0x3E8, $0x38;
	[tilespmem:$0x17CD0] =	vst v63  }
0x34: {  	_ = 	snop  }
0x35: {  	[spmem:s12] =	stream.linear.scatter @!p0 [tilespmem:s6], [sflag:$0x2], $0x3E8, $0x38;
	[tilespmem:$0x17CD0] =	vst v63  }
0x36: {  	s17 =	simm.s32 $0x0;
	s19 =	rddreg [dreg:$0xa]  }
0x37: {  	[tilespmem:s17], [sflag:$0x4] =	stream.linear.gather [hbm4b:s19+s17], $0x4E20, $0x38;
	[tilespmem:$0x17CD0] =	vst v63  }
0x38: {  	s20 =	rddreg [dreg:$0xb]  }
0x39: {  	[tilespmem:s18], [sflag:$0x4] =	stream.linear.gather [hbm4b:s20+s17], $0x2710, $0x38;
	[tilespmem:$0x17CD0] =	vst v63  }
0x3a: {  	s30 =	simm.s32 $0x7530;
	s22 =	rddreg [dreg:$0xc];
	s6 =	simm.s32 @!p0 $0x1  }
0x3b: {  	[tilespmem:s30], [sflag:$0x4] =	stream.linear.gather [hbm4b:s22+s17], $0x2710, $0x38;
	[tilespmem:$0x17CD0] =	vst v63  }
0x3c: {  	_ =	swait.ge @!p0 [sflag:s6], $0x3E8  }
0x3d: {  	[sflag:s6] =	ssyncset.done @!p0 $0x0  }
0x3e: {  	[sflag:s6] =	ssyncadd.s32 @!p0 $0xFFFFFC18  }
0x3f: {  	[bflag:$0x0] =	sbarrier.arrive $0xFFFF  }
0x40: {  	_ =	swait.ge [sflag:s25], $0x4E20  }
0x41: {  	[sflag:s25] =	ssyncset.done $0x0  }
0x42: {  	[sflag:s25] =	ssyncadd.s32 $0xFFFFB1E0  }
0x43: {  	_ =	swait.ge [sflag:s25], $0x2710  }
0x44: {  	[sflag:s25] =	ssyncset.done $0x0  }
0x45: {  	[sflag:s25] =	ssyncadd.s32 $0xFFFFD8F0  }
0x46: {  	_ =	swait.ge [sflag:s25], $0x2710  }
0x47: {  	p2 =	por $0x1, $0x1;
	[sflag:s25] =	ssyncset.done $0x0  }
0x48: {  	s16 =	simm.s32 @!p2 $0x5;
	s6 =	simm.s32 $0x0;
	[sflag:s25] =	ssyncadd.s32 $0xFFFFD8F0  }
0x49: {  	[spmem:s4] =	stream.indirect.scatter.add.f32 [tilespmem:s28], [sflag:$0x5], $0x1, s6, s26, $0xb8;
	[tilespmem:$0x17CD0] =	vst v63  }
0x4a: {  	_ =	swait.ge @!p2 [sflag:s16], $0x50  }
0x4b: {  	s8 =	simm.s32 $0x1;
	[sflag:s16] =	ssyncset.done @!p2 $0x0  }
.LBB2_6:
0x4c: {  	[sflag:s16] =	ssyncadd.s32 @!p2 $0xFFFFFFB0  }
0x4d: {  	s6 =	sadd.s32 $0x50, s6;
	s16 =	smov.u32 s8;
	s8 =	sadd.s32 $0x1, s8  }
0x4e: {  	p3 =	sne.s32 s8, $0xFA  }
0x4f: {  	[spmem:s4] =	stream.indirect.scatter.add.f32 [tilespmem:s28], [sflag:$0x5], $0x1, s6, s26, $0xb8;
	[tilespmem:$0x17CD0] =	vst v63  }
.Ltmp2:
0x50: {  	_ = 	snop;
	(pc) =	sbr.rel @p3 .LBB2_6-.Ltmp2, $4  }
0x51: {  	p2 =	slt.u32 s16, $0x8  }
0x52: {  	s16 =	simm.s32 @!p2 $0x5  }
0x53: {  	_ =	swait.ge @!p2 [sflag:s16], $0x50  }
0x54: {  	[sflag:s16] =	ssyncset.done @!p2 $0x0  }
0x55: {  	[sflag:s16] =	ssyncadd.s32 @!p2 $0xFFFFFFB0  }
0x56: {  	_ =	swait.ge [sflag:s29], $0x50  }
0x57: {  	[sflag:s29] =	ssyncset.done $0x0  }
0x58: {  	[sflag:s29] =	ssyncadd.s32 $0xFFFFFFB0  }
0x59: {  	_ =	swait.ge [sflag:s29], $0x50  }
0x5a: {  	[sflag:s29] =	ssyncset.done $0x0  }
0x5b: {  	[sflag:s29] =	ssyncadd.s32 $0xFFFFFFB0  }
0x5c: {  	_ =	swait.ge [sflag:s29], $0x50  }
0x5d: {  	[sflag:s29] =	ssyncset.done $0x0  }
0x5e: {  	[sflag:s29] =	ssyncadd.s32 $0xFFFFFFB0  }
0x5f: {  	_ =	swait.ge [sflag:s29], $0x50  }
0x60: {  	[sflag:s29] =	ssyncset.done $0x0  }
0x61: {  	[sflag:s29] =	ssyncadd.s32 $0xFFFFFFB0  }
0x62: {  	_ =	swait.ge [sflag:s29], $0x50  }
0x63: {  	[sflag:s29] =	ssyncset.done $0x0  }
0x64: {  	[sflag:s29] =	ssyncadd.s32 $0xFFFFFFB0  }
0x65: {  	_ =	swait.ge [sflag:s29], $0x50  }
0x66: {  	[sflag:s29] =	ssyncset.done $0x0  }
0x67: {  	[sflag:s29] =	ssyncadd.s32 $0xFFFFFFB0  }
0x68: {  	_ =	swait.ge [sflag:s29], $0x50  }
0x69: {  	[sflag:s29] =	ssyncset.done $0x0  }
0x6a: {  	[sflag:s29] =	ssyncadd.s32 $0xFFFFFFB0  }
0x6b: {  	_ =	swait.ge [sflag:s29], $0x50  }
0x6c: {  	[sflag:s29] =	ssyncset.done $0x0  }
0x6d: {  	s6 =	simm.s32 $0x2;
	[sflag:s29] =	ssyncadd.s32 $0xFFFFFFB0  }
0x6e: {  	_ =	swait.ge [sflag:s6], $0x2710  }
0x6f: {  	[sflag:s6] =	ssyncset.done $0x0  }
0x70: {  	[sflag:s6] =	ssyncadd.s32 $0xFFFFD8F0  }
0x71: {  	_ =	swait.ge [sflag:s31], $0x4E2  }
0x72: {  	[sflag:s31] =	ssyncset.done $0x0  }
0x73: {  	s6 =	simm.s32 @!p0 $0x2;
	[sflag:s31] =	ssyncadd.s32 $0xFFFFFB1E  }
0x74: {  	_ =	swait.ge @!p0 [sflag:s6], $0x3E8  }
0x75: {  	[sflag:s6] =	ssyncset.done @!p0 $0x0  }
0x76: {  	[sflag:s6] =	ssyncadd.s32 @!p0 $0xFFFFFC18  }
0x77: {  	[bflag:$0x0] =	sbarrier.arrive $0xFFFF  }
0x78: {  	[tilespmem:s3], [sflag:$0xB] =	stream.linear.gather [spmem:s4], $0x2710, $0x38;
	[tilespmem:$0x17CD0] =	vst v63  }
0x79: {  	_ =	swait.ge [sflag:s0], $0x2710  }
0x7a: {  	[sflag:s0] =	ssyncset.done $0x0  }
0x7b: {  	s8 =	simm.s32 $0x40;
	s6 =	simm.s32 $0x0;
	[sflag:s0] =	ssyncadd.s32 $0xFFFFD8F0  }
.LBB2_8:
0x7c: {  	p2 =	sne.s32 s8, $0x9C00;
	v2 =	vld [tilespmem:s6+$0x9C40];
	_ =	sdelay $0x4  }
0x7d: {  	v2 =	vadd.f32 $1.000000000e+00, v2;
	_ =	sdelay $0x1  }
0x7e: {  	v3 =	vshra.s32 v2, $0x1;
	v2 =	vmul.f32 $5.000000000e-01, v2  }
0x7f: {  	v3 =	vsub.s32 $0x5F3759DF, v3  }
0x80: {  	v4 =	vmul.f32 v3, v2;
	_ =	sdelay $0x1  }
0x81: {  	v4 =	vmul.f32 v3, v4;
	_ =	sdelay $0x1  }
0x82: {  	v4 =	vsub.f32 $1.500000000e+00, v4;
	_ =	sdelay $0x1  }
0x83: {  	v3 =	vmul.f32 v3, v4;
	_ =	sdelay $0x1  }
0x84: {  	v4 =	vmul.f32 v3, v2;
	_ =	sdelay $0x1  }
0x85: {  	v4 =	vmul.f32 v4, v3;
	_ =	sdelay $0x1  }
0x86: {  	v4 =	vsub.f32 $1.500000000e+00, v4;
	_ =	sdelay $0x1  }
0x87: {  	v3 =	vmul.f32 v4, v3;
	_ =	sdelay $0x1  }
0x88: {  	v2 =	vmul.f32 v3, v2;
	_ =	sdelay $0x1  }
0x89: {  	v2 =	vmul.f32 v2, v3;
	_ =	sdelay $0x1  }
.Ltmp3:
0x8a: {  	v2 =	vsub.f32 $1.500000000e+00, v2;
	(pc) =	sbr.rel @p2 .LBB2_8-.Ltmp3, $3  }
0x8b: {  	_ = 	snop  }
0x8c: {  	v2 =	vmul.f32 v2, v3;
	_ =	sdelay $0x1  }
0x8d: {  	[tilespmem:s6+$0x9C40] =	vst v2;
	s6 =	sshra.s32 s8, $0x2;
	s8 =	sadd.s32 $0x40, s8  }
0x8e: {  	v2 =	vld [tilespmem:s6+$0x9C40];
	_ =	sdelay $0x4  }
0x8f: {  	v2 =	vadd.f32 $1.000000000e+00, v2;
	_ =	sdelay $0x1  }
0x90: {  	v3 =	vshra.s32 v2, $0x1;
	v2 =	vmul.f32 $5.000000000e-01, v2  }
0x91: {  	v3 =	vsub.s32 $0x5F3759DF, v3  }
0x92: {  	v4 =	vmul.f32 v3, v2;
	_ =	sdelay $0x1  }
0x93: {  	v4 =	vmul.f32 v3, v4;
	_ =	sdelay $0x1  }
0x94: {  	v4 =	vsub.f32 $1.500000000e+00, v4;
	_ =	sdelay $0x1  }
0x95: {  	v3 =	vmul.f32 v3, v4;
	_ =	sdelay $0x1  }
0x96: {  	v4 =	vmul.f32 v3, v2;
	_ =	sdelay $0x1  }
0x97: {  	v4 =	vmul.f32 v4, v3;
	_ =	sdelay $0x1  }
0x98: {  	v4 =	vsub.f32 $1.500000000e+00, v4;
	_ =	sdelay $0x1  }
0x99: {  	v3 =	vmul.f32 v4, v3;
	_ =	sdelay $0x1  }
0x9a: {  	v2 =	vmul.f32 v3, v2;
	_ =	sdelay $0x1  }
0x9b: {  	v2 =	vmul.f32 v2, v3;
	_ =	sdelay $0x1  }
0x9c: {  	v2 =	vsub.f32 $1.500000000e+00, v2;
	_ =	sdelay $0x1  }
0x9d: {  	v2 =	vmul.f32 v2, v3;
	_ =	sdelay $0x1  }
0x9e: {  	s16 =	simm.s32 $0x0;
	[tilespmem:s6+$0x9C40] =	vst v2  }
0x9f: {  	v2 =	vld [tilespmem:s16+$0x4E20]  }
0xa0: {  	v3 =	vld [tilespmem:s16+$0x7530];
	_ =	sdelay $0x5  }
0xa1: {  	v4 =	vld [tilespmem:s16+$0x4E30]  }
0xa2: {  	v2 =	vld.idx.msk [tilespmem:v2+s3+$0x0], $0xffff  }
0xa3: {  	v3 =	vld.idx.msk [tilespmem:v3+s3+$0x0], $0xffff  }
0xa4: {  	v5 =	vld [tilespmem:s16+$0x7540];
	_ =	sdelay $0x3  }
0xa5: {  	v2 =	vmul.f32 v3, v2;
	_ =	sdelay $0x1  }
0xa6: {  	[tilespmem:s16+$0xC350] =	vst v2  }
0xa7: {  	v2 =	vld.idx.msk [tilespmem:v4+s3+$0x0], $0xffff  }
0xa8: {  	v3 =	vld.idx.msk [tilespmem:v5+s3+$0x0], $0xffff  }
0xa9: {  	v4 =	vld [tilespmem:s16+$0x4E40]  }
0xaa: {  	v5 =	vld [tilespmem:s16+$0x7550];
	_ =	sdelay $0x3  }
0xab: {  	v2 =	vmul.f32 v3, v2;
	_ =	sdelay $0x1  }
0xac: {  	[tilespmem:s16+$0xC360] =	vst v2  }
0xad: {  	v2 =	vld.idx.msk [tilespmem:v4+s3+$0x0], $0xffff  }
0xae: {  	v3 =	vld.idx.msk [tilespmem:v5+s3+$0x0], $0xffff  }
0xaf: {  	v4 =	vld [tilespmem:s16+$0x4E50]  }
0xb0: {  	v5 =	vld [tilespmem:s16+$0x7560];
	_ =	sdelay $0x3  }
0xb1: {  	v2 =	vmul.f32 v3, v2;
	_ =	sdelay $0x1  }
0xb2: {  	[tilespmem:s16+$0xC370] =	vst v2  }
0xb3: {  	v2 =	vld.idx.msk [tilespmem:v4+s3+$0x0], $0xffff  }
0xb4: {  	v3 =	vld.idx.msk [tilespmem:v5+s3+$0x0], $0xffff  }
0xb5: {  	v4 =	vld [tilespmem:s16+$0x4E60]  }
0xb6: {  	v5 =	vld [tilespmem:s16+$0x7570];
	_ =	sdelay $0x3  }
0xb7: {  	v2 =	vmul.f32 v3, v2;
	_ =	sdelay $0x1  }
0xb8: {  	[tilespmem:s16+$0xC380] =	vst v2  }
0xb9: {  	v4 =	vld.idx.msk [tilespmem:v4+s3+$0x0], $0xffff  }
0xba: {  	s17 =	simm.s32 $0x50;
	v5 =	vld.idx.msk [tilespmem:v5+s3+$0x0], $0xffff  }
0xbb: {  	v2 =	vld [tilespmem:s17+$0x4E20]  }
0xbc: {  	s6 =	simm.s32 $0x280;
	v3 =	vld [tilespmem:s17+$0x7530]  }
.LBB2_10:
0xbd: {  	p2 =	sne.s32 s6, $0x9B00;
	s8 =	smov.u32 s6;
	s6 =	sadd.s32 $0x140, s6  }
0xbe: {  	_ =	sdelay $0x1  }
0xbf: {  	v4 =	vmul.f32 v5, v4;
	_ =	sdelay $0x1  }
0xc0: {  	v5 =	vld [tilespmem:s17+$0x7540];
	[tilespmem:s16+$0xC390] =	vst v4;
	s16 =	smov.u32 s17  }
0xc1: {  	v2 =	vld.idx.msk [tilespmem:v2+s3+$0x0], $0xffff  }
0xc2: {  	v3 =	vld.idx.msk [tilespmem:v3+s3+$0x0], $0xffff  }
0xc3: {  	v4 =	vld [tilespmem:s16+$0x4E30];
	_ =	sdelay $0x4  }
0xc4: {  	v2 =	vmul.f32 v3, v2;
	_ =	sdelay $0x1  }
0xc5: {  	[tilespmem:s16+$0xC350] =	vst v2;
	v2 =	vld [tilespmem:s16+$0x7550]  }
0xc6: {  	v3 =	vld.idx.msk [tilespmem:v4+s3+$0x0], $0xffff  }
0xc7: {  	v4 =	vld.idx.msk [tilespmem:v5+s3+$0x0], $0xffff  }
0xc8: {  	v5 =	vld [tilespmem:s16+$0x4E40];
	_ =	sdelay $0x4  }
0xc9: {  	v3 =	vmul.f32 v4, v3;
	_ =	sdelay $0x1  }
0xca: {  	[tilespmem:s16+$0xC360] =	vst v3;
	v3 =	vld [tilespmem:s16+$0x7560]  }
0xcb: {  	v4 =	vld.idx.msk [tilespmem:v5+s3+$0x0], $0xffff  }
0xcc: {  	v2 =	vld.idx.msk [tilespmem:v2+s3+$0x0], $0xffff  }
0xcd: {  	v5 =	vld [tilespmem:s16+$0x4E50];
	_ =	sdelay $0x4  }
0xce: {  	v2 =	vmul.f32 v2, v4;
	_ =	sdelay $0x1  }
0xcf: {  	[tilespmem:s16+$0xC370] =	vst v2;
	v2 =	vld [tilespmem:s16+$0x7570]  }
0xd0: {  	v4 =	vld.idx.msk [tilespmem:v5+s3+$0x0], $0xffff  }
0xd1: {  	v3 =	vld.idx.msk [tilespmem:v3+s3+$0x0], $0xffff  }
0xd2: {  	v5 =	vld [tilespmem:s16+$0x4E60];
	_ =	sdelay $0x4  }
0xd3: {  	v3 =	vmul.f32 v3, v4;
	_ =	sdelay $0x1  }
.Ltmp4:
0xd4: {  	[tilespmem:s16+$0xC380] =	vst v3;
	(pc) =	sbr.rel @p2 .LBB2_10-.Ltmp4, $4  }
0xd5: {  	v4 =	vld.idx.msk [tilespmem:v5+s3+$0x0], $0xffff  }
0xd6: {  	s17 =	sshra.s32 s8, $0x2;
	v5 =	vld.idx.msk [tilespmem:v2+s3+$0x0], $0xffff  }
0xd7: {  	v2 =	vld [tilespmem:s17+$0x4E20]  }
0xd8: {  	v3 =	vld [tilespmem:s17+$0x7530]  }
0xd9: {  	_ =	sdelay $0x3  }
0xda: {  	v4 =	vmul.f32 v5, v4;
	_ =	sdelay $0x1  }
0xdb: {  	v57 =	vld [tilespmem:s17+$0x7540];
	[tilespmem:s16+$0xC390] =	vst v4  }
0xdc: {  	v2 =	vld.idx.msk [tilespmem:v2+s3+$0x0], $0xffff  }
0xdd: {  	v3 =	vld.idx.msk [tilespmem:v3+s3+$0x0], $0xffff  }
0xde: {  	v4 =	vld [tilespmem:s17+$0x4E30];
	_ =	sdelay $0x4  }
0xdf: {  	v2 =	vmul.f32 v3, v2;
	_ =	sdelay $0x1  }
0xe0: {  	v58 =	vld [tilespmem:s17+$0x4E40];
	[tilespmem:s17+$0xC350] =	vst v2  }
0xe1: {  	v2 =	vld.idx.msk [tilespmem:v4+s3+$0x0], $0xffff  }
0xe2: {  	v3 =	vld.idx.msk [tilespmem:v57+s3+$0x0], $0xffff  }
0xe3: {  	v59 =	vld [tilespmem:s17+$0x7550];
	_ =	sdelay $0x3  }
0xe4: {  	v2 =	vmul.f32 v3, v2;
	_ =	sdelay $0x1  }
0xe5: {  	v60 =	vld [tilespmem:s17+$0x4E50];
	[tilespmem:s17+$0xC360] =	vst v2  }
0xe6: {  	v2 =	vld.idx.msk [tilespmem:v58+s3+$0x0], $0xffff  }
0xe7: {  	v3 =	vld.idx.msk [tilespmem:v59+s3+$0x0], $0xffff  }
0xe8: {  	v61 =	vld [tilespmem:s17+$0x7560];
	_ =	sdelay $0x3  }
0xe9: {  	v2 =	vmul.f32 v3, v2;
	_ =	sdelay $0x1  }
0xea: {  	v62 =	vld [tilespmem:s17+$0x4E60];
	[tilespmem:s17+$0xC370] =	vst v2  }
0xeb: {  	v2 =	vld.idx.msk [tilespmem:v60+s3+$0x0], $0xffff  }
0xec: {  	v3 =	vld.idx.msk [tilespmem:v61+s3+$0x0], $0xffff  }
0xed: {  	v63 =	vld [tilespmem:s17+$0x7570];
	_ =	sdelay $0x3  }
0xee: {  	v2 =	vmul.f32 v3, v2;
	_ =	sdelay $0x1  }
0xef: {  	[tilespmem:s17+$0xC380] =	vst v2  }
0xf0: {  	v2 =	vld.idx.msk [tilespmem:v62+s3+$0x0], $0xffff  }
0xf1: {  	v3 =	vld.idx.msk [tilespmem:v63+s3+$0x0], $0xffff;
	_ =	sdelay $0x4  }
0xf2: {  	v2 =	vmul.f32 v3, v2;
	_ =	sdelay $0x1  }
0xf3: {  	[tilespmem:s17+$0xC390] =	vst v2  }
0xf4: {  	[tilespmem:s21], [sflag:$0x6] =	stream.indirect.gather [spmem:s2], $0x10, s18, s26, $0xb8;
	[tilespmem:$0x17CD0] =	vst v63  }
0xf5: {  	s6 =	simm.s32 $0x4E70;
	s8 =	simm.s32 $0xEFB0  }
0xf6: {  	[tilespmem:s8], [sflag:$0x7] =	stream.indirect.gather [spmem:s2], $0x10, s6, s26, $0xb8;
	[tilespmem:$0x17CD0] =	vst v63  }
0xf7: {  	s16 =	simm.s32 $0x0;
	s18 =	simm.s32 $0xC3A0;
	s6 =	simm.s32 $0xC350  }
.LBB2_12:
0xf8: {  	_ =	swait.ge [sflag:s24], $0x500  }
0xf9: {  	p2 =	seq.s32 s16, $0x0;
	[sflag:s24] =	ssyncset.done $0x0  }
0xfa: {  	s8 =	simm.s32 @!p2 $0x8;
	[sflag:s24] =	ssyncadd.s32 $0xFFFFFB00  }
0xfb: {  	_ =	swait.ge @!p2 [sflag:s8], $0x500  }
0xfc: {  	[sflag:s8] =	ssyncset.done @!p2 $0x0  }
0xfd: {  	s22 =	simm.s32 $0x0;
	[sflag:s8] =	ssyncadd.s32 @!p2 $0xFFFFFB00  }
0xfe: {  	s19 =	sshll.u32 s16, $0x1;
	v3 =	vld [tilespmem:s22+$0xEAB0]  }
0xff: {  	s20 =	smul.u32 $0x280, s16;
	s17 =	smov.u32 s6;
	s8 =	simm.s32 $0x400;
	v2 =	vld [tilespmem:s6+$0x0]  }
.LBB2_13:
0x100: {  	p3 =	sne.s32 s8, $0x1000;
	v4 =	vld [tilespmem:s22+$0xEAC0]  }
0x101: {  	v5 =	vld [tilespmem:s22+$0xEAD0]  }
0x102: {  	v6 =	vld [tilespmem:s22+$0xEAE0]  }
0x103: {  	v7 =	vld [tilespmem:s22+$0xEAF0]  }
0x104: {  	v8 =	vbroadcast v2, $0x0;
	v9 =	vbroadcast v2, $0x1;
	v10 =	vld [tilespmem:s22+$0xEB00]  }
0x105: {  	v11 =	vbroadcast v2, $0x2;
	v12 =	vbroadcast v2, $0x3;
	v13 =	vld [tilespmem:s22+$0xEB10]  }
0x106: {  	v3 =	vmul.f32 v8, v3;
	v4 =	vmul.f32 v4, v9;
	v8 =	vld [tilespmem:s22+$0xEB20]  }
0x107: {  	v5 =	vmul.f32 v5, v11;
	v6 =	vmul.f32 v6, v12;
	v9 =	vld [tilespmem:s22+$0xEB30]  }
0x108: {  	v11 =	vbroadcast v2, $0x5;
	[tilespmem:s22+$0xF4B0] =	vst v3;
	v3 =	vbroadcast v2, $0x4;
	v12 =	vld [tilespmem:s22+$0xEB40]  }
0x109: {  	v14 =	vbroadcast v2, $0x7;
	[tilespmem:s22+$0xF4C0] =	vst v4;
	v4 =	vbroadcast v2, $0x6;
	v15 =	vld [tilespmem:s22+$0xEB50]  }
0x10a: {  	[tilespmem:s22+$0xF4D0] =	vst v5;
	v3 =	vmul.f32 v7, v3;
	v5 =	vmul.f32 v10, v11;
	v7 =	vld [tilespmem:s22+$0xEB60]  }
0x10b: {  	[tilespmem:s22+$0xF4E0] =	vst v6;
	v4 =	vmul.f32 v13, v4;
	v6 =	vmul.f32 v8, v14;
	v8 =	vld [tilespmem:s22+$0xEB70]  }
0x10c: {  	v10 =	vbroadcast v2, $0x9;
	[tilespmem:s22+$0xF4F0] =	vst v3;
	v3 =	vbroadcast v2, $0x8;
	v11 =	vld [tilespmem:s22+$0xEB80]  }
0x10d: {  	v13 =	vbroadcast v2, $0xB;
	[tilespmem:s22+$0xF500] =	vst v5;
	v5 =	vbroadcast v2, $0xA;
	v14 =	vld [tilespmem:s22+$0xEB90]  }
0x10e: {  	[tilespmem:s22+$0xF510] =	vst v4;
	v3 =	vmul.f32 v9, v3;
	v4 =	vmul.f32 v12, v10;
	v9 =	vld [tilespmem:s22+$0xEBA0]  }
0x10f: {  	[tilespmem:s22+$0xF520] =	vst v6;
	v5 =	vmul.f32 v15, v5;
	v6 =	vmul.f32 v7, v13  }
0x110: {  	v7 =	vbroadcast v2, $0xD;
	[tilespmem:s22+$0xF530] =	vst v3;
	v3 =	vbroadcast v2, $0xC  }
0x111: {  	[tilespmem:s22+$0xF540] =	vst v4;
	v4 =	vbroadcast v2, $0xE;
	v2 =	vbroadcast v2, $0xF  }
0x112: {  	[tilespmem:s22+$0xF550] =	vst v5;
	v3 =	vmul.f32 v8, v3;
	v5 =	vmul.f32 v11, v7  }
0x113: {  	[tilespmem:s22+$0xF560] =	vst v6;
	v4 =	vmul.f32 v14, v4;
	v2 =	vmul.f32 v9, v2  }
.Ltmp5:
0x114: {  	[tilespmem:s22+$0xF570] =	vst v3;
	(pc) =	sbr.rel @p3 .LBB2_13-.Ltmp5, $4  }
0x115: {  	[tilespmem:s22+$0xF580] =	vst v5  }
0x116: {  	s30 =	sshra.s32 s8, $0x2;
	[tilespmem:s22+$0xF590] =	vst v4  }
0x117: {  	s17 =	sadd.s32 $0x10, s17;
	v3 =	vld [tilespmem:s30+$0xEAB0];
	[tilespmem:s22+$0xF5A0] =	vst v2;
	s22 =	smov.u32 s30  }
0x118: {  	s8 =	sadd.s32 $0x400, s8;
	v2 =	vld [tilespmem:s17+$0x0]  }
0x119: {  	_ =	sdelay $0x1  }
0x11a: {  	v4 =	vld [tilespmem:s22+$0xEAC0]  }
0x11b: {  	v5 =	vld [tilespmem:s22+$0xEAD0]  }
0x11c: {  	v6 =	vld [tilespmem:s22+$0xEAE0];
	v8 =	vbroadcast v2, $0x0  }
0x11d: {  	v7 =	vld [tilespmem:s22+$0xEAF0];
	v11 =	vbroadcast v2, $0x1  }
0x11e: {  	v9 =	vld [tilespmem:s22+$0xEB00];
	v13 =	vbroadcast v2, $0x2;
	v3 =	vmul.f32 v8, v3  }
0x11f: {  	v10 =	vld [tilespmem:s22+$0xEB10];
	v49 =	vbroadcast v2, $0x3;
	v4 =	vmul.f32 v4, v11  }
0x120: {  	v48 =	vld [tilespmem:s22+$0xEB20];
	v50 =	vbroadcast v2, $0x4;
	v5 =	vmul.f32 v5, v13;
	[tilespmem:s22+$0xF4B0] =	vst v3  }
0x121: {  	v54 =	vld [tilespmem:s22+$0xEB80];
	v51 =	vbroadcast v2, $0x5;
	v6 =	vmul.f32 v6, v49;
	[tilespmem:s22+$0xF4C0] =	vst v4  }
0x122: {  	v12 =	vld [tilespmem:s22+$0xEB30];
	v53 =	vbroadcast v2, $0x6;
	v7 =	vmul.f32 v7, v50;
	[tilespmem:s22+$0xF4D0] =	vst v5  }
0x123: {  	v55 =	vbroadcast v2, $0x7;
	v9 =	vmul.f32 v9, v51;
	v3 =	vld [tilespmem:s22+$0xEB40];
	[tilespmem:s22+$0xF4E0] =	vst v6  }
0x124: {  	v62 =	vbroadcast v2, $0xD;
	v10 =	vmul.f32 v10, v53;
	v4 =	vld [tilespmem:s22+$0xEB50];
	[tilespmem:s22+$0xF4F0] =	vst v7  }
0x125: {  	v56 =	vbroadcast v2, $0x8;
	v8 =	vmul.f32 v48, v55;
	v5 =	vld [tilespmem:s22+$0xEB60];
	[tilespmem:s22+$0xF500] =	vst v9  }
0x126: {  	v52 =	vld [tilespmem:s22+$0xEB70];
	v58 =	vbroadcast v2, $0x9;
	v63 =	vmul.f32 v54, v62;
	[tilespmem:s22+$0xF510] =	vst v10  }
0x127: {  	v57 =	vld [tilespmem:s22+$0xEB90];
	v59 =	vbroadcast v2, $0xA;
	v9 =	vmul.f32 v12, v56;
	[tilespmem:s22+$0xF520] =	vst v8  }
0x128: {  	v60 =	vld [tilespmem:s22+$0xEBA0];
	v14 =	vbroadcast v2, $0xB;
	[tilespmem:s22+$0xF580] =	vst v63;
	v3 =	vmul.f32 v3, v58  }
0x129: {  	v61 =	vbroadcast v2, $0xC;
	[tilespmem:s22+$0xF530] =	vst v9;
	v4 =	vmul.f32 v4, v59  }
0x12a: {  	v5 =	vmul.f32 v5, v14;
	[tilespmem:s22+$0xF540] =	vst v3;
	v3 =	vbroadcast v2, $0xE  }
0x12b: {  	[tilespmem:s22+$0xF550] =	vst v4;
	v4 =	vmul.f32 v52, v61;
	v2 =	vbroadcast v2, $0xF  }
0x12c: {  	[tilespmem:s22+$0xF560] =	vst v5;
	v3 =	vmul.f32 v57, v3  }
0x12d: {  	[tilespmem:s22+$0xF570] =	vst v4;
	v2 =	vmul.f32 v60, v2  }
0x12e: {  	s20 =	sshra.s32 s20, $0x2;
	[tilespmem:s22+$0xF590] =	vst v3  }
0x12f: {  	s17 =	smul.u32 $0xA0, s16;
	s8 =	sadd.s32 $0x4EC0, s20;
	[tilespmem:s22+$0xF5A0] =	vst v2  }
0x130: {  	[tilespmem:s21], [sflag:$0x6] =	stream.indirect.gather [spmem:s2], $0x10, s8, s26, $0xb8;
	[tilespmem:$0x17CD0] =	vst v63  }
0x131: {  	s22 =	sadd.s32 $0x7530, s17  }
0x132: {  	[spmem:s1] =	stream.indirect.scatter.add.f32 [tilespmem:s23], [sflag:$0x8], $0x10, s22, s26, $0xb8;
	[tilespmem:$0x17CD0] =	vst v63  }
0x133: {  	s30 =	sadd.s32 $0xC350, s17;
	s17 =	sadd.s32 $0x4E20, s17  }
0x134: {  	[spmem:s5] =	stream.indirect.scatter.add.f32 [tilespmem:s30], [sflag:$0xA], $0x1, s17, s26, $0xb8;
	[tilespmem:$0x17CD0] =	vst v63  }
0x135: {  	_ =	swait.ge [sflag:s9], $0x500  }
0x136: {  	[sflag:s9] =	ssyncset.done $0x0  }
0x137: {  	s8 =	simm.s32 @!p2 $0x9;
	[sflag:s9] =	ssyncadd.s32 $0xFFFFFB00  }
0x138: {  	_ =	swait.ge @!p2 [sflag:s8], $0x500  }
0x139: {  	[sflag:s8] =	ssyncset.done @!p2 $0x0  }
0x13a: {  	s22 =	simm.s32 $0x0;
	[sflag:s8] =	ssyncadd.s32 @!p2 $0xFFFFFB00  }
0x13b: {  	v3 =	vld [tilespmem:s22+$0xEFB0]  }
0x13c: {  	s19 =	sor.u32 $0x1, s19;
	s17 =	smov.u32 s18;
	s8 =	simm.s32 $0x400;
	v2 =	vld [tilespmem:s18+$0x0]  }
.LBB2_15:
0x13d: {  	p2 =	sne.s32 s8, $0x1000;
	v4 =	vld [tilespmem:s22+$0xEFC0]  }
0x13e: {  	v5 =	vld [tilespmem:s22+$0xEFD0]  }
0x13f: {  	v6 =	vld [tilespmem:s22+$0xEFE0]  }
0x140: {  	v7 =	vld [tilespmem:s22+$0xEFF0]  }
0x141: {  	v8 =	vbroadcast v2, $0x0;
	v9 =	vbroadcast v2, $0x1;
	v10 =	vld [tilespmem:s22+$0xF000]  }
0x142: {  	v11 =	vbroadcast v2, $0x2;
	v12 =	vbroadcast v2, $0x3;
	v13 =	vld [tilespmem:s22+$0xF010]  }
0x143: {  	v3 =	vmul.f32 v8, v3;
	v4 =	vmul.f32 v4, v9;
	v8 =	vld [tilespmem:s22+$0xF020]  }
0x144: {  	v5 =	vmul.f32 v5, v11;
	v6 =	vmul.f32 v6, v12;
	v9 =	vld [tilespmem:s22+$0xF030]  }
0x145: {  	v11 =	vbroadcast v2, $0x5;
	[tilespmem:s22+$0xF9B0] =	vst v3;
	v3 =	vbroadcast v2, $0x4;
	v12 =	vld [tilespmem:s22+$0xF040]  }
0x146: {  	v14 =	vbroadcast v2, $0x7;
	[tilespmem:s22+$0xF9C0] =	vst v4;
	v4 =	vbroadcast v2, $0x6;
	v15 =	vld [tilespmem:s22+$0xF050]  }
0x147: {  	[tilespmem:s22+$0xF9D0] =	vst v5;
	v3 =	vmul.f32 v7, v3;
	v5 =	vmul.f32 v10, v11;
	v7 =	vld [tilespmem:s22+$0xF060]  }
0x148: {  	[tilespmem:s22+$0xF9E0] =	vst v6;
	v4 =	vmul.f32 v13, v4;
	v6 =	vmul.f32 v8, v14;
	v8 =	vld [tilespmem:s22+$0xF070]  }
0x149: {  	v10 =	vbroadcast v2, $0x9;
	[tilespmem:s22+$0xF9F0] =	vst v3;
	v3 =	vbroadcast v2, $0x8;
	v11 =	vld [tilespmem:s22+$0xF080]  }
0x14a: {  	v13 =	vbroadcast v2, $0xB;
	[tilespmem:s22+$0xFA00] =	vst v5;
	v5 =	vbroadcast v2, $0xA;
	v14 =	vld [tilespmem:s22+$0xF090]  }
0x14b: {  	[tilespmem:s22+$0xFA10] =	vst v4;
	v3 =	vmul.f32 v9, v3;
	v4 =	vmul.f32 v12, v10;
	v9 =	vld [tilespmem:s22+$0xF0A0]  }
0x14c: {  	[tilespmem:s22+$0xFA20] =	vst v6;
	v5 =	vmul.f32 v15, v5;
	v6 =	vmul.f32 v7, v13  }
0x14d: {  	v7 =	vbroadcast v2, $0xD;
	[tilespmem:s22+$0xFA30] =	vst v3;
	v3 =	vbroadcast v2, $0xC  }
0x14e: {  	[tilespmem:s22+$0xFA40] =	vst v4;
	v4 =	vbroadcast v2, $0xE;
	v2 =	vbroadcast v2, $0xF  }
0x14f: {  	[tilespmem:s22+$0xFA50] =	vst v5;
	v3 =	vmul.f32 v8, v3;
	v5 =	vmul.f32 v11, v7  }
0x150: {  	[tilespmem:s22+$0xFA60] =	vst v6;
	v4 =	vmul.f32 v14, v4;
	v2 =	vmul.f32 v9, v2  }
.Ltmp6:
0x151: {  	[tilespmem:s22+$0xFA70] =	vst v3;
	(pc) =	sbr.rel @p2 .LBB2_15-.Ltmp6, $4  }
0x152: {  	[tilespmem:s22+$0xFA80] =	vst v5  }
0x153: {  	s30 =	sshra.s32 s8, $0x2;
	[tilespmem:s22+$0xFA90] =	vst v4  }
0x154: {  	s17 =	sadd.s32 $0x10, s17;
	v3 =	vld [tilespmem:s30+$0xEFB0];
	[tilespmem:s22+$0xFAA0] =	vst v2;
	s22 =	smov.u32 s30  }
0x155: {  	s8 =	sadd.s32 $0x400, s8;
	v2 =	vld [tilespmem:s17+$0x0]  }
0x156: {  	_ =	sdelay $0x1  }
0x157: {  	v4 =	vld [tilespmem:s22+$0xEFC0]  }
0x158: {  	v5 =	vld [tilespmem:s22+$0xEFD0]  }
0x159: {  	v6 =	vld [tilespmem:s22+$0xEFE0];
	v8 =	vbroadcast v2, $0x0  }
0x15a: {  	v7 =	vld [tilespmem:s22+$0xEFF0];
	v11 =	vbroadcast v2, $0x1  }
0x15b: {  	v9 =	vld [tilespmem:s22+$0xF000];
	v13 =	vbroadcast v2, $0x2;
	v3 =	vmul.f32 v8, v3  }
0x15c: {  	v10 =	vld [tilespmem:s22+$0xF010];
	v46 =	vbroadcast v2, $0x3;
	v4 =	vmul.f32 v4, v11  }
0x15d: {  	v45 =	vld [tilespmem:s22+$0xF020];
	v48 =	vbroadcast v2, $0x4;
	v5 =	vmul.f32 v5, v13;
	[tilespmem:s22+$0xF9B0] =	vst v3  }
0x15e: {  	v51 =	vld [tilespmem:s22+$0xF070];
	v50 =	vbroadcast v2, $0x5;
	v6 =	vmul.f32 v6, v46;
	[tilespmem:s22+$0xF9C0] =	vst v4  }
0x15f: {  	v53 =	vld [tilespmem:s22+$0xF080];
	v52 =	vbroadcast v2, $0x6;
	v7 =	vmul.f32 v7, v48;
	[tilespmem:s22+$0xF9D0] =	vst v5  }
0x160: {  	v54 =	vbroadcast v2, $0x7;
	v9 =	vmul.f32 v9, v50;
	v3 =	vld [tilespmem:s22+$0xF040];
	[tilespmem:s22+$0xF9E0] =	vst v6  }
0x161: {  	v12 =	vld [tilespmem:s22+$0xF030];
	v60 =	vbroadcast v2, $0xC;
	v10 =	vmul.f32 v10, v52;
	[tilespmem:s22+$0xF9F0] =	vst v7  }
0x162: {  	v47 =	vld [tilespmem:s22+$0xF050];
	v61 =	vbroadcast v2, $0xD;
	v8 =	vmul.f32 v45, v54;
	[tilespmem:s22+$0xFA00] =	vst v9  }
0x163: {  	v49 =	vld [tilespmem:s22+$0xF060];
	v57 =	vbroadcast v2, $0x9;
	v62 =	vmul.f32 v51, v60;
	[tilespmem:s22+$0xFA10] =	vst v10  }
0x164: {  	v56 =	vld [tilespmem:s22+$0xF090];
	v55 =	vbroadcast v2, $0x8;
	v63 =	vmul.f32 v53, v61;
	[tilespmem:s22+$0xFA20] =	vst v8  }
0x165: {  	v59 =	vld [tilespmem:s22+$0xF0A0];
	v58 =	vbroadcast v2, $0xA;
	[tilespmem:s22+$0xFA70] =	vst v62;
	v3 =	vmul.f32 v3, v57  }
0x166: {  	v14 =	vbroadcast v2, $0xB;
	v9 =	vmul.f32 v12, v55;
	[tilespmem:s22+$0xFA80] =	vst v63  }
0x167: {  	v4 =	vmul.f32 v47, v58;
	[tilespmem:s22+$0xFA40] =	vst v3;
	v3 =	vbroadcast v2, $0xE  }
0x168: {  	v5 =	vmul.f32 v49, v14;
	[tilespmem:s22+$0xFA30] =	vst v9;
	v2 =	vbroadcast v2, $0xF  }
0x169: {  	[tilespmem:s22+$0xFA50] =	vst v4;
	v3 =	vmul.f32 v56, v3  }
0x16a: {  	[tilespmem:s22+$0xFA60] =	vst v5;
	v2 =	vmul.f32 v59, v2  }
0x16b: {  	p2 =	seq.s32 s16, $0x3D;
	s16 =	sadd.s32 $0x1, s16;
	[tilespmem:s22+$0xFA90] =	vst v3  }
0x16c: {  	s8 =	sadd.s32 @!p2 $0x4F10, s20;
	s17 =	simm.s32 @!p2 $0x50;
	s20 =	simm.s32 @!p2 $0xEFB0;
	[tilespmem:s22+$0xFAA0] =	vst v2  }
0x16d: {  	[tilespmem:s20], [sflag:$0x7] =	stream.indirect.gather @!p2 [spmem:s2], $0x10, s8, s17, $0xb8;
	[tilespmem:$0x17CD0] =	vst v63  }
0x16e: {  	s19 =	smul.u32 $0x50, s19;
	p2 =	sne.s32 s16, $0x3E  }
.Ltmp7:
0x16f: {  	_ = 	snop;
	(pc) =	sbr.rel @p2 .LBB2_12-.Ltmp7, $4  }
0x170: {  	s6 =	sadd.s32 $0xA0, s6;
	s20 =	sadd.s32 $0x7530, s19  }
0x171: {  	[spmem:s1] =	stream.indirect.scatter.add.f32 [tilespmem:s10], [sflag:$0x9], $0x10, s20, s26, $0xb8;
	[tilespmem:$0x17CD0] =	vst v63  }
0x172: {  	s18 =	sadd.s32 $0xA0, s18;
	s30 =	sadd.s32 $0x4E20, s19;
	s22 =	sadd.s32 $0xC350, s19  }
0x173: {  	[spmem:s5] =	stream.indirect.scatter.add.f32 [tilespmem:s22], [sflag:$0xA], $0x1, s30, s26, $0xb8;
	[tilespmem:$0x17CD0] =	vst v63  }
0x174: {  	_ =	swait.ge [sflag:s24], $0x500  }
0x175: {  	[sflag:s24] =	ssyncset.done $0x0  }
0x176: {  	[sflag:s24] =	ssyncadd.s32 $0xFFFFFB00  }
0x177: {  	_ =	swait.ge [sflag:s11], $0x500  }
0x178: {  	[sflag:s11] =	ssyncset.done $0x0  }
0x179: {  	s16 =	simm.s32 $0x0;
	[sflag:s11] =	ssyncadd.s32 $0xFFFFFB00  }
0x17a: {  	s17 =	simm.s32 $0xEA10;
	v3 =	vld [tilespmem:s16+$0xEAB0]  }
0x17b: {  	s6 =	simm.s32 $0x400;
	v2 =	vld [tilespmem:s17+$0x0]  }
.LBB2_18:
0x17c: {  	p2 =	sne.s32 s6, $0x1000;
	v4 =	vld [tilespmem:s16+$0xEAC0]  }
0x17d: {  	v5 =	vld [tilespmem:s16+$0xEAD0]  }
0x17e: {  	v6 =	vld [tilespmem:s16+$0xEAE0]  }
0x17f: {  	v7 =	vld [tilespmem:s16+$0xEAF0]  }
0x180: {  	v8 =	vbroadcast v2, $0x0;
	v9 =	vbroadcast v2, $0x1;
	v10 =	vld [tilespmem:s16+$0xEB00]  }
0x181: {  	v11 =	vbroadcast v2, $0x2;
	v12 =	vbroadcast v2, $0x3;
	v13 =	vld [tilespmem:s16+$0xEB10]  }
0x182: {  	v3 =	vmul.f32 v8, v3;
	v4 =	vmul.f32 v4, v9;
	v8 =	vld [tilespmem:s16+$0xEB20]  }
0x183: {  	v5 =	vmul.f32 v5, v11;
	v6 =	vmul.f32 v6, v12;
	v9 =	vld [tilespmem:s16+$0xEB30]  }
0x184: {  	v11 =	vbroadcast v2, $0x5;
	[tilespmem:s16+$0xF4B0] =	vst v3;
	v3 =	vbroadcast v2, $0x4;
	v12 =	vld [tilespmem:s16+$0xEB40]  }
0x185: {  	v14 =	vbroadcast v2, $0x7;
	[tilespmem:s16+$0xF4C0] =	vst v4;
	v4 =	vbroadcast v2, $0x6;
	v15 =	vld [tilespmem:s16+$0xEB50]  }
0x186: {  	[tilespmem:s16+$0xF4D0] =	vst v5;
	v3 =	vmul.f32 v7, v3;
	v5 =	vmul.f32 v10, v11;
	v7 =	vld [tilespmem:s16+$0xEB60]  }
0x187: {  	[tilespmem:s16+$0xF4E0] =	vst v6;
	v4 =	vmul.f32 v13, v4;
	v6 =	vmul.f32 v8, v14;
	v8 =	vld [tilespmem:s16+$0xEB70]  }
0x188: {  	v10 =	vbroadcast v2, $0x9;
	[tilespmem:s16+$0xF4F0] =	vst v3;
	v3 =	vbroadcast v2, $0x8;
	v11 =	vld [tilespmem:s16+$0xEB80]  }
0x189: {  	v13 =	vbroadcast v2, $0xB;
	[tilespmem:s16+$0xF500] =	vst v5;
	v5 =	vbroadcast v2, $0xA;
	v14 =	vld [tilespmem:s16+$0xEB90]  }
0x18a: {  	[tilespmem:s16+$0xF510] =	vst v4;
	v3 =	vmul.f32 v9, v3;
	v4 =	vmul.f32 v12, v10;
	v9 =	vld [tilespmem:s16+$0xEBA0]  }
0x18b: {  	[tilespmem:s16+$0xF520] =	vst v6;
	v5 =	vmul.f32 v15, v5;
	v6 =	vmul.f32 v7, v13  }
0x18c: {  	v7 =	vbroadcast v2, $0xD;
	[tilespmem:s16+$0xF530] =	vst v3;
	v3 =	vbroadcast v2, $0xC  }
0x18d: {  	[tilespmem:s16+$0xF540] =	vst v4;
	v4 =	vbroadcast v2, $0xE;
	v2 =	vbroadcast v2, $0xF  }
0x18e: {  	[tilespmem:s16+$0xF550] =	vst v5;
	v3 =	vmul.f32 v8, v3;
	v5 =	vmul.f32 v11, v7  }
0x18f: {  	[tilespmem:s16+$0xF560] =	vst v6;
	v4 =	vmul.f32 v14, v4;
	v2 =	vmul.f32 v9, v2  }
.Ltmp8:
0x190: {  	[tilespmem:s16+$0xF570] =	vst v3;
	(pc) =	sbr.rel @p2 .LBB2_18-.Ltmp8, $4  }
0x191: {  	[tilespmem:s16+$0xF580] =	vst v5  }
0x192: {  	s8 =	sshra.s32 s6, $0x2;
	[tilespmem:s16+$0xF590] =	vst v4  }
0x193: {  	s17 =	sadd.s32 $0x10, s17;
	v3 =	vld [tilespmem:s8+$0xEAB0];
	[tilespmem:s16+$0xF5A0] =	vst v2;
	s16 =	smov.u32 s8  }
0x194: {  	s6 =	sadd.s32 $0x400, s6;
	v2 =	vld [tilespmem:s17+$0x0]  }
0x195: {  	_ =	sdelay $0x1  }
0x196: {  	v4 =	vld [tilespmem:s16+$0xEAC0]  }
0x197: {  	v5 =	vld [tilespmem:s16+$0xEAD0]  }
0x198: {  	v6 =	vld [tilespmem:s16+$0xEAE0];
	v8 =	vbroadcast v2, $0x0  }
0x199: {  	v7 =	vld [tilespmem:s16+$0xEAF0];
	v11 =	vbroadcast v2, $0x1  }
0x19a: {  	v9 =	vld [tilespmem:s16+$0xEB00];
	v13 =	vbroadcast v2, $0x2;
	v3 =	vmul.f32 v8, v3  }
0x19b: {  	v10 =	vld [tilespmem:s16+$0xEB10];
	v46 =	vbroadcast v2, $0x3;
	v4 =	vmul.f32 v4, v11  }
0x19c: {  	v45 =	vld [tilespmem:s16+$0xEB20];
	v48 =	vbroadcast v2, $0x4;
	v5 =	vmul.f32 v5, v13;
	[tilespmem:s16+$0xF4B0] =	vst v3  }
0x19d: {  	v51 =	vld [tilespmem:s16+$0xEB70];
	v50 =	vbroadcast v2, $0x5;
	v6 =	vmul.f32 v6, v46;
	[tilespmem:s16+$0xF4C0] =	vst v4  }
0x19e: {  	v53 =	vld [tilespmem:s16+$0xEB80];
	v52 =	vbroadcast v2, $0x6;
	v7 =	vmul.f32 v7, v48;
	[tilespmem:s16+$0xF4D0] =	vst v5  }
0x19f: {  	v54 =	vbroadcast v2, $0x7;
	v9 =	vmul.f32 v9, v50;
	v3 =	vld [tilespmem:s16+$0xEB40];
	[tilespmem:s16+$0xF4E0] =	vst v6  }
0x1a0: {  	v12 =	vld [tilespmem:s16+$0xEB30];
	v60 =	vbroadcast v2, $0xC;
	v10 =	vmul.f32 v10, v52;
	[tilespmem:s16+$0xF4F0] =	vst v7  }
0x1a1: {  	v47 =	vld [tilespmem:s16+$0xEB50];
	v61 =	vbroadcast v2, $0xD;
	v8 =	vmul.f32 v45, v54;
	[tilespmem:s16+$0xF500] =	vst v9  }
0x1a2: {  	v49 =	vld [tilespmem:s16+$0xEB60];
	v57 =	vbroadcast v2, $0x9;
	v62 =	vmul.f32 v51, v60;
	[tilespmem:s16+$0xF510] =	vst v10  }
0x1a3: {  	v56 =	vld [tilespmem:s16+$0xEB90];
	v55 =	vbroadcast v2, $0x8;
	v63 =	vmul.f32 v53, v61;
	[tilespmem:s16+$0xF520] =	vst v8  }
0x1a4: {  	v59 =	vld [tilespmem:s16+$0xEBA0];
	v58 =	vbroadcast v2, $0xA;
	[tilespmem:s16+$0xF570] =	vst v62;
	v3 =	vmul.f32 v3, v57  }
0x1a5: {  	v14 =	vbroadcast v2, $0xB;
	v9 =	vmul.f32 v12, v55;
	[tilespmem:s16+$0xF580] =	vst v63  }
0x1a6: {  	v4 =	vmul.f32 v47, v58;
	[tilespmem:s16+$0xF540] =	vst v3;
	v3 =	vbroadcast v2, $0xE  }
0x1a7: {  	v5 =	vmul.f32 v49, v14;
	[tilespmem:s16+$0xF530] =	vst v9;
	v2 =	vbroadcast v2, $0xF  }
0x1a8: {  	[tilespmem:s16+$0xF550] =	vst v4;
	v3 =	vmul.f32 v56, v3  }
0x1a9: {  	[tilespmem:s16+$0xF560] =	vst v5;
	v2 =	vmul.f32 v59, v2  }
0x1aa: {  	[tilespmem:s16+$0xF590] =	vst v3  }
0x1ab: {  	s6 =	simm.s32 $0x9BF0;
	[tilespmem:s16+$0xF5A0] =	vst v2  }
0x1ac: {  	[spmem:s1] =	stream.indirect.scatter.add.f32 [tilespmem:s23], [sflag:$0x8], $0x10, s6, s26, $0xb8;
	[tilespmem:$0x17CD0] =	vst v63  }
0x1ad: {  	s30 =	simm.s32 $0x74E0;
	s8 =	simm.s32 $0xEA10  }
0x1ae: {  	[spmem:s5] =	stream.indirect.scatter.add.f32 [tilespmem:s8], [sflag:$0xA], $0x1, s30, s26, $0xb8;
	[tilespmem:$0x17CD0] =	vst v63  }
0x1af: {  	_ =	swait.ge [sflag:s11], $0x500  }
0x1b0: {  	[sflag:s11] =	ssyncset.done $0x0  }
0x1b1: {  	[sflag:s11] =	ssyncadd.s32 $0xFFFFFB00  }
0x1b2: {  	_ =	swait.ge [sflag:s13], $0x500  }
0x1b3: {  	[sflag:s13] =	ssyncset.done $0x0  }
0x1b4: {  	[sflag:s13] =	ssyncadd.s32 $0xFFFFFB00  }
0x1b5: {  	_ =	swait.ge [sflag:s14], $0x50  }
0x1b6: {  	s18 =	simm.s32 $0x4E20;
	s6 =	simm.s32 $0x7C;
	[sflag:s14] =	ssyncset.done $0x0  }
.LBB2_20:
0x1b7: {  	p2 =	sne.s32 s6, $0x1;
	s6 =	sadd.s32 $0xFFFFFFFF, s6;
	[sflag:s14] =	ssyncadd.s32 $0xFFFFFFB0  }
.Ltmp9:
0x1b8: {  	(pc) =	sbr.rel @p2 .LBB2_20-.Ltmp9, $3  }
0x1b9: {  	_ =	sdelay $0x1  }
0x1ba: {  	_ =	swait.ge [sflag:s14], $0x50  }
0x1bb: {  	[sflag:s14] =	ssyncset.done $0x0  }
0x1bc: {  	[sflag:s14] =	ssyncadd.s32 $0xFFFFFFB0  }
0x1bd: {  	[bflag:$0x0] =	sbarrier.arrive $0xFFFF  }
0x1be: {  	s6 =	rddreg [dreg:$0x6]  }
0x1bf: {  	s8 =	sshrl.u32 s7, $0x3;
	s16 =	rddreg [dreg:$0xd];
	s6 =	sor.u32 $0x1C0B, s6  }
0x1c0: {  	[hbm:s16], [sflag:s6] =	dma.local [spmem:s8], $0x4E2  }
0x1c1: {  	_ =	swait.ge [sflag:s0], $0x4E2  }
0x1c2: {  	[sflag:s0] =	ssyncset.done $0x0  }
0x1c3: {  	s8 =	sshrl.u32 @!p0 s12, $0x3;
	s16 =	rddreg [dreg:$0xe];
	[sflag:s0] =	ssyncadd.s32 $0xFFFFFB1E  }
0x1c4: {  	[hbm:s16], [sflag:s6] =	dma.local @!p0 [spmem:s8], $0x7D  }
0x1c5: {  	s6 =	simm.s32 @!p0 $0xB  }
0x1c6: {  	_ =	swait.ge @!p0 [sflag:s6], $0x7D  }
0x1c7: {  	[sflag:s6] =	ssyncset.done @!p0 $0x0;
	s8 =	rddreg [dreg:$0xf]  }
0x1c8: {  	s16 =	rddreg [dreg:$0x10];
	[sflag:s6] =	ssyncadd.s32 @!p0 $0xFFFFFF83;
	s6 =	simm.s32 @!p1 $0x0  }
0x1c9: {  	[hbm4b:s8+s6] =	stream.linear.scatter @!p1 [tilespmem:s16], [sflag:$0xB], $0x3E8, $0x38;
	[tilespmem:$0x17CD0] =	vst v63  }
0x1ca: {  	s6 =	simm.s32 @!p1 $0xB  }
0x1cb: {  	_ =	swait.ge @!p1 [sflag:s6], $0x3E8  }
0x1cc: {  	s15 =	sadd.s32 $0x1, s15;
	s30 =	rddreg [dreg:$0x11]  }
0x1cd: {  	p2 =	sne.s32 s15, s30  }
.Ltmp10:
0x1ce: {  	_ = 	snop;
	(pc) =	sbr.rel @p2 .LBB2_1-.Ltmp10, $3  }
0x1cf: {  	_ =	sdelay $0x1  }
0x1d0: {  	[sflag:s6] =	ssyncset.done @!p1 $0x0  }
0x1d1: {  	[sflag:s6] =	ssyncadd.s32 @!p1 $0xFFFFFC18  }
0x1d2: {  	_ =	sfence.sel $0x180000  }
0x1d3: {  	[bflag:$0x0] =	sbarrier.arrive $0xFFFF  }
0x1d4: {  	_ =	strace $0x9000004A  }
0x1d5: {  	s0 =	stileid.u32;
	[bflag:$0x2] =	sbarrier.arrive $0xFFFF  }
0x1d6: {  	p0 =	sne.s32 s0, $0x0;
	s0 =	rddreg [dreg:$0x5]  }
0x1d7: {  	s0 =	sadd.s32 @!p0 $0x100000, s0  }
0x1d8: {  	[sflag:s0] =	ssyncadd.tile.s32 @!p0 $0x1;
	_ =	shalt  }
.Lfunc_end2:
_tile_overlayer_lowered:
.L_overlay_start_2:
0x1d9: {  	(tag) =	ssettag $0x2  }
0x1da: {  	s0 =	rddreg [dreg:$0x0];
	s2 =	stileid.u32  }
0x1db: {  	s1 =	rddreg [dreg:$0x1];
	p0 =	sne.s32 s2, $0x0  }
0x1dc: {  	s3 =	rddreg [dreg:$0x2];
	[bflag:$0x3] =	sbarrier.arrive $0xFFFF;
	s2 =	simm.s32 @!p0 $0x1C0B  }
0x1dd: {  	[timem:s3], [sflag:s2] =	dma.local @!p0 [hbm:s0], s1  }
0x1de: {  	s0 =	simm.s32 @!p0 $0xB  }
0x1df: {  	_ =	swait.ge @!p0 [sflag:s0], s1  }
0x1e0: {  	s1 =	ssub.s32 @!p0 $0x0, s1;
	[sflag:s0] =	ssyncset.done @!p0 $0x0  }
0x1e1: {  	[sflag:s0] =	ssyncadd.s32 @!p0 s1  }
0x1e2: {  	[bflag:$0x3] =	sbarrier.arrive $0xFFFF  }
0x1e3: {  	_ =	shalt  }

// kernel: kernel.8.cloned.1.call-start
scs
__scs_entry_jumppad:
0x0: {  	(pc) =	sbr.rel $0x88, $3  }
0x1: {  	(tag) =	ssettag $0x0;
	lr =	simm.s32 $0x1  }
0x2: {  	[smem:$0x3F8E] =	sst lr;
	_ =	strace $0xD0000000  }
0x3: {  	_ = 	snop  }
0x4: {  	_ = 	snop  }
0x5: {  	_ = 	snop  }
0x6: {  	_ = 	snop  }
0x7: {  	_ = 	snop  }
__scs_overlays_trampoline_lowered:
0x8: {  	[smem:$0x3F9D] =	sst s0  }
0x9: {  	[smem:$0x3F9E] =	sst s1  }
0xa: {  	[smem:$0x3F9F] =	sst s2  }
0xb: {  	[smem:$0x3FA0] =	sst s3  }
0xc: {  	[smem:$0x3FA1] =	sst s4  }
0xd: {  	[smem:$0x3FA2] =	sst s5  }
0xe: {  	[smem:$0x3FA3] =	sst s6  }
0xf: {  	[smem:$0x3FA4] =	sst s7  }
0x10: {  	[smem:$0x3FA5] =	sst s8  }
0x11: {  	[smem:$0x3FA6] =	sst s9;
	s0 =	simm.s32 @!p0 $0x0  }
0x12: {  	s1 =	sld [smem:$0x3F8C];
	s0 =	simm.s32 @p0 $0x1  }
0x13: {  	[smem:$0x3FA7] =	sst s0;
	s0 =	simm.s32 @!p1 $0x0  }
0x14: {  	s2 =	sld [smem:$0x3F8B];
	s0 =	simm.s32 @p1 $0x1  }
0x15: {  	[smem:$0x3FA8] =	sst s0;
	s0 =	simm.s32 @!p2 $0x0  }
0x16: {  	s3 =	sld [smem:$0x3FDB];
	s0 =	simm.s32 @p2 $0x1  }
0x17: {  	s4 =	simm.s32 $0x1BF5;
	[smem:$0x3FAA] =	sst s0  }
0x18: {  	s0 =	sld [smem:$0x3F8D];
	_ =	swait.ge [sflag:s4], $0x0  }
0x19: {  	s7 =	sld [smem:$0x3F8E]  }
0x1a: {  	s8 =	sadd.s32 $0xFFFFE003, lr  }
0x1b: {  	s9 =	sadd.s32 $0xFFFFFEF7, lr;
	s5 =	simm.s32 $0xFFFFFFFF;
	p2 =	slt.u32 s8, $0xFFFFF086  }
0x1c: {  	p1 =	slt.u32 s9, $0xF7A;
	s5 =	simm.s32 @!p2 $0x0  }
0x1d: {  	s5 =	simm.s32 @p1 $0x1;
	p0 =	seq.s32 s7, s2  }
0x1e: {  	s7 =	smul.u32 @!p0 $0xF7A, s2;
	p2 =	seq.s32 @!p0 s5, $0x0  }
0x1f: {  	s9 =	smul.u32 $0xF7A, s1;
	s8 =	simm.s32 @!p0 $0x1BF5;
	p2 =	por !p2, p0  }
0x20: {  	[sflag:s8] =	ssyncset.s32 @!p0 $0xFFFFF086;
	s6 =	sadd.s32 @!p0 s3, s7;
	s7 =	simm.s32 @!p0 $0x108  }
0x21: {  	s3 =	sadd.s32 s3, s9;
	s6 =	sadd.s32 @!p0 $0x88, s6;
	s7 =	simm.s32 @p2 $0x1082  }
0x22: {  	[simem:s7], [sflag:s8] =	dma.local @!p0 [hbm:s6], $0xF7A  }
0x23: {  	s9 =	sor.u32 $0xD0000000, s2;
	s6 =	simm.s32 $0x108;
	_ =	swait.ge @!p0 [sflag:s8], $0x0  }
0x24: {  	s3 =	sadd.s32 $0x88, s3;
	s6 =	simm.s32 @!p1 $0x1082;
	[sflag:s4] =	ssyncset.s32 $0xFFFFF086  }
0x25: {  	[simem:s6], [sflag:s4] =	dma.local [hbm:s3], $0xF7A  }
0x26: {  	[smem:$0x3F8E] =	sst s1;
	(tag) =	ssettag s2;
	_ =	strace s9  }
0x27: {  	s1 =	sld [smem:$0x3F9E]  }
0x28: {  	s2 =	sld [smem:$0x3F9F]  }
0x29: {  	s4 =	sld [smem:$0x3FA1]  }
0x2a: {  	p0 =	seq.s32 s5, $0x0;
	s5 =	sld [smem:$0x3FA2]  }
0x2b: {  	s6 =	sld [smem:$0x3FA3]  }
0x2c: {  	s7 =	sld [smem:$0x3FA4]  }
0x2d: {  	s3 =	simm.s32 $0x108;
	s8 =	sld [smem:$0x3FA5]  }
0x2e: {  	s3 =	simm.s32 @!p0 $0x1082;
	s9 =	sld [smem:$0x3FA6]  }
0x2f: {  	lr =	sadd.s32 s0, s3;
	s0 =	sld [smem:$0x3F9D]  }
0x30: {  	s3 =	sld [smem:$0x3FA0]  }
0x31: {  	[smem:$0x3FA9] =	sst s10  }
0x32: {  	s10 =	sld [smem:$0x3FA7];
	_ =	sdelay $0x3  }
0x33: {  	p0 =	seq.s32 s10, $0x1;
	s10 =	sld [smem:$0x3FA9];
	_ =	sdelay $0x3  }
0x34: {  	[smem:$0x3FA9] =	sst s10  }
0x35: {  	s10 =	sld [smem:$0x3FA8];
	_ =	sdelay $0x3  }
0x36: {  	p1 =	seq.s32 s10, $0x1;
	s10 =	sld [smem:$0x3FA9];
	_ =	sdelay $0x3  }
0x37: {  	[smem:$0x3FA9] =	sst s10  }
0x38: {  	s10 =	sld [smem:$0x3FAA]  }
0x39: {  	_ = 	snop;
	(pc) =	sbr.ind lr, $3  }
0x3a: {  	_ = 	snop  }
0x3b: {  	_ = 	snop  }
0x3c: {  	p2 =	seq.s32 s10, $0x1;
	s10 =	sld [smem:$0x3FA9]  }
0x3d: {  	_ =	shalt  }
0x3e: {  	_ =	shalt  }
0x3f: {  	_ =	shalt  }
0x40: {  	_ =	shalt  }
0x41: {  	_ =	shalt  }
0x42: {  	_ =	shalt  }
0x43: {  	_ =	shalt  }
0x44: {  	_ =	shalt  }
0x45: {  	_ =	shalt  }
0x46: {  	_ =	shalt  }
0x47: {  	_ =	shalt  }
0x48: {  	_ =	shalt  }
0x49: {  	_ =	shalt  }
0x4a: {  	_ =	shalt  }
0x4b: {  	_ =	shalt  }
0x4c: {  	_ =	shalt  }
0x4d: {  	_ =	shalt  }
0x4e: {  	_ =	shalt  }
0x4f: {  	_ =	shalt  }
0x50: {  	_ =	shalt  }
0x51: {  	_ =	shalt  }
0x52: {  	_ =	shalt  }
0x53: {  	_ =	shalt  }
0x54: {  	_ =	shalt  }
0x55: {  	_ =	shalt  }
0x56: {  	_ =	shalt  }
0x57: {  	_ =	shalt  }
0x58: {  	_ =	shalt  }
0x59: {  	_ =	shalt  }
0x5a: {  	_ =	shalt  }
0x5b: {  	_ =	shalt  }
0x5c: {  	_ =	shalt  }
0x5d: {  	_ =	shalt  }
0x5e: {  	_ =	shalt  }
0x5f: {  	_ =	shalt  }
0x60: {  	_ =	shalt  }
0x61: {  	_ =	shalt  }
0x62: {  	_ =	shalt  }
0x63: {  	_ =	shalt  }
0x64: {  	_ =	shalt  }
0x65: {  	_ =	shalt  }
0x66: {  	_ =	shalt  }
0x67: {  	_ =	shalt  }
0x68: {  	_ =	shalt  }
0x69: {  	_ =	shalt  }
0x6a: {  	_ =	shalt  }
0x6b: {  	_ =	shalt  }
0x6c: {  	_ =	shalt  }
0x6d: {  	_ =	shalt  }
0x6e: {  	_ =	shalt  }
0x6f: {  	_ =	shalt  }
0x70: {  	_ =	shalt  }
0x71: {  	_ =	shalt  }
0x72: {  	_ =	shalt  }
0x73: {  	_ =	shalt  }
0x74: {  	_ =	shalt  }
0x75: {  	_ =	shalt  }
0x76: {  	_ =	shalt  }
0x77: {  	_ =	shalt  }
0x78: {  	_ =	shalt  }
0x79: {  	_ =	shalt  }
0x7a: {  	_ =	shalt  }
0x7b: {  	_ =	shalt  }
0x7c: {  	_ =	shalt  }
0x7d: {  	_ =	shalt  }
0x7e: {  	_ =	shalt  }
0x7f: {  	_ =	shalt  }
0x80: {  	_ =	shalt  }
0x81: {  	_ =	shalt  }
0x82: {  	_ =	shalt  }
0x83: {  	_ =	shalt  }
0x84: {  	_ =	shalt  }
0x85: {  	_ =	shalt  }
0x86: {  	_ =	shalt  }
0x87: {  	_ =	shalt  }
.Lfunc_end0:
.L_simem_size_0:
called_computation.1_lowered:
.L_overlay_start_0:
0x88: {  	s2 =	sld [smem:$0x3FD9]  }
0x89: {  	s3 =	sld [smem:$0x3FFE];
	_ =	sdelay $0x1  }
0x8a: {  	s1 =	srdreg.scid  }
0x8b: {  	s0 =	sand.u32 $0x1, s1  }
0x8c: {  	s16 =	sshll.u32 s0, $0xA;
	s2 =	sadd.s32 s3, s2  }
0x8d: {  	s2 =	sadd.s32 s2, s16  }
0x8e: {  	[smem:$0x3FB5] =	sst s2  }
0x8f: {  	_ = 	snop  }
0x90: {  	(tm) =	ssettm $0x1  }
0x91: {  	s17 =	sld [smem:$0x3FFB];
	_ =	sdelay $0x3  }
0x92: {  	_ =	strace s17  }
0x93: {  	s2 =	sld [smem:$0x3FFC];
	_ =	sdelay $0x3  }
0x94: {  	_ =	strace s2  }
0x95: {  	s2 =	sld [smem:$0x3FFD];
	_ =	sdelay $0x3  }
0x96: {  	_ =	strace s2  }
0x97: {  	_ =	strace $0x8FFFFFFF  }
0x98: {  	s18 =	sld [smem:$0x3FDB];
	_ =	sdelay $0x1  }
0x99: {  	s19 =	simm.s32 $_scs_section_size  }
0x9a: {  	s4 =	simm.s32 $_size__tile_overlayer_lowered;
	s5 =	simm.s32 $_tile_overlayer_lowered  }
0x9b: {  	s22 =	simm.s32 $0x1BFF;
	s21 =	sshll.u32 s5, $0x1;
	s2 =	sadd.s32 s19, s18  }
0x9c: {  	s6 =	simm.s32 $0x0;
	s20 =	sshll.u32 s4, $0x1;
	s4 =	sadd.s32 s21, s2  }
0x9d: {  	[timem:s6], [sflag:s22] =	dma.local [hbm:s4], s20  }
0x9e: {  	_ =	swait.ge [sflag:s22], s20  }
0x9f: {  	s3 =	ssub.s32 $0x0, s20;
	[sflag:s22] =	ssyncset.done $0x0  }
0xa0: {  	[sflag:s22] =	ssyncadd.s32 s3;
	_ =	sdelay $0x1  }
0xa1: {  	s23 =	simm.s32 $0x1B8B  }
0xa2: {  	_ =	swait.ge [sflag:s23], $0x1  }
0xa3: {  	[sflag:s23] =	ssyncset.done $0x0  }
0xa4: {  	s25 =	simm.s32 $0x1B8E;
	s24 =	sld [smem:$0x3FFE];
	[sflag:s23] =	ssyncadd.s32 $0xFFFFFFFF  }
0xa5: {  	s26 =	simm.s32 $execute0_lowered;
	[smem:$0x3FD2] =	sst s25  }
0xa6: {  	s4 =	sshll.u32 s26, $0x1;
	_ =	strace $0x80000046;
	[dreg:$0x1] =	wrdreg $0xFFFFFFFF  }
0xa7: {  	s28 =	simm.s32 $_size_execute0_lowered;
	s2 =	sadd.s32 s2, s4;
	[dreg:$0x0] =	wrdreg $0x0  }
0xa8: {  	s4 =	sshll.u32 s28, $0x1;
	[dreg:$0x2] =	wrdreg s2  }
0xa9: {  	[dreg:$0x3] =	wrdreg s4  }
0xaa: {  	[dreg:$0x4] =	wrdreg $0xC0  }
0xab: {  	_ =	task [dreg:s6], $0x5FFFF  }
0xac: {  	[dreg:$0x1] =	wrdreg $0xFFFFFFFF  }
0xad: {  	[dreg:$0x0] =	wrdreg $0x60  }
0xae: {  	[dreg:$0x2] =	wrdreg s24  }
0xaf: {  	[dreg:$0x3] =	wrdreg $0x14C380  }
0xb0: {  	[dreg:$0x4] =	wrdreg $0x186D00  }
0xb1: {  	[dreg:$0x5] =	wrdreg $0x147480  }
0xb2: {  	[dreg:$0x6] =	wrdreg $0x149C00  }
0xb3: {  	[dreg:$0x7] =	wrdreg $0xA  }
0xb4: {  	_ =	task.clear_ibuf [dreg:s6], $0x8FFFF;
	_ =	strace $0x90000046  }
0xb5: {  	s29 =	simm.s32 $0xA;
	_ =	strace $0x80000048  }
0xb6: {  	_ =	swait.ge [sflag:s29], $0x1  }
0xb7: {  	[sflag:s29] =	ssyncadd.s32 $0xFFFFFFFF  }
0xb8: {  	_ =	strace $0x90000048  }
0xb9: {  	_ =	sfence  }
0xba: {  	s30 =	sld [smem:$0x0];
	_ =	sdelay $0x2  }
0xbb: {  	s31 =	sshll.u32 s1, $0xD;
	s1 =	sshrl.u32 s1, $0x2  }
0xbc: {  	s3 =	sand.u32 $0x4000, s31;
	s1 =	sadd.s32 s1, s30  }
0xbd: {  	s0 =	sor.u32 s3, s0;
	s1 =	sshll.u32 s1, $0x11  }
0xbe: {  	s0 =	sor.u32 s1, s0  }
0xbf: {  	s0 =	sadd.s32 $0x8F2B, s0  }
0xc0: {  	[sflag:s0] =	ssyncadd.remote.s32 $0x1  }
0xc1: {  	_ =	sfence.sel $0xFFFF  }
0xc2: {  	[dreg:$0x0] =	wrdreg $0xFFFFFFFF;
	(pc) =	sbr.abs _section_cstart, $3  }
0xc3: {  	[dreg:$0x1] =	wrdreg $0xFFFFFFFF  }
0xc4: {  	_ =	task.clear_ibuf [dreg:s6], $0x2FFFF;
	_ =	strace $0x9FFFFFFF  }
0xc5: {  	(tm) =	ssettm $0x7FFFFFFF  }
tec
execute0_lowered:
.L_overlay_start_1:
0x0: {  	(tag) =	ssettag $0x1  }
0x1: {  	s0 =	rddreg [dreg:$0x0]  }
0x2: {  	s1 =	rddreg [dreg:$0x1]  }
0x3: {  	s2 =	rddreg [dreg:$0x2];
	s18 =	stileid.u32  }
0x4: {  	s3 =	srdreg.scid;
	s4 =	rddreg [dreg:$0x3]  }
0x5: {  	s5 =	rddreg [dreg:$0x4];
	s6 =	smul.u32 $0x3A98, s18  }
0x6: {  	s9 =	simm.s32 $0x0;
	s28 =	simm.s32 $0xEA60;
	s8 =	smul.u32 $0x4E2, s18  }
0x7: {  	s29 =	simm.s32 $0x5;
	s31 =	simm.s32 $0x3;
	s11 =	smul.u32 $0x3E8, s18  }
0x8: {  	s3 =	sand.u32 $0x1, s3;
	[smem:$0x7FF] =	sst s9;
	s30 =	smul.u32 $0x9C4, s18  }
0x9: {  	s14 =	sadd.s32 $0x31600, s0;
	s26 =	sshll.u32 s18, $0x6;
	s7 =	smul.u32 $0x4E20, s3  }
0xa: {  	p0 =	sgt.u32 s18, $0x9;
	s18 =	simm.s32 $0x4E20;
	s10 =	smul.u32 $0x3A980, s3  }
0xb: {  	_ =	strace $0x80000047;
	s23 =	smul.u32 $0x2710, s3;
	s25 =	ssub.s32 $0x2, s3  }
0xc: {  	[dreg:$0x6] =	wrdreg s26;
	s19 =	sor.u32 $0x1C03, s26;
	p1 =	sne.s32 @!p0 s3, $0x0  }
0xd: {  	s3 =	simm.s32 $0x9C40;
	s21 =	sshrl.u32 s6, $0x3;
	s12 =	sshrl.u32 s11, $0x3  }
0xe: {  	s16 =	sshrl.u32 s25, $0x1;
	[dreg:$0x8] =	wrdreg s19;
	s20 =	sadd.s32 s11, s4  }
0xf: {  	p1 =	por p1, p0;
	s9 =	sadd.s32 s21, s0;
	s8 =	sadd.s32 s8, s7  }
0x10: {  	s22 =	sadd.s32 s6, s10;
	s24 =	sadd.s32 s11, s23;
	s10 =	ssub.s32 s25, s16  }
0x11: {  	[dreg:$0x9] =	wrdreg s20;
	s21 =	sadd.s32 s14, s30;
	s25 =	sadd.s32 $0x9C40, s11  }
0x12: {  	s13 =	sadd.s32 s8, s0;
	s7 =	sshrl.u32 s22, $0x3;
	[dreg:$0xa] =	wrdreg s21  }
0x13: {  	s9 =	sadd.s32 $0x2A000, s9;
	s8 =	sadd.s32 s14, s8;
	[dreg:$0x10] =	wrdreg s25  }
0x14: {  	s26 =	smax.u32 s10, $0x1;
	s25 =	simm.s32 $0x4;
	s21 =	simm.s32 $0xEAB0  }
0x15: {  	s10 =	simm.s32 $0x10130;
	s14 =	simm.s32 $0xA;
	[dreg:$0x7] =	wrdreg s9  }
0x16: {  	s15 =	sadd.s32 s7, s0;
	s7 =	sshrl.u32 s24, $0x3;
	[dreg:$0xc] =	wrdreg s8  }
0x17: {  	s22 =	sadd.s32 $0x3B400, s13;
	[dreg:$0x11] =	wrdreg s26;
	s26 =	simm.s32 $0x50  }
0x18: {  	s9 =	simm.s32 $0x7;
	s13 =	simm.s32 $0x9;
	s17 =	sadd.s32 s7, s0  }
0x19: {  	s0 =	sadd.s32 s12, s0;
	s7 =	sadd.s32 s6, s1;
	s6 =	sadd.s32 s6, s2  }
0x1a: {  	s12 =	sadd.s32 s11, s5;
	[dreg:$0xb] =	wrdreg s22;
	s23 =	sadd.s32 $0x45200, s15  }
0x1b: {  	s11 =	simm.s32 $0x8;
	[dreg:$0xd] =	wrdreg s23;
	s24 =	sadd.s32 $0x53E00, s17  }
0x1c: {  	s15 =	simm.s32 $0x0;
	s0 =	sadd.s32 $0x54800, s0;
	[dreg:$0xe] =	wrdreg s24  }
0x1d: {  	s30 =	sshrl.u32 s6, $0x3;
	s23 =	simm.s32 $0xF9B0;
	[dreg:$0xf] =	wrdreg s0  }
0x1e: {  	v0 =	vimm.f32 $0.0e+00;
	v1 =	vimm.f32 $1.000000000e+00;
	[dreg:$0x12] =	wrdreg s30;
	s0 =	simm.s32 $0xB;
	s24 =	simm.s32 $0x6  }
.LBB2_1:
0x1f: {  	s6 =	simm.s32 $0x0  }
.LBB2_2:
0x20: {  	p2 =	sne.s32 s6, $0xEA00  }
.Ltmp0:
0x21: {  	_ = 	snop;
	(pc) =	sbr.rel @p2 .LBB2_2-.Ltmp0, $4  }
0x22: {  	_ = 	snop  }
0x23: {  	s8 =	sshra.s32 s6, $0x2  }
0x24: {  	[tilespmem:s8+$0x108B0] =	vst v0  }
0x25: {  	s6 =	sadd.s32 $0x60, s6;
	[tilespmem:s8+$0x108B8] =	vst v0  }
0x26: {  	s6 =	simm.s32 $0x40;
	s8 =	simm.s32 $0x0  }
.LBB2_4:
0x27: {  	p2 =	sne.s32 s6, $0xFC0;
	[tilespmem:s8+$0x14348] =	vst v0;
	s8 =	smov.u32 s6;
	s6 =	sadd.s32 $0x40, s6  }
.Ltmp1:
0x28: {  	(pc) =	sbr.rel @p2 .LBB2_4-.Ltmp1, $2  }
0x29: {  	_ =	sdelay $0x2  }
0x2a: {  	s8 =	sshra.s32 s8, $0x2  }
0x2b: {  	[tilespmem:s8+$0x14348] =	vst v0  }
0x2c: {  	[tilespmem:$0xEA60] =	vst v1  }
0x2d: {  	[tilespmem:$0xEA70] =	vst v1  }
0x2e: {  	s22 =	rddreg [dreg:$0x7];
	[tilespmem:$0xEA80] =	vst v1  }
0x2f: {  	s30 =	rddreg [dreg:$0x8];
	[tilespmem:$0xEA90] =	vst v1  }
0x30: {  	s6 =	simm.s32 $0x108B0;
	s16 =	rddreg [dreg:$0x12];
	[tilespmem:$0xEAA0] =	vst v1  }
0x31: {  	[spmem:s7] =	stream.linear.scatter [tilespmem:s6], [sflag:$0x2], $0x3A98, $0x38;
	[tilespmem:$0x1C168] =	vst v63  }
0x32: {  	[spmem:s16], [sflag:s30] =	dma.local [hbm:s22], $0x753  }
0x33: {  	s6 =	simm.s32 @!p0 $0x14348;
	s8 =	rddreg [dreg:$0x9]  }
0x34: {  	[spmem:s8] =	stream.linear.scatter @!p0 [tilespmem:s6], [sflag:$0x1], $0x3E8, $0x38;
	[tilespmem:$0x1C168] =	vst v63  }
0x35: {  	_ = 	snop  }
0x36: {  	[spmem:s12] =	stream.linear.scatter @!p0 [tilespmem:s6], [sflag:$0x2], $0x3E8, $0x38;
	[tilespmem:$0x1C168] =	vst v63  }
0x37: {  	s17 =	simm.s32 $0x0;
	s19 =	rddreg [dreg:$0xa]  }
0x38: {  	[tilespmem:s17], [sflag:$0x4] =	stream.linear.gather [hbm4b:s19+s17], $0x4E20, $0x38;
	[tilespmem:$0x1C168] =	vst v63  }
0x39: {  	s20 =	rddreg [dreg:$0xb]  }
0x3a: {  	[tilespmem:s18], [sflag:$0x4] =	stream.linear.gather [hbm4b:s20+s17], $0x2710, $0x38;
	[tilespmem:$0x1C168] =	vst v63  }
0x3b: {  	s30 =	simm.s32 $0x7530;
	s22 =	rddreg [dreg:$0xc];
	s6 =	simm.s32 @!p0 $0x1  }
0x3c: {  	[tilespmem:s30], [sflag:$0x4] =	stream.linear.gather [hbm4b:s22+s17], $0x2710, $0x38;
	[tilespmem:$0x1C168] =	vst v63  }
0x3d: {  	_ =	swait.ge @!p0 [sflag:s6], $0x3E8  }
0x3e: {  	[sflag:s6] =	ssyncset.done @!p0 $0x0  }
0x3f: {  	[sflag:s6] =	ssyncadd.s32 @!p0 $0xFFFFFC18  }
0x40: {  	[bflag:$0x0] =	sbarrier.arrive $0xFFFF  }
0x41: {  	_ =	swait.ge [sflag:s25], $0x4E20  }
0x42: {  	[sflag:s25] =	ssyncset.done $0x0  }
0x43: {  	[sflag:s25] =	ssyncadd.s32 $0xFFFFB1E0  }
0x44: {  	_ =	swait.ge [sflag:s25], $0x2710  }
0x45: {  	[sflag:s25] =	ssyncset.done $0x0  }
0x46: {  	[sflag:s25] =	ssyncadd.s32 $0xFFFFD8F0  }
0x47: {  	_ =	swait.ge [sflag:s25], $0x2710  }
0x48: {  	p2 =	por $0x1, $0x1;
	[sflag:s25] =	ssyncset.done $0x0  }
0x49: {  	s16 =	simm.s32 @!p2 $0x5;
	s6 =	simm.s32 $0x0;
	[sflag:s25] =	ssyncadd.s32 $0xFFFFD8F0  }
0x4a: {  	[spmem:s4] =	stream.indirect.scatter.add.f32 [tilespmem:s28], [sflag:$0x5], $0x1, s6, s26, $0xb8;
	[tilespmem:$0x1C168] =	vst v63  }
0x4b: {  	_ =	swait.ge @!p2 [sflag:s16], $0x50  }
0x4c: {  	s8 =	simm.s32 $0x1;
	[sflag:s16] =	ssyncset.done @!p2 $0x0  }
.LBB2_6:
0x4d: {  	[sflag:s16] =	ssyncadd.s32 @!p2 $0xFFFFFFB0  }
0x4e: {  	s6 =	sadd.s32 $0x50, s6;
	s16 =	smov.u32 s8;
	s8 =	sadd.s32 $0x1, s8  }
0x4f: {  	p3 =	sne.s32 s8, $0xFA  }
0x50: {  	[spmem:s4] =	stream.indirect.scatter.add.f32 [tilespmem:s28], [sflag:$0x5], $0x1, s6, s26, $0xb8;
	[tilespmem:$0x1C168] =	vst v63  }
.Ltmp2:
0x51: {  	_ = 	snop;
	(pc) =	sbr.rel @p3 .LBB2_6-.Ltmp2, $4  }
0x52: {  	p2 =	slt.u32 s16, $0x8  }
0x53: {  	s16 =	simm.s32 @!p2 $0x5  }
0x54: {  	_ =	swait.ge @!p2 [sflag:s16], $0x50  }
0x55: {  	[sflag:s16] =	ssyncset.done @!p2 $0x0  }
0x56: {  	[sflag:s16] =	ssyncadd.s32 @!p2 $0xFFFFFFB0  }
0x57: {  	_ =	swait.ge [sflag:s29], $0x50  }
0x58: {  	[sflag:s29] =	ssyncset.done $0x0  }
0x59: {  	[sflag:s29] =	ssyncadd.s32 $0xFFFFFFB0  }
0x5a: {  	_ =	swait.ge [sflag:s29], $0x50  }
0x5b: {  	[sflag:s29] =	ssyncset.done $0x0  }
0x5c: {  	[sflag:s29] =	ssyncadd.s32 $0xFFFFFFB0  }
0x5d: {  	_ =	swait.ge [sflag:s29], $0x50  }
0x5e: {  	[sflag:s29] =	ssyncset.done $0x0  }
0x5f: {  	[sflag:s29] =	ssyncadd.s32 $0xFFFFFFB0  }
0x60: {  	_ =	swait.ge [sflag:s29], $0x50  }
0x61: {  	[sflag:s29] =	ssyncset.done $0x0  }
0x62: {  	[sflag:s29] =	ssyncadd.s32 $0xFFFFFFB0  }
0x63: {  	_ =	swait.ge [sflag:s29], $0x50  }
0x64: {  	[sflag:s29] =	ssyncset.done $0x0  }
0x65: {  	[sflag:s29] =	ssyncadd.s32 $0xFFFFFFB0  }
0x66: {  	_ =	swait.ge [sflag:s29], $0x50  }
0x67: {  	[sflag:s29] =	ssyncset.done $0x0  }
0x68: {  	[sflag:s29] =	ssyncadd.s32 $0xFFFFFFB0  }
0x69: {  	_ =	swait.ge [sflag:s29], $0x50  }
0x6a: {  	[sflag:s29] =	ssyncset.done $0x0  }
0x6b: {  	[sflag:s29] =	ssyncadd.s32 $0xFFFFFFB0  }
0x6c: {  	_ =	swait.ge [sflag:s29], $0x50  }
0x6d: {  	[sflag:s29] =	ssyncset.done $0x0  }
0x6e: {  	s6 =	simm.s32 $0x2;
	[sflag:s29] =	ssyncadd.s32 $0xFFFFFFB0  }
0x6f: {  	_ =	swait.ge [sflag:s6], $0x3A98  }
0x70: {  	[sflag:s6] =	ssyncset.done $0x0  }
0x71: {  	[sflag:s6] =	ssyncadd.s32 $0xFFFFC568  }
0x72: {  	_ =	swait.ge [sflag:s31], $0x753  }
0x73: {  	[sflag:s31] =	ssyncset.done $0x0  }
0x74: {  	s6 =	simm.s32 @!p0 $0x2;
	[sflag:s31] =	ssyncadd.s32 $0xFFFFF8AD  }
0x75: {  	_ =	swait.ge @!p0 [sflag:s6], $0x3E8  }
0x76: {  	[sflag:s6] =	ssyncset.done @!p0 $0x0  }
0x77: {  	[sflag:s6] =	ssyncadd.s32 @!p0 $0xFFFFFC18  }
0x78: {  	[bflag:$0x0] =	sbarrier.arrive $0xFFFF  }
0x79: {  	[tilespmem:s3], [sflag:$0xB] =	stream.linear.gather [spmem:s4], $0x2710, $0x38;
	[tilespmem:$0x1C168] =	vst v63  }
0x7a: {  	_ =	swait.ge [sflag:s0], $0x2710  }
0x7b: {  	[sflag:s0] =	ssyncset.done $0x0  }
0x7c: {  	s8 =	simm.s32 $0x40;
	s6 =	simm.s32 $0x0;
	[sflag:s0] =	ssyncadd.s32 $0xFFFFD8F0  }
.LBB2_8:
0x7d: {  	p2 =	sne.s32 s8, $0x9C00;
	v2 =	vld [tilespmem:s6+$0x9C40];
	_ =	sdelay $0x4  }
0x7e: {  	v2 =	vadd.f32 $1.000000000e+00, v2;
	_ =	sdelay $0x1  }
0x7f: {  	v3 =	vshra.s32 v2, $0x1;
	v2 =	vmul.f32 $5.000000000e-01, v2  }
0x80: {  	v3 =	vsub.s32 $0x5F3759DF, v3  }
0x81: {  	v4 =	vmul.f32 v3, v2;
	_ =	sdelay $0x1  }
0x82: {  	v4 =	vmul.f32 v3, v4;
	_ =	sdelay $0x1  }
0x83: {  	v4 =	vsub.f32 $1.500000000e+00, v4;
	_ =	sdelay $0x1  }
0x84: {  	v3 =	vmul.f32 v3, v4;
	_ =	sdelay $0x1  }
0x85: {  	v4 =	vmul.f32 v3, v2;
	_ =	sdelay $0x1  }
0x86: {  	v4 =	vmul.f32 v4, v3;
	_ =	sdelay $0x1  }
0x87: {  	v4 =	vsub.f32 $1.500000000e+00, v4;
	_ =	sdelay $0x1  }
0x88: {  	v3 =	vmul.f32 v4, v3;
	_ =	sdelay $0x1  }
0x89: {  	v2 =	vmul.f32 v3, v2;
	_ =	sdelay $0x1  }
0x8a: {  	v2 =	vmul.f32 v2, v3;
	_ =	sdelay $0x1  }
.Ltmp3:
0x8b: {  	v2 =	vsub.f32 $1.500000000e+00, v2;
	(pc) =	sbr.rel @p2 .LBB2_8-.Ltmp3, $3  }
0x8c: {  	_ = 	snop  }
0x8d: {  	v2 =	vmul.f32 v2, v3;
	_ =	sdelay $0x1  }
0x8e: {  	[tilespmem:s6+$0x9C40] =	vst v2;
	s6 =	sshra.s32 s8, $0x2;
	s8 =	sadd.s32 $0x40, s8  }
0x8f: {  	v2 =	vld [tilespmem:s6+$0x9C40];
	_ =	sdelay $0x4  }
0x90: {  	v2 =	vadd.f32 $1.000000000e+00, v2;
	_ =	sdelay $0x1  }
0x91: {  	v3 =	vshra.s32 v2, $0x1;
	v2 =	vmul.f32 $5.000000000e-01, v2  }
0x92: {  	v3 =	vsub.s32 $0x5F3759DF, v3  }
0x93: {  	v4 =	vmul.f32 v3, v2;
	_ =	sdelay $0x1  }
0x94: {  	v4 =	vmul.f32 v3, v4;
	_ =	sdelay $0x1  }
0x95: {  	v4 =	vsub.f32 $1.500000000e+00, v4;
	_ =	sdelay $0x1  }
0x96: {  	v3 =	vmul.f32 v3, v4;
	_ =	sdelay $0x1  }
0x97: {  	v4 =	vmul.f32 v3, v2;
	_ =	sdelay $0x1  }
0x98: {  	v4 =	vmul.f32 v4, v3;
	_ =	sdelay $0x1  }
0x99: {  	v4 =	vsub.f32 $1.500000000e+00, v4;
	_ =	sdelay $0x1  }
0x9a: {  	v3 =	vmul.f32 v4, v3;
	_ =	sdelay $0x1  }
0x9b: {  	v2 =	vmul.f32 v3, v2;
	_ =	sdelay $0x1  }
0x9c: {  	v2 =	vmul.f32 v2, v3;
	_ =	sdelay $0x1  }
0x9d: {  	v2 =	vsub.f32 $1.500000000e+00, v2;
	_ =	sdelay $0x1  }
0x9e: {  	v2 =	vmul.f32 v2, v3;
	_ =	sdelay $0x1  }
0x9f: {  	[tilespmem:s6+$0x9C40] =	vst v2;
	s6 =	simm.s32 $0x0  }
0xa0: {  	v2 =	vld [tilespmem:s6+$0x4E20]  }
0xa1: {  	v3 =	vld [tilespmem:s6+$0x7530];
	_ =	sdelay $0x5  }
0xa2: {  	v4 =	vld [tilespmem:s6+$0x4E30]  }
0xa3: {  	v2 =	vld.idx.msk [tilespmem:v2+s3+$0x0], $0xffff  }
0xa4: {  	v3 =	vld.idx.msk [tilespmem:v3+s3+$0x0], $0xffff  }
0xa5: {  	v5 =	vld [tilespmem:s6+$0x7540];
	_ =	sdelay $0x3  }
0xa6: {  	v2 =	vmul.f32 v3, v2;
	_ =	sdelay $0x1  }
0xa7: {  	[tilespmem:s6+$0xC350] =	vst v2  }
0xa8: {  	v2 =	vld.idx.msk [tilespmem:v4+s3+$0x0], $0xffff  }
0xa9: {  	v3 =	vld.idx.msk [tilespmem:v5+s3+$0x0], $0xffff  }
0xaa: {  	v4 =	vld [tilespmem:s6+$0x4E40]  }
0xab: {  	v5 =	vld [tilespmem:s6+$0x7550];
	_ =	sdelay $0x3  }
0xac: {  	v2 =	vmul.f32 v3, v2;
	_ =	sdelay $0x1  }
0xad: {  	[tilespmem:s6+$0xC360] =	vst v2  }
0xae: {  	v2 =	vld.idx.msk [tilespmem:v4+s3+$0x0], $0xffff  }
0xaf: {  	v3 =	vld.idx.msk [tilespmem:v5+s3+$0x0], $0xffff  }
0xb0: {  	v4 =	vld [tilespmem:s6+$0x4E50]  }
0xb1: {  	v5 =	vld [tilespmem:s6+$0x7560];
	_ =	sdelay $0x3  }
0xb2: {  	v2 =	vmul.f32 v3, v2;
	_ =	sdelay $0x1  }
0xb3: {  	[tilespmem:s6+$0xC370] =	vst v2  }
0xb4: {  	v2 =	vld.idx.msk [tilespmem:v4+s3+$0x0], $0xffff  }
0xb5: {  	v3 =	vld.idx.msk [tilespmem:v5+s3+$0x0], $0xffff  }
0xb6: {  	v4 =	vld [tilespmem:s6+$0x4E60]  }
0xb7: {  	v5 =	vld [tilespmem:s6+$0x7570];
	_ =	sdelay $0x3  }
0xb8: {  	v2 =	vmul.f32 v3, v2;
	_ =	sdelay $0x1  }
0xb9: {  	[tilespmem:s6+$0xC380] =	vst v2  }
0xba: {  	v4 =	vld.idx.msk [tilespmem:v4+s3+$0x0], $0xffff  }
0xbb: {  	s17 =	simm.s32 $0x50;
	v5 =	vld.idx.msk [tilespmem:v5+s3+$0x0], $0xffff  }
0xbc: {  	v2 =	vld [tilespmem:s17+$0x4E20]  }
0xbd: {  	s8 =	simm.s32 $0x280;
	v3 =	vld [tilespmem:s17+$0x7530]  }
.LBB2_10:
0xbe: {  	p2 =	sne.s32 s8, $0x9B00;
	s16 =	smov.u32 s8;
	s8 =	sadd.s32 $0x140, s8  }
0xbf: {  	_ =	sdelay $0x1  }
0xc0: {  	v4 =	vmul.f32 v5, v4;
	_ =	sdelay $0x1  }
0xc1: {  	v5 =	vld [tilespmem:s17+$0x7540];
	[tilespmem:s6+$0xC390] =	vst v4;
	s6 =	smov.u32 s17  }
0xc2: {  	v2 =	vld.idx.msk [tilespmem:v2+s3+$0x0], $0xffff  }
0xc3: {  	v3 =	vld.idx.msk [tilespmem:v3+s3+$0x0], $0xffff  }
0xc4: {  	v4 =	vld [tilespmem:s6+$0x4E30];
	_ =	sdelay $0x4  }
0xc5: {  	v2 =	vmul.f32 v3, v2;
	_ =	sdelay $0x1  }
0xc6: {  	[tilespmem:s6+$0xC350] =	vst v2;
	v2 =	vld [tilespmem:s6+$0x7550]  }
0xc7: {  	v3 =	vld.idx.msk [tilespmem:v4+s3+$0x0], $0xffff  }
0xc8: {  	v4 =	vld.idx.msk [tilespmem:v5+s3+$0x0], $0xffff  }
0xc9: {  	v5 =	vld [tilespmem:s6+$0x4E40];
	_ =	sdelay $0x4  }
0xca: {  	v3 =	vmul.f32 v4, v3;
	_ =	sdelay $0x1  }
0xcb: {  	[tilespmem:s6+$0xC360] =	vst v3;
	v3 =	vld [tilespmem:s6+$0x7560]  }
0xcc: {  	v4 =	vld.idx.msk [tilespmem:v5+s3+$0x0], $0xffff  }
0xcd: {  	v2 =	vld.idx.msk [tilespmem:v2+s3+$0x0], $0xffff  }
0xce: {  	v5 =	vld [tilespmem:s6+$0x4E50];
	_ =	sdelay $0x4  }
0xcf: {  	v2 =	vmul.f32 v2, v4;
	_ =	sdelay $0x1  }
0xd0: {  	[tilespmem:s6+$0xC370] =	vst v2;
	v2 =	vld [tilespmem:s6+$0x7570]  }
0xd1: {  	v4 =	vld.idx.msk [tilespmem:v5+s3+$0x0], $0xffff  }
0xd2: {  	v3 =	vld.idx.msk [tilespmem:v3+s3+$0x0], $0xffff  }
0xd3: {  	v5 =	vld [tilespmem:s6+$0x4E60];
	_ =	sdelay $0x4  }
0xd4: {  	v3 =	vmul.f32 v3, v4;
	_ =	sdelay $0x1  }
.Ltmp4:
0xd5: {  	[tilespmem:s6+$0xC380] =	vst v3;
	(pc) =	sbr.rel @p2 .LBB2_10-.Ltmp4, $4  }
0xd6: {  	v4 =	vld.idx.msk [tilespmem:v5+s3+$0x0], $0xffff  }
0xd7: {  	s17 =	sshra.s32 s16, $0x2;
	v5 =	vld.idx.msk [tilespmem:v2+s3+$0x0], $0xffff  }
0xd8: {  	v2 =	vld [tilespmem:s17+$0x4E20]  }
0xd9: {  	v3 =	vld [tilespmem:s17+$0x7530]  }
0xda: {  	_ =	sdelay $0x3  }
0xdb: {  	v4 =	vmul.f32 v5, v4;
	_ =	sdelay $0x1  }
0xdc: {  	v57 =	vld [tilespmem:s17+$0x7540];
	[tilespmem:s6+$0xC390] =	vst v4  }
0xdd: {  	v2 =	vld.idx.msk [tilespmem:v2+s3+$0x0], $0xffff  }
0xde: {  	v3 =	vld.idx.msk [tilespmem:v3+s3+$0x0], $0xffff  }
0xdf: {  	v4 =	vld [tilespmem:s17+$0x4E30];
	_ =	sdelay $0x4  }
0xe0: {  	v2 =	vmul.f32 v3, v2;
	_ =	sdelay $0x1  }
0xe1: {  	v58 =	vld [tilespmem:s17+$0x4E40];
	[tilespmem:s17+$0xC350] =	vst v2  }
0xe2: {  	v2 =	vld.idx.msk [tilespmem:v4+s3+$0x0], $0xffff  }
0xe3: {  	v3 =	vld.idx.msk [tilespmem:v57+s3+$0x0], $0xffff  }
0xe4: {  	v59 =	vld [tilespmem:s17+$0x7550];
	_ =	sdelay $0x3  }
0xe5: {  	v2 =	vmul.f32 v3, v2;
	_ =	sdelay $0x1  }
0xe6: {  	v60 =	vld [tilespmem:s17+$0x4E50];
	[tilespmem:s17+$0xC360] =	vst v2  }
0xe7: {  	v2 =	vld.idx.msk [tilespmem:v58+s3+$0x0], $0xffff  }
0xe8: {  	v3 =	vld.idx.msk [tilespmem:v59+s3+$0x0], $0xffff  }
0xe9: {  	v61 =	vld [tilespmem:s17+$0x7560];
	_ =	sdelay $0x3  }
0xea: {  	v2 =	vmul.f32 v3, v2;
	_ =	sdelay $0x1  }
0xeb: {  	v62 =	vld [tilespmem:s17+$0x4E60];
	[tilespmem:s17+$0xC370] =	vst v2  }
0xec: {  	v2 =	vld.idx.msk [tilespmem:v60+s3+$0x0], $0xffff  }
0xed: {  	v3 =	vld.idx.msk [tilespmem:v61+s3+$0x0], $0xffff  }
0xee: {  	v63 =	vld [tilespmem:s17+$0x7570];
	_ =	sdelay $0x3  }
0xef: {  	v2 =	vmul.f32 v3, v2;
	_ =	sdelay $0x1  }
0xf0: {  	[tilespmem:s17+$0xC380] =	vst v2  }
0xf1: {  	v2 =	vld.idx.msk [tilespmem:v62+s3+$0x0], $0xffff  }
0xf2: {  	v3 =	vld.idx.msk [tilespmem:v63+s3+$0x0], $0xffff;
	_ =	sdelay $0x4  }
0xf3: {  	v2 =	vmul.f32 v3, v2;
	_ =	sdelay $0x1  }
0xf4: {  	s30 =	simm.s32 $0x4E70;
	s8 =	simm.s32 $0xF230;
	[tilespmem:s17+$0xC390] =	vst v2  }
0xf5: {  	[tilespmem:s21], [sflag:$0x6] =	stream.indirect.gather [spmem:s2], $0x18, s18, s26, $0xb8;
	[tilespmem:$0x1C168] =	vst v63  }
0xf6: {  	s16 =	simm.s32 $0x0;
	s6 =	simm.s32 $0xC350;
	s18 =	simm.s32 $0xC3A0  }
0xf7: {  	[tilespmem:s8], [sflag:$0x7] =	stream.indirect.gather [spmem:s2], $0x18, s30, s26, $0xb8;
	[tilespmem:$0x1C168] =	vst v63  }
.LBB2_12:
0xf8: {  	_ =	swait.ge [sflag:s24], $0x780  }
0xf9: {  	p2 =	seq.s32 s16, $0x0;
	[sflag:s24] =	ssyncset.done $0x0  }
0xfa: {  	s8 =	simm.s32 @!p2 $0x8;
	[sflag:s24] =	ssyncadd.s32 $0xFFFFF880  }
0xfb: {  	_ =	swait.ge @!p2 [sflag:s8], $0x780  }
0xfc: {  	[sflag:s8] =	ssyncset.done @!p2 $0x0  }
0xfd: {  	s22 =	simm.s32 $0x0;
	[sflag:s8] =	ssyncadd.s32 @!p2 $0xFFFFF880  }
0xfe: {  	v5 =	vld [tilespmem:s22+$0xEB48]  }
0xff: {  	v2 =	vld [tilespmem:s22+$0xEB10]  }
0x100: {  	v3 =	vld [tilespmem:s22+$0xEB28]  }
0x101: {  	v6 =	vld [tilespmem:s22+$0xEB58]  }
0x102: {  	v7 =	vld [tilespmem:s22+$0xEAB8]  }
0x103: {  	v4 =	vld [tilespmem:s6+$0x0]  }
0x104: {  	s19 =	sshll.u32 s16, $0x1;
	v8 =	vld [tilespmem:s22+$0xEAB0]  }
0x105: {  	s20 =	smul.u32 $0x280, s16;
	s17 =	smov.u32 s6;
	s8 =	simm.s32 $0x600;
	v9 =	vld [tilespmem:s22+$0xEB70]  }
.LBB2_13:
0x106: {  	p3 =	sne.s32 s8, $0x1800  }
0x107: {  	v10 =	vld [tilespmem:s22+$0xEAF8];
	s17 =	sadd.s32 $0x10, s17;
	s30 =	smov.u32 s8;
	s8 =	sadd.s32 $0x600, s8  }
0x108: {  	v11 =	vld [tilespmem:s22+$0xEAE8]  }
0x109: {  	v12 =	vld [tilespmem:s22+$0xEAE0];
	v13 =	vbroadcast v4, $0x8  }
0x10a: {  	v14 =	vbroadcast v4, $0x0;
	v15 =	vbroadcast v4, $0x3;
	v16 =	vld [tilespmem:s22+$0xEBC0]  }
0x10b: {  	v17 =	vbroadcast v4, $0x2;
	v9 =	vmul.f32 v9, v13;
	v18 =	vld [tilespmem:s22+$0xEB78]  }
0x10c: {  	v8 =	vmul.f32 v14, v8;
	v10 =	vmul.f32 v10, v15;
	v19 =	vld [tilespmem:s22+$0xEC18]  }
0x10d: {  	v7 =	vmul.f32 v7, v14;
	v14 =	vld [tilespmem:s22+$0xEAC8];
	v11 =	vmul.f32 v11, v17;
	[tilespmem:s22+$0xFA70] =	vst v9  }
0x10e: {  	v20 =	vbroadcast v4, $0xF;
	v9 =	vbroadcast v4, $0xA;
	[tilespmem:s22+$0xF9B0] =	vst v8;
	v8 =	vld [tilespmem:s22+$0xEBA0]  }
0x10f: {  	v12 =	vmul.f32 v12, v17;
	[tilespmem:s22+$0xF9B8] =	vst v7;
	v7 =	vbroadcast v4, $0x1;
	v17 =	vld [tilespmem:s22+$0xEBB8]  }
0x110: {  	[tilespmem:s22+$0xF9F8] =	vst v10;
	v10 =	vld [tilespmem:s22+$0xEB40];
	v13 =	vmul.f32 v18, v13;
	v18 =	vbroadcast v4, $0xB  }
0x111: {  	v21 =	vbroadcast v4, $0xD;
	[tilespmem:s22+$0xF9E0] =	vst v12;
	v12 =	vld [tilespmem:s22+$0xEBE8];
	v19 =	vmul.f32 v19, v20  }
0x112: {  	v22 =	vbroadcast v4, $0x6;
	v14 =	vmul.f32 v14, v7;
	v23 =	vld [tilespmem:s22+$0xEB60];
	[tilespmem:s22+$0xFA78] =	vst v13  }
0x113: {  	v24 =	vbroadcast v4, $0x7;
	v13 =	vld [tilespmem:s22+$0xEAD0];
	v8 =	vmul.f32 v8, v9;
	[tilespmem:s22+$0xFB18] =	vst v19  }
0x114: {  	v16 =	vmul.f32 v16, v18;
	[tilespmem:s22+$0xF9C8] =	vst v14;
	v14 =	vld [tilespmem:s22+$0xEB00];
	v17 =	vmul.f32 v17, v18  }
0x115: {  	v6 =	vmul.f32 v6, v24;
	v10 =	vmul.f32 v10, v22;
	[tilespmem:s22+$0xFAA0] =	vst v8;
	v8 =	vld [tilespmem:s22+$0xEC00]  }
0x116: {  	v18 =	vld [tilespmem:s22+$0xEBA8];
	[tilespmem:s22+$0xFAB8] =	vst v17;
	v12 =	vmul.f32 v12, v21  }
0x117: {  	v5 =	vmul.f32 v5, v22;
	[tilespmem:s22+$0xFA58] =	vst v6;
	v6 =	vmul.f32 v23, v24;
	v17 =	vld [tilespmem:s22+$0xEC08]  }
0x118: {  	v7 =	vmul.f32 v13, v7;
	[tilespmem:s22+$0xFAC0] =	vst v16;
	v13 =	vld [tilespmem:s22+$0xEBF0];
	v16 =	vbroadcast v4, $0xE  }
0x119: {  	v14 =	vmul.f32 v14, v15;
	[tilespmem:s22+$0xFAE8] =	vst v12  }
0x11a: {  	[tilespmem:s22+$0xF9D0] =	vst v7;
	v7 =	vld [tilespmem:s22+$0xEB88];
	v8 =	vmul.f32 v8, v16  }
0x11b: {  	[tilespmem:s22+$0xFA00] =	vst v14;
	v12 =	vld [tilespmem:s22+$0xEB90];
	v9 =	vmul.f32 v18, v9  }
0x11c: {  	v14 =	vld [tilespmem:s22+$0xEBD0];
	[tilespmem:s22+$0xFB00] =	vst v8;
	v8 =	vmul.f32 v17, v16  }
0x11d: {  	v15 =	vbroadcast v4, $0x9;
	[tilespmem:s22+$0xFAA8] =	vst v9;
	v9 =	vld [tilespmem:s22+$0xEBD8];
	v13 =	vmul.f32 v13, v21  }
0x11e: {  	[tilespmem:s22+$0xFB08] =	vst v8;
	v8 =	vld [tilespmem:s22+$0xEC20]  }
0x11f: {  	v16 =	vbroadcast v4, $0xC;
	v7 =	vmul.f32 v7, v15;
	[tilespmem:s22+$0xFAF0] =	vst v13  }
0x120: {  	[tilespmem:s22+$0xFA60] =	vst v6;
	v6 =	vmul.f32 v12, v15  }
0x121: {  	[tilespmem:s22+$0xFA88] =	vst v7;
	v7 =	vmul.f32 v14, v16  }
0x122: {  	v12 =	vld [tilespmem:s22+$0xEB30];
	[tilespmem:s22+$0xFA90] =	vst v6;
	v6 =	vmul.f32 v9, v16  }
0x123: {  	v9 =	vld [tilespmem:s22+$0xEB18];
	[tilespmem:s22+$0xFA40] =	vst v10;
	v8 =	vmul.f32 v8, v20  }
0x124: {  	[tilespmem:s22+$0xFA48] =	vst v5  }
0x125: {  	v5 =	vbroadcast v4, $0x4;
	v4 =	vbroadcast v4, $0x5;
	[tilespmem:s22+$0xFB20] =	vst v8  }
0x126: {  	[tilespmem:s22+$0xF9E8] =	vst v11  }
0x127: {  	v8 =	vmul.f32 v2, v5;
	v2 =	vmul.f32 v3, v4  }
0x128: {  	s30 =	sshra.s32 s30, $0x2;
	v4 =	vmul.f32 v12, v4;
	v9 =	vmul.f32 v9, v5;
	[tilespmem:s22+$0xFAD0] =	vst v7  }
0x129: {  	v5 =	vld [tilespmem:s30+$0xEB48];
	[tilespmem:s22+$0xFA28] =	vst v2  }
0x12a: {  	v2 =	vld [tilespmem:s30+$0xEB10];
	[tilespmem:s22+$0xFAD8] =	vst v6  }
0x12b: {  	v3 =	vld [tilespmem:s30+$0xEB28];
	[tilespmem:s22+$0xFA30] =	vst v4  }
.Ltmp5:
0x12c: {  	v6 =	vld [tilespmem:s30+$0xEB58];
	[tilespmem:s22+$0xFA10] =	vst v8;
	(pc) =	sbr.rel @p3 .LBB2_13-.Ltmp5, $4  }
0x12d: {  	v7 =	vld [tilespmem:s30+$0xEAB8];
	[tilespmem:s22+$0xFA18] =	vst v9;
	s22 =	smov.u32 s30  }
0x12e: {  	v4 =	vld [tilespmem:s17+$0x0]  }
0x12f: {  	v8 =	vld [tilespmem:s22+$0xEAB0]  }
0x130: {  	v9 =	vld [tilespmem:s22+$0xEB70]  }
0x131: {  	_ =	sdelay $0x1  }
0x132: {  	v13 =	vbroadcast v4, $0x8  }
0x133: {  	v12 =	vld [tilespmem:s22+$0xEAE0];
	v15 =	vbroadcast v4, $0x0  }
0x134: {  	v16 =	vld [tilespmem:s22+$0xEB78];
	v22 =	vbroadcast v4, $0x7;
	v9 =	vmul.f32 v9, v13  }
0x135: {  	v17 =	vld [tilespmem:s22+$0xEC18];
	v8 =	vmul.f32 v15, v8  }
0x136: {  	v18 =	vld [tilespmem:s22+$0xEAC8];
	v50 =	vbroadcast v4, $0x2;
	v6 =	vmul.f32 v6, v22;
	[tilespmem:s22+$0xFA70] =	vst v9  }
0x137: {  	v21 =	vld [tilespmem:s22+$0xEAD0];
	v7 =	vmul.f32 v7, v15;
	[tilespmem:s22+$0xF9B0] =	vst v8  }
0x138: {  	v51 =	vbroadcast v4, $0xF;
	v12 =	vmul.f32 v12, v50;
	v8 =	vld [tilespmem:s22+$0xEBA0];
	[tilespmem:s22+$0xFA58] =	vst v6  }
0x139: {  	v11 =	vld [tilespmem:s22+$0xEAE8];
	v19 =	vbroadcast v4, $0x1;
	v13 =	vmul.f32 v16, v13;
	[tilespmem:s22+$0xF9B8] =	vst v7  }
0x13a: {  	v17 =	vmul.f32 v17, v51;
	v7 =	vld [tilespmem:s22+$0xEBB8];
	[tilespmem:s22+$0xF9E0] =	vst v12  }
0x13b: {  	v10 =	vld [tilespmem:s22+$0xEAF8];
	v53 =	vbroadcast v4, $0xA;
	v18 =	vmul.f32 v18, v19;
	[tilespmem:s22+$0xFA78] =	vst v13  }
0x13c: {  	v55 =	vld [tilespmem:s22+$0xEB00];
	v56 =	vmul.f32 v21, v19;
	[tilespmem:s22+$0xFB18] =	vst v17  }
0x13d: {  	v23 =	vld [tilespmem:s22+$0xEBA8];
	v54 =	vbroadcast v4, $0xB;
	[tilespmem:s22+$0xF9C8] =	vst v18;
	v8 =	vmul.f32 v8, v53  }
0x13e: {  	v52 =	vld [tilespmem:s22+$0xEBE8];
	v11 =	vmul.f32 v11, v50;
	v9 =	vbroadcast v4, $0x3;
	[tilespmem:s22+$0xF9D0] =	vst v56  }
0x13f: {  	v7 =	vmul.f32 v7, v54;
	[tilespmem:s22+$0xFAA0] =	vst v8;
	v8 =	vld [tilespmem:s22+$0xEC00]  }
0x140: {  	v6 =	vld [tilespmem:s22+$0xEC08];
	v10 =	vmul.f32 v10, v9;
	[tilespmem:s22+$0xF9E8] =	vst v11  }
0x141: {  	v57 =	vld [tilespmem:s22+$0xEBF0];
	v9 =	vmul.f32 v55, v9;
	[tilespmem:s22+$0xFAB8] =	vst v7;
	v7 =	vbroadcast v4, $0xD  }
0x142: {  	v20 =	vld [tilespmem:s22+$0xEB60];
	v58 =	vbroadcast v4, $0xE;
	v13 =	vmul.f32 v23, v53;
	[tilespmem:s22+$0xF9F8] =	vst v10  }
0x143: {  	v59 =	vld [tilespmem:s22+$0xEB88];
	[tilespmem:s22+$0xFA00] =	vst v9;
	v16 =	vmul.f32 v52, v7  }
0x144: {  	v9 =	vld [tilespmem:s22+$0xEB90];
	[tilespmem:s22+$0xFAA8] =	vst v13;
	v8 =	vmul.f32 v8, v58  }
0x145: {  	v14 =	vld [tilespmem:s22+$0xEBC0];
	v6 =	vmul.f32 v6, v58;
	[tilespmem:s22+$0xFAE8] =	vst v16  }
0x146: {  	v61 =	vbroadcast v4, $0x9;
	v10 =	vld [tilespmem:s22+$0xEB40];
	v7 =	vmul.f32 v57, v7;
	[tilespmem:s22+$0xFB00] =	vst v8  }
0x147: {  	[tilespmem:s22+$0xFB08] =	vst v6;
	v6 =	vmul.f32 v20, v22  }
0x148: {  	v60 =	vld [tilespmem:s22+$0xEBD0];
	v16 =	vmul.f32 v59, v61;
	[tilespmem:s22+$0xFAF0] =	vst v7  }
0x149: {  	v7 =	vmul.f32 v9, v61;
	v8 =	vld [tilespmem:s22+$0xEBD8];
	[tilespmem:s22+$0xFA60] =	vst v6;
	v6 =	vbroadcast v4, $0x6  }
0x14a: {  	v62 =	vld [tilespmem:s22+$0xEC20];
	v14 =	vmul.f32 v14, v54;
	[tilespmem:s22+$0xFA88] =	vst v16  }
0x14b: {  	[tilespmem:s22+$0xFA90] =	vst v7;
	v7 =	vbroadcast v4, $0xC;
	v10 =	vmul.f32 v10, v6  }
0x14c: {  	[tilespmem:s22+$0xFAC0] =	vst v14;
	v5 =	vmul.f32 v5, v6  }
0x14d: {  	v9 =	vld [tilespmem:s22+$0xEB30];
	v63 =	vmul.f32 v60, v7;
	[tilespmem:s22+$0xFA40] =	vst v10  }
0x14e: {  	v6 =	vld [tilespmem:s22+$0xEB18];
	v7 =	vmul.f32 v8, v7;
	[tilespmem:s22+$0xFA48] =	vst v5;
	v5 =	vbroadcast v4, $0x5  }
0x14f: {  	[tilespmem:s22+$0xFAD0] =	vst v63;
	v10 =	vmul.f32 v62, v51;
	v4 =	vbroadcast v4, $0x4  }
0x150: {  	[tilespmem:s22+$0xFAD8] =	vst v7;
	v3 =	vmul.f32 v3, v5  }
0x151: {  	[tilespmem:s22+$0xFB20] =	vst v10;
	v2 =	vmul.f32 v2, v4  }
0x152: {  	v5 =	vmul.f32 v9, v5;
	[tilespmem:s22+$0xFA28] =	vst v3  }
0x153: {  	v3 =	vmul.f32 v6, v4;
	[tilespmem:s22+$0xFA10] =	vst v2  }
0x154: {  	s20 =	sshra.s32 s20, $0x2;
	[tilespmem:s22+$0xFA30] =	vst v5  }
0x155: {  	s17 =	smul.u32 $0xA0, s16;
	s8 =	sadd.s32 $0x4EC0, s20;
	[tilespmem:s22+$0xFA18] =	vst v3  }
0x156: {  	[tilespmem:s21], [sflag:$0x6] =	stream.indirect.gather [spmem:s2], $0x18, s8, s26, $0xb8;
	[tilespmem:$0x1C168] =	vst v63  }
0x157: {  	s22 =	sadd.s32 $0x7530, s17  }
0x158: {  	[spmem:s1] =	stream.indirect.scatter.add.f32 [tilespmem:s23], [sflag:$0x8], $0x18, s22, s26, $0xb8;
	[tilespmem:$0x1C168] =	vst v63  }
0x159: {  	s30 =	sadd.s32 $0xC350, s17;
	s17 =	sadd.s32 $0x4E20, s17  }
0x15a: {  	[spmem:s5] =	stream.indirect.scatter.add.f32 [tilespmem:s30], [sflag:$0xA], $0x1, s17, s26, $0xb8;
	[tilespmem:$0x1C168] =	vst v63  }
0x15b: {  	_ =	swait.ge [sflag:s9], $0x780  }
0x15c: {  	[sflag:s9] =	ssyncset.done $0x0  }
0x15d: {  	s8 =	simm.s32 @!p2 $0x9;
	[sflag:s9] =	ssyncadd.s32 $0xFFFFF880  }
0x15e: {  	_ =	swait.ge @!p2 [sflag:s8], $0x780  }
0x15f: {  	[sflag:s8] =	ssyncset.done @!p2 $0x0  }
0x160: {  	s22 =	simm.s32 $0x0;
	[sflag:s8] =	ssyncadd.s32 @!p2 $0xFFFFF880  }
0x161: {  	v5 =	vld [tilespmem:s22+$0xF2C8]  }
0x162: {  	v2 =	vld [tilespmem:s22+$0xF290]  }
0x163: {  	v3 =	vld [tilespmem:s22+$0xF2A8]  }
0x164: {  	v6 =	vld [tilespmem:s22+$0xF2D8]  }
0x165: {  	v7 =	vld [tilespmem:s22+$0xF238]  }
0x166: {  	v4 =	vld [tilespmem:s18+$0x0]  }
0x167: {  	v8 =	vld [tilespmem:s22+$0xF230]  }
0x168: {  	s19 =	sor.u32 $0x1, s19;
	s17 =	smov.u32 s18;
	s8 =	simm.s32 $0x600;
	v9 =	vld [tilespmem:s22+$0xF2F0]  }
.LBB2_15:
0x169: {  	p2 =	sne.s32 s8, $0x1800  }
0x16a: {  	v10 =	vld [tilespmem:s22+$0xF278];
	s17 =	sadd.s32 $0x10, s17;
	s30 =	smov.u32 s8;
	s8 =	sadd.s32 $0x600, s8  }
0x16b: {  	v11 =	vld [tilespmem:s22+$0xF268]  }
0x16c: {  	v12 =	vld [tilespmem:s22+$0xF260];
	v13 =	vbroadcast v4, $0x8  }
0x16d: {  	v14 =	vbroadcast v4, $0x0;
	v15 =	vbroadcast v4, $0x3;
	v16 =	vld [tilespmem:s22+$0xF340]  }
0x16e: {  	v17 =	vbroadcast v4, $0x2;
	v9 =	vmul.f32 v9, v13;
	v18 =	vld [tilespmem:s22+$0xF2F8]  }
0x16f: {  	v8 =	vmul.f32 v14, v8;
	v10 =	vmul.f32 v10, v15;
	v19 =	vld [tilespmem:s22+$0xF398]  }
0x170: {  	v7 =	vmul.f32 v7, v14;
	v14 =	vld [tilespmem:s22+$0xF248];
	v11 =	vmul.f32 v11, v17;
	[tilespmem:s22+$0x101F0] =	vst v9  }
0x171: {  	v20 =	vbroadcast v4, $0xF;
	v9 =	vbroadcast v4, $0xA;
	[tilespmem:s22+$0x10130] =	vst v8;
	v8 =	vld [tilespmem:s22+$0xF320]  }
0x172: {  	v12 =	vmul.f32 v12, v17;
	[tilespmem:s22+$0x10138] =	vst v7;
	v7 =	vbroadcast v4, $0x1;
	v17 =	vld [tilespmem:s22+$0xF338]  }
0x173: {  	[tilespmem:s22+$0x10178] =	vst v10;
	v10 =	vld [tilespmem:s22+$0xF2C0];
	v13 =	vmul.f32 v18, v13;
	v18 =	vbroadcast v4, $0xB  }
0x174: {  	v21 =	vbroadcast v4, $0xD;
	[tilespmem:s22+$0x10160] =	vst v12;
	v12 =	vld [tilespmem:s22+$0xF368];
	v19 =	vmul.f32 v19, v20  }
0x175: {  	v22 =	vbroadcast v4, $0x6;
	v14 =	vmul.f32 v14, v7;
	v23 =	vld [tilespmem:s22+$0xF2E0];
	[tilespmem:s22+$0x101F8] =	vst v13  }
0x176: {  	v24 =	vbroadcast v4, $0x7;
	v13 =	vld [tilespmem:s22+$0xF250];
	v8 =	vmul.f32 v8, v9;
	[tilespmem:s22+$0x10298] =	vst v19  }
0x177: {  	v16 =	vmul.f32 v16, v18;
	[tilespmem:s22+$0x10148] =	vst v14;
	v14 =	vld [tilespmem:s22+$0xF280];
	v17 =	vmul.f32 v17, v18  }
0x178: {  	v6 =	vmul.f32 v6, v24;
	v10 =	vmul.f32 v10, v22;
	[tilespmem:s22+$0x10220] =	vst v8;
	v8 =	vld [tilespmem:s22+$0xF380]  }
0x179: {  	v18 =	vld [tilespmem:s22+$0xF328];
	[tilespmem:s22+$0x10238] =	vst v17;
	v12 =	vmul.f32 v12, v21  }
0x17a: {  	v5 =	vmul.f32 v5, v22;
	[tilespmem:s22+$0x101D8] =	vst v6;
	v6 =	vmul.f32 v23, v24;
	v17 =	vld [tilespmem:s22+$0xF388]  }
0x17b: {  	v7 =	vmul.f32 v13, v7;
	[tilespmem:s22+$0x10240] =	vst v16;
	v13 =	vld [tilespmem:s22+$0xF370];
	v16 =	vbroadcast v4, $0xE  }
0x17c: {  	v14 =	vmul.f32 v14, v15;
	[tilespmem:s22+$0x10268] =	vst v12  }
0x17d: {  	[tilespmem:s22+$0x10150] =	vst v7;
	v7 =	vld [tilespmem:s22+$0xF308];
	v8 =	vmul.f32 v8, v16  }
0x17e: {  	[tilespmem:s22+$0x10180] =	vst v14;
	v12 =	vld [tilespmem:s22+$0xF310];
	v9 =	vmul.f32 v18, v9  }
0x17f: {  	v14 =	vld [tilespmem:s22+$0xF350];
	[tilespmem:s22+$0x10280] =	vst v8;
	v8 =	vmul.f32 v17, v16  }
0x180: {  	v15 =	vbroadcast v4, $0x9;
	[tilespmem:s22+$0x10228] =	vst v9;
	v9 =	vld [tilespmem:s22+$0xF358];
	v13 =	vmul.f32 v13, v21  }
0x181: {  	[tilespmem:s22+$0x10288] =	vst v8;
	v8 =	vld [tilespmem:s22+$0xF3A0]  }
0x182: {  	v16 =	vbroadcast v4, $0xC;
	v7 =	vmul.f32 v7, v15;
	[tilespmem:s22+$0x10270] =	vst v13  }
0x183: {  	[tilespmem:s22+$0x101E0] =	vst v6;
	v6 =	vmul.f32 v12, v15  }
0x184: {  	[tilespmem:s22+$0x10208] =	vst v7;
	v7 =	vmul.f32 v14, v16  }
0x185: {  	v12 =	vld [tilespmem:s22+$0xF2B0];
	[tilespmem:s22+$0x10210] =	vst v6;
	v6 =	vmul.f32 v9, v16  }
0x186: {  	v9 =	vld [tilespmem:s22+$0xF298];
	[tilespmem:s22+$0x101C0] =	vst v10;
	v8 =	vmul.f32 v8, v20  }
0x187: {  	[tilespmem:s22+$0x101C8] =	vst v5  }
0x188: {  	v5 =	vbroadcast v4, $0x4;
	v4 =	vbroadcast v4, $0x5;
	[tilespmem:s22+$0x102A0] =	vst v8  }
0x189: {  	[tilespmem:s22+$0x10168] =	vst v11  }
0x18a: {  	v8 =	vmul.f32 v2, v5;
	v2 =	vmul.f32 v3, v4  }
0x18b: {  	s30 =	sshra.s32 s30, $0x2;
	v4 =	vmul.f32 v12, v4;
	v9 =	vmul.f32 v9, v5;
	[tilespmem:s22+$0x10250] =	vst v7  }
0x18c: {  	v5 =	vld [tilespmem:s30+$0xF2C8];
	[tilespmem:s22+$0x101A8] =	vst v2  }
0x18d: {  	v2 =	vld [tilespmem:s30+$0xF290];
	[tilespmem:s22+$0x10258] =	vst v6  }
0x18e: {  	v3 =	vld [tilespmem:s30+$0xF2A8];
	[tilespmem:s22+$0x101B0] =	vst v4  }
.Ltmp6:
0x18f: {  	v6 =	vld [tilespmem:s30+$0xF2D8];
	[tilespmem:s22+$0x10190] =	vst v8;
	(pc) =	sbr.rel @p2 .LBB2_15-.Ltmp6, $4  }
0x190: {  	v7 =	vld [tilespmem:s30+$0xF238];
	[tilespmem:s22+$0x10198] =	vst v9;
	s22 =	smov.u32 s30  }
0x191: {  	v4 =	vld [tilespmem:s17+$0x0]  }
0x192: {  	v8 =	vld [tilespmem:s22+$0xF230]  }
0x193: {  	v9 =	vld [tilespmem:s22+$0xF2F0]  }
0x194: {  	_ =	sdelay $0x1  }
0x195: {  	v13 =	vbroadcast v4, $0x8  }
0x196: {  	v15 =	vbroadcast v4, $0x0  }
0x197: {  	v22 =	vbroadcast v4, $0x7;
	v9 =	vmul.f32 v9, v13  }
0x198: {  	v10 =	vld [tilespmem:s22+$0xF278];
	v61 =	vbroadcast v4, $0x5;
	v8 =	vmul.f32 v15, v8  }
0x199: {  	v12 =	vld [tilespmem:s22+$0xF260];
	v63 =	vbroadcast v4, $0x4;
	v6 =	vmul.f32 v6, v22;
	[tilespmem:s22+$0x101F0] =	vst v9  }
0x19a: {  	v16 =	vld [tilespmem:s22+$0xF2F8];
	v3 =	vmul.f32 v3, v61;
	[tilespmem:s22+$0x10130] =	vst v8  }
0x19b: {  	v17 =	vld [tilespmem:s22+$0xF398];
	v32 =	vbroadcast v4, $0x3;
	v2 =	vmul.f32 v2, v63;
	[tilespmem:s22+$0x101D8] =	vst v6  }
0x19c: {  	v18 =	vld [tilespmem:s22+$0xF248];
	v34 =	vbroadcast v4, $0x2;
	v7 =	vmul.f32 v7, v15;
	[tilespmem:s22+$0x101A8] =	vst v3  }
0x19d: {  	v38 =	vld [tilespmem:s22+$0xF368];
	v10 =	vmul.f32 v10, v32;
	[tilespmem:s22+$0x10190] =	vst v2  }
0x19e: {  	v20 =	vld [tilespmem:s22+$0xF2E0];
	v37 =	vbroadcast v4, $0xF;
	v12 =	vmul.f32 v12, v34;
	[tilespmem:s22+$0x10138] =	vst v7  }
0x19f: {  	v50 =	vld [tilespmem:s22+$0xF350];
	v19 =	vbroadcast v4, $0x1;
	v13 =	vmul.f32 v16, v13;
	[tilespmem:s22+$0x10178] =	vst v10  }
0x1a0: {  	v33 =	vld [tilespmem:s22+$0xF320];
	v43 =	vbroadcast v4, $0xD;
	v17 =	vmul.f32 v17, v37;
	[tilespmem:s22+$0x10160] =	vst v12  }
0x1a1: {  	v21 =	vld [tilespmem:s22+$0xF250];
	v18 =	vmul.f32 v18, v19;
	[tilespmem:s22+$0x101F8] =	vst v13  }
0x1a2: {  	v41 =	vld [tilespmem:s22+$0xF280];
	v59 =	vbroadcast v4, $0xC;
	v16 =	vmul.f32 v38, v43;
	[tilespmem:s22+$0x10298] =	vst v17  }
0x1a3: {  	v54 =	vld [tilespmem:s22+$0xF3A0];
	v39 =	vbroadcast v4, $0xA;
	v53 =	vmul.f32 v20, v22;
	[tilespmem:s22+$0x10148] =	vst v18  }
0x1a4: {  	v11 =	vld [tilespmem:s22+$0xF268];
	v62 =	vmul.f32 v50, v59;
	[tilespmem:s22+$0x10268] =	vst v16  }
0x1a5: {  	v58 =	vld [tilespmem:s22+$0xF298];
	v8 =	vmul.f32 v33, v39;
	[tilespmem:s22+$0x101E0] =	vst v53  }
0x1a6: {  	v35 =	vld [tilespmem:s22+$0xF338];
	v45 =	vmul.f32 v21, v19;
	[tilespmem:s22+$0x10250] =	vst v62  }
0x1a7: {  	v23 =	vld [tilespmem:s22+$0xF328];
	v9 =	vmul.f32 v41, v32;
	[tilespmem:s22+$0x10220] =	vst v8  }
0x1a8: {  	v48 =	vld [tilespmem:s22+$0xF308];
	v60 =	vmul.f32 v54, v37;
	[tilespmem:s22+$0x10150] =	vst v45  }
0x1a9: {  	v36 =	vld [tilespmem:s22+$0xF2C0];
	v40 =	vbroadcast v4, $0xB;
	v11 =	vmul.f32 v11, v34;
	[tilespmem:s22+$0x10180] =	vst v9  }
0x1aa: {  	v14 =	vld [tilespmem:s22+$0xF340];
	v3 =	vmul.f32 v58, v63;
	[tilespmem:s22+$0x102A0] =	vst v60  }
0x1ab: {  	v42 =	vld [tilespmem:s22+$0xF380];
	v52 =	vbroadcast v4, $0x9;
	v7 =	vmul.f32 v35, v40;
	[tilespmem:s22+$0x10168] =	vst v11  }
0x1ac: {  	v49 =	vld [tilespmem:s22+$0xF310];
	v55 =	vbroadcast v4, $0x6;
	v13 =	vmul.f32 v23, v39;
	[tilespmem:s22+$0x10198] =	vst v3  }
0x1ad: {  	v16 =	vmul.f32 v48, v52;
	[tilespmem:s22+$0x10238] =	vst v7  }
0x1ae: {  	v44 =	vld [tilespmem:s22+$0xF388];
	v47 =	vbroadcast v4, $0xE;
	v10 =	vmul.f32 v36, v55;
	[tilespmem:s22+$0x10228] =	vst v13  }
0x1af: {  	v46 =	vld [tilespmem:s22+$0xF370];
	v14 =	vmul.f32 v14, v40;
	[tilespmem:s22+$0x10208] =	vst v16  }
0x1b0: {  	v57 =	vld [tilespmem:s22+$0xF2B0];
	v8 =	vmul.f32 v42, v47;
	[tilespmem:s22+$0x101C0] =	vst v10  }
0x1b1: {  	v51 =	vld [tilespmem:s22+$0xF358];
	v56 =	vmul.f32 v49, v52;
	[tilespmem:s22+$0x10240] =	vst v14  }
0x1b2: {  	v5 =	vmul.f32 v5, v55;
	[tilespmem:s22+$0x10280] =	vst v8  }
0x1b3: {  	v6 =	vmul.f32 v44, v47;
	[tilespmem:s22+$0x10210] =	vst v56  }
0x1b4: {  	v7 =	vmul.f32 v46, v43;
	[tilespmem:s22+$0x101C8] =	vst v5  }
0x1b5: {  	v5 =	vmul.f32 v57, v61;
	[tilespmem:s22+$0x10288] =	vst v6  }
0x1b6: {  	[tilespmem:s22+$0x10270] =	vst v7;
	v7 =	vmul.f32 v51, v59  }
0x1b7: {  	p2 =	seq.s32 s16, $0x3D;
	s16 =	sadd.s32 $0x1, s16;
	[tilespmem:s22+$0x101B0] =	vst v5  }
0x1b8: {  	s8 =	sadd.s32 @!p2 $0x4F10, s20;
	s17 =	simm.s32 @!p2 $0x50;
	s20 =	simm.s32 @!p2 $0xF230;
	[tilespmem:s22+$0x10258] =	vst v7  }
0x1b9: {  	[tilespmem:s20], [sflag:$0x7] =	stream.indirect.gather @!p2 [spmem:s2], $0x18, s8, s17, $0xb8;
	[tilespmem:$0x1C168] =	vst v63  }
0x1ba: {  	s19 =	smul.u32 $0x50, s19;
	p2 =	sne.s32 s16, $0x3E  }
.Ltmp7:
0x1bb: {  	_ = 	snop;
	(pc) =	sbr.rel @p2 .LBB2_12-.Ltmp7, $4  }
0x1bc: {  	s6 =	sadd.s32 $0xA0, s6;
	s20 =	sadd.s32 $0x7530, s19  }
0x1bd: {  	[spmem:s1] =	stream.indirect.scatter.add.f32 [tilespmem:s10], [sflag:$0x9], $0x18, s20, s26, $0xb8;
	[tilespmem:$0x1C168] =	vst v63  }
0x1be: {  	s18 =	sadd.s32 $0xA0, s18;
	s30 =	sadd.s32 $0x4E20, s19;
	s22 =	sadd.s32 $0xC350, s19  }
0x1bf: {  	[spmem:s5] =	stream.indirect.scatter.add.f32 [tilespmem:s22], [sflag:$0xA], $0x1, s30, s26, $0xb8;
	[tilespmem:$0x1C168] =	vst v63  }
0x1c0: {  	_ =	swait.ge [sflag:s24], $0x780  }
0x1c1: {  	[sflag:s24] =	ssyncset.done $0x0  }
0x1c2: {  	[sflag:s24] =	ssyncadd.s32 $0xFFFFF880  }
0x1c3: {  	_ =	swait.ge [sflag:s11], $0x780  }
0x1c4: {  	[sflag:s11] =	ssyncset.done $0x0  }
0x1c5: {  	s16 =	simm.s32 $0x0;
	[sflag:s11] =	ssyncadd.s32 $0xFFFFF880  }
0x1c6: {  	v5 =	vld [tilespmem:s16+$0xEB48]  }
0x1c7: {  	v2 =	vld [tilespmem:s16+$0xEB10]  }
0x1c8: {  	v3 =	vld [tilespmem:s16+$0xEB28]  }
0x1c9: {  	v6 =	vld [tilespmem:s16+$0xEB58]  }
0x1ca: {  	s17 =	simm.s32 $0xEA10;
	v7 =	vld [tilespmem:s16+$0xEAB8]  }
0x1cb: {  	v4 =	vld [tilespmem:s17+$0x0]  }
0x1cc: {  	v8 =	vld [tilespmem:s16+$0xEAB0]  }
0x1cd: {  	s8 =	simm.s32 $0x600;
	v9 =	vld [tilespmem:s16+$0xEB70]  }
.LBB2_18:
0x1ce: {  	p2 =	sne.s32 s8, $0x1800  }
0x1cf: {  	v10 =	vld [tilespmem:s16+$0xEAF8];
	s17 =	sadd.s32 $0x10, s17;
	s6 =	smov.u32 s8;
	s8 =	sadd.s32 $0x600, s8  }
0x1d0: {  	v11 =	vld [tilespmem:s16+$0xEAE8]  }
0x1d1: {  	v12 =	vld [tilespmem:s16+$0xEAE0];
	v13 =	vbroadcast v4, $0x8  }
0x1d2: {  	v14 =	vbroadcast v4, $0x0;
	v15 =	vbroadcast v4, $0x3;
	v16 =	vld [tilespmem:s16+$0xEBC0]  }
0x1d3: {  	v17 =	vbroadcast v4, $0x2;
	v9 =	vmul.f32 v9, v13;
	v18 =	vld [tilespmem:s16+$0xEB78]  }
0x1d4: {  	v8 =	vmul.f32 v14, v8;
	v10 =	vmul.f32 v10, v15;
	v19 =	vld [tilespmem:s16+$0xEC18]  }
0x1d5: {  	v7 =	vmul.f32 v7, v14;
	v14 =	vld [tilespmem:s16+$0xEAC8];
	v11 =	vmul.f32 v11, v17;
	[tilespmem:s16+$0xFA70] =	vst v9  }
0x1d6: {  	v20 =	vbroadcast v4, $0xF;
	v9 =	vbroadcast v4, $0xA;
	[tilespmem:s16+$0xF9B0] =	vst v8;
	v8 =	vld [tilespmem:s16+$0xEBA0]  }
0x1d7: {  	v12 =	vmul.f32 v12, v17;
	[tilespmem:s16+$0xF9B8] =	vst v7;
	v7 =	vbroadcast v4, $0x1;
	v17 =	vld [tilespmem:s16+$0xEBB8]  }
0x1d8: {  	[tilespmem:s16+$0xF9F8] =	vst v10;
	v10 =	vld [tilespmem:s16+$0xEB40];
	v13 =	vmul.f32 v18, v13;
	v18 =	vbroadcast v4, $0xB  }
0x1d9: {  	v21 =	vbroadcast v4, $0xD;
	[tilespmem:s16+$0xF9E0] =	vst v12;
	v12 =	vld [tilespmem:s16+$0xEBE8];
	v19 =	vmul.f32 v19, v20  }
0x1da: {  	v22 =	vbroadcast v4, $0x6;
	v14 =	vmul.f32 v14, v7;
	v23 =	vld [tilespmem:s16+$0xEB60];
	[tilespmem:s16+$0xFA78] =	vst v13  }
0x1db: {  	v24 =	vbroadcast v4, $0x7;
	v13 =	vld [tilespmem:s16+$0xEAD0];
	v8 =	vmul.f32 v8, v9;
	[tilespmem:s16+$0xFB18] =	vst v19  }
0x1dc: {  	v16 =	vmul.f32 v16, v18;
	[tilespmem:s16+$0xF9C8] =	vst v14;
	v14 =	vld [tilespmem:s16+$0xEB00];
	v17 =	vmul.f32 v17, v18  }
0x1dd: {  	v6 =	vmul.f32 v6, v24;
	v10 =	vmul.f32 v10, v22;
	[tilespmem:s16+$0xFAA0] =	vst v8;
	v8 =	vld [tilespmem:s16+$0xEC00]  }
0x1de: {  	v18 =	vld [tilespmem:s16+$0xEBA8];
	[tilespmem:s16+$0xFAB8] =	vst v17;
	v12 =	vmul.f32 v12, v21  }
0x1df: {  	v5 =	vmul.f32 v5, v22;
	[tilespmem:s16+$0xFA58] =	vst v6;
	v6 =	vmul.f32 v23, v24;
	v17 =	vld [tilespmem:s16+$0xEC08]  }
0x1e0: {  	v7 =	vmul.f32 v13, v7;
	[tilespmem:s16+$0xFAC0] =	vst v16;
	v13 =	vld [tilespmem:s16+$0xEBF0];
	v16 =	vbroadcast v4, $0xE  }
0x1e1: {  	v14 =	vmul.f32 v14, v15;
	[tilespmem:s16+$0xFAE8] =	vst v12  }
0x1e2: {  	[tilespmem:s16+$0xF9D0] =	vst v7;
	v7 =	vld [tilespmem:s16+$0xEB88];
	v8 =	vmul.f32 v8, v16  }
0x1e3: {  	[tilespmem:s16+$0xFA00] =	vst v14;
	v12 =	vld [tilespmem:s16+$0xEB90];
	v9 =	vmul.f32 v18, v9  }
0x1e4: {  	v14 =	vld [tilespmem:s16+$0xEBD0];
	[tilespmem:s16+$0xFB00] =	vst v8;
	v8 =	vmul.f32 v17, v16  }
0x1e5: {  	v15 =	vbroadcast v4, $0x9;
	[tilespmem:s16+$0xFAA8] =	vst v9;
	v9 =	vld [tilespmem:s16+$0xEBD8];
	v13 =	vmul.f32 v13, v21  }
0x1e6: {  	[tilespmem:s16+$0xFB08] =	vst v8;
	v8 =	vld [tilespmem:s16+$0xEC20]  }
0x1e7: {  	v16 =	vbroadcast v4, $0xC;
	v7 =	vmul.f32 v7, v15;
	[tilespmem:s16+$0xFAF0] =	vst v13  }
0x1e8: {  	[tilespmem:s16+$0xFA60] =	vst v6;
	v6 =	vmul.f32 v12, v15  }
0x1e9: {  	[tilespmem:s16+$0xFA88] =	vst v7;
	v7 =	vmul.f32 v14, v16  }
0x1ea: {  	v12 =	vld [tilespmem:s16+$0xEB30];
	[tilespmem:s16+$0xFA90] =	vst v6;
	v6 =	vmul.f32 v9, v16  }
0x1eb: {  	v9 =	vld [tilespmem:s16+$0xEB18];
	[tilespmem:s16+$0xFA40] =	vst v10;
	v8 =	vmul.f32 v8, v20  }
0x1ec: {  	[tilespmem:s16+$0xFA48] =	vst v5  }
0x1ed: {  	v5 =	vbroadcast v4, $0x4;
	v4 =	vbroadcast v4, $0x5;
	[tilespmem:s16+$0xFB20] =	vst v8  }
0x1ee: {  	[tilespmem:s16+$0xF9E8] =	vst v11  }
0x1ef: {  	v8 =	vmul.f32 v2, v5;
	v2 =	vmul.f32 v3, v4  }
0x1f0: {  	s6 =	sshra.s32 s6, $0x2;
	v4 =	vmul.f32 v12, v4;
	v9 =	vmul.f32 v9, v5;
	[tilespmem:s16+$0xFAD0] =	vst v7  }
0x1f1: {  	v5 =	vld [tilespmem:s6+$0xEB48];
	[tilespmem:s16+$0xFA28] =	vst v2  }
0x1f2: {  	v2 =	vld [tilespmem:s6+$0xEB10];
	[tilespmem:s16+$0xFAD8] =	vst v6  }
0x1f3: {  	v3 =	vld [tilespmem:s6+$0xEB28];
	[tilespmem:s16+$0xFA30] =	vst v4  }
.Ltmp8:
0x1f4: {  	v6 =	vld [tilespmem:s6+$0xEB58];
	[tilespmem:s16+$0xFA10] =	vst v8;
	(pc) =	sbr.rel @p2 .LBB2_18-.Ltmp8, $4  }
0x1f5: {  	v7 =	vld [tilespmem:s6+$0xEAB8];
	[tilespmem:s16+$0xFA18] =	vst v9;
	s16 =	smov.u32 s6  }
0x1f6: {  	v4 =	vld [tilespmem:s17+$0x0]  }
0x1f7: {  	v8 =	vld [tilespmem:s16+$0xEAB0]  }
0x1f8: {  	v9 =	vld [tilespmem:s16+$0xEB70]  }
0x1f9: {  	_ =	sdelay $0x1  }
0x1fa: {  	v13 =	vbroadcast v4, $0x8  }
0x1fb: {  	v15 =	vbroadcast v4, $0x0  }
0x1fc: {  	v22 =	vbroadcast v4, $0x7;
	v9 =	vmul.f32 v9, v13  }
0x1fd: {  	v10 =	vld [tilespmem:s16+$0xEAF8];
	v61 =	vbroadcast v4, $0x5;
	v8 =	vmul.f32 v15, v8  }
0x1fe: {  	v12 =	vld [tilespmem:s16+$0xEAE0];
	v63 =	vbroadcast v4, $0x4;
	v6 =	vmul.f32 v6, v22;
	[tilespmem:s16+$0xFA70] =	vst v9  }
0x1ff: {  	v16 =	vld [tilespmem:s16+$0xEB78];
	v3 =	vmul.f32 v3, v61;
	[tilespmem:s16+$0xF9B0] =	vst v8  }
0x200: {  	v17 =	vld [tilespmem:s16+$0xEC18];
	v32 =	vbroadcast v4, $0x3;
	v2 =	vmul.f32 v2, v63;
	[tilespmem:s16+$0xFA58] =	vst v6  }
0x201: {  	v18 =	vld [tilespmem:s16+$0xEAC8];
	v34 =	vbroadcast v4, $0x2;
	v7 =	vmul.f32 v7, v15;
	[tilespmem:s16+$0xFA28] =	vst v3  }
0x202: {  	v38 =	vld [tilespmem:s16+$0xEBE8];
	v10 =	vmul.f32 v10, v32;
	[tilespmem:s16+$0xFA10] =	vst v2  }
0x203: {  	v20 =	vld [tilespmem:s16+$0xEB60];
	v37 =	vbroadcast v4, $0xF;
	v12 =	vmul.f32 v12, v34;
	[tilespmem:s16+$0xF9B8] =	vst v7  }
0x204: {  	v50 =	vld [tilespmem:s16+$0xEBD0];
	v19 =	vbroadcast v4, $0x1;
	v13 =	vmul.f32 v16, v13;
	[tilespmem:s16+$0xF9F8] =	vst v10  }
0x205: {  	v33 =	vld [tilespmem:s16+$0xEBA0];
	v43 =	vbroadcast v4, $0xD;
	v17 =	vmul.f32 v17, v37;
	[tilespmem:s16+$0xF9E0] =	vst v12  }
0x206: {  	v21 =	vld [tilespmem:s16+$0xEAD0];
	v18 =	vmul.f32 v18, v19;
	[tilespmem:s16+$0xFA78] =	vst v13  }
0x207: {  	v41 =	vld [tilespmem:s16+$0xEB00];
	v59 =	vbroadcast v4, $0xC;
	v16 =	vmul.f32 v38, v43;
	[tilespmem:s16+$0xFB18] =	vst v17  }
0x208: {  	v54 =	vld [tilespmem:s16+$0xEC20];
	v39 =	vbroadcast v4, $0xA;
	v53 =	vmul.f32 v20, v22;
	[tilespmem:s16+$0xF9C8] =	vst v18  }
0x209: {  	v11 =	vld [tilespmem:s16+$0xEAE8];
	v62 =	vmul.f32 v50, v59;
	[tilespmem:s16+$0xFAE8] =	vst v16  }
0x20a: {  	v58 =	vld [tilespmem:s16+$0xEB18];
	v8 =	vmul.f32 v33, v39;
	[tilespmem:s16+$0xFA60] =	vst v53  }
0x20b: {  	v35 =	vld [tilespmem:s16+$0xEBB8];
	v45 =	vmul.f32 v21, v19;
	[tilespmem:s16+$0xFAD0] =	vst v62  }
0x20c: {  	v23 =	vld [tilespmem:s16+$0xEBA8];
	v9 =	vmul.f32 v41, v32;
	[tilespmem:s16+$0xFAA0] =	vst v8  }
0x20d: {  	v48 =	vld [tilespmem:s16+$0xEB88];
	v60 =	vmul.f32 v54, v37;
	[tilespmem:s16+$0xF9D0] =	vst v45  }
0x20e: {  	v36 =	vld [tilespmem:s16+$0xEB40];
	v40 =	vbroadcast v4, $0xB;
	v11 =	vmul.f32 v11, v34;
	[tilespmem:s16+$0xFA00] =	vst v9  }
0x20f: {  	v14 =	vld [tilespmem:s16+$0xEBC0];
	v3 =	vmul.f32 v58, v63;
	[tilespmem:s16+$0xFB20] =	vst v60  }
0x210: {  	v42 =	vld [tilespmem:s16+$0xEC00];
	v52 =	vbroadcast v4, $0x9;
	v7 =	vmul.f32 v35, v40;
	[tilespmem:s16+$0xF9E8] =	vst v11  }
0x211: {  	v49 =	vld [tilespmem:s16+$0xEB90];
	v55 =	vbroadcast v4, $0x6;
	v13 =	vmul.f32 v23, v39;
	[tilespmem:s16+$0xFA18] =	vst v3  }
0x212: {  	v16 =	vmul.f32 v48, v52;
	[tilespmem:s16+$0xFAB8] =	vst v7  }
0x213: {  	v44 =	vld [tilespmem:s16+$0xEC08];
	v47 =	vbroadcast v4, $0xE;
	v10 =	vmul.f32 v36, v55;
	[tilespmem:s16+$0xFAA8] =	vst v13  }
0x214: {  	v46 =	vld [tilespmem:s16+$0xEBF0];
	v14 =	vmul.f32 v14, v40;
	[tilespmem:s16+$0xFA88] =	vst v16  }
0x215: {  	v57 =	vld [tilespmem:s16+$0xEB30];
	v8 =	vmul.f32 v42, v47;
	[tilespmem:s16+$0xFA40] =	vst v10  }
0x216: {  	v51 =	vld [tilespmem:s16+$0xEBD8];
	v56 =	vmul.f32 v49, v52;
	[tilespmem:s16+$0xFAC0] =	vst v14  }
0x217: {  	v5 =	vmul.f32 v5, v55;
	[tilespmem:s16+$0xFB00] =	vst v8  }
0x218: {  	v6 =	vmul.f32 v44, v47;
	[tilespmem:s16+$0xFA90] =	vst v56  }
0x219: {  	v7 =	vmul.f32 v46, v43;
	[tilespmem:s16+$0xFA48] =	vst v5  }
0x21a: {  	v5 =	vmul.f32 v57, v61;
	[tilespmem:s16+$0xFB08] =	vst v6  }
0x21b: {  	[tilespmem:s16+$0xFAF0] =	vst v7;
	v7 =	vmul.f32 v51, v59  }
0x21c: {  	[tilespmem:s16+$0xFA30] =	vst v5  }
0x21d: {  	s6 =	simm.s32 $0x9BF0;
	[tilespmem:s16+$0xFAD8] =	vst v7  }
0x21e: {  	[spmem:s1] =	stream.indirect.scatter.add.f32 [tilespmem:s23], [sflag:$0x8], $0x18, s6, s26, $0xb8;
	[tilespmem:$0x1C168] =	vst v63  }
0x21f: {  	s30 =	simm.s32 $0x74E0;
	s8 =	simm.s32 $0xEA10  }
0x220: {  	[spmem:s5] =	stream.indirect.scatter.add.f32 [tilespmem:s8], [sflag:$0xA], $0x1, s30, s26, $0xb8;
	[tilespmem:$0x1C168] =	vst v63  }
0x221: {  	_ =	swait.ge [sflag:s11], $0x780  }
0x222: {  	[sflag:s11] =	ssyncset.done $0x0  }
0x223: {  	[sflag:s11] =	ssyncadd.s32 $0xFFFFF880  }
0x224: {  	_ =	swait.ge [sflag:s13], $0x780  }
0x225: {  	[sflag:s13] =	ssyncset.done $0x0  }
0x226: {  	[sflag:s13] =	ssyncadd.s32 $0xFFFFF880  }
0x227: {  	_ =	swait.ge [sflag:s14], $0x50  }
0x228: {  	s18 =	simm.s32 $0x4E20;
	s6 =	simm.s32 $0x7C;
	[sflag:s14] =	ssyncset.done $0x0  }
.LBB2_20:
0x229: {  	p2 =	sne.s32 s6, $0x1;
	s6 =	sadd.s32 $0xFFFFFFFF, s6;
	[sflag:s14] =	ssyncadd.s32 $0xFFFFFFB0  }
.Ltmp9:
0x22a: {  	(pc) =	sbr.rel @p2 .LBB2_20-.Ltmp9, $3  }
0x22b: {  	_ =	sdelay $0x1  }
0x22c: {  	_ =	swait.ge [sflag:s14], $0x50  }
0x22d: {  	[sflag:s14] =	ssyncset.done $0x0  }
0x22e: {  	[sflag:s14] =	ssyncadd.s32 $0xFFFFFFB0  }
0x22f: {  	[bflag:$0x0] =	sbarrier.arrive $0xFFFF  }
0x230: {  	s6 =	rddreg [dreg:$0x6]  }
0x231: {  	s8 =	sshrl.u32 s7, $0x3;
	s16 =	rddreg [dreg:$0xd];
	s6 =	sor.u32 $0x1C0B, s6  }
0x232: {  	[hbm:s16], [sflag:s6] =	dma.local [spmem:s8], $0x753  }
0x233: {  	_ =	swait.ge [sflag:s0], $0x753  }
0x234: {  	[sflag:s0] =	ssyncset.done $0x0  }
0x235: {  	s8 =	sshrl.u32 @!p0 s12, $0x3;
	s16 =	rddreg [dreg:$0xe];
	[sflag:s0] =	ssyncadd.s32 $0xFFFFF8AD  }
0x236: {  	[hbm:s16], [sflag:s6] =	dma.local @!p0 [spmem:s8], $0x7D  }
0x237: {  	s6 =	simm.s32 @!p0 $0xB  }
0x238: {  	_ =	swait.ge @!p0 [sflag:s6], $0x7D  }
0x239: {  	[sflag:s6] =	ssyncset.done @!p0 $0x0;
	s8 =	rddreg [dreg:$0xf]  }
0x23a: {  	s16 =	rddreg [dreg:$0x10];
	[sflag:s6] =	ssyncadd.s32 @!p0 $0xFFFFFF83;
	s6 =	simm.s32 @!p1 $0x0  }
0x23b: {  	[hbm4b:s8+s6] =	stream.linear.scatter @!p1 [tilespmem:s16], [sflag:$0xB], $0x3E8, $0x38;
	[tilespmem:$0x1C168] =	vst v63  }
0x23c: {  	s6 =	simm.s32 @!p1 $0xB  }
0x23d: {  	_ =	swait.ge @!p1 [sflag:s6], $0x3E8  }
0x23e: {  	s15 =	sadd.s32 $0x1, s15;
	s30 =	rddreg [dreg:$0x11]  }
0x23f: {  	p2 =	sne.s32 s15, s30  }
.Ltmp10:
0x240: {  	_ = 	snop;
	(pc) =	sbr.rel @p2 .LBB2_1-.Ltmp10, $3  }
0x241: {  	_ =	sdelay $0x1  }
0x242: {  	[sflag:s6] =	ssyncset.done @!p1 $0x0  }
0x243: {  	[sflag:s6] =	ssyncadd.s32 @!p1 $0xFFFFFC18  }
0x244: {  	_ =	sfence.sel $0x180000  }
0x245: {  	[bflag:$0x0] =	sbarrier.arrive $0xFFFF  }
0x246: {  	_ =	strace $0x90000047  }
0x247: {  	s0 =	stileid.u32;
	[bflag:$0x2] =	sbarrier.arrive $0xFFFF  }
0x248: {  	p0 =	sne.s32 s0, $0x0;
	s0 =	rddreg [dreg:$0x5]  }
0x249: {  	s0 =	sadd.s32 @!p0 $0x100000, s0  }
0x24a: {  	[sflag:s0] =	ssyncadd.tile.s32 @!p0 $0x1;
	_ =	shalt  }
.Lfunc_end2:
_tile_overlayer_lowered:
.L_overlay_start_2:
0x24b: {  	(tag) =	ssettag $0x2  }
0x24c: {  	s0 =	rddreg [dreg:$0x0];
	s2 =	stileid.u32  }
0x24d: {  	s1 =	rddreg [dreg:$0x1];
	p0 =	sne.s32 s2, $0x0  }
0x24e: {  	s3 =	rddreg [dreg:$0x2];
	[bflag:$0x3] =	sbarrier.arrive $0xFFFF;
	s2 =	simm.s32 @!p0 $0x1C0B  }
0x24f: {  	[timem:s3], [sflag:s2] =	dma.local @!p0 [hbm:s0], s1  }
0x250: {  	s0 =	simm.s32 @!p0 $0xB  }
0x251: {  	_ =	swait.ge @!p0 [sflag:s0], s1  }
0x252: {  	s1 =	ssub.s32 @!p0 $0x0, s1;
	[sflag:s0] =	ssyncset.done @!p0 $0x0  }
0x253: {  	[sflag:s0] =	ssyncadd.s32 @!p0 s1  }
0x254: {  	[bflag:$0x3] =	sbarrier.arrive $0xFFFF  }
0x255: {  	_ =	shalt  }

</sc_bundles>
